<compile_context>
chip_gen: v7x
topology: tpu7x:2x2x1
jax: 0.10.2.dev20260603
libtpu: 0.0.44.dev20260713+nightly
codegen_flags: <defaults>
</compile_context>

<pallas_src>
import jax
import jax.numpy as jnp
from jax.experimental import pallas as pl

B = 8
N = 32768
S = 36
K = 36
NT = 4096
G_CH = 64
F32 = jnp.float32


def _fps_kernel(xyz_ref, out_ref):
    xyz = xyz_ref[0]
    lane = jax.lax.broadcasted_iota(jnp.int32, (1, N), 1)
    lane_s = jax.lax.broadcasted_iota(jnp.int32, (1, S), 1)
    dist = jnp.full((1, N), 1e10, dtype=F32)
    f = jnp.int32(0)
    acc = jnp.zeros((1, S), dtype=jnp.int32)
    for i in range(S):
        acc = jnp.where(lane_s == i, f, acc)
        oh = (lane == f).astype(F32)
        cen = jax.lax.dot_general(xyz, oh, (((1,), (1,)), ((), ())),
                                  preferred_element_type=F32)
        d = ((xyz[0:1] - cen[0:1]) ** 2
             + (xyz[1:2] - cen[1:2]) ** 2
             + (xyz[2:3] - cen[2:3]) ** 2)
        dist = jnp.minimum(dist, d)
        m = jnp.max(dist)
        f = jnp.min(jnp.where(dist == m, lane, N)).astype(jnp.int32)
    out_ref[0] = acc


def _ballq_kernel(r2_ref, xyz_ref, c_ref, out_ref):
    r2 = r2_ref[0, 0, 0]
    xyz = xyz_ref[0]
    c = c_ref[0]
    xx = jnp.sum(xyz * xyz, axis=0, keepdims=True)
    cc = jnp.sum(c * c, axis=1, keepdims=True)
    cx = jax.lax.dot_general(c, xyz, (((1,), (0,)), ((), ())),
                             preferred_element_type=F32)
    d = cc + xx - 2.0 * cx
    lane = jax.lax.broadcasted_iota(jnp.int32, (S, N), 1)
    masked = jnp.where(d <= r2, lane, N)
    cols = []
    for _ in range(K):
        cur = jnp.min(masked, axis=1, keepdims=True)
        cols.append(cur)
        masked = jnp.where(masked == cur, N, masked)
    gi = jnp.concatenate(cols, axis=1)
    gi = jnp.where(gi == N, gi[:, 0:1], gi)
    out_ref[...] = gi[None, None]


def _bn_relu(z, g, t):
    m = jnp.mean(z, axis=0, keepdims=True)
    v = jnp.mean((z - m) ** 2, axis=0, keepdims=True)
    return jnp.maximum((z - m) / jnp.sqrt(v + 1e-5) * g + t, 0.0)


def _sa_kernel(x0_ref, w00_ref, b00_ref, g00_ref, t00_ref,
               w01_ref, b01_ref, g01_ref, t01_ref,
               x1_ref, w10_ref, b10_ref, g10_ref, t10_ref,
               w11_ref, b11_ref, g11_ref, t11_ref,
               x2_ref, w20_ref, b20_ref, g20_ref, t20_ref,
               w21_ref, b21_ref, g21_ref, t21_ref,
               out_ref):
    def branch(x_ref, wa_ref, ba_ref, ga_ref, ta_ref,
               wb_ref, bb_ref, gb_ref, tb_ref):
        x = x_ref[...]
        z = jax.lax.dot_general(x, wa_ref[...], (((1,), (1,)), ((), ())),
                                preferred_element_type=F32) + ba_ref[...]
        z = _bn_relu(z, ga_ref[...], ta_ref[...])
        z = jax.lax.dot_general(z, wb_ref[...], (((1,), (1,)), ((), ())),
                                preferred_element_type=F32) + bb_ref[...]
        z = _bn_relu(z, gb_ref[...], tb_ref[...])
        m = z[0:B * S]
        for k in range(1, K):
            m = jnp.maximum(m, z[k * B * S:(k + 1) * B * S])
        return m

    o0 = branch(x0_ref, w00_ref, b00_ref, g00_ref, t00_ref,
                w01_ref, b01_ref, g01_ref, t01_ref)
    o1 = branch(x1_ref, w10_ref, b10_ref, g10_ref, t10_ref,
                w11_ref, b11_ref, g11_ref, t11_ref)
    o2 = branch(x2_ref, w20_ref, b20_ref, g20_ref, t20_ref,
                w21_ref, b21_ref, g21_ref, t21_ref)
    out_ref[...] = jnp.concatenate([o0, o1, o2], axis=1)


def _fp1_kernel(tp_ref, c_ref, p2_ref, g_ref, w0_ref, b0_ref,
                z_ref, s_ref, q_ref):
    t = tp_ref[0]
    c = c_ref[0]
    tt = jnp.sum(t * t, axis=1, keepdims=True)
    cc = jnp.sum(c * c, axis=1)[None, :]
    tc = jax.lax.dot_general(t, c, (((1,), (1,)), ((), ())),
                             preferred_element_type=F32)
    d = tt + cc - 2.0 * tc
    lane = jax.lax.broadcasted_iota(jnp.int32, (NT, S), 1)
    work = d
    recs, ohs = [], []
    for _ in range(3):
        m = jnp.min(work, axis=1, keepdims=True)
        idx = jnp.min(jnp.where(work == m, lane, S), axis=1, keepdims=True)
        oh = (lane == idx).astype(F32)
        recs.append(1.0 / (m + 1e-8))
        ohs.append(oh)
        work = jnp.where(lane == idx, jnp.float32(1e30), work)
    rsum = recs[0] + recs[1] + recs[2]
    wmat = ((recs[0] / rsum) * ohs[0] + (recs[1] / rsum) * ohs[1]
            + (recs[2] / rsum) * ohs[2])
    interp = jax.lax.dot_general(wmat, p2_ref[0], (((1,), (0,)), ((), ())),
                                 preferred_element_type=F32)
    w0 = w0_ref[...]
    z = jax.lax.dot_general(interp, w0[:, G_CH:], (((1,), (1,)), ((), ())),
                            preferred_element_type=F32)
    gpart = jax.lax.dot_general(w0[:, :G_CH], g_ref[0],
                                (((1,), (0,)), ((), ())),
                                preferred_element_type=F32)
    z = z + jnp.transpose(gpart) + b0_ref[...]
    z_ref[0] = z
    s_ref[0] = jnp.sum(z, axis=0, keepdims=True)
    q_ref[0] = jnp.sum(z * z, axis=0, keepdims=True)


def _fp2_kernel(z_ref, m_ref, v_ref, g_ref, t_ref, w_ref, b_ref,
                z1_ref, s_ref, q_ref):
    z = z_ref[0]
    h = jnp.maximum((z - m_ref[...]) / jnp.sqrt(v_ref[...] + 1e-5)
                    * g_ref[...] + t_ref[...], 0.0)
    z1 = jax.lax.dot_general(h, w_ref[...], (((1,), (1,)), ((), ())),
                             preferred_element_type=F32) + b_ref[...]
    z1_ref[0] = z1
    s_ref[0] = jnp.sum(z1, axis=0, keepdims=True)
    q_ref[0] = jnp.sum(z1 * z1, axis=0, keepdims=True)


def _fp3_kernel(z_ref, m_ref, v_ref, g_ref, t_ref, w_ref, b_ref, out_ref):
    z = z_ref[0]
    h = jnp.maximum((z - m_ref[...]) / jnp.sqrt(v_ref[...] + 1e-5)
                    * g_ref[...] + t_ref[...], 0.0)
    out = jax.lax.dot_general(w_ref[...], h, (((1,), (1,)), ((), ())),
                              preferred_element_type=F32)
    out_ref[0] = out + b_ref[...]


def kernel(xyz, g, tp, sa1_b0_l0_W, sa1_b0_l0_b, sa1_b0_l0_g, sa1_b0_l0_beta, sa1_b0_l1_W, sa1_b0_l1_b, sa1_b0_l1_g, sa1_b0_l1_beta, sa1_b1_l0_W, sa1_b1_l0_b, sa1_b1_l0_g, sa1_b1_l0_beta, sa1_b1_l1_W, sa1_b1_l1_b, sa1_b1_l1_g, sa1_b1_l1_beta, sa1_b2_l0_W, sa1_b2_l0_b, sa1_b2_l0_g, sa1_b2_l0_beta, sa1_b2_l1_W, sa1_b2_l1_b, sa1_b2_l1_g, sa1_b2_l1_beta, fp_l0_W, fp_l0_b, fp_l0_g, fp_l0_beta, fp_l1_W, fp_l1_b, fp_l1_g, fp_l1_beta, conv_W, conv_b):
    xyz3 = xyz[:, :3, :]

    fps_idx = pl.pallas_call(
        _fps_kernel,
        grid=(B,),
        in_specs=[pl.BlockSpec((1, 3, N), lambda b: (b, 0, 0))],
        out_specs=pl.BlockSpec((1, 1, S), lambda b: (b, 0, 0)),
        out_shape=jax.ShapeDtypeStruct((B, 1, S), jnp.int32),
    )(xyz3).reshape(B, S)

    xyzT = jnp.transpose(xyz3, (0, 2, 1))
    barange = jnp.arange(B)[:, None]
    new_xyz = xyzT[barange, fps_idx]

    r2 = jnp.array([0.1 ** 2, 0.2 ** 2, 0.4 ** 2], dtype=F32).reshape(3, 1, 1)
    gi = pl.pallas_call(
        _ballq_kernel,
        grid=(B, 3),
        in_specs=[
            pl.BlockSpec((1, 1, 1), lambda b, r: (r, 0, 0)),
            pl.BlockSpec((1, 3, N), lambda b, r: (b, 0, 0)),
            pl.BlockSpec((1, S, 3), lambda b, r: (b, 0, 0)),
        ],
        out_specs=pl.BlockSpec((1, 1, S, K), lambda b, r: (b, r, 0, 0)),
        out_shape=jax.ShapeDtypeStruct((B, 3, S, K), jnp.int32),
    )(r2, xyz3, new_xyz)

    ptsT = jnp.transpose(xyz, (0, 2, 1))
    xs = []
    for r in range(3):
        gir = gi[:, r]
        gpts = ptsT[barange[:, :, None], gir]
        gxyz = xyzT[barange[:, :, None], gir] - new_xyz[:, :, None, :]
        gp = jnp.concatenate([gpts, gxyz], axis=-1)
        gp = jnp.transpose(gp, (2, 0, 1, 3)).reshape(K * B * S, 9)
        xs.append(gp)

    def row(v):
        return v.reshape(1, -1)

    l1 = pl.pallas_call(
        _sa_kernel,
        out_shape=jax.ShapeDtypeStruct((B * S, 512), F32),
    )(xs[0], sa1_b0_l0_W, row(sa1_b0_l0_b), row(sa1_b0_l0_g), row(sa1_b0_l0_beta),
      sa1_b0_l1_W, row(sa1_b0_l1_b), row(sa1_b0_l1_g), row(sa1_b0_l1_beta),
      xs[1], sa1_b1_l0_W, row(sa1_b1_l0_b), row(sa1_b1_l0_g), row(sa1_b1_l0_beta),
      sa1_b1_l1_W, row(sa1_b1_l1_b), row(sa1_b1_l1_g), row(sa1_b1_l1_beta),
      xs[2], sa1_b2_l0_W, row(sa1_b2_l0_b), row(sa1_b2_l0_g), row(sa1_b2_l0_beta),
      sa1_b2_l1_W, row(sa1_b2_l1_b), row(sa1_b2_l1_g), row(sa1_b2_l1_beta))
    p2 = l1.reshape(B, S, 512)

    tpT = jnp.transpose(tp, (0, 2, 1))

    z0, s0, q0 = pl.pallas_call(
        _fp1_kernel,
        grid=(B,),
        in_specs=[
            pl.BlockSpec((1, NT, 3), lambda b: (b, 0, 0)),
            pl.BlockSpec((1, S, 3), lambda b: (b, 0, 0)),
            pl.BlockSpec((1, S, 512), lambda b: (b, 0, 0)),
            pl.BlockSpec((1, G_CH, 1), lambda b: (b, 0, 0)),
            pl.BlockSpec((512, 512 + G_CH), lambda b: (0, 0)),
            pl.BlockSpec((1, 512), lambda b: (0, 0)),
        ],
        out_specs=[
            pl.BlockSpec((1, NT, 512), lambda b: (b, 0, 0)),
            pl.BlockSpec((1, 1, 512), lambda b: (b, 0, 0)),
            pl.BlockSpec((1, 1, 512), lambda b: (b, 0, 0)),
        ],
        out_shape=[
            jax.ShapeDtypeStruct((B, NT, 512), F32),
            jax.ShapeDtypeStruct((B, 1, 512), F32),
            jax.ShapeDtypeStruct((B, 1, 512), F32),
        ],
    )(tpT, new_xyz, p2, g, fp_l0_W, row(fp_l0_b))

    cnt = float(B * NT)
    mean0 = jnp.sum(s0, axis=0) / cnt
    var0 = jnp.sum(q0, axis=0) / cnt - mean0 ** 2

    z1, s1, q1 = pl.pallas_call(
        _fp2_kernel,
        grid=(B,),
        in_specs=[
            pl.BlockSpec((1, NT, 512), lambda b: (b, 0, 0)),
            pl.BlockSpec((1, 512), lambda b: (0, 0)),
            pl.BlockSpec((1, 512), lambda b: (0, 0)),
            pl.BlockSpec((1, 512), lambda b: (0, 0)),
            pl.BlockSpec((1, 512), lambda b: (0, 0)),
            pl.BlockSpec((256, 512), lambda b: (0, 0)),
            pl.BlockSpec((1, 256), lambda b: (0, 0)),
        ],
        out_specs=[
            pl.BlockSpec((1, NT, 256), lambda b: (b, 0, 0)),
            pl.BlockSpec((1, 1, 256), lambda b: (b, 0, 0)),
            pl.BlockSpec((1, 1, 256), lambda b: (b, 0, 0)),
        ],
        out_shape=[
            jax.ShapeDtypeStruct((B, NT, 256), F32),
            jax.ShapeDtypeStruct((B, 1, 256), F32),
            jax.ShapeDtypeStruct((B, 1, 256), F32),
        ],
    )(z0, mean0, var0, row(fp_l0_g), row(fp_l0_beta), fp_l1_W, row(fp_l1_b))

    mean1 = jnp.sum(s1, axis=0) / cnt
    var1 = jnp.sum(q1, axis=0) / cnt - mean1 ** 2

    out = pl.pallas_call(
        _fp3_kernel,
        grid=(B,),
        in_specs=[
            pl.BlockSpec((1, NT, 256), lambda b: (b, 0, 0)),
            pl.BlockSpec((1, 256), lambda b: (0, 0)),
            pl.BlockSpec((1, 256), lambda b: (0, 0)),
            pl.BlockSpec((1, 256), lambda b: (0, 0)),
            pl.BlockSpec((1, 256), lambda b: (0, 0)),
            pl.BlockSpec((32, 256), lambda b: (0, 0)),
            pl.BlockSpec((32, 1), lambda b: (0, 0)),
        ],
        out_specs=pl.BlockSpec((1, 32, NT), lambda b: (b, 0, 0)),
        out_shape=jax.ShapeDtypeStruct((B, 32, NT), F32),
    )(z1, mean1, var1, row(fp_l1_g), row(fp_l1_beta), conv_W,
      conv_b.reshape(32, 1))

    return out

# --- scband reference (transcript-rebuilt; emitter-appended) ---
"""Pipeline reference for scband-get-model-74251394613716 (READ-ONLY COPY).

The authoritative reference and input builder live on the scoring server;
editing this copy changes nothing except your own understanding.
"""

import jax, jax.numpy as jnp
import numpy as np

ADD_CH = 3
G_CH = 64
NPOINT = 36
RADII = [0.1, 0.2, 0.4]
NSAMPLE = [36, 36, 36]
MLP_LIST = [[64, 128], [128, 256], [64, 128]]
IN_CH = 3 + ADD_CH


def square_distance(src, dst):
    return (jnp.sum(src ** 2, -1)[:, :, None] + jnp.sum(dst ** 2, -1)[:, None, :]
            - 2.0 * jnp.einsum('bnc,bmc->bnm', src, dst))


def index_points(points, idx):
    B = points.shape[0]
    batch = jnp.arange(B).reshape((B,) + (1,) * (idx.ndim - 1))
    return points[batch, idx]


def farthest_point_sample(xyz, npoint):
    B, N, _ = xyz.shape
    distance = jnp.full((B, N), 1e10, dtype=xyz.dtype)
    farthest = jnp.zeros((B,), dtype=jnp.int32)
    cents = []
    for _ in range(npoint):
        cents.append(farthest)
        centroid = xyz[jnp.arange(B), farthest][:, None, :]
        dist = jnp.sum((xyz - centroid) ** 2, -1)
        distance = jnp.minimum(distance, dist)
        farthest = jnp.argmax(distance, axis=-1).astype(jnp.int32)
    return jnp.stack(cents, axis=1)


def query_ball_point(radius, nsample, xyz, new_xyz):
    B, N, _ = xyz.shape
    S = new_xyz.shape[1]
    sqrdists = square_distance(new_xyz, xyz)
    group_idx = jnp.broadcast_to(jnp.arange(N, dtype=jnp.int32), (B, S, N))
    group_idx = jnp.where(sqrdists > radius ** 2, N, group_idx)
    group_idx = jnp.sort(group_idx, axis=-1)[:, :, :nsample]
    group_first = jnp.broadcast_to(group_idx[:, :, 0:1], group_idx.shape)
    group_idx = jnp.where(group_idx == N, group_first, group_idx)
    return group_idx


def batchnorm(x, gamma, beta):
    axes = tuple(i for i in range(x.ndim) if i != 1)
    mean = jnp.mean(x, axis=axes, keepdims=True)
    var = jnp.var(x, axis=axes, keepdims=True)
    shape = [1] * x.ndim
    shape[1] = -1
    return (x - mean) / jnp.sqrt(var + 1e-5) * gamma.reshape(shape) + beta.reshape(shape)


def sa_msg(xyz_bcn, points_bcn, params):
    xyz = jnp.transpose(xyz_bcn, (0, 2, 1))
    points = jnp.transpose(points_bcn, (0, 2, 1))
    fps_idx = farthest_point_sample(xyz, NPOINT)
    new_xyz = index_points(xyz, fps_idx)
    outs = []
    for i, radius in enumerate(RADII):
        K = NSAMPLE[i]
        gi = query_ball_point(radius, K, xyz, new_xyz)
        gxyz = index_points(xyz, gi) - new_xyz[:, :, None, :]
        gp = jnp.concatenate([index_points(points, gi), gxyz], axis=-1)
        gp = jnp.transpose(gp, (0, 3, 2, 1))
        for j in range(len(MLP_LIST[i])):
            W = params['sa1_b%d_l%d_W' % (i, j)]
            b = params['sa1_b%d_l%d_b' % (i, j)]
            gm = params['sa1_b%d_l%d_g' % (i, j)]
            bt = params['sa1_b%d_l%d_beta' % (i, j)]
            gp = jnp.einsum('oc,bcks->boks', W, gp) + b.reshape(1, -1, 1, 1)
            gp = jax.nn.relu(batchnorm(gp, gm, bt))
        outs.append(jnp.max(gp, axis=2))
    return jnp.transpose(new_xyz, (0, 2, 1)), jnp.concatenate(outs, axis=1)


def feature_prop(xyz1_bcn, xyz2_bcn, p1_bcn, p2_bcn, params):
    xyz1 = jnp.transpose(xyz1_bcn, (0, 2, 1))
    xyz2 = jnp.transpose(xyz2_bcn, (0, 2, 1))
    p2 = jnp.transpose(p2_bcn, (0, 2, 1))
    dists = square_distance(xyz1, xyz2)
    idx = jnp.argsort(dists, axis=-1)[:, :, :3]
    d3 = jnp.take_along_axis(dists, idx, axis=-1)
    rec = 1.0 / (d3 + 1e-8)
    w = rec / jnp.sum(rec, axis=2, keepdims=True)
    interp = jnp.sum(index_points(p2, idx) * w[..., None], axis=2)
    p1 = jnp.transpose(p1_bcn, (0, 2, 1))
    npts = jnp.transpose(jnp.concatenate([p1, interp], axis=-1), (0, 2, 1))
    for j in range(2):
        W = params['fp_l%d_W' % j]
        b = params['fp_l%d_b' % j]
        gm = params['fp_l%d_g' % j]
        bt = params['fp_l%d_beta' % j]
        npts = jnp.einsum('oc,bcn->bon', W, npts) + b.reshape(1, -1, 1)
        npts = jax.nn.relu(batchnorm(npts, gm, bt))
    return npts


def _forward(xyz, g, tp, params):
    l0_xyz = xyz[:, :3, :]
    l1_xyz, l1_points = sa_msg(l0_xyz, xyz, params)
    g_rep = jnp.tile(g, (1, 1, tp.shape[-1]))
    l0p = feature_prop(tp, l1_xyz, g_rep, l1_points, params)
    return jnp.einsum('oc,bcn->bon', params['conv_W'], l0p) + params['conv_b'].reshape(1, -1, 1)


def setup_inputs(seed: int = 0):
    key = jax.random.key(seed)
    ks = iter(jax.random.split(key, 64))
    inp = {}
    inp['xyz'] = jax.random.normal(next(ks), (8, 6, 32768), dtype=jnp.float32)
    inp['g'] = jax.random.normal(next(ks), (8, G_CH, 1), dtype=jnp.float32)
    inp['tp'] = jax.random.normal(next(ks), (8, 3, 4096), dtype=jnp.float32)
    for i, mlp in enumerate(MLP_LIST):
        last = IN_CH + 3
        for j, out in enumerate(mlp):
            inp['sa1_b%d_l%d_W' % (i, j)] = jax.random.normal(next(ks), (out, last), dtype=jnp.float32) * 0.05
            inp['sa1_b%d_l%d_b' % (i, j)] = jnp.zeros((out,), dtype=jnp.float32)
            inp['sa1_b%d_l%d_g' % (i, j)] = jnp.ones((out,), dtype=jnp.float32)
            inp['sa1_b%d_l%d_beta' % (i, j)] = jnp.zeros((out,), dtype=jnp.float32)
            last = out
    last = 512 + G_CH
    for j, out in enumerate([512, 256]):
        inp['fp_l%d_W' % j] = jax.random.normal(next(ks), (out, last), dtype=jnp.float32) * 0.05
        inp['fp_l%d_b' % j] = jnp.zeros((out,), dtype=jnp.float32)
        inp['fp_l%d_g' % j] = jnp.ones((out,), dtype=jnp.float32)
        inp['fp_l%d_beta' % j] = jnp.zeros((out,), dtype=jnp.float32)
        last = out
    inp['conv_W'] = jax.random.normal(next(ks), (32, 256), dtype=jnp.float32) * 0.05
    inp['conv_b'] = jnp.zeros((32,), dtype=jnp.float32)
    return inp


def reference(xyz, g, tp,
              sa1_b0_l0_W, sa1_b0_l0_b, sa1_b0_l0_g, sa1_b0_l0_beta,
              sa1_b0_l1_W, sa1_b0_l1_b, sa1_b0_l1_g, sa1_b0_l1_beta,
              sa1_b1_l0_W, sa1_b1_l0_b, sa1_b1_l0_g, sa1_b1_l0_beta,
              sa1_b1_l1_W, sa1_b1_l1_b, sa1_b1_l1_g, sa1_b1_l1_beta,
              sa1_b2_l0_W, sa1_b2_l0_b, sa1_b2_l0_g, sa1_b2_l0_beta,
              sa1_b2_l1_W, sa1_b2_l1_b, sa1_b2_l1_g, sa1_b2_l1_beta,
              fp_l0_W, fp_l0_b, fp_l0_g, fp_l0_beta,
              fp_l1_W, fp_l1_b, fp_l1_g, fp_l1_beta,
              conv_W, conv_b):
    params = {
        'sa1_b0_l0_W': sa1_b0_l0_W, 'sa1_b0_l0_b': sa1_b0_l0_b,
        'sa1_b0_l0_g': sa1_b0_l0_g, 'sa1_b0_l0_beta': sa1_b0_l0_beta,
        'sa1_b0_l1_W': sa1_b0_l1_W, 'sa1_b0_l1_b': sa1_b0_l1_b,
        'sa1_b0_l1_g': sa1_b0_l1_g, 'sa1_b0_l1_beta': sa1_b0_l1_beta,
        'sa1_b1_l0_W': sa1_b1_l0_W, 'sa1_b1_l0_b': sa1_b1_l0_b,
        'sa1_b1_l0_g': sa1_b1_l0_g, 'sa1_b1_l0_beta': sa1_b1_l0_beta,
        'sa1_b1_l1_W': sa1_b1_l1_W, 'sa1_b1_l1_b': sa1_b1_l1_b,
        'sa1_b1_l1_g': sa1_b1_l1_g, 'sa1_b1_l1_beta': sa1_b1_l1_beta,
        'sa1_b2_l0_W': sa1_b2_l0_W, 'sa1_b2_l0_b': sa1_b2_l0_b,
        'sa1_b2_l0_g': sa1_b2_l0_g, 'sa1_b2_l0_beta': sa1_b2_l0_beta,
        'sa1_b2_l1_W': sa1_b2_l1_W, 'sa1_b2_l1_b': sa1_b2_l1_b,
        'sa1_b2_l1_g': sa1_b2_l1_g, 'sa1_b2_l1_beta': sa1_b2_l1_beta,
        'fp_l0_W': fp_l0_W, 'fp_l0_b': fp_l0_b,
        'fp_l0_g': fp_l0_g, 'fp_l0_beta': fp_l0_beta,
        'fp_l1_W': fp_l1_W, 'fp_l1_b': fp_l1_b,
        'fp_l1_g': fp_l1_g, 'fp_l1_beta': fp_l1_beta,
        'conv_W': conv_W, 'conv_b': conv_b,
    }
    return _forward(xyz, g, tp, params)

if __name__ == "__main__":
    import jax
    _d = setup_inputs()
    print(jax.jit(kernel)(*tuple(_d.values())))

</pallas_src>

<mosaic_0001>
module attributes {stable_mosaic.version = 14 : i64} {
  func.func @_fps_kernel(%arg0: i32, %arg1: memref<1x3x32768xf32, #tpu.memory_space<vmem>>, %arg2: memref<1x1x36xi32, #tpu.memory_space<vmem>>) attributes {dimension_semantics = [#tpu.dimension_semantics<arbitrary>], iteration_bounds = array<i64: 8>, scalar_prefetch = 0 : i64, scratch_operands = 0 : i64, tpu.core_type = #tpu.core_type<tc>, window_params = [{transform_indices = @transform_0, window_bounds = array<i64: 1, 3, 32768>}, {transform_indices = @transform_1, window_bounds = array<i64: 1, 1, 36>}]} {
    %get3A = arith.constant 0 : index
    %get3A_0 = arith.constant 0 : index
    %get3A_1 = arith.constant 0 : index
    %get3A_2 = vector.load %arg1[%get3A, %get3A_0, %get3A_1] : memref<1x3x32768xf32, #tpu.memory_space<vmem>>, vector<1x3x32768xf32>
    %get3A_3 = vector.shape_cast %get3A_2 : vector<1x3x32768xf32> to vector<3x32768xf32>
    %iota3A = tpu.iota {dimensions = array<i32: 1>} : vector<1x32768xi32>
    %iota3A_4 = tpu.iota {dimensions = array<i32: 1>} : vector<1x36xi32>
    %broadcast_in_dim3A = arith.constant 1.000000e+10 : f32
    %broadcast_in_dim3A_5 = vector.broadcast %broadcast_in_dim3A : f32 to vector<1x32768xf32>
    %broadcast_in_dim3A_6 = arith.constant 0 : i32
    %broadcast_in_dim3A_7 = vector.broadcast %broadcast_in_dim3A_6 : i32 to vector<1x36xi32>
    %eq3A = arith.constant 0 : i32
    %eq3A_8 = vector.broadcast %eq3A : i32 to vector<1x36xi32>
    %eq3A_9 = arith.cmpi eq, %iota3A_4, %eq3A_8 : vector<1x36xi32>
    %jit3A = arith.constant 0 : i32
    %broadcast_in_dim3A_10 = vector.broadcast %jit3A : i32 to vector<1x36xi32>
    %select_n3A = arith.select %eq3A_9, %broadcast_in_dim3A_10, %broadcast_in_dim3A_7 : vector<1x36xi1>, vector<1x36xi32>
    %eq3A_11 = arith.constant 0 : i32
    %eq3A_12 = vector.broadcast %eq3A_11 : i32 to vector<1x32768xi32>
    %eq3A_13 = arith.cmpi eq, %iota3A, %eq3A_12 : vector<1x32768xi32>
    %convert_element_type3A = arith.extui %eq3A_13 : vector<1x32768xi1> to vector<1x32768xi32>
    %convert_element_type3A_14 = arith.sitofp %convert_element_type3A : vector<1x32768xi32> to vector<1x32768xf32>
    %dot_general3A = arith.constant dense<0.000000e+00> : vector<3x1xf32>
    %dot_general3A_15 = tpu.matmul %get3A_3, %convert_element_type3A_14, %dot_general3A {dimension_numbers = #tpu.dot_dimension_numbers<[1], [1], [0], [0], [0, 0, 1, 0], [], []>, transpose_lhs_hint = false} : vector<3x32768xf32>, vector<1x32768xf32>, vector<3x1xf32> -> vector<3x1xf32>
    %slice3A = vector.extract_strided_slice %get3A_3 {offsets = [0, 0], sizes = [1, 32768], strides = [1, 1]} : vector<3x32768xf32> to vector<1x32768xf32>
    %slice3A_16 = vector.extract_strided_slice %dot_general3A_15 {offsets = [0, 0], sizes = [1, 1], strides = [1, 1]} : vector<3x1xf32> to vector<1x1xf32>
    %sub3A = vector.broadcast %slice3A_16 : vector<1x1xf32> to vector<1x32768xf32>
    %sub3A_17 = arith.subf %slice3A, %sub3A : vector<1x32768xf32>
    %integer_pow3A = arith.mulf %sub3A_17, %sub3A_17 : vector<1x32768xf32>
    %slice3A_18 = vector.extract_strided_slice %get3A_3 {offsets = [1, 0], sizes = [1, 32768], strides = [1, 1]} : vector<3x32768xf32> to vector<1x32768xf32>
    %slice3A_19 = vector.extract_strided_slice %dot_general3A_15 {offsets = [1, 0], sizes = [1, 1], strides = [1, 1]} : vector<3x1xf32> to vector<1x1xf32>
    %sub3A_20 = vector.broadcast %slice3A_19 : vector<1x1xf32> to vector<1x32768xf32>
    %sub3A_21 = arith.subf %slice3A_18, %sub3A_20 : vector<1x32768xf32>
    %integer_pow3A_22 = arith.mulf %sub3A_21, %sub3A_21 : vector<1x32768xf32>
    %add3A = arith.addf %integer_pow3A, %integer_pow3A_22 : vector<1x32768xf32>
    %slice3A_23 = vector.extract_strided_slice %get3A_3 {offsets = [2, 0], sizes = [1, 32768], strides = [1, 1]} : vector<3x32768xf32> to vector<1x32768xf32>
    %slice3A_24 = vector.extract_strided_slice %dot_general3A_15 {offsets = [2, 0], sizes = [1, 1], strides = [1, 1]} : vector<3x1xf32> to vector<1x1xf32>
    %sub3A_25 = vector.broadcast %slice3A_24 : vector<1x1xf32> to vector<1x32768xf32>
    %sub3A_26 = arith.subf %slice3A_23, %sub3A_25 : vector<1x32768xf32>
    %integer_pow3A_27 = arith.mulf %sub3A_26, %sub3A_26 : vector<1x32768xf32>
    %add3A_28 = arith.addf %add3A, %integer_pow3A_27 : vector<1x32768xf32>
    %min3A = arith.minimumf %broadcast_in_dim3A_5, %add3A_28 : vector<1x32768xf32>
    %reduce_max3A = vector.shape_cast %min3A : vector<1x32768xf32> to vector<1x1x32768xf32>
    %reduce_max3A_29 = arith.constant dense<0xFF800000> : vector<1xf32>
    %reduce_max3A_30 = vector.multi_reduction <maximumf>, %reduce_max3A, %reduce_max3A_29 [1, 2] : vector<1x1x32768xf32> to vector<1xf32>
    %reduce_max3A_31 = vector.shape_cast %reduce_max3A_30 : vector<1xf32> to vector<1x1x1xf32>
    %reduce_max3A_32 = vector.extract %reduce_max3A_31[0, 0, 0] : f32 from vector<1x1x1xf32>
    %eq3A_33 = vector.broadcast %reduce_max3A_32 : f32 to vector<1x32768xf32>
    %eq3A_34 = arith.cmpf oeq, %min3A, %eq3A_33 : vector<1x32768xf32>
    %jit3A_35 = arith.constant 32768 : i32
    %broadcast_in_dim3A_36 = vector.broadcast %jit3A_35 : i32 to vector<1x32768xi32>
    %select_n3A_37 = arith.select %eq3A_34, %iota3A, %broadcast_in_dim3A_36 : vector<1x32768xi1>, vector<1x32768xi32>
    %reduce_min3A = vector.shape_cast %select_n3A_37 : vector<1x32768xi32> to vector<1x1x32768xi32>
    %reduce_min3A_38 = arith.constant dense<2147483647> : vector<1xi32>
    %reduce_min3A_39 = vector.multi_reduction <minsi>, %reduce_min3A, %reduce_min3A_38 [1, 2] : vector<1x1x32768xi32> to vector<1xi32>
    %reduce_min3A_40 = vector.shape_cast %reduce_min3A_39 : vector<1xi32> to vector<1x1x1xi32>
    %reduce_min3A_41 = vector.extract %reduce_min3A_40[0, 0, 0] : i32 from vector<1x1x1xi32>
    %eq3A_42 = arith.constant 1 : i32
    %eq3A_43 = vector.broadcast %eq3A_42 : i32 to vector<1x36xi32>
    %eq3A_44 = arith.cmpi eq, %iota3A_4, %eq3A_43 : vector<1x36xi32>
    %broadcast_in_dim3A_45 = vector.broadcast %reduce_min3A_41 : i32 to vector<1x36xi32>
    %select_n3A_46 = arith.select %eq3A_44, %broadcast_in_dim3A_45, %select_n3A : vector<1x36xi1>, vector<1x36xi32>
    %eq3A_47 = vector.broadcast %reduce_min3A_41 : i32 to vector<1x32768xi32>
    %eq3A_48 = arith.cmpi eq, %iota3A, %eq3A_47 : vector<1x32768xi32>
    %convert_element_type3A_49 = arith.extui %eq3A_48 : vector<1x32768xi1> to vector<1x32768xi32>
    %convert_element_type3A_50 = arith.sitofp %convert_element_type3A_49 : vector<1x32768xi32> to vector<1x32768xf32>
    %dot_general3A_51 = arith.constant dense<0.000000e+00> : vector<3x1xf32>
    %dot_general3A_52 = tpu.matmul %get3A_3, %convert_element_type3A_50, %dot_general3A_51 {dimension_numbers = #tpu.dot_dimension_numbers<[1], [1], [0], [0], [0, 0, 1, 0], [], []>, transpose_lhs_hint = false} : vector<3x32768xf32>, vector<1x32768xf32>, vector<3x1xf32> -> vector<3x1xf32>
    %slice3A_53 = vector.extract_strided_slice %get3A_3 {offsets = [0, 0], sizes = [1, 32768], strides = [1, 1]} : vector<3x32768xf32> to vector<1x32768xf32>
    %slice3A_54 = vector.extract_strided_slice %dot_general3A_52 {offsets = [0, 0], sizes = [1, 1], strides = [1, 1]} : vector<3x1xf32> to vector<1x1xf32>
    %sub3A_55 = vector.broadcast %slice3A_54 : vector<1x1xf32> to vector<1x32768xf32>
    %sub3A_56 = arith.subf %slice3A_53, %sub3A_55 : vector<1x32768xf32>
    %integer_pow3A_57 = arith.mulf %sub3A_56, %sub3A_56 : vector<1x32768xf32>
    %slice3A_58 = vector.extract_strided_slice %get3A_3 {offsets = [1, 0], sizes = [1, 32768], strides = [1, 1]} : vector<3x32768xf32> to vector<1x32768xf32>
    %slice3A_59 = vector.extract_strided_slice %dot_general3A_52 {offsets = [1, 0], sizes = [1, 1], strides = [1, 1]} : vector<3x1xf32> to vector<1x1xf32>
    %sub3A_60 = vector.broadcast %slice3A_59 : vector<1x1xf32> to vector<1x32768xf32>
    %sub3A_61 = arith.subf %slice3A_58, %sub3A_60 : vector<1x32768xf32>
    %integer_pow3A_62 = arith.mulf %sub3A_61, %sub3A_61 : vector<1x32768xf32>
    %add3A_63 = arith.addf %integer_pow3A_57, %integer_pow3A_62 : vector<1x32768xf32>
    %slice3A_64 = vector.extract_strided_slice %get3A_3 {offsets = [2, 0], sizes = [1, 32768], strides = [1, 1]} : vector<3x32768xf32> to vector<1x32768xf32>
    %slice3A_65 = vector.extract_strided_slice %dot_general3A_52 {offsets = [2, 0], sizes = [1, 1], strides = [1, 1]} : vector<3x1xf32> to vector<1x1xf32>
    %sub3A_66 = vector.broadcast %slice3A_65 : vector<1x1xf32> to vector<1x32768xf32>
    %sub3A_67 = arith.subf %slice3A_64, %sub3A_66 : vector<1x32768xf32>
    %integer_pow3A_68 = arith.mulf %sub3A_67, %sub3A_67 : vector<1x32768xf32>
    %add3A_69 = arith.addf %add3A_63, %integer_pow3A_68 : vector<1x32768xf32>
    %min3A_70 = arith.minimumf %min3A, %add3A_69 : vector<1x32768xf32>
    %reduce_max3A_71 = vector.shape_cast %min3A_70 : vector<1x32768xf32> to vector<1x1x32768xf32>
    %reduce_max3A_72 = arith.constant dense<0xFF800000> : vector<1xf32>
    %reduce_max3A_73 = vector.multi_reduction <maximumf>, %reduce_max3A_71, %reduce_max3A_72 [1, 2] : vector<1x1x32768xf32> to vector<1xf32>
    %reduce_max3A_74 = vector.shape_cast %reduce_max3A_73 : vector<1xf32> to vector<1x1x1xf32>
    %reduce_max3A_75 = vector.extract %reduce_max3A_74[0, 0, 0] : f32 from vector<1x1x1xf32>
    %eq3A_76 = vector.broadcast %reduce_max3A_75 : f32 to vector<1x32768xf32>
    %eq3A_77 = arith.cmpf oeq, %min3A_70, %eq3A_76 : vector<1x32768xf32>
    %jit3A_78 = arith.constant 32768 : i32
    %broadcast_in_dim3A_79 = vector.broadcast %jit3A_78 : i32 to vector<1x32768xi32>
    %select_n3A_80 = arith.select %eq3A_77, %iota3A, %broadcast_in_dim3A_79 : vector<1x32768xi1>, vector<1x32768xi32>
    %reduce_min3A_81 = vector.shape_cast %select_n3A_80 : vector<1x32768xi32> to vector<1x1x32768xi32>
    %reduce_min3A_82 = arith.constant dense<2147483647> : vector<1xi32>
    %reduce_min3A_83 = vector.multi_reduction <minsi>, %reduce_min3A_81, %reduce_min3A_82 [1, 2] : vector<1x1x32768xi32> to vector<1xi32>
    %reduce_min3A_84 = vector.shape_cast %reduce_min3A_83 : vector<1xi32> to vector<1x1x1xi32>
    %reduce_min3A_85 = vector.extract %reduce_min3A_84[0, 0, 0] : i32 from vector<1x1x1xi32>
    %eq3A_86 = arith.constant 2 : i32
    %eq3A_87 = vector.broadcast %eq3A_86 : i32 to vector<1x36xi32>
    %eq3A_88 = arith.cmpi eq, %iota3A_4, %eq3A_87 : vector<1x36xi32>
    %broadcast_in_dim3A_89 = vector.broadcast %reduce_min3A_85 : i32 to vector<1x36xi32>
    %select_n3A_90 = arith.select %eq3A_88, %broadcast_in_dim3A_89, %select_n3A_46 : vector<1x36xi1>, vector<1x36xi32>
    %eq3A_91 = vector.broadcast %reduce_min3A_85 : i32 to vector<1x32768xi32>
    %eq3A_92 = arith.cmpi eq, %iota3A, %eq3A_91 : vector<1x32768xi32>
    %convert_element_type3A_93 = arith.extui %eq3A_92 : vector<1x32768xi1> to vector<1x32768xi32>
    %convert_element_type3A_94 = arith.sitofp %convert_element_type3A_93 : vector<1x32768xi32> to vector<1x32768xf32>
    %dot_general3A_95 = arith.constant dense<0.000000e+00> : vector<3x1xf32>
    %dot_general3A_96 = tpu.matmul %get3A_3, %convert_element_type3A_94, %dot_general3A_95 {dimension_numbers = #tpu.dot_dimension_numbers<[1], [1], [0], [0], [0, 0, 1, 0], [], []>, transpose_lhs_hint = false} : vector<3x32768xf32>, vector<1x32768xf32>, vector<3x1xf32> -> vector<3x1xf32>
    %slice3A_97 = vector.extract_strided_slice %get3A_3 {offsets = [0, 0], sizes = [1, 32768], strides = [1, 1]} : vector<3x32768xf32> to vector<1x32768xf32>
    %slice3A_98 = vector.extract_strided_slice %dot_general3A_96 {offsets = [0, 0], sizes = [1, 1], strides = [1, 1]} : vector<3x1xf32> to vector<1x1xf32>
    %sub3A_99 = vector.broadcast %slice3A_98 : vector<1x1xf32> to vector<1x32768xf32>
    %sub3A_100 = arith.subf %slice3A_97, %sub3A_99 : vector<1x32768xf32>
    %integer_pow3A_101 = arith.mulf %sub3A_100, %sub3A_100 : vector<1x32768xf32>
    %slice3A_102 = vector.extract_strided_slice %get3A_3 {offsets = [1, 0], sizes = [1, 32768], strides = [1, 1]} : vector<3x32768xf32> to vector<1x32768xf32>
    %slice3A_103 = vector.extract_strided_slice %dot_general3A_96 {offsets = [1, 0], sizes = [1, 1], strides = [1, 1]} : vector<3x1xf32> to vector<1x1xf32>
    %sub3A_104 = vector.broadcast %slice3A_103 : vector<1x1xf32> to vector<1x32768xf32>
    %sub3A_105 = arith.subf %slice3A_102, %sub3A_104 : vector<1x32768xf32>
    %integer_pow3A_106 = arith.mulf %sub3A_105, %sub3A_105 : vector<1x32768xf32>
    %add3A_107 = arith.addf %integer_pow3A_101, %integer_pow3A_106 : vector<1x32768xf32>
    %slice3A_108 = vector.extract_strided_slice %get3A_3 {offsets = [2, 0], sizes = [1, 32768], strides = [1, 1]} : vector<3x32768xf32> to vector<1x32768xf32>
    %slice3A_109 = vector.extract_strided_slice %dot_general3A_96 {offsets = [2, 0], sizes = [1, 1], strides = [1, 1]} : vector<3x1xf32> to vector<1x1xf32>
    %sub3A_110 = vector.broadcast %slice3A_109 : vector<1x1xf32> to vector<1x32768xf32>
    %sub3A_111 = arith.subf %slice3A_108, %sub3A_110 : vector<1x32768xf32>
    %integer_pow3A_112 = arith.mulf %sub3A_111, %sub3A_111 : vector<1x32768xf32>
    %add3A_113 = arith.addf %add3A_107, %integer_pow3A_112 : vector<1x32768xf32>
    %min3A_114 = arith.minimumf %min3A_70, %add3A_113 : vector<1x32768xf32>
    %reduce_max3A_115 = vector.shape_cast %min3A_114 : vector<1x32768xf32> to vector<1x1x32768xf32>
    %reduce_max3A_116 = arith.constant dense<0xFF800000> : vector<1xf32>
    %reduce_max3A_117 = vector.multi_reduction <maximumf>, %reduce_max3A_115, %reduce_max3A_116 [1, 2] : vector<1x1x32768xf32> to vector<1xf32>
    %reduce_max3A_118 = vector.shape_cast %reduce_max3A_117 : vector<1xf32> to vector<1x1x1xf32>
    %reduce_max3A_119 = vector.extract %reduce_max3A_118[0, 0, 0] : f32 from vector<1x1x1xf32>
    %eq3A_120 = vector.broadcast %reduce_max3A_119 : f32 to vector<1x32768xf32>
    %eq3A_121 = arith.cmpf oeq, %min3A_114, %eq3A_120 : vector<1x32768xf32>
    %jit3A_122 = arith.constant 32768 : i32
    %broadcast_in_dim3A_123 = vector.broadcast %jit3A_122 : i32 to vector<1x32768xi32>
    %select_n3A_124 = arith.select %eq3A_121, %iota3A, %broadcast_in_dim3A_123 : vector<1x32768xi1>, vector<1x32768xi32>
    %reduce_min3A_125 = vector.shape_cast %select_n3A_124 : vector<1x32768xi32> to vector<1x1x32768xi32>
    %reduce_min3A_126 = arith.constant dense<2147483647> : vector<1xi32>
    %reduce_min3A_127 = vector.multi_reduction <minsi>, %reduce_min3A_125, %reduce_min3A_126 [1, 2] : vector<1x1x32768xi32> to vector<1xi32>
    %reduce_min3A_128 = vector.shape_cast %reduce_min3A_127 : vector<1xi32> to vector<1x1x1xi32>
    %reduce_min3A_129 = vector.extract %reduce_min3A_128[0, 0, 0] : i32 from vector<1x1x1xi32>
    %eq3A_130 = arith.constant 3 : i32
    %eq3A_131 = vector.broadcast %eq3A_130 : i32 to vector<1x36xi32>
    %eq3A_132 = arith.cmpi eq, %iota3A_4, %eq3A_131 : vector<1x36xi32>
    %broadcast_in_dim3A_133 = vector.broadcast %reduce_min3A_129 : i32 to vector<1x36xi32>
    %select_n3A_134 = arith.select %eq3A_132, %broadcast_in_dim3A_133, %select_n3A_90 : vector<1x36xi1>, vector<1x36xi32>
    %eq3A_135 = vector.broadcast %reduce_min3A_129 : i32 to vector<1x32768xi32>
    %eq3A_136 = arith.cmpi eq, %iota3A, %eq3A_135 : vector<1x32768xi32>
    %convert_element_type3A_137 = arith.extui %eq3A_136 : vector<1x32768xi1> to vector<1x32768xi32>
    %convert_element_type3A_138 = arith.sitofp %convert_element_type3A_137 : vector<1x32768xi32> to vector<1x32768xf32>
    %dot_general3A_139 = arith.constant dense<0.000000e+00> : vector<3x1xf32>
    %dot_general3A_140 = tpu.matmul %get3A_3, %convert_element_type3A_138, %dot_general3A_139 {dimension_numbers = #tpu.dot_dimension_numbers<[1], [1], [0], [0], [0, 0, 1, 0], [], []>, transpose_lhs_hint = false} : vector<3x32768xf32>, vector<1x32768xf32>, vector<3x1xf32> -> vector<3x1xf32>
    %slice3A_141 = vector.extract_strided_slice %get3A_3 {offsets = [0, 0], sizes = [1, 32768], strides = [1, 1]} : vector<3x32768xf32> to vector<1x32768xf32>
    %slice3A_142 = vector.extract_strided_slice %dot_general3A_140 {offsets = [0, 0], sizes = [1, 1], strides = [1, 1]} : vector<3x1xf32> to vector<1x1xf32>
    %sub3A_143 = vector.broadcast %slice3A_142 : vector<1x1xf32> to vector<1x32768xf32>
    %sub3A_144 = arith.subf %slice3A_141, %sub3A_143 : vector<1x32768xf32>
    %integer_pow3A_145 = arith.mulf %sub3A_144, %sub3A_144 : vector<1x32768xf32>
    %slice3A_146 = vector.extract_strided_slice %get3A_3 {offsets = [1, 0], sizes = [1, 32768], strides = [1, 1]} : vector<3x32768xf32> to vector<1x32768xf32>
    %slice3A_147 = vector.extract_strided_slice %dot_general3A_140 {offsets = [1, 0], sizes = [1, 1], strides = [1, 1]} : vector<3x1xf32> to vector<1x1xf32>
    %sub3A_148 = vector.broadcast %slice3A_147 : vector<1x1xf32> to vector<1x32768xf32>
    %sub3A_149 = arith.subf %slice3A_146, %sub3A_148 : vector<1x32768xf32>
    %integer_pow3A_150 = arith.mulf %sub3A_149, %sub3A_149 : vector<1x32768xf32>
    %add3A_151 = arith.addf %integer_pow3A_145, %integer_pow3A_150 : vector<1x32768xf32>
    %slice3A_152 = vector.extract_strided_slice %get3A_3 {offsets = [2, 0], sizes = [1, 32768], strides = [1, 1]} : vector<3x32768xf32> to vector<1x32768xf32>
    %slice3A_153 = vector.extract_strided_slice %dot_general3A_140 {offsets = [2, 0], sizes = [1, 1], strides = [1, 1]} : vector<3x1xf32> to vector<1x1xf32>
    %sub3A_154 = vector.broadcast %slice3A_153 : vector<1x1xf32> to vector<1x32768xf32>
    %sub3A_155 = arith.subf %slice3A_152, %sub3A_154 : vector<1x32768xf32>
    %integer_pow3A_156 = arith.mulf %sub3A_155, %sub3A_155 : vector<1x32768xf32>
    %add3A_157 = arith.addf %add3A_151, %integer_pow3A_156 : vector<1x32768xf32>
    %min3A_158 = arith.minimumf %min3A_114, %add3A_157 : vector<1x32768xf32>
    %reduce_max3A_159 = vector.shape_cast %min3A_158 : vector<1x32768xf32> to vector<1x1x32768xf32>
    %reduce_max3A_160 = arith.constant dense<0xFF800000> : vector<1xf32>
    %reduce_max3A_161 = vector.multi_reduction <maximumf>, %reduce_max3A_159, %reduce_max3A_160 [1, 2] : vector<1x1x32768xf32> to vector<1xf32>
    %reduce_max3A_162 = vector.shape_cast %reduce_max3A_161 : vector<1xf32> to vector<1x1x1xf32>
    %reduce_max3A_163 = vector.extract %reduce_max3A_162[0, 0, 0] : f32 from vector<1x1x1xf32>
    %eq3A_164 = vector.broadcast %reduce_max3A_163 : f32 to vector<1x32768xf32>
    %eq3A_165 = arith.cmpf oeq, %min3A_158, %eq3A_164 : vector<1x32768xf32>
    %jit3A_166 = arith.constant 32768 : i32
    %broadcast_in_dim3A_167 = vector.broadcast %jit3A_166 : i32 to vector<1x32768xi32>
    %select_n3A_168 = arith.select %eq3A_165, %iota3A, %broadcast_in_dim3A_167 : vector<1x32768xi1>, vector<1x32768xi32>
    %reduce_min3A_169 = vector.shape_cast %select_n3A_168 : vector<1x32768xi32> to vector<1x1x32768xi32>
    %reduce_min3A_170 = arith.constant dense<2147483647> : vector<1xi32>
    %reduce_min3A_171 = vector.multi_reduction <minsi>, %reduce_min3A_169, %reduce_min3A_170 [1, 2] : vector<1x1x32768xi32> to vector<1xi32>
    %reduce_min3A_172 = vector.shape_cast %reduce_min3A_171 : vector<1xi32> to vector<1x1x1xi32>
    %reduce_min3A_173 = vector.extract %reduce_min3A_172[0, 0, 0] : i32 from vector<1x1x1xi32>
    %eq3A_174 = arith.constant 4 : i32
    %eq3A_175 = vector.broadcast %eq3A_174 : i32 to vector<1x36xi32>
    %eq3A_176 = arith.cmpi eq, %iota3A_4, %eq3A_175 : vector<1x36xi32>
    %broadcast_in_dim3A_177 = vector.broadcast %reduce_min3A_173 : i32 to vector<1x36xi32>
    %select_n3A_178 = arith.select %eq3A_176, %broadcast_in_dim3A_177, %select_n3A_134 : vector<1x36xi1>, vector<1x36xi32>
    %eq3A_179 = vector.broadcast %reduce_min3A_173 : i32 to vector<1x32768xi32>
    %eq3A_180 = arith.cmpi eq, %iota3A, %eq3A_179 : vector<1x32768xi32>
    %convert_element_type3A_181 = arith.extui %eq3A_180 : vector<1x32768xi1> to vector<1x32768xi32>
    %convert_element_type3A_182 = arith.sitofp %convert_element_type3A_181 : vector<1x32768xi32> to vector<1x32768xf32>
    %dot_general3A_183 = arith.constant dense<0.000000e+00> : vector<3x1xf32>
    %dot_general3A_184 = tpu.matmul %get3A_3, %convert_element_type3A_182, %dot_general3A_183 {dimension_numbers = #tpu.dot_dimension_numbers<[1], [1], [0], [0], [0, 0, 1, 0], [], []>, transpose_lhs_hint = false} : vector<3x32768xf32>, vector<1x32768xf32>, vector<3x1xf32> -> vector<3x1xf32>
    %slice3A_185 = vector.extract_strided_slice %get3A_3 {offsets = [0, 0], sizes = [1, 32768], strides = [1, 1]} : vector<3x32768xf32> to vector<1x32768xf32>
    %slice3A_186 = vector.extract_strided_slice %dot_general3A_184 {offsets = [0, 0], sizes = [1, 1], strides = [1, 1]} : vector<3x1xf32> to vector<1x1xf32>
    %sub3A_187 = vector.broadcast %slice3A_186 : vector<1x1xf32> to vector<1x32768xf32>
    %sub3A_188 = arith.subf %slice3A_185, %sub3A_187 : vector<1x32768xf32>
    %integer_pow3A_189 = arith.mulf %sub3A_188, %sub3A_188 : vector<1x32768xf32>
    %slice3A_190 = vector.extract_strided_slice %get3A_3 {offsets = [1, 0], sizes = [1, 32768], strides = [1, 1]} : vector<3x32768xf32> to vector<1x32768xf32>
    %slice3A_191 = vector.extract_strided_slice %dot_general3A_184 {offsets = [1, 0], sizes = [1, 1], strides = [1, 1]} : vector<3x1xf32> to vector<1x1xf32>
    %sub3A_192 = vector.broadcast %slice3A_191 : vector<1x1xf32> to vector<1x32768xf32>
    %sub3A_193 = arith.subf %slice3A_190, %sub3A_192 : vector<1x32768xf32>
    %integer_pow3A_194 = arith.mulf %sub3A_193, %sub3A_193 : vector<1x32768xf32>
    %add3A_195 = arith.addf %integer_pow3A_189, %integer_pow3A_194 : vector<1x32768xf32>
    %slice3A_196 = vector.extract_strided_slice %get3A_3 {offsets = [2, 0], sizes = [1, 32768], strides = [1, 1]} : vector<3x32768xf32> to vector<1x32768xf32>
    %slice3A_197 = vector.extract_strided_slice %dot_general3A_184 {offsets = [2, 0], sizes = [1, 1], strides = [1, 1]} : vector<3x1xf32> to vector<1x1xf32>
    %sub3A_198 = vector.broadcast %slice3A_197 : vector<1x1xf32> to vector<1x32768xf32>
    %sub3A_199 = arith.subf %slice3A_196, %sub3A_198 : vector<1x32768xf32>
    %integer_pow3A_200 = arith.mulf %sub3A_199, %sub3A_199 : vector<1x32768xf32>
    %add3A_201 = arith.addf %add3A_195, %integer_pow3A_200 : vector<1x32768xf32>
    %min3A_202 = arith.minimumf %min3A_158, %add3A_201 : vector<1x32768xf32>
    %reduce_max3A_203 = vector.shape_cast %min3A_202 : vector<1x32768xf32> to vector<1x1x32768xf32>
    %reduce_max3A_204 = arith.constant dense<0xFF800000> : vector<1xf32>
    %reduce_max3A_205 = vector.multi_reduction <maximumf>, %reduce_max3A_203, %reduce_max3A_204 [1, 2] : vector<1x1x32768xf32> to vector<1xf32>
    %reduce_max3A_206 = vector.shape_cast %reduce_max3A_205 : vector<1xf32> to vector<1x1x1xf32>
    %reduce_max3A_207 = vector.extract %reduce_max3A_206[0, 0, 0] : f32 from vector<1x1x1xf32>
    %eq3A_208 = vector.broadcast %reduce_max3A_207 : f32 to vector<1x32768xf32>
    %eq3A_209 = arith.cmpf oeq, %min3A_202, %eq3A_208 : vector<1x32768xf32>
    %jit3A_210 = arith.constant 32768 : i32
    %broadcast_in_dim3A_211 = vector.broadcast %jit3A_210 : i32 to vector<1x32768xi32>
    %select_n3A_212 = arith.select %eq3A_209, %iota3A, %broadcast_in_dim3A_211 : vector<1x32768xi1>, vector<1x32768xi32>
    %reduce_min3A_213 = vector.shape_cast %select_n3A_212 : vector<1x32768xi32> to vector<1x1x32768xi32>
    %reduce_min3A_214 = arith.constant dense<2147483647> : vector<1xi32>
    %reduce_min3A_215 = vector.multi_reduction <minsi>, %reduce_min3A_213, %reduce_min3A_214 [1, 2] : vector<1x1x32768xi32> to vector<1xi32>
    %reduce_min3A_216 = vector.shape_cast %reduce_min3A_215 : vector<1xi32> to vector<1x1x1xi32>
    %reduce_min3A_217 = vector.extract %reduce_min3A_216[0, 0, 0] : i32 from vector<1x1x1xi32>
    %eq3A_218 = arith.constant 5 : i32
    %eq3A_219 = vector.broadcast %eq3A_218 : i32 to vector<1x36xi32>
    %eq3A_220 = arith.cmpi eq, %iota3A_4, %eq3A_219 : vector<1x36xi32>
    %broadcast_in_dim3A_221 = vector.broadcast %reduce_min3A_217 : i32 to vector<1x36xi32>
    %select_n3A_222 = arith.select %eq3A_220, %broadcast_in_dim3A_221, %select_n3A_178 : vector<1x36xi1>, vector<1x36xi32>
    %eq3A_223 = vector.broadcast %reduce_min3A_217 : i32 to vector<1x32768xi32>
    %eq3A_224 = arith.cmpi eq, %iota3A, %eq3A_223 : vector<1x32768xi32>
    %convert_element_type3A_225 = arith.extui %eq3A_224 : vector<1x32768xi1> to vector<1x32768xi32>
    %convert_element_type3A_226 = arith.sitofp %convert_element_type3A_225 : vector<1x32768xi32> to vector<1x32768xf32>
    %dot_general3A_227 = arith.constant dense<0.000000e+00> : vector<3x1xf32>
    %dot_general3A_228 = tpu.matmul %get3A_3, %convert_element_type3A_226, %dot_general3A_227 {dimension_numbers = #tpu.dot_dimension_numbers<[1], [1], [0], [0], [0, 0, 1, 0], [], []>, transpose_lhs_hint = false} : vector<3x32768xf32>, vector<1x32768xf32>, vector<3x1xf32> -> vector<3x1xf32>
    %slice3A_229 = vector.extract_strided_slice %get3A_3 {offsets = [0, 0], sizes = [1, 32768], strides = [1, 1]} : vector<3x32768xf32> to vector<1x32768xf32>
    %slice3A_230 = vector.extract_strided_slice %dot_general3A_228 {offsets = [0, 0], sizes = [1, 1], strides = [1, 1]} : vector<3x1xf32> to vector<1x1xf32>
    %sub3A_231 = vector.broadcast %slice3A_230 : vector<1x1xf32> to vector<1x32768xf32>
    %sub3A_232 = arith.subf %slice3A_229, %sub3A_231 : vector<1x32768xf32>
    %integer_pow3A_233 = arith.mulf %sub3A_232, %sub3A_232 : vector<1x32768xf32>
    %slice3A_234 = vector.extract_strided_slice %get3A_3 {offsets = [1, 0], sizes = [1, 32768], strides = [1, 1]} : vector<3x32768xf32> to vector<1x32768xf32>
    %slice3A_235 = vector.extract_strided_slice %dot_general3A_228 {offsets = [1, 0], sizes = [1, 1], strides = [1, 1]} : vector<3x1xf32> to vector<1x1xf32>
    %sub3A_236 = vector.broadcast %slice3A_235 : vector<1x1xf32> to vector<1x32768xf32>
    %sub3A_237 = arith.subf %slice3A_234, %sub3A_236 : vector<1x32768xf32>
    %integer_pow3A_238 = arith.mulf %sub3A_237, %sub3A_237 : vector<1x32768xf32>
    %add3A_239 = arith.addf %integer_pow3A_233, %integer_pow3A_238 : vector<1x32768xf32>
    %slice3A_240 = vector.extract_strided_slice %get3A_3 {offsets = [2, 0], sizes = [1, 32768], strides = [1, 1]} : vector<3x32768xf32> to vector<1x32768xf32>
    %slice3A_241 = vector.extract_strided_slice %dot_general3A_228 {offsets = [2, 0], sizes = [1, 1], strides = [1, 1]} : vector<3x1xf32> to vector<1x1xf32>
    %sub3A_242 = vector.broadcast %slice3A_241 : vector<1x1xf32> to vector<1x32768xf32>
    %sub3A_243 = arith.subf %slice3A_240, %sub3A_242 : vector<1x32768xf32>
    %integer_pow3A_244 = arith.mulf %sub3A_243, %sub3A_243 : vector<1x32768xf32>
    %add3A_245 = arith.addf %add3A_239, %integer_pow3A_244 : vector<1x32768xf32>
    %min3A_246 = arith.minimumf %min3A_202, %add3A_245 : vector<1x32768xf32>
    %reduce_max3A_247 = vector.shape_cast %min3A_246 : vector<1x32768xf32> to vector<1x1x32768xf32>
    %reduce_max3A_248 = arith.constant dense<0xFF800000> : vector<1xf32>
    %reduce_max3A_249 = vector.multi_reduction <maximumf>, %reduce_max3A_247, %reduce_max3A_248 [1, 2] : vector<1x1x32768xf32> to vector<1xf32>
    %reduce_max3A_250 = vector.shape_cast %reduce_max3A_249 : vector<1xf32> to vector<1x1x1xf32>
    %reduce_max3A_251 = vector.extract %reduce_max3A_250[0, 0, 0] : f32 from vector<1x1x1xf32>
    %eq3A_252 = vector.broadcast %reduce_max3A_251 : f32 to vector<1x32768xf32>
    %eq3A_253 = arith.cmpf oeq, %min3A_246, %eq3A_252 : vector<1x32768xf32>
    %jit3A_254 = arith.constant 32768 : i32
    %broadcast_in_dim3A_255 = vector.broadcast %jit3A_254 : i32 to vector<1x32768xi32>
    %select_n3A_256 = arith.select %eq3A_253, %iota3A, %broadcast_in_dim3A_255 : vector<1x32768xi1>, vector<1x32768xi32>
    %reduce_min3A_257 = vector.shape_cast %select_n3A_256 : vector<1x32768xi32> to vector<1x1x32768xi32>
    %reduce_min3A_258 = arith.constant dense<2147483647> : vector<1xi32>
    %reduce_min3A_259 = vector.multi_reduction <minsi>, %reduce_min3A_257, %reduce_min3A_258 [1, 2] : vector<1x1x32768xi32> to vector<1xi32>
    %reduce_min3A_260 = vector.shape_cast %reduce_min3A_259 : vector<1xi32> to vector<1x1x1xi32>
    %reduce_min3A_261 = vector.extract %reduce_min3A_260[0, 0, 0] : i32 from vector<1x1x1xi32>
    %eq3A_262 = arith.constant 6 : i32
    %eq3A_263 = vector.broadcast %eq3A_262 : i32 to vector<1x36xi32>
    %eq3A_264 = arith.cmpi eq, %iota3A_4, %eq3A_263 : vector<1x36xi32>
    %broadcast_in_dim3A_265 = vector.broadcast %reduce_min3A_261 : i32 to vector<1x36xi32>
    %select_n3A_266 = arith.select %eq3A_264, %broadcast_in_dim3A_265, %select_n3A_222 : vector<1x36xi1>, vector<1x36xi32>
    %eq3A_267 = vector.broadcast %reduce_min3A_261 : i32 to vector<1x32768xi32>
    %eq3A_268 = arith.cmpi eq, %iota3A, %eq3A_267 : vector<1x32768xi32>
    %convert_element_type3A_269 = arith.extui %eq3A_268 : vector<1x32768xi1> to vector<1x32768xi32>
    %convert_element_type3A_270 = arith.sitofp %convert_element_type3A_269 : vector<1x32768xi32> to vector<1x32768xf32>
    %dot_general3A_271 = arith.constant dense<0.000000e+00> : vector<3x1xf32>
    %dot_general3A_272 = tpu.matmul %get3A_3, %convert_element_type3A_270, %dot_general3A_271 {dimension_numbers = #tpu.dot_dimension_numbers<[1], [1], [0], [0], [0, 0, 1, 0], [], []>, transpose_lhs_hint = false} : vector<3x32768xf32>, vector<1x32768xf32>, vector<3x1xf32> -> vector<3x1xf32>
    %slice3A_273 = vector.extract_strided_slice %get3A_3 {offsets = [0, 0], sizes = [1, 32768], strides = [1, 1]} : vector<3x32768xf32> to vector<1x32768xf32>
    %slice3A_274 = vector.extract_strided_slice %dot_general3A_272 {offsets = [0, 0], sizes = [1, 1], strides = [1, 1]} : vector<3x1xf32> to vector<1x1xf32>
    %sub3A_275 = vector.broadcast %slice3A_274 : vector<1x1xf32> to vector<1x32768xf32>
    %sub3A_276 = arith.subf %slice3A_273, %sub3A_275 : vector<1x32768xf32>
    %integer_pow3A_277 = arith.mulf %sub3A_276, %sub3A_276 : vector<1x32768xf32>
    %slice3A_278 = vector.extract_strided_slice %get3A_3 {offsets = [1, 0], sizes = [1, 32768], strides = [1, 1]} : vector<3x32768xf32> to vector<1x32768xf32>
    %slice3A_279 = vector.extract_strided_slice %dot_general3A_272 {offsets = [1, 0], sizes = [1, 1], strides = [1, 1]} : vector<3x1xf32> to vector<1x1xf32>
    %sub3A_280 = vector.broadcast %slice3A_279 : vector<1x1xf32> to vector<1x32768xf32>
    %sub3A_281 = arith.subf %slice3A_278, %sub3A_280 : vector<1x32768xf32>
    %integer_pow3A_282 = arith.mulf %sub3A_281, %sub3A_281 : vector<1x32768xf32>
    %add3A_283 = arith.addf %integer_pow3A_277, %integer_pow3A_282 : vector<1x32768xf32>
    %slice3A_284 = vector.extract_strided_slice %get3A_3 {offsets = [2, 0], sizes = [1, 32768], strides = [1, 1]} : vector<3x32768xf32> to vector<1x32768xf32>
    %slice3A_285 = vector.extract_strided_slice %dot_general3A_272 {offsets = [2, 0], sizes = [1, 1], strides = [1, 1]} : vector<3x1xf32> to vector<1x1xf32>
    %sub3A_286 = vector.broadcast %slice3A_285 : vector<1x1xf32> to vector<1x32768xf32>
    %sub3A_287 = arith.subf %slice3A_284, %sub3A_286 : vector<1x32768xf32>
    %integer_pow3A_288 = arith.mulf %sub3A_287, %sub3A_287 : vector<1x32768xf32>
    %add3A_289 = arith.addf %add3A_283, %integer_pow3A_288 : vector<1x32768xf32>
    %min3A_290 = arith.minimumf %min3A_246, %add3A_289 : vector<1x32768xf32>
    %reduce_max3A_291 = vector.shape_cast %min3A_290 : vector<1x32768xf32> to vector<1x1x32768xf32>
    %reduce_max3A_292 = arith.constant dense<0xFF800000> : vector<1xf32>
    %reduce_max3A_293 = vector.multi_reduction <maximumf>, %reduce_max3A_291, %reduce_max3A_292 [1, 2] : vector<1x1x32768xf32> to vector<1xf32>
    %reduce_max3A_294 = vector.shape_cast %reduce_max3A_293 : vector<1xf32> to vector<1x1x1xf32>
    %reduce_max3A_295 = vector.extract %reduce_max3A_294[0, 0, 0] : f32 from vector<1x1x1xf32>
    %eq3A_296 = vector.broadcast %reduce_max3A_295 : f32 to vector<1x32768xf32>
    %eq3A_297 = arith.cmpf oeq, %min3A_290, %eq3A_296 : vector<1x32768xf32>
    %jit3A_298 = arith.constant 32768 : i32
    %broadcast_in_dim3A_299 = vector.broadcast %jit3A_298 : i32 to vector<1x32768xi32>
    %select_n3A_300 = arith.select %eq3A_297, %iota3A, %broadcast_in_dim3A_299 : vector<1x32768xi1>, vector<1x32768xi32>
    %reduce_min3A_301 = vector.shape_cast %select_n3A_300 : vector<1x32768xi32> to vector<1x1x32768xi32>
    %reduce_min3A_302 = arith.constant dense<2147483647> : vector<1xi32>
    %reduce_min3A_303 = vector.multi_reduction <minsi>, %reduce_min3A_301, %reduce_min3A_302 [1, 2] : vector<1x1x32768xi32> to vector<1xi32>
    %reduce_min3A_304 = vector.shape_cast %reduce_min3A_303 : vector<1xi32> to vector<1x1x1xi32>
    %reduce_min3A_305 = vector.extract %reduce_min3A_304[0, 0, 0] : i32 from vector<1x1x1xi32>
    %eq3A_306 = arith.constant 7 : i32
    %eq3A_307 = vector.broadcast %eq3A_306 : i32 to vector<1x36xi32>
    %eq3A_308 = arith.cmpi eq, %iota3A_4, %eq3A_307 : vector<1x36xi32>
    %broadcast_in_dim3A_309 = vector.broadcast %reduce_min3A_305 : i32 to vector<1x36xi32>
    %select_n3A_310 = arith.select %eq3A_308, %broadcast_in_dim3A_309, %select_n3A_266 : vector<1x36xi1>, vector<1x36xi32>
    %eq3A_311 = vector.broadcast %reduce_min3A_305 : i32 to vector<1x32768xi32>
    %eq3A_312 = arith.cmpi eq, %iota3A, %eq3A_311 : vector<1x32768xi32>
    %convert_element_type3A_313 = arith.extui %eq3A_312 : vector<1x32768xi1> to vector<1x32768xi32>
    %convert_element_type3A_314 = arith.sitofp %convert_element_type3A_313 : vector<1x32768xi32> to vector<1x32768xf32>
    %dot_general3A_315 = arith.constant dense<0.000000e+00> : vector<3x1xf32>
    %dot_general3A_316 = tpu.matmul %get3A_3, %convert_element_type3A_314, %dot_general3A_315 {dimension_numbers = #tpu.dot_dimension_numbers<[1], [1], [0], [0], [0, 0, 1, 0], [], []>, transpose_lhs_hint = false} : vector<3x32768xf32>, vector<1x32768xf32>, vector<3x1xf32> -> vector<3x1xf32>
    %slice3A_317 = vector.extract_strided_slice %get3A_3 {offsets = [0, 0], sizes = [1, 32768], strides = [1, 1]} : vector<3x32768xf32> to vector<1x32768xf32>
    %slice3A_318 = vector.extract_strided_slice %dot_general3A_316 {offsets = [0, 0], sizes = [1, 1], strides = [1, 1]} : vector<3x1xf32> to vector<1x1xf32>
    %sub3A_319 = vector.broadcast %slice3A_318 : vector<1x1xf32> to vector<1x32768xf32>
    %sub3A_320 = arith.subf %slice3A_317, %sub3A_319 : vector<1x32768xf32>
    %integer_pow3A_321 = arith.mulf %sub3A_320, %sub3A_320 : vector<1x32768xf32>
    %slice3A_322 = vector.extract_strided_slice %get3A_3 {offsets = [1, 0], sizes = [1, 32768], strides = [1, 1]} : vector<3x32768xf32> to vector<1x32768xf32>
    %slice3A_323 = vector.extract_strided_slice %dot_general3A_316 {offsets = [1, 0], sizes = [1, 1], strides = [1, 1]} : vector<3x1xf32> to vector<1x1xf32>
    %sub3A_324 = vector.broadcast %slice3A_323 : vector<1x1xf32> to vector<1x32768xf32>
    %sub3A_325 = arith.subf %slice3A_322, %sub3A_324 : vector<1x32768xf32>
    %integer_pow3A_326 = arith.mulf %sub3A_325, %sub3A_325 : vector<1x32768xf32>
    %add3A_327 = arith.addf %integer_pow3A_321, %integer_pow3A_326 : vector<1x32768xf32>
    %slice3A_328 = vector.extract_strided_slice %get3A_3 {offsets = [2, 0], sizes = [1, 32768], strides = [1, 1]} : vector<3x32768xf32> to vector<1x32768xf32>
    %slice3A_329 = vector.extract_strided_slice %dot_general3A_316 {offsets = [2, 0], sizes = [1, 1], strides = [1, 1]} : vector<3x1xf32> to vector<1x1xf32>
    %sub3A_330 = vector.broadcast %slice3A_329 : vector<1x1xf32> to vector<1x32768xf32>
    %sub3A_331 = arith.subf %slice3A_328, %sub3A_330 : vector<1x32768xf32>
    %integer_pow3A_332 = arith.mulf %sub3A_331, %sub3A_331 : vector<1x32768xf32>
    %add3A_333 = arith.addf %add3A_327, %integer_pow3A_332 : vector<1x32768xf32>
    %min3A_334 = arith.minimumf %min3A_290, %add3A_333 : vector<1x32768xf32>
    %reduce_max3A_335 = vector.shape_cast %min3A_334 : vector<1x32768xf32> to vector<1x1x32768xf32>
    %reduce_max3A_336 = arith.constant dense<0xFF800000> : vector<1xf32>
    %reduce_max3A_337 = vector.multi_reduction <maximumf>, %reduce_max3A_335, %reduce_max3A_336 [1, 2] : vector<1x1x32768xf32> to vector<1xf32>
    %reduce_max3A_338 = vector.shape_cast %reduce_max3A_337 : vector<1xf32> to vector<1x1x1xf32>
    %reduce_max3A_339 = vector.extract %reduce_max3A_338[0, 0, 0] : f32 from vector<1x1x1xf32>
    %eq3A_340 = vector.broadcast %reduce_max3A_339 : f32 to vector<1x32768xf32>
    %eq3A_341 = arith.cmpf oeq, %min3A_334, %eq3A_340 : vector<1x32768xf32>
    %jit3A_342 = arith.constant 32768 : i32
    %broadcast_in_dim3A_343 = vector.broadcast %jit3A_342 : i32 to vector<1x32768xi32>
    %select_n3A_344 = arith.select %eq3A_341, %iota3A, %broadcast_in_dim3A_343 : vector<1x32768xi1>, vector<1x32768xi32>
    %reduce_min3A_345 = vector.shape_cast %select_n3A_344 : vector<1x32768xi32> to vector<1x1x32768xi32>
    %reduce_min3A_346 = arith.constant dense<2147483647> : vector<1xi32>
    %reduce_min3A_347 = vector.multi_reduction <minsi>, %reduce_min3A_345, %reduce_min3A_346 [1, 2] : vector<1x1x32768xi32> to vector<1xi32>
    %reduce_min3A_348 = vector.shape_cast %reduce_min3A_347 : vector<1xi32> to vector<1x1x1xi32>
    %reduce_min3A_349 = vector.extract %reduce_min3A_348[0, 0, 0] : i32 from vector<1x1x1xi32>
    %eq3A_350 = arith.constant 8 : i32
    %eq3A_351 = vector.broadcast %eq3A_350 : i32 to vector<1x36xi32>
    %eq3A_352 = arith.cmpi eq, %iota3A_4, %eq3A_351 : vector<1x36xi32>
    %broadcast_in_dim3A_353 = vector.broadcast %reduce_min3A_349 : i32 to vector<1x36xi32>
    %select_n3A_354 = arith.select %eq3A_352, %broadcast_in_dim3A_353, %select_n3A_310 : vector<1x36xi1>, vector<1x36xi32>
    %eq3A_355 = vector.broadcast %reduce_min3A_349 : i32 to vector<1x32768xi32>
    %eq3A_356 = arith.cmpi eq, %iota3A, %eq3A_355 : vector<1x32768xi32>
    %convert_element_type3A_357 = arith.extui %eq3A_356 : vector<1x32768xi1> to vector<1x32768xi32>
    %convert_element_type3A_358 = arith.sitofp %convert_element_type3A_357 : vector<1x32768xi32> to vector<1x32768xf32>
    %dot_general3A_359 = arith.constant dense<0.000000e+00> : vector<3x1xf32>
    %dot_general3A_360 = tpu.matmul %get3A_3, %convert_element_type3A_358, %dot_general3A_359 {dimension_numbers = #tpu.dot_dimension_numbers<[1], [1], [0], [0], [0, 0, 1, 0], [], []>, transpose_lhs_hint = false} : vector<3x32768xf32>, vector<1x32768xf32>, vector<3x1xf32> -> vector<3x1xf32>
    %slice3A_361 = vector.extract_strided_slice %get3A_3 {offsets = [0, 0], sizes = [1, 32768], strides = [1, 1]} : vector<3x32768xf32> to vector<1x32768xf32>
    %slice3A_362 = vector.extract_strided_slice %dot_general3A_360 {offsets = [0, 0], sizes = [1, 1], strides = [1, 1]} : vector<3x1xf32> to vector<1x1xf32>
    %sub3A_363 = vector.broadcast %slice3A_362 : vector<1x1xf32> to vector<1x32768xf32>
    %sub3A_364 = arith.subf %slice3A_361, %sub3A_363 : vector<1x32768xf32>
    %integer_pow3A_365 = arith.mulf %sub3A_364, %sub3A_364 : vector<1x32768xf32>
    %slice3A_366 = vector.extract_strided_slice %get3A_3 {offsets = [1, 0], sizes = [1, 32768], strides = [1, 1]} : vector<3x32768xf32> to vector<1x32768xf32>
    %slice3A_367 = vector.extract_strided_slice %dot_general3A_360 {offsets = [1, 0], sizes = [1, 1], strides = [1, 1]} : vector<3x1xf32> to vector<1x1xf32>
    %sub3A_368 = vector.broadcast %slice3A_367 : vector<1x1xf32> to vector<1x32768xf32>
    %sub3A_369 = arith.subf %slice3A_366, %sub3A_368 : vector<1x32768xf32>
    %integer_pow3A_370 = arith.mulf %sub3A_369, %sub3A_369 : vector<1x32768xf32>
    %add3A_371 = arith.addf %integer_pow3A_365, %integer_pow3A_370 : vector<1x32768xf32>
    %slice3A_372 = vector.extract_strided_slice %get3A_3 {offsets = [2, 0], sizes = [1, 32768], strides = [1, 1]} : vector<3x32768xf32> to vector<1x32768xf32>
    %slice3A_373 = vector.extract_strided_slice %dot_general3A_360 {offsets = [2, 0], sizes = [1, 1], strides = [1, 1]} : vector<3x1xf32> to vector<1x1xf32>
    %sub3A_374 = vector.broadcast %slice3A_373 : vector<1x1xf32> to vector<1x32768xf32>
    %sub3A_375 = arith.subf %slice3A_372, %sub3A_374 : vector<1x32768xf32>
    %integer_pow3A_376 = arith.mulf %sub3A_375, %sub3A_375 : vector<1x32768xf32>
    %add3A_377 = arith.addf %add3A_371, %integer_pow3A_376 : vector<1x32768xf32>
    %min3A_378 = arith.minimumf %min3A_334, %add3A_377 : vector<1x32768xf32>
    %reduce_max3A_379 = vector.shape_cast %min3A_378 : vector<1x32768xf32> to vector<1x1x32768xf32>
    %reduce_max3A_380 = arith.constant dense<0xFF800000> : vector<1xf32>
    %reduce_max3A_381 = vector.multi_reduction <maximumf>, %reduce_max3A_379, %reduce_max3A_380 [1, 2] : vector<1x1x32768xf32> to vector<1xf32>
    %reduce_max3A_382 = vector.shape_cast %reduce_max3A_381 : vector<1xf32> to vector<1x1x1xf32>
    %reduce_max3A_383 = vector.extract %reduce_max3A_382[0, 0, 0] : f32 from vector<1x1x1xf32>
    %eq3A_384 = vector.broadcast %reduce_max3A_383 : f32 to vector<1x32768xf32>
    %eq3A_385 = arith.cmpf oeq, %min3A_378, %eq3A_384 : vector<1x32768xf32>
    %jit3A_386 = arith.constant 32768 : i32
    %broadcast_in_dim3A_387 = vector.broadcast %jit3A_386 : i32 to vector<1x32768xi32>
    %select_n3A_388 = arith.select %eq3A_385, %iota3A, %broadcast_in_dim3A_387 : vector<1x32768xi1>, vector<1x32768xi32>
    %reduce_min3A_389 = vector.shape_cast %select_n3A_388 : vector<1x32768xi32> to vector<1x1x32768xi32>
    %reduce_min3A_390 = arith.constant dense<2147483647> : vector<1xi32>
    %reduce_min3A_391 = vector.multi_reduction <minsi>, %reduce_min3A_389, %reduce_min3A_390 [1, 2] : vector<1x1x32768xi32> to vector<1xi32>
    %reduce_min3A_392 = vector.shape_cast %reduce_min3A_391 : vector<1xi32> to vector<1x1x1xi32>
    %reduce_min3A_393 = vector.extract %reduce_min3A_392[0, 0, 0] : i32 from vector<1x1x1xi32>
    %eq3A_394 = arith.constant 9 : i32
    %eq3A_395 = vector.broadcast %eq3A_394 : i32 to vector<1x36xi32>
    %eq3A_396 = arith.cmpi eq, %iota3A_4, %eq3A_395 : vector<1x36xi32>
    %broadcast_in_dim3A_397 = vector.broadcast %reduce_min3A_393 : i32 to vector<1x36xi32>
    %select_n3A_398 = arith.select %eq3A_396, %broadcast_in_dim3A_397, %select_n3A_354 : vector<1x36xi1>, vector<1x36xi32>
    %eq3A_399 = vector.broadcast %reduce_min3A_393 : i32 to vector<1x32768xi32>
    %eq3A_400 = arith.cmpi eq, %iota3A, %eq3A_399 : vector<1x32768xi32>
    %convert_element_type3A_401 = arith.extui %eq3A_400 : vector<1x32768xi1> to vector<1x32768xi32>
    %convert_element_type3A_402 = arith.sitofp %convert_element_type3A_401 : vector<1x32768xi32> to vector<1x32768xf32>
    %dot_general3A_403 = arith.constant dense<0.000000e+00> : vector<3x1xf32>
    %dot_general3A_404 = tpu.matmul %get3A_3, %convert_element_type3A_402, %dot_general3A_403 {dimension_numbers = #tpu.dot_dimension_numbers<[1], [1], [0], [0], [0, 0, 1, 0], [], []>, transpose_lhs_hint = false} : vector<3x32768xf32>, vector<1x32768xf32>, vector<3x1xf32> -> vector<3x1xf32>
    %slice3A_405 = vector.extract_strided_slice %get3A_3 {offsets = [0, 0], sizes = [1, 32768], strides = [1, 1]} : vector<3x32768xf32> to vector<1x32768xf32>
    %slice3A_406 = vector.extract_strided_slice %dot_general3A_404 {offsets = [0, 0], sizes = [1, 1], strides = [1, 1]} : vector<3x1xf32> to vector<1x1xf32>
    %sub3A_407 = vector.broadcast %slice3A_406 : vector<1x1xf32> to vector<1x32768xf32>
    %sub3A_408 = arith.subf %slice3A_405, %sub3A_407 : vector<1x32768xf32>
    %integer_pow3A_409 = arith.mulf %sub3A_408, %sub3A_408 : vector<1x32768xf32>
    %slice3A_410 = vector.extract_strided_slice %get3A_3 {offsets = [1, 0], sizes = [1, 32768], strides = [1, 1]} : vector<3x32768xf32> to vector<1x32768xf32>
    %slice3A_411 = vector.extract_strided_slice %dot_general3A_404 {offsets = [1, 0], sizes = [1, 1], strides = [1, 1]} : vector<3x1xf32> to vector<1x1xf32>
    %sub3A_412 = vector.broadcast %slice3A_411 : vector<1x1xf32> to vector<1x32768xf32>
    %sub3A_413 = arith.subf %slice3A_410, %sub3A_412 : vector<1x32768xf32>
    %integer_pow3A_414 = arith.mulf %sub3A_413, %sub3A_413 : vector<1x32768xf32>
    %add3A_415 = arith.addf %integer_pow3A_409, %integer_pow3A_414 : vector<1x32768xf32>
    %slice3A_416 = vector.extract_strided_slice %get3A_3 {offsets = [2, 0], sizes = [1, 32768], strides = [1, 1]} : vector<3x32768xf32> to vector<1x32768xf32>
    %slice3A_417 = vector.extract_strided_slice %dot_general3A_404 {offsets = [2, 0], sizes = [1, 1], strides = [1, 1]} : vector<3x1xf32> to vector<1x1xf32>
    %sub3A_418 = vector.broadcast %slice3A_417 : vector<1x1xf32> to vector<1x32768xf32>
    %sub3A_419 = arith.subf %slice3A_416, %sub3A_418 : vector<1x32768xf32>
    %integer_pow3A_420 = arith.mulf %sub3A_419, %sub3A_419 : vector<1x32768xf32>
    %add3A_421 = arith.addf %add3A_415, %integer_pow3A_420 : vector<1x32768xf32>
    %min3A_422 = arith.minimumf %min3A_378, %add3A_421 : vector<1x32768xf32>
    %reduce_max3A_423 = vector.shape_cast %min3A_422 : vector<1x32768xf32> to vector<1x1x32768xf32>
    %reduce_max3A_424 = arith.constant dense<0xFF800000> : vector<1xf32>
    %reduce_max3A_425 = vector.multi_reduction <maximumf>, %reduce_max3A_423, %reduce_max3A_424 [1, 2] : vector<1x1x32768xf32> to vector<1xf32>
    %reduce_max3A_426 = vector.shape_cast %reduce_max3A_425 : vector<1xf32> to vector<1x1x1xf32>
    %reduce_max3A_427 = vector.extract %reduce_max3A_426[0, 0, 0] : f32 from vector<1x1x1xf32>
    %eq3A_428 = vector.broadcast %reduce_max3A_427 : f32 to vector<1x32768xf32>
    %eq3A_429 = arith.cmpf oeq, %min3A_422, %eq3A_428 : vector<1x32768xf32>
    %jit3A_430 = arith.constant 32768 : i32
    %broadcast_in_dim3A_431 = vector.broadcast %jit3A_430 : i32 to vector<1x32768xi32>
    %select_n3A_432 = arith.select %eq3A_429, %iota3A, %broadcast_in_dim3A_431 : vector<1x32768xi1>, vector<1x32768xi32>
    %reduce_min3A_433 = vector.shape_cast %select_n3A_432 : vector<1x32768xi32> to vector<1x1x32768xi32>
    %reduce_min3A_434 = arith.constant dense<2147483647> : vector<1xi32>
    %reduce_min3A_435 = vector.multi_reduction <minsi>, %reduce_min3A_433, %reduce_min3A_434 [1, 2] : vector<1x1x32768xi32> to vector<1xi32>
    %reduce_min3A_436 = vector.shape_cast %reduce_min3A_435 : vector<1xi32> to vector<1x1x1xi32>
    %reduce_min3A_437 = vector.extract %reduce_min3A_436[0, 0, 0] : i32 from vector<1x1x1xi32>
    %eq3A_438 = arith.constant 10 : i32
    %eq3A_439 = vector.broadcast %eq3A_438 : i32 to vector<1x36xi32>
    %eq3A_440 = arith.cmpi eq, %iota3A_4, %eq3A_439 : vector<1x36xi32>
    %broadcast_in_dim3A_441 = vector.broadcast %reduce_min3A_437 : i32 to vector<1x36xi32>
    %select_n3A_442 = arith.select %eq3A_440, %broadcast_in_dim3A_441, %select_n3A_398 : vector<1x36xi1>, vector<1x36xi32>
    %eq3A_443 = vector.broadcast %reduce_min3A_437 : i32 to vector<1x32768xi32>
    %eq3A_444 = arith.cmpi eq, %iota3A, %eq3A_443 : vector<1x32768xi32>
    %convert_element_type3A_445 = arith.extui %eq3A_444 : vector<1x32768xi1> to vector<1x32768xi32>
    %convert_element_type3A_446 = arith.sitofp %convert_element_type3A_445 : vector<1x32768xi32> to vector<1x32768xf32>
    %dot_general3A_447 = arith.constant dense<0.000000e+00> : vector<3x1xf32>
    %dot_general3A_448 = tpu.matmul %get3A_3, %convert_element_type3A_446, %dot_general3A_447 {dimension_numbers = #tpu.dot_dimension_numbers<[1], [1], [0], [0], [0, 0, 1, 0], [], []>, transpose_lhs_hint = false} : vector<3x32768xf32>, vector<1x32768xf32>, vector<3x1xf32> -> vector<3x1xf32>
    %slice3A_449 = vector.extract_strided_slice %get3A_3 {offsets = [0, 0], sizes = [1, 32768], strides = [1, 1]} : vector<3x32768xf32> to vector<1x32768xf32>
    %slice3A_450 = vector.extract_strided_slice %dot_general3A_448 {offsets = [0, 0], sizes = [1, 1], strides = [1, 1]} : vector<3x1xf32> to vector<1x1xf32>
    %sub3A_451 = vector.broadcast %slice3A_450 : vector<1x1xf32> to vector<1x32768xf32>
    %sub3A_452 = arith.subf %slice3A_449, %sub3A_451 : vector<1x32768xf32>
    %integer_pow3A_453 = arith.mulf %sub3A_452, %sub3A_452 : vector<1x32768xf32>
    %slice3A_454 = vector.extract_strided_slice %get3A_3 {offsets = [1, 0], sizes = [1, 32768], strides = [1, 1]} : vector<3x32768xf32> to vector<1x32768xf32>
    %slice3A_455 = vector.extract_strided_slice %dot_general3A_448 {offsets = [1, 0], sizes = [1, 1], strides = [1, 1]} : vector<3x1xf32> to vector<1x1xf32>
    %sub3A_456 = vector.broadcast %slice3A_455 : vector<1x1xf32> to vector<1x32768xf32>
    %sub3A_457 = arith.subf %slice3A_454, %sub3A_456 : vector<1x32768xf32>
    %integer_pow3A_458 = arith.mulf %sub3A_457, %sub3A_457 : vector<1x32768xf32>
    %add3A_459 = arith.addf %integer_pow3A_453, %integer_pow3A_458 : vector<1x32768xf32>
    %slice3A_460 = vector.extract_strided_slice %get3A_3 {offsets = [2, 0], sizes = [1, 32768], strides = [1, 1]} : vector<3x32768xf32> to vector<1x32768xf32>
    %slice3A_461 = vector.extract_strided_slice %dot_general3A_448 {offsets = [2, 0], sizes = [1, 1], strides = [1, 1]} : vector<3x1xf32> to vector<1x1xf32>
    %sub3A_462 = vector.broadcast %slice3A_461 : vector<1x1xf32> to vector<1x32768xf32>
    %sub3A_463 = arith.subf %slice3A_460, %sub3A_462 : vector<1x32768xf32>
    %integer_pow3A_464 = arith.mulf %sub3A_463, %sub3A_463 : vector<1x32768xf32>
    %add3A_465 = arith.addf %add3A_459, %integer_pow3A_464 : vector<1x32768xf32>
    %min3A_466 = arith.minimumf %min3A_422, %add3A_465 : vector<1x32768xf32>
    %reduce_max3A_467 = vector.shape_cast %min3A_466 : vector<1x32768xf32> to vector<1x1x32768xf32>
    %reduce_max3A_468 = arith.constant dense<0xFF800000> : vector<1xf32>
    %reduce_max3A_469 = vector.multi_reduction <maximumf>, %reduce_max3A_467, %reduce_max3A_468 [1, 2] : vector<1x1x32768xf32> to vector<1xf32>
    %reduce_max3A_470 = vector.shape_cast %reduce_max3A_469 : vector<1xf32> to vector<1x1x1xf32>
    %reduce_max3A_471 = vector.extract %reduce_max3A_470[0, 0, 0] : f32 from vector<1x1x1xf32>
    %eq3A_472 = vector.broadcast %reduce_max3A_471 : f32 to vector<1x32768xf32>
    %eq3A_473 = arith.cmpf oeq, %min3A_466, %eq3A_472 : vector<1x32768xf32>
    %jit3A_474 = arith.constant 32768 : i32
    %broadcast_in_dim3A_475 = vector.broadcast %jit3A_474 : i32 to vector<1x32768xi32>
    %select_n3A_476 = arith.select %eq3A_473, %iota3A, %broadcast_in_dim3A_475 : vector<1x32768xi1>, vector<1x32768xi32>
    %reduce_min3A_477 = vector.shape_cast %select_n3A_476 : vector<1x32768xi32> to vector<1x1x32768xi32>
    %reduce_min3A_478 = arith.constant dense<2147483647> : vector<1xi32>
    %reduce_min3A_479 = vector.multi_reduction <minsi>, %reduce_min3A_477, %reduce_min3A_478 [1, 2] : vector<1x1x32768xi32> to vector<1xi32>
    %reduce_min3A_480 = vector.shape_cast %reduce_min3A_479 : vector<1xi32> to vector<1x1x1xi32>
    %reduce_min3A_481 = vector.extract %reduce_min3A_480[0, 0, 0] : i32 from vector<1x1x1xi32>
    %eq3A_482 = arith.constant 11 : i32
    %eq3A_483 = vector.broadcast %eq3A_482 : i32 to vector<1x36xi32>
    %eq3A_484 = arith.cmpi eq, %iota3A_4, %eq3A_483 : vector<1x36xi32>
    %broadcast_in_dim3A_485 = vector.broadcast %reduce_min3A_481 : i32 to vector<1x36xi32>
    %select_n3A_486 = arith.select %eq3A_484, %broadcast_in_dim3A_485, %select_n3A_442 : vector<1x36xi1>, vector<1x36xi32>
    %eq3A_487 = vector.broadcast %reduce_min3A_481 : i32 to vector<1x32768xi32>
    %eq3A_488 = arith.cmpi eq, %iota3A, %eq3A_487 : vector<1x32768xi32>
    %convert_element_type3A_489 = arith.extui %eq3A_488 : vector<1x32768xi1> to vector<1x32768xi32>
    %convert_element_type3A_490 = arith.sitofp %convert_element_type3A_489 : vector<1x32768xi32> to vector<1x32768xf32>
    %dot_general3A_491 = arith.constant dense<0.000000e+00> : vector<3x1xf32>
    %dot_general3A_492 = tpu.matmul %get3A_3, %convert_element_type3A_490, %dot_general3A_491 {dimension_numbers = #tpu.dot_dimension_numbers<[1], [1], [0], [0], [0, 0, 1, 0], [], []>, transpose_lhs_hint = false} : vector<3x32768xf32>, vector<1x32768xf32>, vector<3x1xf32> -> vector<3x1xf32>
    %slice3A_493 = vector.extract_strided_slice %get3A_3 {offsets = [0, 0], sizes = [1, 32768], strides = [1, 1]} : vector<3x32768xf32> to vector<1x32768xf32>
    %slice3A_494 = vector.extract_strided_slice %dot_general3A_492 {offsets = [0, 0], sizes = [1, 1], strides = [1, 1]} : vector<3x1xf32> to vector<1x1xf32>
    %sub3A_495 = vector.broadcast %slice3A_494 : vector<1x1xf32> to vector<1x32768xf32>
    %sub3A_496 = arith.subf %slice3A_493, %sub3A_495 : vector<1x32768xf32>
    %integer_pow3A_497 = arith.mulf %sub3A_496, %sub3A_496 : vector<1x32768xf32>
    %slice3A_498 = vector.extract_strided_slice %get3A_3 {offsets = [1, 0], sizes = [1, 32768], strides = [1, 1]} : vector<3x32768xf32> to vector<1x32768xf32>
    %slice3A_499 = vector.extract_strided_slice %dot_general3A_492 {offsets = [1, 0], sizes = [1, 1], strides = [1, 1]} : vector<3x1xf32> to vector<1x1xf32>
    %sub3A_500 = vector.broadcast %slice3A_499 : vector<1x1xf32> to vector<1x32768xf32>
    %sub3A_501 = arith.subf %slice3A_498, %sub3A_500 : vector<1x32768xf32>
    %integer_pow3A_502 = arith.mulf %sub3A_501, %sub3A_501 : vector<1x32768xf32>
    %add3A_503 = arith.addf %integer_pow3A_497, %integer_pow3A_502 : vector<1x32768xf32>
    %slice3A_504 = vector.extract_strided_slice %get3A_3 {offsets = [2, 0], sizes = [1, 32768], strides = [1, 1]} : vector<3x32768xf32> to vector<1x32768xf32>
    %slice3A_505 = vector.extract_strided_slice %dot_general3A_492 {offsets = [2, 0], sizes = [1, 1], strides = [1, 1]} : vector<3x1xf32> to vector<1x1xf32>
    %sub3A_506 = vector.broadcast %slice3A_505 : vector<1x1xf32> to vector<1x32768xf32>
    %sub3A_507 = arith.subf %slice3A_504, %sub3A_506 : vector<1x32768xf32>
    %integer_pow3A_508 = arith.mulf %sub3A_507, %sub3A_507 : vector<1x32768xf32>
    %add3A_509 = arith.addf %add3A_503, %integer_pow3A_508 : vector<1x32768xf32>
    %min3A_510 = arith.minimumf %min3A_466, %add3A_509 : vector<1x32768xf32>
    %reduce_max3A_511 = vector.shape_cast %min3A_510 : vector<1x32768xf32> to vector<1x1x32768xf32>
    %reduce_max3A_512 = arith.constant dense<0xFF800000> : vector<1xf32>
    %reduce_max3A_513 = vector.multi_reduction <maximumf>, %reduce_max3A_511, %reduce_max3A_512 [1, 2] : vector<1x1x32768xf32> to vector<1xf32>
    %reduce_max3A_514 = vector.shape_cast %reduce_max3A_513 : vector<1xf32> to vector<1x1x1xf32>
    %reduce_max3A_515 = vector.extract %reduce_max3A_514[0, 0, 0] : f32 from vector<1x1x1xf32>
    %eq3A_516 = vector.broadcast %reduce_max3A_515 : f32 to vector<1x32768xf32>
    %eq3A_517 = arith.cmpf oeq, %min3A_510, %eq3A_516 : vector<1x32768xf32>
    %jit3A_518 = arith.constant 32768 : i32
    %broadcast_in_dim3A_519 = vector.broadcast %jit3A_518 : i32 to vector<1x32768xi32>
    %select_n3A_520 = arith.select %eq3A_517, %iota3A, %broadcast_in_dim3A_519 : vector<1x32768xi1>, vector<1x32768xi32>
    %reduce_min3A_521 = vector.shape_cast %select_n3A_520 : vector<1x32768xi32> to vector<1x1x32768xi32>
    %reduce_min3A_522 = arith.constant dense<2147483647> : vector<1xi32>
    %reduce_min3A_523 = vector.multi_reduction <minsi>, %reduce_min3A_521, %reduce_min3A_522 [1, 2] : vector<1x1x32768xi32> to vector<1xi32>
    %reduce_min3A_524 = vector.shape_cast %reduce_min3A_523 : vector<1xi32> to vector<1x1x1xi32>
    %reduce_min3A_525 = vector.extract %reduce_min3A_524[0, 0, 0] : i32 from vector<1x1x1xi32>
    %eq3A_526 = arith.constant 12 : i32
    %eq3A_527 = vector.broadcast %eq3A_526 : i32 to vector<1x36xi32>
    %eq3A_528 = arith.cmpi eq, %iota3A_4, %eq3A_527 : vector<1x36xi32>
    %broadcast_in_dim3A_529 = vector.broadcast %reduce_min3A_525 : i32 to vector<1x36xi32>
    %select_n3A_530 = arith.select %eq3A_528, %broadcast_in_dim3A_529, %select_n3A_486 : vector<1x36xi1>, vector<1x36xi32>
    %eq3A_531 = vector.broadcast %reduce_min3A_525 : i32 to vector<1x32768xi32>
    %eq3A_532 = arith.cmpi eq, %iota3A, %eq3A_531 : vector<1x32768xi32>
    %convert_element_type3A_533 = arith.extui %eq3A_532 : vector<1x32768xi1> to vector<1x32768xi32>
    %convert_element_type3A_534 = arith.sitofp %convert_element_type3A_533 : vector<1x32768xi32> to vector<1x32768xf32>
    %dot_general3A_535 = arith.constant dense<0.000000e+00> : vector<3x1xf32>
    %dot_general3A_536 = tpu.matmul %get3A_3, %convert_element_type3A_534, %dot_general3A_535 {dimension_numbers = #tpu.dot_dimension_numbers<[1], [1], [0], [0], [0, 0, 1, 0], [], []>, transpose_lhs_hint = false} : vector<3x32768xf32>, vector<1x32768xf32>, vector<3x1xf32> -> vector<3x1xf32>
    %slice3A_537 = vector.extract_strided_slice %get3A_3 {offsets = [0, 0], sizes = [1, 32768], strides = [1, 1]} : vector<3x32768xf32> to vector<1x32768xf32>
    %slice3A_538 = vector.extract_strided_slice %dot_general3A_536 {offsets = [0, 0], sizes = [1, 1], strides = [1, 1]} : vector<3x1xf32> to vector<1x1xf32>
    %sub3A_539 = vector.broadcast %slice3A_538 : vector<1x1xf32> to vector<1x32768xf32>
    %sub3A_540 = arith.subf %slice3A_537, %sub3A_539 : vector<1x32768xf32>
    %integer_pow3A_541 = arith.mulf %sub3A_540, %sub3A_540 : vector<1x32768xf32>
    %slice3A_542 = vector.extract_strided_slice %get3A_3 {offsets = [1, 0], sizes = [1, 32768], strides = [1, 1]} : vector<3x32768xf32> to vector<1x32768xf32>
    %slice3A_543 = vector.extract_strided_slice %dot_general3A_536 {offsets = [1, 0], sizes = [1, 1], strides = [1, 1]} : vector<3x1xf32> to vector<1x1xf32>
    %sub3A_544 = vector.broadcast %slice3A_543 : vector<1x1xf32> to vector<1x32768xf32>
    %sub3A_545 = arith.subf %slice3A_542, %sub3A_544 : vector<1x32768xf32>
    %integer_pow3A_546 = arith.mulf %sub3A_545, %sub3A_545 : vector<1x32768xf32>
    %add3A_547 = arith.addf %integer_pow3A_541, %integer_pow3A_546 : vector<1x32768xf32>
    %slice3A_548 = vector.extract_strided_slice %get3A_3 {offsets = [2, 0], sizes = [1, 32768], strides = [1, 1]} : vector<3x32768xf32> to vector<1x32768xf32>
    %slice3A_549 = vector.extract_strided_slice %dot_general3A_536 {offsets = [2, 0], sizes = [1, 1], strides = [1, 1]} : vector<3x1xf32> to vector<1x1xf32>
    %sub3A_550 = vector.broadcast %slice3A_549 : vector<1x1xf32> to vector<1x32768xf32>
    %sub3A_551 = arith.subf %slice3A_548, %sub3A_550 : vector<1x32768xf32>
    %integer_pow3A_552 = arith.mulf %sub3A_551, %sub3A_551 : vector<1x32768xf32>
    %add3A_553 = arith.addf %add3A_547, %integer_pow3A_552 : vector<1x32768xf32>
    %min3A_554 = arith.minimumf %min3A_510, %add3A_553 : vector<1x32768xf32>
    %reduce_max3A_555 = vector.shape_cast %min3A_554 : vector<1x32768xf32> to vector<1x1x32768xf32>
    %reduce_max3A_556 = arith.constant dense<0xFF800000> : vector<1xf32>
    %reduce_max3A_557 = vector.multi_reduction <maximumf>, %reduce_max3A_555, %reduce_max3A_556 [1, 2] : vector<1x1x32768xf32> to vector<1xf32>
    %reduce_max3A_558 = vector.shape_cast %reduce_max3A_557 : vector<1xf32> to vector<1x1x1xf32>
    %reduce_max3A_559 = vector.extract %reduce_max3A_558[0, 0, 0] : f32 from vector<1x1x1xf32>
    %eq3A_560 = vector.broadcast %reduce_max3A_559 : f32 to vector<1x32768xf32>
    %eq3A_561 = arith.cmpf oeq, %min3A_554, %eq3A_560 : vector<1x32768xf32>
    %jit3A_562 = arith.constant 32768 : i32
    %broadcast_in_dim3A_563 = vector.broadcast %jit3A_562 : i32 to vector<1x32768xi32>
    %select_n3A_564 = arith.select %eq3A_561, %iota3A, %broadcast_in_dim3A_563 : vector<1x32768xi1>, vector<1x32768xi32>
    %reduce_min3A_565 = vector.shape_cast %select_n3A_564 : vector<1x32768xi32> to vector<1x1x32768xi32>
    %reduce_min3A_566 = arith.constant dense<2147483647> : vector<1xi32>
    %reduce_min3A_567 = vector.multi_reduction <minsi>, %reduce_min3A_565, %reduce_min3A_566 [1, 2] : vector<1x1x32768xi32> to vector<1xi32>
    %reduce_min3A_568 = vector.shape_cast %reduce_min3A_567 : vector<1xi32> to vector<1x1x1xi32>
    %reduce_min3A_569 = vector.extract %reduce_min3A_568[0, 0, 0] : i32 from vector<1x1x1xi32>
    %eq3A_570 = arith.constant 13 : i32
    %eq3A_571 = vector.broadcast %eq3A_570 : i32 to vector<1x36xi32>
    %eq3A_572 = arith.cmpi eq, %iota3A_4, %eq3A_571 : vector<1x36xi32>
    %broadcast_in_dim3A_573 = vector.broadcast %reduce_min3A_569 : i32 to vector<1x36xi32>
    %select_n3A_574 = arith.select %eq3A_572, %broadcast_in_dim3A_573, %select_n3A_530 : vector<1x36xi1>, vector<1x36xi32>
    %eq3A_575 = vector.broadcast %reduce_min3A_569 : i32 to vector<1x32768xi32>
    %eq3A_576 = arith.cmpi eq, %iota3A, %eq3A_575 : vector<1x32768xi32>
    %convert_element_type3A_577 = arith.extui %eq3A_576 : vector<1x32768xi1> to vector<1x32768xi32>
    %convert_element_type3A_578 = arith.sitofp %convert_element_type3A_577 : vector<1x32768xi32> to vector<1x32768xf32>
    %dot_general3A_579 = arith.constant dense<0.000000e+00> : vector<3x1xf32>
    %dot_general3A_580 = tpu.matmul %get3A_3, %convert_element_type3A_578, %dot_general3A_579 {dimension_numbers = #tpu.dot_dimension_numbers<[1], [1], [0], [0], [0, 0, 1, 0], [], []>, transpose_lhs_hint = false} : vector<3x32768xf32>, vector<1x32768xf32>, vector<3x1xf32> -> vector<3x1xf32>
    %slice3A_581 = vector.extract_strided_slice %get3A_3 {offsets = [0, 0], sizes = [1, 32768], strides = [1, 1]} : vector<3x32768xf32> to vector<1x32768xf32>
    %slice3A_582 = vector.extract_strided_slice %dot_general3A_580 {offsets = [0, 0], sizes = [1, 1], strides = [1, 1]} : vector<3x1xf32> to vector<1x1xf32>
    %sub3A_583 = vector.broadcast %slice3A_582 : vector<1x1xf32> to vector<1x32768xf32>
    %sub3A_584 = arith.subf %slice3A_581, %sub3A_583 : vector<1x32768xf32>
    %integer_pow3A_585 = arith.mulf %sub3A_584, %sub3A_584 : vector<1x32768xf32>
    %slice3A_586 = vector.extract_strided_slice %get3A_3 {offsets = [1, 0], sizes = [1, 32768], strides = [1, 1]} : vector<3x32768xf32> to vector<1x32768xf32>
    %slice3A_587 = vector.extract_strided_slice %dot_general3A_580 {offsets = [1, 0], sizes = [1, 1], strides = [1, 1]} : vector<3x1xf32> to vector<1x1xf32>
    %sub3A_588 = vector.broadcast %slice3A_587 : vector<1x1xf32> to vector<1x32768xf32>
    %sub3A_589 = arith.subf %slice3A_586, %sub3A_588 : vector<1x32768xf32>
    %integer_pow3A_590 = arith.mulf %sub3A_589, %sub3A_589 : vector<1x32768xf32>
    %add3A_591 = arith.addf %integer_pow3A_585, %integer_pow3A_590 : vector<1x32768xf32>
    %slice3A_592 = vector.extract_strided_slice %get3A_3 {offsets = [2, 0], sizes = [1, 32768], strides = [1, 1]} : vector<3x32768xf32> to vector<1x32768xf32>
    %slice3A_593 = vector.extract_strided_slice %dot_general3A_580 {offsets = [2, 0], sizes = [1, 1], strides = [1, 1]} : vector<3x1xf32> to vector<1x1xf32>
    %sub3A_594 = vector.broadcast %slice3A_593 : vector<1x1xf32> to vector<1x32768xf32>
    %sub3A_595 = arith.subf %slice3A_592, %sub3A_594 : vector<1x32768xf32>
    %integer_pow3A_596 = arith.mulf %sub3A_595, %sub3A_595 : vector<1x32768xf32>
    %add3A_597 = arith.addf %add3A_591, %integer_pow3A_596 : vector<1x32768xf32>
    %min3A_598 = arith.minimumf %min3A_554, %add3A_597 : vector<1x32768xf32>
    %reduce_max3A_599 = vector.shape_cast %min3A_598 : vector<1x32768xf32> to vector<1x1x32768xf32>
    %reduce_max3A_600 = arith.constant dense<0xFF800000> : vector<1xf32>
    %reduce_max3A_601 = vector.multi_reduction <maximumf>, %reduce_max3A_599, %reduce_max3A_600 [1, 2] : vector<1x1x32768xf32> to vector<1xf32>
    %reduce_max3A_602 = vector.shape_cast %reduce_max3A_601 : vector<1xf32> to vector<1x1x1xf32>
    %reduce_max3A_603 = vector.extract %reduce_max3A_602[0, 0, 0] : f32 from vector<1x1x1xf32>
    %eq3A_604 = vector.broadcast %reduce_max3A_603 : f32 to vector<1x32768xf32>
    %eq3A_605 = arith.cmpf oeq, %min3A_598, %eq3A_604 : vector<1x32768xf32>
    %jit3A_606 = arith.constant 32768 : i32
    %broadcast_in_dim3A_607 = vector.broadcast %jit3A_606 : i32 to vector<1x32768xi32>
    %select_n3A_608 = arith.select %eq3A_605, %iota3A, %broadcast_in_dim3A_607 : vector<1x32768xi1>, vector<1x32768xi32>
    %reduce_min3A_609 = vector.shape_cast %select_n3A_608 : vector<1x32768xi32> to vector<1x1x32768xi32>
    %reduce_min3A_610 = arith.constant dense<2147483647> : vector<1xi32>
    %reduce_min3A_611 = vector.multi_reduction <minsi>, %reduce_min3A_609, %reduce_min3A_610 [1, 2] : vector<1x1x32768xi32> to vector<1xi32>
    %reduce_min3A_612 = vector.shape_cast %reduce_min3A_611 : vector<1xi32> to vector<1x1x1xi32>
    %reduce_min3A_613 = vector.extract %reduce_min3A_612[0, 0, 0] : i32 from vector<1x1x1xi32>
    %eq3A_614 = arith.constant 14 : i32
    %eq3A_615 = vector.broadcast %eq3A_614 : i32 to vector<1x36xi32>
    %eq3A_616 = arith.cmpi eq, %iota3A_4, %eq3A_615 : vector<1x36xi32>
    %broadcast_in_dim3A_617 = vector.broadcast %reduce_min3A_613 : i32 to vector<1x36xi32>
    %select_n3A_618 = arith.select %eq3A_616, %broadcast_in_dim3A_617, %select_n3A_574 : vector<1x36xi1>, vector<1x36xi32>
    %eq3A_619 = vector.broadcast %reduce_min3A_613 : i32 to vector<1x32768xi32>
    %eq3A_620 = arith.cmpi eq, %iota3A, %eq3A_619 : vector<1x32768xi32>
    %convert_element_type3A_621 = arith.extui %eq3A_620 : vector<1x32768xi1> to vector<1x32768xi32>
    %convert_element_type3A_622 = arith.sitofp %convert_element_type3A_621 : vector<1x32768xi32> to vector<1x32768xf32>
    %dot_general3A_623 = arith.constant dense<0.000000e+00> : vector<3x1xf32>
    %dot_general3A_624 = tpu.matmul %get3A_3, %convert_element_type3A_622, %dot_general3A_623 {dimension_numbers = #tpu.dot_dimension_numbers<[1], [1], [0], [0], [0, 0, 1, 0], [], []>, transpose_lhs_hint = false} : vector<3x32768xf32>, vector<1x32768xf32>, vector<3x1xf32> -> vector<3x1xf32>
    %slice3A_625 = vector.extract_strided_slice %get3A_3 {offsets = [0, 0], sizes = [1, 32768], strides = [1, 1]} : vector<3x32768xf32> to vector<1x32768xf32>
    %slice3A_626 = vector.extract_strided_slice %dot_general3A_624 {offsets = [0, 0], sizes = [1, 1], strides = [1, 1]} : vector<3x1xf32> to vector<1x1xf32>
    %sub3A_627 = vector.broadcast %slice3A_626 : vector<1x1xf32> to vector<1x32768xf32>
    %sub3A_628 = arith.subf %slice3A_625, %sub3A_627 : vector<1x32768xf32>
    %integer_pow3A_629 = arith.mulf %sub3A_628, %sub3A_628 : vector<1x32768xf32>
    %slice3A_630 = vector.extract_strided_slice %get3A_3 {offsets = [1, 0], sizes = [1, 32768], strides = [1, 1]} : vector<3x32768xf32> to vector<1x32768xf32>
    %slice3A_631 = vector.extract_strided_slice %dot_general3A_624 {offsets = [1, 0], sizes = [1, 1], strides = [1, 1]} : vector<3x1xf32> to vector<1x1xf32>
    %sub3A_632 = vector.broadcast %slice3A_631 : vector<1x1xf32> to vector<1x32768xf32>
    %sub3A_633 = arith.subf %slice3A_630, %sub3A_632 : vector<1x32768xf32>
    %integer_pow3A_634 = arith.mulf %sub3A_633, %sub3A_633 : vector<1x32768xf32>
    %add3A_635 = arith.addf %integer_pow3A_629, %integer_pow3A_634 : vector<1x32768xf32>
    %slice3A_636 = vector.extract_strided_slice %get3A_3 {offsets = [2, 0], sizes = [1, 32768], strides = [1, 1]} : vector<3x32768xf32> to vector<1x32768xf32>
    %slice3A_637 = vector.extract_strided_slice %dot_general3A_624 {offsets = [2, 0], sizes = [1, 1], strides = [1, 1]} : vector<3x1xf32> to vector<1x1xf32>
    %sub3A_638 = vector.broadcast %slice3A_637 : vector<1x1xf32> to vector<1x32768xf32>
    %sub3A_639 = arith.subf %slice3A_636, %sub3A_638 : vector<1x32768xf32>
    %integer_pow3A_640 = arith.mulf %sub3A_639, %sub3A_639 : vector<1x32768xf32>
    %add3A_641 = arith.addf %add3A_635, %integer_pow3A_640 : vector<1x32768xf32>
    %min3A_642 = arith.minimumf %min3A_598, %add3A_641 : vector<1x32768xf32>
    %reduce_max3A_643 = vector.shape_cast %min3A_642 : vector<1x32768xf32> to vector<1x1x32768xf32>
    %reduce_max3A_644 = arith.constant dense<0xFF800000> : vector<1xf32>
    %reduce_max3A_645 = vector.multi_reduction <maximumf>, %reduce_max3A_643, %reduce_max3A_644 [1, 2] : vector<1x1x32768xf32> to vector<1xf32>
    %reduce_max3A_646 = vector.shape_cast %reduce_max3A_645 : vector<1xf32> to vector<1x1x1xf32>
    %reduce_max3A_647 = vector.extract %reduce_max3A_646[0, 0, 0] : f32 from vector<1x1x1xf32>
    %eq3A_648 = vector.broadcast %reduce_max3A_647 : f32 to vector<1x32768xf32>
    %eq3A_649 = arith.cmpf oeq, %min3A_642, %eq3A_648 : vector<1x32768xf32>
    %jit3A_650 = arith.constant 32768 : i32
    %broadcast_in_dim3A_651 = vector.broadcast %jit3A_650 : i32 to vector<1x32768xi32>
    %select_n3A_652 = arith.select %eq3A_649, %iota3A, %broadcast_in_dim3A_651 : vector<1x32768xi1>, vector<1x32768xi32>
    %reduce_min3A_653 = vector.shape_cast %select_n3A_652 : vector<1x32768xi32> to vector<1x1x32768xi32>
    %reduce_min3A_654 = arith.constant dense<2147483647> : vector<1xi32>
    %reduce_min3A_655 = vector.multi_reduction <minsi>, %reduce_min3A_653, %reduce_min3A_654 [1, 2] : vector<1x1x32768xi32> to vector<1xi32>
    %reduce_min3A_656 = vector.shape_cast %reduce_min3A_655 : vector<1xi32> to vector<1x1x1xi32>
    %reduce_min3A_657 = vector.extract %reduce_min3A_656[0, 0, 0] : i32 from vector<1x1x1xi32>
    %eq3A_658 = arith.constant 15 : i32
    %eq3A_659 = vector.broadcast %eq3A_658 : i32 to vector<1x36xi32>
    %eq3A_660 = arith.cmpi eq, %iota3A_4, %eq3A_659 : vector<1x36xi32>
    %broadcast_in_dim3A_661 = vector.broadcast %reduce_min3A_657 : i32 to vector<1x36xi32>
    %select_n3A_662 = arith.select %eq3A_660, %broadcast_in_dim3A_661, %select_n3A_618 : vector<1x36xi1>, vector<1x36xi32>
    %eq3A_663 = vector.broadcast %reduce_min3A_657 : i32 to vector<1x32768xi32>
    %eq3A_664 = arith.cmpi eq, %iota3A, %eq3A_663 : vector<1x32768xi32>
    %convert_element_type3A_665 = arith.extui %eq3A_664 : vector<1x32768xi1> to vector<1x32768xi32>
    %convert_element_type3A_666 = arith.sitofp %convert_element_type3A_665 : vector<1x32768xi32> to vector<1x32768xf32>
    %dot_general3A_667 = arith.constant dense<0.000000e+00> : vector<3x1xf32>
    %dot_general3A_668 = tpu.matmul %get3A_3, %convert_element_type3A_666, %dot_general3A_667 {dimension_numbers = #tpu.dot_dimension_numbers<[1], [1], [0], [0], [0, 0, 1, 0], [], []>, transpose_lhs_hint = false} : vector<3x32768xf32>, vector<1x32768xf32>, vector<3x1xf32> -> vector<3x1xf32>
    %slice3A_669 = vector.extract_strided_slice %get3A_3 {offsets = [0, 0], sizes = [1, 32768], strides = [1, 1]} : vector<3x32768xf32> to vector<1x32768xf32>
    %slice3A_670 = vector.extract_strided_slice %dot_general3A_668 {offsets = [0, 0], sizes = [1, 1], strides = [1, 1]} : vector<3x1xf32> to vector<1x1xf32>
    %sub3A_671 = vector.broadcast %slice3A_670 : vector<1x1xf32> to vector<1x32768xf32>
    %sub3A_672 = arith.subf %slice3A_669, %sub3A_671 : vector<1x32768xf32>
    %integer_pow3A_673 = arith.mulf %sub3A_672, %sub3A_672 : vector<1x32768xf32>
    %slice3A_674 = vector.extract_strided_slice %get3A_3 {offsets = [1, 0], sizes = [1, 32768], strides = [1, 1]} : vector<3x32768xf32> to vector<1x32768xf32>
    %slice3A_675 = vector.extract_strided_slice %dot_general3A_668 {offsets = [1, 0], sizes = [1, 1], strides = [1, 1]} : vector<3x1xf32> to vector<1x1xf32>
    %sub3A_676 = vector.broadcast %slice3A_675 : vector<1x1xf32> to vector<1x32768xf32>
    %sub3A_677 = arith.subf %slice3A_674, %sub3A_676 : vector<1x32768xf32>
    %integer_pow3A_678 = arith.mulf %sub3A_677, %sub3A_677 : vector<1x32768xf32>
    %add3A_679 = arith.addf %integer_pow3A_673, %integer_pow3A_678 : vector<1x32768xf32>
    %slice3A_680 = vector.extract_strided_slice %get3A_3 {offsets = [2, 0], sizes = [1, 32768], strides = [1, 1]} : vector<3x32768xf32> to vector<1x32768xf32>
    %slice3A_681 = vector.extract_strided_slice %dot_general3A_668 {offsets = [2, 0], sizes = [1, 1], strides = [1, 1]} : vector<3x1xf32> to vector<1x1xf32>
    %sub3A_682 = vector.broadcast %slice3A_681 : vector<1x1xf32> to vector<1x32768xf32>
    %sub3A_683 = arith.subf %slice3A_680, %sub3A_682 : vector<1x32768xf32>
    %integer_pow3A_684 = arith.mulf %sub3A_683, %sub3A_683 : vector<1x32768xf32>
    %add3A_685 = arith.addf %add3A_679, %integer_pow3A_684 : vector<1x32768xf32>
    %min3A_686 = arith.minimumf %min3A_642, %add3A_685 : vector<1x32768xf32>
    %reduce_max3A_687 = vector.shape_cast %min3A_686 : vector<1x32768xf32> to vector<1x1x32768xf32>
    %reduce_max3A_688 = arith.constant dense<0xFF800000> : vector<1xf32>
    %reduce_max3A_689 = vector.multi_reduction <maximumf>, %reduce_max3A_687, %reduce_max3A_688 [1, 2] : vector<1x1x32768xf32> to vector<1xf32>
    %reduce_max3A_690 = vector.shape_cast %reduce_max3A_689 : vector<1xf32> to vector<1x1x1xf32>
    %reduce_max3A_691 = vector.extract %reduce_max3A_690[0, 0, 0] : f32 from vector<1x1x1xf32>
    %eq3A_692 = vector.broadcast %reduce_max3A_691 : f32 to vector<1x32768xf32>
    %eq3A_693 = arith.cmpf oeq, %min3A_686, %eq3A_692 : vector<1x32768xf32>
    %jit3A_694 = arith.constant 32768 : i32
    %broadcast_in_dim3A_695 = vector.broadcast %jit3A_694 : i32 to vector<1x32768xi32>
    %select_n3A_696 = arith.select %eq3A_693, %iota3A, %broadcast_in_dim3A_695 : vector<1x32768xi1>, vector<1x32768xi32>
    %reduce_min3A_697 = vector.shape_cast %select_n3A_696 : vector<1x32768xi32> to vector<1x1x32768xi32>
    %reduce_min3A_698 = arith.constant dense<2147483647> : vector<1xi32>
    %reduce_min3A_699 = vector.multi_reduction <minsi>, %reduce_min3A_697, %reduce_min3A_698 [1, 2] : vector<1x1x32768xi32> to vector<1xi32>
    %reduce_min3A_700 = vector.shape_cast %reduce_min3A_699 : vector<1xi32> to vector<1x1x1xi32>
    %reduce_min3A_701 = vector.extract %reduce_min3A_700[0, 0, 0] : i32 from vector<1x1x1xi32>
    %eq3A_702 = arith.constant 16 : i32
    %eq3A_703 = vector.broadcast %eq3A_702 : i32 to vector<1x36xi32>
    %eq3A_704 = arith.cmpi eq, %iota3A_4, %eq3A_703 : vector<1x36xi32>
    %broadcast_in_dim3A_705 = vector.broadcast %reduce_min3A_701 : i32 to vector<1x36xi32>
    %select_n3A_706 = arith.select %eq3A_704, %broadcast_in_dim3A_705, %select_n3A_662 : vector<1x36xi1>, vector<1x36xi32>
    %eq3A_707 = vector.broadcast %reduce_min3A_701 : i32 to vector<1x32768xi32>
    %eq3A_708 = arith.cmpi eq, %iota3A, %eq3A_707 : vector<1x32768xi32>
    %convert_element_type3A_709 = arith.extui %eq3A_708 : vector<1x32768xi1> to vector<1x32768xi32>
    %convert_element_type3A_710 = arith.sitofp %convert_element_type3A_709 : vector<1x32768xi32> to vector<1x32768xf32>
    %dot_general3A_711 = arith.constant dense<0.000000e+00> : vector<3x1xf32>
    %dot_general3A_712 = tpu.matmul %get3A_3, %convert_element_type3A_710, %dot_general3A_711 {dimension_numbers = #tpu.dot_dimension_numbers<[1], [1], [0], [0], [0, 0, 1, 0], [], []>, transpose_lhs_hint = false} : vector<3x32768xf32>, vector<1x32768xf32>, vector<3x1xf32> -> vector<3x1xf32>
    %slice3A_713 = vector.extract_strided_slice %get3A_3 {offsets = [0, 0], sizes = [1, 32768], strides = [1, 1]} : vector<3x32768xf32> to vector<1x32768xf32>
    %slice3A_714 = vector.extract_strided_slice %dot_general3A_712 {offsets = [0, 0], sizes = [1, 1], strides = [1, 1]} : vector<3x1xf32> to vector<1x1xf32>
    %sub3A_715 = vector.broadcast %slice3A_714 : vector<1x1xf32> to vector<1x32768xf32>
    %sub3A_716 = arith.subf %slice3A_713, %sub3A_715 : vector<1x32768xf32>
    %integer_pow3A_717 = arith.mulf %sub3A_716, %sub3A_716 : vector<1x32768xf32>
    %slice3A_718 = vector.extract_strided_slice %get3A_3 {offsets = [1, 0], sizes = [1, 32768], strides = [1, 1]} : vector<3x32768xf32> to vector<1x32768xf32>
    %slice3A_719 = vector.extract_strided_slice %dot_general3A_712 {offsets = [1, 0], sizes = [1, 1], strides = [1, 1]} : vector<3x1xf32> to vector<1x1xf32>
    %sub3A_720 = vector.broadcast %slice3A_719 : vector<1x1xf32> to vector<1x32768xf32>
    %sub3A_721 = arith.subf %slice3A_718, %sub3A_720 : vector<1x32768xf32>
    %integer_pow3A_722 = arith.mulf %sub3A_721, %sub3A_721 : vector<1x32768xf32>
    %add3A_723 = arith.addf %integer_pow3A_717, %integer_pow3A_722 : vector<1x32768xf32>
    %slice3A_724 = vector.extract_strided_slice %get3A_3 {offsets = [2, 0], sizes = [1, 32768], strides = [1, 1]} : vector<3x32768xf32> to vector<1x32768xf32>
    %slice3A_725 = vector.extract_strided_slice %dot_general3A_712 {offsets = [2, 0], sizes = [1, 1], strides = [1, 1]} : vector<3x1xf32> to vector<1x1xf32>
    %sub3A_726 = vector.broadcast %slice3A_725 : vector<1x1xf32> to vector<1x32768xf32>
    %sub3A_727 = arith.subf %slice3A_724, %sub3A_726 : vector<1x32768xf32>
    %integer_pow3A_728 = arith.mulf %sub3A_727, %sub3A_727 : vector<1x32768xf32>
    %add3A_729 = arith.addf %add3A_723, %integer_pow3A_728 : vector<1x32768xf32>
    %min3A_730 = arith.minimumf %min3A_686, %add3A_729 : vector<1x32768xf32>
    %reduce_max3A_731 = vector.shape_cast %min3A_730 : vector<1x32768xf32> to vector<1x1x32768xf32>
    %reduce_max3A_732 = arith.constant dense<0xFF800000> : vector<1xf32>
    %reduce_max3A_733 = vector.multi_reduction <maximumf>, %reduce_max3A_731, %reduce_max3A_732 [1, 2] : vector<1x1x32768xf32> to vector<1xf32>
    %reduce_max3A_734 = vector.shape_cast %reduce_max3A_733 : vector<1xf32> to vector<1x1x1xf32>
    %reduce_max3A_735 = vector.extract %reduce_max3A_734[0, 0, 0] : f32 from vector<1x1x1xf32>
    %eq3A_736 = vector.broadcast %reduce_max3A_735 : f32 to vector<1x32768xf32>
    %eq3A_737 = arith.cmpf oeq, %min3A_730, %eq3A_736 : vector<1x32768xf32>
    %jit3A_738 = arith.constant 32768 : i32
    %broadcast_in_dim3A_739 = vector.broadcast %jit3A_738 : i32 to vector<1x32768xi32>
    %select_n3A_740 = arith.select %eq3A_737, %iota3A, %broadcast_in_dim3A_739 : vector<1x32768xi1>, vector<1x32768xi32>
    %reduce_min3A_741 = vector.shape_cast %select_n3A_740 : vector<1x32768xi32> to vector<1x1x32768xi32>
    %reduce_min3A_742 = arith.constant dense<2147483647> : vector<1xi32>
    %reduce_min3A_743 = vector.multi_reduction <minsi>, %reduce_min3A_741, %reduce_min3A_742 [1, 2] : vector<1x1x32768xi32> to vector<1xi32>
    %reduce_min3A_744 = vector.shape_cast %reduce_min3A_743 : vector<1xi32> to vector<1x1x1xi32>
    %reduce_min3A_745 = vector.extract %reduce_min3A_744[0, 0, 0] : i32 from vector<1x1x1xi32>
    %eq3A_746 = arith.constant 17 : i32
    %eq3A_747 = vector.broadcast %eq3A_746 : i32 to vector<1x36xi32>
    %eq3A_748 = arith.cmpi eq, %iota3A_4, %eq3A_747 : vector<1x36xi32>
    %broadcast_in_dim3A_749 = vector.broadcast %reduce_min3A_745 : i32 to vector<1x36xi32>
    %select_n3A_750 = arith.select %eq3A_748, %broadcast_in_dim3A_749, %select_n3A_706 : vector<1x36xi1>, vector<1x36xi32>
    %eq3A_751 = vector.broadcast %reduce_min3A_745 : i32 to vector<1x32768xi32>
    %eq3A_752 = arith.cmpi eq, %iota3A, %eq3A_751 : vector<1x32768xi32>
    %convert_element_type3A_753 = arith.extui %eq3A_752 : vector<1x32768xi1> to vector<1x32768xi32>
    %convert_element_type3A_754 = arith.sitofp %convert_element_type3A_753 : vector<1x32768xi32> to vector<1x32768xf32>
    %dot_general3A_755 = arith.constant dense<0.000000e+00> : vector<3x1xf32>
    %dot_general3A_756 = tpu.matmul %get3A_3, %convert_element_type3A_754, %dot_general3A_755 {dimension_numbers = #tpu.dot_dimension_numbers<[1], [1], [0], [0], [0, 0, 1, 0], [], []>, transpose_lhs_hint = false} : vector<3x32768xf32>, vector<1x32768xf32>, vector<3x1xf32> -> vector<3x1xf32>
    %slice3A_757 = vector.extract_strided_slice %get3A_3 {offsets = [0, 0], sizes = [1, 32768], strides = [1, 1]} : vector<3x32768xf32> to vector<1x32768xf32>
    %slice3A_758 = vector.extract_strided_slice %dot_general3A_756 {offsets = [0, 0], sizes = [1, 1], strides = [1, 1]} : vector<3x1xf32> to vector<1x1xf32>
    %sub3A_759 = vector.broadcast %slice3A_758 : vector<1x1xf32> to vector<1x32768xf32>
    %sub3A_760 = arith.subf %slice3A_757, %sub3A_759 : vector<1x32768xf32>
    %integer_pow3A_761 = arith.mulf %sub3A_760, %sub3A_760 : vector<1x32768xf32>
    %slice3A_762 = vector.extract_strided_slice %get3A_3 {offsets = [1, 0], sizes = [1, 32768], strides = [1, 1]} : vector<3x32768xf32> to vector<1x32768xf32>
    %slice3A_763 = vector.extract_strided_slice %dot_general3A_756 {offsets = [1, 0], sizes = [1, 1], strides = [1, 1]} : vector<3x1xf32> to vector<1x1xf32>
    %sub3A_764 = vector.broadcast %slice3A_763 : vector<1x1xf32> to vector<1x32768xf32>
    %sub3A_765 = arith.subf %slice3A_762, %sub3A_764 : vector<1x32768xf32>
    %integer_pow3A_766 = arith.mulf %sub3A_765, %sub3A_765 : vector<1x32768xf32>
    %add3A_767 = arith.addf %integer_pow3A_761, %integer_pow3A_766 : vector<1x32768xf32>
    %slice3A_768 = vector.extract_strided_slice %get3A_3 {offsets = [2, 0], sizes = [1, 32768], strides = [1, 1]} : vector<3x32768xf32> to vector<1x32768xf32>
    %slice3A_769 = vector.extract_strided_slice %dot_general3A_756 {offsets = [2, 0], sizes = [1, 1], strides = [1, 1]} : vector<3x1xf32> to vector<1x1xf32>
    %sub3A_770 = vector.broadcast %slice3A_769 : vector<1x1xf32> to vector<1x32768xf32>
    %sub3A_771 = arith.subf %slice3A_768, %sub3A_770 : vector<1x32768xf32>
    %integer_pow3A_772 = arith.mulf %sub3A_771, %sub3A_771 : vector<1x32768xf32>
    %add3A_773 = arith.addf %add3A_767, %integer_pow3A_772 : vector<1x32768xf32>
    %min3A_774 = arith.minimumf %min3A_730, %add3A_773 : vector<1x32768xf32>
    %reduce_max3A_775 = vector.shape_cast %min3A_774 : vector<1x32768xf32> to vector<1x1x32768xf32>
    %reduce_max3A_776 = arith.constant dense<0xFF800000> : vector<1xf32>
    %reduce_max3A_777 = vector.multi_reduction <maximumf>, %reduce_max3A_775, %reduce_max3A_776 [1, 2] : vector<1x1x32768xf32> to vector<1xf32>
    %reduce_max3A_778 = vector.shape_cast %reduce_max3A_777 : vector<1xf32> to vector<1x1x1xf32>
    %reduce_max3A_779 = vector.extract %reduce_max3A_778[0, 0, 0] : f32 from vector<1x1x1xf32>
    %eq3A_780 = vector.broadcast %reduce_max3A_779 : f32 to vector<1x32768xf32>
    %eq3A_781 = arith.cmpf oeq, %min3A_774, %eq3A_780 : vector<1x32768xf32>
    %jit3A_782 = arith.constant 32768 : i32
    %broadcast_in_dim3A_783 = vector.broadcast %jit3A_782 : i32 to vector<1x32768xi32>
    %select_n3A_784 = arith.select %eq3A_781, %iota3A, %broadcast_in_dim3A_783 : vector<1x32768xi1>, vector<1x32768xi32>
    %reduce_min3A_785 = vector.shape_cast %select_n3A_784 : vector<1x32768xi32> to vector<1x1x32768xi32>
    %reduce_min3A_786 = arith.constant dense<2147483647> : vector<1xi32>
    %reduce_min3A_787 = vector.multi_reduction <minsi>, %reduce_min3A_785, %reduce_min3A_786 [1, 2] : vector<1x1x32768xi32> to vector<1xi32>
    %reduce_min3A_788 = vector.shape_cast %reduce_min3A_787 : vector<1xi32> to vector<1x1x1xi32>
    %reduce_min3A_789 = vector.extract %reduce_min3A_788[0, 0, 0] : i32 from vector<1x1x1xi32>
    %eq3A_790 = arith.constant 18 : i32
    %eq3A_791 = vector.broadcast %eq3A_790 : i32 to vector<1x36xi32>
    %eq3A_792 = arith.cmpi eq, %iota3A_4, %eq3A_791 : vector<1x36xi32>
    %broadcast_in_dim3A_793 = vector.broadcast %reduce_min3A_789 : i32 to vector<1x36xi32>
    %select_n3A_794 = arith.select %eq3A_792, %broadcast_in_dim3A_793, %select_n3A_750 : vector<1x36xi1>, vector<1x36xi32>
    %eq3A_795 = vector.broadcast %reduce_min3A_789 : i32 to vector<1x32768xi32>
    %eq3A_796 = arith.cmpi eq, %iota3A, %eq3A_795 : vector<1x32768xi32>
    %convert_element_type3A_797 = arith.extui %eq3A_796 : vector<1x32768xi1> to vector<1x32768xi32>
    %convert_element_type3A_798 = arith.sitofp %convert_element_type3A_797 : vector<1x32768xi32> to vector<1x32768xf32>
    %dot_general3A_799 = arith.constant dense<0.000000e+00> : vector<3x1xf32>
    %dot_general3A_800 = tpu.matmul %get3A_3, %convert_element_type3A_798, %dot_general3A_799 {dimension_numbers = #tpu.dot_dimension_numbers<[1], [1], [0], [0], [0, 0, 1, 0], [], []>, transpose_lhs_hint = false} : vector<3x32768xf32>, vector<1x32768xf32>, vector<3x1xf32> -> vector<3x1xf32>
    %slice3A_801 = vector.extract_strided_slice %get3A_3 {offsets = [0, 0], sizes = [1, 32768], strides = [1, 1]} : vector<3x32768xf32> to vector<1x32768xf32>
    %slice3A_802 = vector.extract_strided_slice %dot_general3A_800 {offsets = [0, 0], sizes = [1, 1], strides = [1, 1]} : vector<3x1xf32> to vector<1x1xf32>
    %sub3A_803 = vector.broadcast %slice3A_802 : vector<1x1xf32> to vector<1x32768xf32>
    %sub3A_804 = arith.subf %slice3A_801, %sub3A_803 : vector<1x32768xf32>
    %integer_pow3A_805 = arith.mulf %sub3A_804, %sub3A_804 : vector<1x32768xf32>
    %slice3A_806 = vector.extract_strided_slice %get3A_3 {offsets = [1, 0], sizes = [1, 32768], strides = [1, 1]} : vector<3x32768xf32> to vector<1x32768xf32>
    %slice3A_807 = vector.extract_strided_slice %dot_general3A_800 {offsets = [1, 0], sizes = [1, 1], strides = [1, 1]} : vector<3x1xf32> to vector<1x1xf32>
    %sub3A_808 = vector.broadcast %slice3A_807 : vector<1x1xf32> to vector<1x32768xf32>
    %sub3A_809 = arith.subf %slice3A_806, %sub3A_808 : vector<1x32768xf32>
    %integer_pow3A_810 = arith.mulf %sub3A_809, %sub3A_809 : vector<1x32768xf32>
    %add3A_811 = arith.addf %integer_pow3A_805, %integer_pow3A_810 : vector<1x32768xf32>
    %slice3A_812 = vector.extract_strided_slice %get3A_3 {offsets = [2, 0], sizes = [1, 32768], strides = [1, 1]} : vector<3x32768xf32> to vector<1x32768xf32>
    %slice3A_813 = vector.extract_strided_slice %dot_general3A_800 {offsets = [2, 0], sizes = [1, 1], strides = [1, 1]} : vector<3x1xf32> to vector<1x1xf32>
    %sub3A_814 = vector.broadcast %slice3A_813 : vector<1x1xf32> to vector<1x32768xf32>
    %sub3A_815 = arith.subf %slice3A_812, %sub3A_814 : vector<1x32768xf32>
    %integer_pow3A_816 = arith.mulf %sub3A_815, %sub3A_815 : vector<1x32768xf32>
    %add3A_817 = arith.addf %add3A_811, %integer_pow3A_816 : vector<1x32768xf32>
    %min3A_818 = arith.minimumf %min3A_774, %add3A_817 : vector<1x32768xf32>
    %reduce_max3A_819 = vector.shape_cast %min3A_818 : vector<1x32768xf32> to vector<1x1x32768xf32>
    %reduce_max3A_820 = arith.constant dense<0xFF800000> : vector<1xf32>
    %reduce_max3A_821 = vector.multi_reduction <maximumf>, %reduce_max3A_819, %reduce_max3A_820 [1, 2] : vector<1x1x32768xf32> to vector<1xf32>
    %reduce_max3A_822 = vector.shape_cast %reduce_max3A_821 : vector<1xf32> to vector<1x1x1xf32>
    %reduce_max3A_823 = vector.extract %reduce_max3A_822[0, 0, 0] : f32 from vector<1x1x1xf32>
    %eq3A_824 = vector.broadcast %reduce_max3A_823 : f32 to vector<1x32768xf32>
    %eq3A_825 = arith.cmpf oeq, %min3A_818, %eq3A_824 : vector<1x32768xf32>
    %jit3A_826 = arith.constant 32768 : i32
    %broadcast_in_dim3A_827 = vector.broadcast %jit3A_826 : i32 to vector<1x32768xi32>
    %select_n3A_828 = arith.select %eq3A_825, %iota3A, %broadcast_in_dim3A_827 : vector<1x32768xi1>, vector<1x32768xi32>
    %reduce_min3A_829 = vector.shape_cast %select_n3A_828 : vector<1x32768xi32> to vector<1x1x32768xi32>
    %reduce_min3A_830 = arith.constant dense<2147483647> : vector<1xi32>
    %reduce_min3A_831 = vector.multi_reduction <minsi>, %reduce_min3A_829, %reduce_min3A_830 [1, 2] : vector<1x1x32768xi32> to vector<1xi32>
    %reduce_min3A_832 = vector.shape_cast %reduce_min3A_831 : vector<1xi32> to vector<1x1x1xi32>
    %reduce_min3A_833 = vector.extract %reduce_min3A_832[0, 0, 0] : i32 from vector<1x1x1xi32>
    %eq3A_834 = arith.constant 19 : i32
    %eq3A_835 = vector.broadcast %eq3A_834 : i32 to vector<1x36xi32>
    %eq3A_836 = arith.cmpi eq, %iota3A_4, %eq3A_835 : vector<1x36xi32>
    %broadcast_in_dim3A_837 = vector.broadcast %reduce_min3A_833 : i32 to vector<1x36xi32>
    %select_n3A_838 = arith.select %eq3A_836, %broadcast_in_dim3A_837, %select_n3A_794 : vector<1x36xi1>, vector<1x36xi32>
    %eq3A_839 = vector.broadcast %reduce_min3A_833 : i32 to vector<1x32768xi32>
    %eq3A_840 = arith.cmpi eq, %iota3A, %eq3A_839 : vector<1x32768xi32>
    %convert_element_type3A_841 = arith.extui %eq3A_840 : vector<1x32768xi1> to vector<1x32768xi32>
    %convert_element_type3A_842 = arith.sitofp %convert_element_type3A_841 : vector<1x32768xi32> to vector<1x32768xf32>
    %dot_general3A_843 = arith.constant dense<0.000000e+00> : vector<3x1xf32>
    %dot_general3A_844 = tpu.matmul %get3A_3, %convert_element_type3A_842, %dot_general3A_843 {dimension_numbers = #tpu.dot_dimension_numbers<[1], [1], [0], [0], [0, 0, 1, 0], [], []>, transpose_lhs_hint = false} : vector<3x32768xf32>, vector<1x32768xf32>, vector<3x1xf32> -> vector<3x1xf32>
    %slice3A_845 = vector.extract_strided_slice %get3A_3 {offsets = [0, 0], sizes = [1, 32768], strides = [1, 1]} : vector<3x32768xf32> to vector<1x32768xf32>
    %slice3A_846 = vector.extract_strided_slice %dot_general3A_844 {offsets = [0, 0], sizes = [1, 1], strides = [1, 1]} : vector<3x1xf32> to vector<1x1xf32>
    %sub3A_847 = vector.broadcast %slice3A_846 : vector<1x1xf32> to vector<1x32768xf32>
    %sub3A_848 = arith.subf %slice3A_845, %sub3A_847 : vector<1x32768xf32>
    %integer_pow3A_849 = arith.mulf %sub3A_848, %sub3A_848 : vector<1x32768xf32>
    %slice3A_850 = vector.extract_strided_slice %get3A_3 {offsets = [1, 0], sizes = [1, 32768], strides = [1, 1]} : vector<3x32768xf32> to vector<1x32768xf32>
    %slice3A_851 = vector.extract_strided_slice %dot_general3A_844 {offsets = [1, 0], sizes = [1, 1], strides = [1, 1]} : vector<3x1xf32> to vector<1x1xf32>
    %sub3A_852 = vector.broadcast %slice3A_851 : vector<1x1xf32> to vector<1x32768xf32>
    %sub3A_853 = arith.subf %slice3A_850, %sub3A_852 : vector<1x32768xf32>
    %integer_pow3A_854 = arith.mulf %sub3A_853, %sub3A_853 : vector<1x32768xf32>
    %add3A_855 = arith.addf %integer_pow3A_849, %integer_pow3A_854 : vector<1x32768xf32>
    %slice3A_856 = vector.extract_strided_slice %get3A_3 {offsets = [2, 0], sizes = [1, 32768], strides = [1, 1]} : vector<3x32768xf32> to vector<1x32768xf32>
    %slice3A_857 = vector.extract_strided_slice %dot_general3A_844 {offsets = [2, 0], sizes = [1, 1], strides = [1, 1]} : vector<3x1xf32> to vector<1x1xf32>
    %sub3A_858 = vector.broadcast %slice3A_857 : vector<1x1xf32> to vector<1x32768xf32>
    %sub3A_859 = arith.subf %slice3A_856, %sub3A_858 : vector<1x32768xf32>
    %integer_pow3A_860 = arith.mulf %sub3A_859, %sub3A_859 : vector<1x32768xf32>
    %add3A_861 = arith.addf %add3A_855, %integer_pow3A_860 : vector<1x32768xf32>
    %min3A_862 = arith.minimumf %min3A_818, %add3A_861 : vector<1x32768xf32>
    %reduce_max3A_863 = vector.shape_cast %min3A_862 : vector<1x32768xf32> to vector<1x1x32768xf32>
    %reduce_max3A_864 = arith.constant dense<0xFF800000> : vector<1xf32>
    %reduce_max3A_865 = vector.multi_reduction <maximumf>, %reduce_max3A_863, %reduce_max3A_864 [1, 2] : vector<1x1x32768xf32> to vector<1xf32>
    %reduce_max3A_866 = vector.shape_cast %reduce_max3A_865 : vector<1xf32> to vector<1x1x1xf32>
    %reduce_max3A_867 = vector.extract %reduce_max3A_866[0, 0, 0] : f32 from vector<1x1x1xf32>
    %eq3A_868 = vector.broadcast %reduce_max3A_867 : f32 to vector<1x32768xf32>
    %eq3A_869 = arith.cmpf oeq, %min3A_862, %eq3A_868 : vector<1x32768xf32>
    %jit3A_870 = arith.constant 32768 : i32
    %broadcast_in_dim3A_871 = vector.broadcast %jit3A_870 : i32 to vector<1x32768xi32>
    %select_n3A_872 = arith.select %eq3A_869, %iota3A, %broadcast_in_dim3A_871 : vector<1x32768xi1>, vector<1x32768xi32>
    %reduce_min3A_873 = vector.shape_cast %select_n3A_872 : vector<1x32768xi32> to vector<1x1x32768xi32>
    %reduce_min3A_874 = arith.constant dense<2147483647> : vector<1xi32>
    %reduce_min3A_875 = vector.multi_reduction <minsi>, %reduce_min3A_873, %reduce_min3A_874 [1, 2] : vector<1x1x32768xi32> to vector<1xi32>
    %reduce_min3A_876 = vector.shape_cast %reduce_min3A_875 : vector<1xi32> to vector<1x1x1xi32>
    %reduce_min3A_877 = vector.extract %reduce_min3A_876[0, 0, 0] : i32 from vector<1x1x1xi32>
    %eq3A_878 = arith.constant 20 : i32
    %eq3A_879 = vector.broadcast %eq3A_878 : i32 to vector<1x36xi32>
    %eq3A_880 = arith.cmpi eq, %iota3A_4, %eq3A_879 : vector<1x36xi32>
    %broadcast_in_dim3A_881 = vector.broadcast %reduce_min3A_877 : i32 to vector<1x36xi32>
    %select_n3A_882 = arith.select %eq3A_880, %broadcast_in_dim3A_881, %select_n3A_838 : vector<1x36xi1>, vector<1x36xi32>
    %eq3A_883 = vector.broadcast %reduce_min3A_877 : i32 to vector<1x32768xi32>
    %eq3A_884 = arith.cmpi eq, %iota3A, %eq3A_883 : vector<1x32768xi32>
    %convert_element_type3A_885 = arith.extui %eq3A_884 : vector<1x32768xi1> to vector<1x32768xi32>
    %convert_element_type3A_886 = arith.sitofp %convert_element_type3A_885 : vector<1x32768xi32> to vector<1x32768xf32>
    %dot_general3A_887 = arith.constant dense<0.000000e+00> : vector<3x1xf32>
    %dot_general3A_888 = tpu.matmul %get3A_3, %convert_element_type3A_886, %dot_general3A_887 {dimension_numbers = #tpu.dot_dimension_numbers<[1], [1], [0], [0], [0, 0, 1, 0], [], []>, transpose_lhs_hint = false} : vector<3x32768xf32>, vector<1x32768xf32>, vector<3x1xf32> -> vector<3x1xf32>
    %slice3A_889 = vector.extract_strided_slice %get3A_3 {offsets = [0, 0], sizes = [1, 32768], strides = [1, 1]} : vector<3x32768xf32> to vector<1x32768xf32>
    %slice3A_890 = vector.extract_strided_slice %dot_general3A_888 {offsets = [0, 0], sizes = [1, 1], strides = [1, 1]} : vector<3x1xf32> to vector<1x1xf32>
    %sub3A_891 = vector.broadcast %slice3A_890 : vector<1x1xf32> to vector<1x32768xf32>
    %sub3A_892 = arith.subf %slice3A_889, %sub3A_891 : vector<1x32768xf32>
    %integer_pow3A_893 = arith.mulf %sub3A_892, %sub3A_892 : vector<1x32768xf32>
    %slice3A_894 = vector.extract_strided_slice %get3A_3 {offsets = [1, 0], sizes = [1, 32768], strides = [1, 1]} : vector<3x32768xf32> to vector<1x32768xf32>
    %slice3A_895 = vector.extract_strided_slice %dot_general3A_888 {offsets = [1, 0], sizes = [1, 1], strides = [1, 1]} : vector<3x1xf32> to vector<1x1xf32>
    %sub3A_896 = vector.broadcast %slice3A_895 : vector<1x1xf32> to vector<1x32768xf32>
    %sub3A_897 = arith.subf %slice3A_894, %sub3A_896 : vector<1x32768xf32>
    %integer_pow3A_898 = arith.mulf %sub3A_897, %sub3A_897 : vector<1x32768xf32>
    %add3A_899 = arith.addf %integer_pow3A_893, %integer_pow3A_898 : vector<1x32768xf32>
    %slice3A_900 = vector.extract_strided_slice %get3A_3 {offsets = [2, 0], sizes = [1, 32768], strides = [1, 1]} : vector<3x32768xf32> to vector<1x32768xf32>
    %slice3A_901 = vector.extract_strided_slice %dot_general3A_888 {offsets = [2, 0], sizes = [1, 1], strides = [1, 1]} : vector<3x1xf32> to vector<1x1xf32>
    %sub3A_902 = vector.broadcast %slice3A_901 : vector<1x1xf32> to vector<1x32768xf32>
    %sub3A_903 = arith.subf %slice3A_900, %sub3A_902 : vector<1x32768xf32>
    %integer_pow3A_904 = arith.mulf %sub3A_903, %sub3A_903 : vector<1x32768xf32>
    %add3A_905 = arith.addf %add3A_899, %integer_pow3A_904 : vector<1x32768xf32>
    %min3A_906 = arith.minimumf %min3A_862, %add3A_905 : vector<1x32768xf32>
    %reduce_max3A_907 = vector.shape_cast %min3A_906 : vector<1x32768xf32> to vector<1x1x32768xf32>
    %reduce_max3A_908 = arith.constant dense<0xFF800000> : vector<1xf32>
    %reduce_max3A_909 = vector.multi_reduction <maximumf>, %reduce_max3A_907, %reduce_max3A_908 [1, 2] : vector<1x1x32768xf32> to vector<1xf32>
    %reduce_max3A_910 = vector.shape_cast %reduce_max3A_909 : vector<1xf32> to vector<1x1x1xf32>
    %reduce_max3A_911 = vector.extract %reduce_max3A_910[0, 0, 0] : f32 from vector<1x1x1xf32>
    %eq3A_912 = vector.broadcast %reduce_max3A_911 : f32 to vector<1x32768xf32>
    %eq3A_913 = arith.cmpf oeq, %min3A_906, %eq3A_912 : vector<1x32768xf32>
    %jit3A_914 = arith.constant 32768 : i32
    %broadcast_in_dim3A_915 = vector.broadcast %jit3A_914 : i32 to vector<1x32768xi32>
    %select_n3A_916 = arith.select %eq3A_913, %iota3A, %broadcast_in_dim3A_915 : vector<1x32768xi1>, vector<1x32768xi32>
    %reduce_min3A_917 = vector.shape_cast %select_n3A_916 : vector<1x32768xi32> to vector<1x1x32768xi32>
    %reduce_min3A_918 = arith.constant dense<2147483647> : vector<1xi32>
    %reduce_min3A_919 = vector.multi_reduction <minsi>, %reduce_min3A_917, %reduce_min3A_918 [1, 2] : vector<1x1x32768xi32> to vector<1xi32>
    %reduce_min3A_920 = vector.shape_cast %reduce_min3A_919 : vector<1xi32> to vector<1x1x1xi32>
    %reduce_min3A_921 = vector.extract %reduce_min3A_920[0, 0, 0] : i32 from vector<1x1x1xi32>
    %eq3A_922 = arith.constant 21 : i32
    %eq3A_923 = vector.broadcast %eq3A_922 : i32 to vector<1x36xi32>
    %eq3A_924 = arith.cmpi eq, %iota3A_4, %eq3A_923 : vector<1x36xi32>
    %broadcast_in_dim3A_925 = vector.broadcast %reduce_min3A_921 : i32 to vector<1x36xi32>
    %select_n3A_926 = arith.select %eq3A_924, %broadcast_in_dim3A_925, %select_n3A_882 : vector<1x36xi1>, vector<1x36xi32>
    %eq3A_927 = vector.broadcast %reduce_min3A_921 : i32 to vector<1x32768xi32>
    %eq3A_928 = arith.cmpi eq, %iota3A, %eq3A_927 : vector<1x32768xi32>
    %convert_element_type3A_929 = arith.extui %eq3A_928 : vector<1x32768xi1> to vector<1x32768xi32>
    %convert_element_type3A_930 = arith.sitofp %convert_element_type3A_929 : vector<1x32768xi32> to vector<1x32768xf32>
    %dot_general3A_931 = arith.constant dense<0.000000e+00> : vector<3x1xf32>
    %dot_general3A_932 = tpu.matmul %get3A_3, %convert_element_type3A_930, %dot_general3A_931 {dimension_numbers = #tpu.dot_dimension_numbers<[1], [1], [0], [0], [0, 0, 1, 0], [], []>, transpose_lhs_hint = false} : vector<3x32768xf32>, vector<1x32768xf32>, vector<3x1xf32> -> vector<3x1xf32>
    %slice3A_933 = vector.extract_strided_slice %get3A_3 {offsets = [0, 0], sizes = [1, 32768], strides = [1, 1]} : vector<3x32768xf32> to vector<1x32768xf32>
    %slice3A_934 = vector.extract_strided_slice %dot_general3A_932 {offsets = [0, 0], sizes = [1, 1], strides = [1, 1]} : vector<3x1xf32> to vector<1x1xf32>
    %sub3A_935 = vector.broadcast %slice3A_934 : vector<1x1xf32> to vector<1x32768xf32>
    %sub3A_936 = arith.subf %slice3A_933, %sub3A_935 : vector<1x32768xf32>
    %integer_pow3A_937 = arith.mulf %sub3A_936, %sub3A_936 : vector<1x32768xf32>
    %slice3A_938 = vector.extract_strided_slice %get3A_3 {offsets = [1, 0], sizes = [1, 32768], strides = [1, 1]} : vector<3x32768xf32> to vector<1x32768xf32>
    %slice3A_939 = vector.extract_strided_slice %dot_general3A_932 {offsets = [1, 0], sizes = [1, 1], strides = [1, 1]} : vector<3x1xf32> to vector<1x1xf32>
    %sub3A_940 = vector.broadcast %slice3A_939 : vector<1x1xf32> to vector<1x32768xf32>
    %sub3A_941 = arith.subf %slice3A_938, %sub3A_940 : vector<1x32768xf32>
    %integer_pow3A_942 = arith.mulf %sub3A_941, %sub3A_941 : vector<1x32768xf32>
    %add3A_943 = arith.addf %integer_pow3A_937, %integer_pow3A_942 : vector<1x32768xf32>
    %slice3A_944 = vector.extract_strided_slice %get3A_3 {offsets = [2, 0], sizes = [1, 32768], strides = [1, 1]} : vector<3x32768xf32> to vector<1x32768xf32>
    %slice3A_945 = vector.extract_strided_slice %dot_general3A_932 {offsets = [2, 0], sizes = [1, 1], strides = [1, 1]} : vector<3x1xf32> to vector<1x1xf32>
    %sub3A_946 = vector.broadcast %slice3A_945 : vector<1x1xf32> to vector<1x32768xf32>
    %sub3A_947 = arith.subf %slice3A_944, %sub3A_946 : vector<1x32768xf32>
    %integer_pow3A_948 = arith.mulf %sub3A_947, %sub3A_947 : vector<1x32768xf32>
    %add3A_949 = arith.addf %add3A_943, %integer_pow3A_948 : vector<1x32768xf32>
    %min3A_950 = arith.minimumf %min3A_906, %add3A_949 : vector<1x32768xf32>
    %reduce_max3A_951 = vector.shape_cast %min3A_950 : vector<1x32768xf32> to vector<1x1x32768xf32>
    %reduce_max3A_952 = arith.constant dense<0xFF800000> : vector<1xf32>
    %reduce_max3A_953 = vector.multi_reduction <maximumf>, %reduce_max3A_951, %reduce_max3A_952 [1, 2] : vector<1x1x32768xf32> to vector<1xf32>
    %reduce_max3A_954 = vector.shape_cast %reduce_max3A_953 : vector<1xf32> to vector<1x1x1xf32>
    %reduce_max3A_955 = vector.extract %reduce_max3A_954[0, 0, 0] : f32 from vector<1x1x1xf32>
    %eq3A_956 = vector.broadcast %reduce_max3A_955 : f32 to vector<1x32768xf32>
    %eq3A_957 = arith.cmpf oeq, %min3A_950, %eq3A_956 : vector<1x32768xf32>
    %jit3A_958 = arith.constant 32768 : i32
    %broadcast_in_dim3A_959 = vector.broadcast %jit3A_958 : i32 to vector<1x32768xi32>
    %select_n3A_960 = arith.select %eq3A_957, %iota3A, %broadcast_in_dim3A_959 : vector<1x32768xi1>, vector<1x32768xi32>
    %reduce_min3A_961 = vector.shape_cast %select_n3A_960 : vector<1x32768xi32> to vector<1x1x32768xi32>
    %reduce_min3A_962 = arith.constant dense<2147483647> : vector<1xi32>
    %reduce_min3A_963 = vector.multi_reduction <minsi>, %reduce_min3A_961, %reduce_min3A_962 [1, 2] : vector<1x1x32768xi32> to vector<1xi32>
    %reduce_min3A_964 = vector.shape_cast %reduce_min3A_963 : vector<1xi32> to vector<1x1x1xi32>
    %reduce_min3A_965 = vector.extract %reduce_min3A_964[0, 0, 0] : i32 from vector<1x1x1xi32>
    %eq3A_966 = arith.constant 22 : i32
    %eq3A_967 = vector.broadcast %eq3A_966 : i32 to vector<1x36xi32>
    %eq3A_968 = arith.cmpi eq, %iota3A_4, %eq3A_967 : vector<1x36xi32>
    %broadcast_in_dim3A_969 = vector.broadcast %reduce_min3A_965 : i32 to vector<1x36xi32>
    %select_n3A_970 = arith.select %eq3A_968, %broadcast_in_dim3A_969, %select_n3A_926 : vector<1x36xi1>, vector<1x36xi32>
    %eq3A_971 = vector.broadcast %reduce_min3A_965 : i32 to vector<1x32768xi32>
    %eq3A_972 = arith.cmpi eq, %iota3A, %eq3A_971 : vector<1x32768xi32>
    %convert_element_type3A_973 = arith.extui %eq3A_972 : vector<1x32768xi1> to vector<1x32768xi32>
    %convert_element_type3A_974 = arith.sitofp %convert_element_type3A_973 : vector<1x32768xi32> to vector<1x32768xf32>
    %dot_general3A_975 = arith.constant dense<0.000000e+00> : vector<3x1xf32>
    %dot_general3A_976 = tpu.matmul %get3A_3, %convert_element_type3A_974, %dot_general3A_975 {dimension_numbers = #tpu.dot_dimension_numbers<[1], [1], [0], [0], [0, 0, 1, 0], [], []>, transpose_lhs_hint = false} : vector<3x32768xf32>, vector<1x32768xf32>, vector<3x1xf32> -> vector<3x1xf32>
    %slice3A_977 = vector.extract_strided_slice %get3A_3 {offsets = [0, 0], sizes = [1, 32768], strides = [1, 1]} : vector<3x32768xf32> to vector<1x32768xf32>
    %slice3A_978 = vector.extract_strided_slice %dot_general3A_976 {offsets = [0, 0], sizes = [1, 1], strides = [1, 1]} : vector<3x1xf32> to vector<1x1xf32>
    %sub3A_979 = vector.broadcast %slice3A_978 : vector<1x1xf32> to vector<1x32768xf32>
    %sub3A_980 = arith.subf %slice3A_977, %sub3A_979 : vector<1x32768xf32>
    %integer_pow3A_981 = arith.mulf %sub3A_980, %sub3A_980 : vector<1x32768xf32>
    %slice3A_982 = vector.extract_strided_slice %get3A_3 {offsets = [1, 0], sizes = [1, 32768], strides = [1, 1]} : vector<3x32768xf32> to vector<1x32768xf32>
    %slice3A_983 = vector.extract_strided_slice %dot_general3A_976 {offsets = [1, 0], sizes = [1, 1], strides = [1, 1]} : vector<3x1xf32> to vector<1x1xf32>
    %sub3A_984 = vector.broadcast %slice3A_983 : vector<1x1xf32> to vector<1x32768xf32>
    %sub3A_985 = arith.subf %slice3A_982, %sub3A_984 : vector<1x32768xf32>
    %integer_pow3A_986 = arith.mulf %sub3A_985, %sub3A_985 : vector<1x32768xf32>
    %add3A_987 = arith.addf %integer_pow3A_981, %integer_pow3A_986 : vector<1x32768xf32>
    %slice3A_988 = vector.extract_strided_slice %get3A_3 {offsets = [2, 0], sizes = [1, 32768], strides = [1, 1]} : vector<3x32768xf32> to vector<1x32768xf32>
    %slice3A_989 = vector.extract_strided_slice %dot_general3A_976 {offsets = [2, 0], sizes = [1, 1], strides = [1, 1]} : vector<3x1xf32> to vector<1x1xf32>
    %sub3A_990 = vector.broadcast %slice3A_989 : vector<1x1xf32> to vector<1x32768xf32>
    %sub3A_991 = arith.subf %slice3A_988, %sub3A_990 : vector<1x32768xf32>
    %integer_pow3A_992 = arith.mulf %sub3A_991, %sub3A_991 : vector<1x32768xf32>
    %add3A_993 = arith.addf %add3A_987, %integer_pow3A_992 : vector<1x32768xf32>
    %min3A_994 = arith.minimumf %min3A_950, %add3A_993 : vector<1x32768xf32>
    %reduce_max3A_995 = vector.shape_cast %min3A_994 : vector<1x32768xf32> to vector<1x1x32768xf32>
    %reduce_max3A_996 = arith.constant dense<0xFF800000> : vector<1xf32>
    %reduce_max3A_997 = vector.multi_reduction <maximumf>, %reduce_max3A_995, %reduce_max3A_996 [1, 2] : vector<1x1x32768xf32> to vector<1xf32>
    %reduce_max3A_998 = vector.shape_cast %reduce_max3A_997 : vector<1xf32> to vector<1x1x1xf32>
    %reduce_max3A_999 = vector.extract %reduce_max3A_998[0, 0, 0] : f32 from vector<1x1x1xf32>
    %eq3A_1000 = vector.broadcast %reduce_max3A_999 : f32 to vector<1x32768xf32>
    %eq3A_1001 = arith.cmpf oeq, %min3A_994, %eq3A_1000 : vector<1x32768xf32>
    %jit3A_1002 = arith.constant 32768 : i32
    %broadcast_in_dim3A_1003 = vector.broadcast %jit3A_1002 : i32 to vector<1x32768xi32>
    %select_n3A_1004 = arith.select %eq3A_1001, %iota3A, %broadcast_in_dim3A_1003 : vector<1x32768xi1>, vector<1x32768xi32>
    %reduce_min3A_1005 = vector.shape_cast %select_n3A_1004 : vector<1x32768xi32> to vector<1x1x32768xi32>
    %reduce_min3A_1006 = arith.constant dense<2147483647> : vector<1xi32>
    %reduce_min3A_1007 = vector.multi_reduction <minsi>, %reduce_min3A_1005, %reduce_min3A_1006 [1, 2] : vector<1x1x32768xi32> to vector<1xi32>
    %reduce_min3A_1008 = vector.shape_cast %reduce_min3A_1007 : vector<1xi32> to vector<1x1x1xi32>
    %reduce_min3A_1009 = vector.extract %reduce_min3A_1008[0, 0, 0] : i32 from vector<1x1x1xi32>
    %eq3A_1010 = arith.constant 23 : i32
    %eq3A_1011 = vector.broadcast %eq3A_1010 : i32 to vector<1x36xi32>
    %eq3A_1012 = arith.cmpi eq, %iota3A_4, %eq3A_1011 : vector<1x36xi32>
    %broadcast_in_dim3A_1013 = vector.broadcast %reduce_min3A_1009 : i32 to vector<1x36xi32>
    %select_n3A_1014 = arith.select %eq3A_1012, %broadcast_in_dim3A_1013, %select_n3A_970 : vector<1x36xi1>, vector<1x36xi32>
    %eq3A_1015 = vector.broadcast %reduce_min3A_1009 : i32 to vector<1x32768xi32>
    %eq3A_1016 = arith.cmpi eq, %iota3A, %eq3A_1015 : vector<1x32768xi32>
    %convert_element_type3A_1017 = arith.extui %eq3A_1016 : vector<1x32768xi1> to vector<1x32768xi32>
    %convert_element_type3A_1018 = arith.sitofp %convert_element_type3A_1017 : vector<1x32768xi32> to vector<1x32768xf32>
    %dot_general3A_1019 = arith.constant dense<0.000000e+00> : vector<3x1xf32>
    %dot_general3A_1020 = tpu.matmul %get3A_3, %convert_element_type3A_1018, %dot_general3A_1019 {dimension_numbers = #tpu.dot_dimension_numbers<[1], [1], [0], [0], [0, 0, 1, 0], [], []>, transpose_lhs_hint = false} : vector<3x32768xf32>, vector<1x32768xf32>, vector<3x1xf32> -> vector<3x1xf32>
    %slice3A_1021 = vector.extract_strided_slice %get3A_3 {offsets = [0, 0], sizes = [1, 32768], strides = [1, 1]} : vector<3x32768xf32> to vector<1x32768xf32>
    %slice3A_1022 = vector.extract_strided_slice %dot_general3A_1020 {offsets = [0, 0], sizes = [1, 1], strides = [1, 1]} : vector<3x1xf32> to vector<1x1xf32>
    %sub3A_1023 = vector.broadcast %slice3A_1022 : vector<1x1xf32> to vector<1x32768xf32>
    %sub3A_1024 = arith.subf %slice3A_1021, %sub3A_1023 : vector<1x32768xf32>
    %integer_pow3A_1025 = arith.mulf %sub3A_1024, %sub3A_1024 : vector<1x32768xf32>
    %slice3A_1026 = vector.extract_strided_slice %get3A_3 {offsets = [1, 0], sizes = [1, 32768], strides = [1, 1]} : vector<3x32768xf32> to vector<1x32768xf32>
    %slice3A_1027 = vector.extract_strided_slice %dot_general3A_1020 {offsets = [1, 0], sizes = [1, 1], strides = [1, 1]} : vector<3x1xf32> to vector<1x1xf32>
    %sub3A_1028 = vector.broadcast %slice3A_1027 : vector<1x1xf32> to vector<1x32768xf32>
    %sub3A_1029 = arith.subf %slice3A_1026, %sub3A_1028 : vector<1x32768xf32>
    %integer_pow3A_1030 = arith.mulf %sub3A_1029, %sub3A_1029 : vector<1x32768xf32>
    %add3A_1031 = arith.addf %integer_pow3A_1025, %integer_pow3A_1030 : vector<1x32768xf32>
    %slice3A_1032 = vector.extract_strided_slice %get3A_3 {offsets = [2, 0], sizes = [1, 32768], strides = [1, 1]} : vector<3x32768xf32> to vector<1x32768xf32>
    %slice3A_1033 = vector.extract_strided_slice %dot_general3A_1020 {offsets = [2, 0], sizes = [1, 1], strides = [1, 1]} : vector<3x1xf32> to vector<1x1xf32>
    %sub3A_1034 = vector.broadcast %slice3A_1033 : vector<1x1xf32> to vector<1x32768xf32>
    %sub3A_1035 = arith.subf %slice3A_1032, %sub3A_1034 : vector<1x32768xf32>
    %integer_pow3A_1036 = arith.mulf %sub3A_1035, %sub3A_1035 : vector<1x32768xf32>
    %add3A_1037 = arith.addf %add3A_1031, %integer_pow3A_1036 : vector<1x32768xf32>
    %min3A_1038 = arith.minimumf %min3A_994, %add3A_1037 : vector<1x32768xf32>
    %reduce_max3A_1039 = vector.shape_cast %min3A_1038 : vector<1x32768xf32> to vector<1x1x32768xf32>
    %reduce_max3A_1040 = arith.constant dense<0xFF800000> : vector<1xf32>
    %reduce_max3A_1041 = vector.multi_reduction <maximumf>, %reduce_max3A_1039, %reduce_max3A_1040 [1, 2] : vector<1x1x32768xf32> to vector<1xf32>
    %reduce_max3A_1042 = vector.shape_cast %reduce_max3A_1041 : vector<1xf32> to vector<1x1x1xf32>
    %reduce_max3A_1043 = vector.extract %reduce_max3A_1042[0, 0, 0] : f32 from vector<1x1x1xf32>
    %eq3A_1044 = vector.broadcast %reduce_max3A_1043 : f32 to vector<1x32768xf32>
    %eq3A_1045 = arith.cmpf oeq, %min3A_1038, %eq3A_1044 : vector<1x32768xf32>
    %jit3A_1046 = arith.constant 32768 : i32
    %broadcast_in_dim3A_1047 = vector.broadcast %jit3A_1046 : i32 to vector<1x32768xi32>
    %select_n3A_1048 = arith.select %eq3A_1045, %iota3A, %broadcast_in_dim3A_1047 : vector<1x32768xi1>, vector<1x32768xi32>
    %reduce_min3A_1049 = vector.shape_cast %select_n3A_1048 : vector<1x32768xi32> to vector<1x1x32768xi32>
    %reduce_min3A_1050 = arith.constant dense<2147483647> : vector<1xi32>
    %reduce_min3A_1051 = vector.multi_reduction <minsi>, %reduce_min3A_1049, %reduce_min3A_1050 [1, 2] : vector<1x1x32768xi32> to vector<1xi32>
    %reduce_min3A_1052 = vector.shape_cast %reduce_min3A_1051 : vector<1xi32> to vector<1x1x1xi32>
    %reduce_min3A_1053 = vector.extract %reduce_min3A_1052[0, 0, 0] : i32 from vector<1x1x1xi32>
    %eq3A_1054 = arith.constant 24 : i32
    %eq3A_1055 = vector.broadcast %eq3A_1054 : i32 to vector<1x36xi32>
    %eq3A_1056 = arith.cmpi eq, %iota3A_4, %eq3A_1055 : vector<1x36xi32>
    %broadcast_in_dim3A_1057 = vector.broadcast %reduce_min3A_1053 : i32 to vector<1x36xi32>
    %select_n3A_1058 = arith.select %eq3A_1056, %broadcast_in_dim3A_1057, %select_n3A_1014 : vector<1x36xi1>, vector<1x36xi32>
    %eq3A_1059 = vector.broadcast %reduce_min3A_1053 : i32 to vector<1x32768xi32>
    %eq3A_1060 = arith.cmpi eq, %iota3A, %eq3A_1059 : vector<1x32768xi32>
    %convert_element_type3A_1061 = arith.extui %eq3A_1060 : vector<1x32768xi1> to vector<1x32768xi32>
    %convert_element_type3A_1062 = arith.sitofp %convert_element_type3A_1061 : vector<1x32768xi32> to vector<1x32768xf32>
    %dot_general3A_1063 = arith.constant dense<0.000000e+00> : vector<3x1xf32>
    %dot_general3A_1064 = tpu.matmul %get3A_3, %convert_element_type3A_1062, %dot_general3A_1063 {dimension_numbers = #tpu.dot_dimension_numbers<[1], [1], [0], [0], [0, 0, 1, 0], [], []>, transpose_lhs_hint = false} : vector<3x32768xf32>, vector<1x32768xf32>, vector<3x1xf32> -> vector<3x1xf32>
    %slice3A_1065 = vector.extract_strided_slice %get3A_3 {offsets = [0, 0], sizes = [1, 32768], strides = [1, 1]} : vector<3x32768xf32> to vector<1x32768xf32>
    %slice3A_1066 = vector.extract_strided_slice %dot_general3A_1064 {offsets = [0, 0], sizes = [1, 1], strides = [1, 1]} : vector<3x1xf32> to vector<1x1xf32>
    %sub3A_1067 = vector.broadcast %slice3A_1066 : vector<1x1xf32> to vector<1x32768xf32>
    %sub3A_1068 = arith.subf %slice3A_1065, %sub3A_1067 : vector<1x32768xf32>
    %integer_pow3A_1069 = arith.mulf %sub3A_1068, %sub3A_1068 : vector<1x32768xf32>
    %slice3A_1070 = vector.extract_strided_slice %get3A_3 {offsets = [1, 0], sizes = [1, 32768], strides = [1, 1]} : vector<3x32768xf32> to vector<1x32768xf32>
    %slice3A_1071 = vector.extract_strided_slice %dot_general3A_1064 {offsets = [1, 0], sizes = [1, 1], strides = [1, 1]} : vector<3x1xf32> to vector<1x1xf32>
    %sub3A_1072 = vector.broadcast %slice3A_1071 : vector<1x1xf32> to vector<1x32768xf32>
    %sub3A_1073 = arith.subf %slice3A_1070, %sub3A_1072 : vector<1x32768xf32>
    %integer_pow3A_1074 = arith.mulf %sub3A_1073, %sub3A_1073 : vector<1x32768xf32>
    %add3A_1075 = arith.addf %integer_pow3A_1069, %integer_pow3A_1074 : vector<1x32768xf32>
    %slice3A_1076 = vector.extract_strided_slice %get3A_3 {offsets = [2, 0], sizes = [1, 32768], strides = [1, 1]} : vector<3x32768xf32> to vector<1x32768xf32>
    %slice3A_1077 = vector.extract_strided_slice %dot_general3A_1064 {offsets = [2, 0], sizes = [1, 1], strides = [1, 1]} : vector<3x1xf32> to vector<1x1xf32>
    %sub3A_1078 = vector.broadcast %slice3A_1077 : vector<1x1xf32> to vector<1x32768xf32>
    %sub3A_1079 = arith.subf %slice3A_1076, %sub3A_1078 : vector<1x32768xf32>
    %integer_pow3A_1080 = arith.mulf %sub3A_1079, %sub3A_1079 : vector<1x32768xf32>
    %add3A_1081 = arith.addf %add3A_1075, %integer_pow3A_1080 : vector<1x32768xf32>
    %min3A_1082 = arith.minimumf %min3A_1038, %add3A_1081 : vector<1x32768xf32>
    %reduce_max3A_1083 = vector.shape_cast %min3A_1082 : vector<1x32768xf32> to vector<1x1x32768xf32>
    %reduce_max3A_1084 = arith.constant dense<0xFF800000> : vector<1xf32>
    %reduce_max3A_1085 = vector.multi_reduction <maximumf>, %reduce_max3A_1083, %reduce_max3A_1084 [1, 2] : vector<1x1x32768xf32> to vector<1xf32>
    %reduce_max3A_1086 = vector.shape_cast %reduce_max3A_1085 : vector<1xf32> to vector<1x1x1xf32>
    %reduce_max3A_1087 = vector.extract %reduce_max3A_1086[0, 0, 0] : f32 from vector<1x1x1xf32>
    %eq3A_1088 = vector.broadcast %reduce_max3A_1087 : f32 to vector<1x32768xf32>
    %eq3A_1089 = arith.cmpf oeq, %min3A_1082, %eq3A_1088 : vector<1x32768xf32>
    %jit3A_1090 = arith.constant 32768 : i32
    %broadcast_in_dim3A_1091 = vector.broadcast %jit3A_1090 : i32 to vector<1x32768xi32>
    %select_n3A_1092 = arith.select %eq3A_1089, %iota3A, %broadcast_in_dim3A_1091 : vector<1x32768xi1>, vector<1x32768xi32>
    %reduce_min3A_1093 = vector.shape_cast %select_n3A_1092 : vector<1x32768xi32> to vector<1x1x32768xi32>
    %reduce_min3A_1094 = arith.constant dense<2147483647> : vector<1xi32>
    %reduce_min3A_1095 = vector.multi_reduction <minsi>, %reduce_min3A_1093, %reduce_min3A_1094 [1, 2] : vector<1x1x32768xi32> to vector<1xi32>
    %reduce_min3A_1096 = vector.shape_cast %reduce_min3A_1095 : vector<1xi32> to vector<1x1x1xi32>
    %reduce_min3A_1097 = vector.extract %reduce_min3A_1096[0, 0, 0] : i32 from vector<1x1x1xi32>
    %eq3A_1098 = arith.constant 25 : i32
    %eq3A_1099 = vector.broadcast %eq3A_1098 : i32 to vector<1x36xi32>
    %eq3A_1100 = arith.cmpi eq, %iota3A_4, %eq3A_1099 : vector<1x36xi32>
    %broadcast_in_dim3A_1101 = vector.broadcast %reduce_min3A_1097 : i32 to vector<1x36xi32>
    %select_n3A_1102 = arith.select %eq3A_1100, %broadcast_in_dim3A_1101, %select_n3A_1058 : vector<1x36xi1>, vector<1x36xi32>
    %eq3A_1103 = vector.broadcast %reduce_min3A_1097 : i32 to vector<1x32768xi32>
    %eq3A_1104 = arith.cmpi eq, %iota3A, %eq3A_1103 : vector<1x32768xi32>
    %convert_element_type3A_1105 = arith.extui %eq3A_1104 : vector<1x32768xi1> to vector<1x32768xi32>
    %convert_element_type3A_1106 = arith.sitofp %convert_element_type3A_1105 : vector<1x32768xi32> to vector<1x32768xf32>
    %dot_general3A_1107 = arith.constant dense<0.000000e+00> : vector<3x1xf32>
    %dot_general3A_1108 = tpu.matmul %get3A_3, %convert_element_type3A_1106, %dot_general3A_1107 {dimension_numbers = #tpu.dot_dimension_numbers<[1], [1], [0], [0], [0, 0, 1, 0], [], []>, transpose_lhs_hint = false} : vector<3x32768xf32>, vector<1x32768xf32>, vector<3x1xf32> -> vector<3x1xf32>
    %slice3A_1109 = vector.extract_strided_slice %get3A_3 {offsets = [0, 0], sizes = [1, 32768], strides = [1, 1]} : vector<3x32768xf32> to vector<1x32768xf32>
    %slice3A_1110 = vector.extract_strided_slice %dot_general3A_1108 {offsets = [0, 0], sizes = [1, 1], strides = [1, 1]} : vector<3x1xf32> to vector<1x1xf32>
    %sub3A_1111 = vector.broadcast %slice3A_1110 : vector<1x1xf32> to vector<1x32768xf32>
    %sub3A_1112 = arith.subf %slice3A_1109, %sub3A_1111 : vector<1x32768xf32>
    %integer_pow3A_1113 = arith.mulf %sub3A_1112, %sub3A_1112 : vector<1x32768xf32>
    %slice3A_1114 = vector.extract_strided_slice %get3A_3 {offsets = [1, 0], sizes = [1, 32768], strides = [1, 1]} : vector<3x32768xf32> to vector<1x32768xf32>
    %slice3A_1115 = vector.extract_strided_slice %dot_general3A_1108 {offsets = [1, 0], sizes = [1, 1], strides = [1, 1]} : vector<3x1xf32> to vector<1x1xf32>
    %sub3A_1116 = vector.broadcast %slice3A_1115 : vector<1x1xf32> to vector<1x32768xf32>
    %sub3A_1117 = arith.subf %slice3A_1114, %sub3A_1116 : vector<1x32768xf32>
    %integer_pow3A_1118 = arith.mulf %sub3A_1117, %sub3A_1117 : vector<1x32768xf32>
    %add3A_1119 = arith.addf %integer_pow3A_1113, %integer_pow3A_1118 : vector<1x32768xf32>
    %slice3A_1120 = vector.extract_strided_slice %get3A_3 {offsets = [2, 0], sizes = [1, 32768], strides = [1, 1]} : vector<3x32768xf32> to vector<1x32768xf32>
    %slice3A_1121 = vector.extract_strided_slice %dot_general3A_1108 {offsets = [2, 0], sizes = [1, 1], strides = [1, 1]} : vector<3x1xf32> to vector<1x1xf32>
    %sub3A_1122 = vector.broadcast %slice3A_1121 : vector<1x1xf32> to vector<1x32768xf32>
    %sub3A_1123 = arith.subf %slice3A_1120, %sub3A_1122 : vector<1x32768xf32>
    %integer_pow3A_1124 = arith.mulf %sub3A_1123, %sub3A_1123 : vector<1x32768xf32>
    %add3A_1125 = arith.addf %add3A_1119, %integer_pow3A_1124 : vector<1x32768xf32>
    %min3A_1126 = arith.minimumf %min3A_1082, %add3A_1125 : vector<1x32768xf32>
    %reduce_max3A_1127 = vector.shape_cast %min3A_1126 : vector<1x32768xf32> to vector<1x1x32768xf32>
    %reduce_max3A_1128 = arith.constant dense<0xFF800000> : vector<1xf32>
    %reduce_max3A_1129 = vector.multi_reduction <maximumf>, %reduce_max3A_1127, %reduce_max3A_1128 [1, 2] : vector<1x1x32768xf32> to vector<1xf32>
    %reduce_max3A_1130 = vector.shape_cast %reduce_max3A_1129 : vector<1xf32> to vector<1x1x1xf32>
    %reduce_max3A_1131 = vector.extract %reduce_max3A_1130[0, 0, 0] : f32 from vector<1x1x1xf32>
    %eq3A_1132 = vector.broadcast %reduce_max3A_1131 : f32 to vector<1x32768xf32>
    %eq3A_1133 = arith.cmpf oeq, %min3A_1126, %eq3A_1132 : vector<1x32768xf32>
    %jit3A_1134 = arith.constant 32768 : i32
    %broadcast_in_dim3A_1135 = vector.broadcast %jit3A_1134 : i32 to vector<1x32768xi32>
    %select_n3A_1136 = arith.select %eq3A_1133, %iota3A, %broadcast_in_dim3A_1135 : vector<1x32768xi1>, vector<1x32768xi32>
    %reduce_min3A_1137 = vector.shape_cast %select_n3A_1136 : vector<1x32768xi32> to vector<1x1x32768xi32>
    %reduce_min3A_1138 = arith.constant dense<2147483647> : vector<1xi32>
    %reduce_min3A_1139 = vector.multi_reduction <minsi>, %reduce_min3A_1137, %reduce_min3A_1138 [1, 2] : vector<1x1x32768xi32> to vector<1xi32>
    %reduce_min3A_1140 = vector.shape_cast %reduce_min3A_1139 : vector<1xi32> to vector<1x1x1xi32>
    %reduce_min3A_1141 = vector.extract %reduce_min3A_1140[0, 0, 0] : i32 from vector<1x1x1xi32>
    %eq3A_1142 = arith.constant 26 : i32
    %eq3A_1143 = vector.broadcast %eq3A_1142 : i32 to vector<1x36xi32>
    %eq3A_1144 = arith.cmpi eq, %iota3A_4, %eq3A_1143 : vector<1x36xi32>
    %broadcast_in_dim3A_1145 = vector.broadcast %reduce_min3A_1141 : i32 to vector<1x36xi32>
    %select_n3A_1146 = arith.select %eq3A_1144, %broadcast_in_dim3A_1145, %select_n3A_1102 : vector<1x36xi1>, vector<1x36xi32>
    %eq3A_1147 = vector.broadcast %reduce_min3A_1141 : i32 to vector<1x32768xi32>
    %eq3A_1148 = arith.cmpi eq, %iota3A, %eq3A_1147 : vector<1x32768xi32>
    %convert_element_type3A_1149 = arith.extui %eq3A_1148 : vector<1x32768xi1> to vector<1x32768xi32>
    %convert_element_type3A_1150 = arith.sitofp %convert_element_type3A_1149 : vector<1x32768xi32> to vector<1x32768xf32>
    %dot_general3A_1151 = arith.constant dense<0.000000e+00> : vector<3x1xf32>
    %dot_general3A_1152 = tpu.matmul %get3A_3, %convert_element_type3A_1150, %dot_general3A_1151 {dimension_numbers = #tpu.dot_dimension_numbers<[1], [1], [0], [0], [0, 0, 1, 0], [], []>, transpose_lhs_hint = false} : vector<3x32768xf32>, vector<1x32768xf32>, vector<3x1xf32> -> vector<3x1xf32>
    %slice3A_1153 = vector.extract_strided_slice %get3A_3 {offsets = [0, 0], sizes = [1, 32768], strides = [1, 1]} : vector<3x32768xf32> to vector<1x32768xf32>
    %slice3A_1154 = vector.extract_strided_slice %dot_general3A_1152 {offsets = [0, 0], sizes = [1, 1], strides = [1, 1]} : vector<3x1xf32> to vector<1x1xf32>
    %sub3A_1155 = vector.broadcast %slice3A_1154 : vector<1x1xf32> to vector<1x32768xf32>
    %sub3A_1156 = arith.subf %slice3A_1153, %sub3A_1155 : vector<1x32768xf32>
    %integer_pow3A_1157 = arith.mulf %sub3A_1156, %sub3A_1156 : vector<1x32768xf32>
    %slice3A_1158 = vector.extract_strided_slice %get3A_3 {offsets = [1, 0], sizes = [1, 32768], strides = [1, 1]} : vector<3x32768xf32> to vector<1x32768xf32>
    %slice3A_1159 = vector.extract_strided_slice %dot_general3A_1152 {offsets = [1, 0], sizes = [1, 1], strides = [1, 1]} : vector<3x1xf32> to vector<1x1xf32>
    %sub3A_1160 = vector.broadcast %slice3A_1159 : vector<1x1xf32> to vector<1x32768xf32>
    %sub3A_1161 = arith.subf %slice3A_1158, %sub3A_1160 : vector<1x32768xf32>
    %integer_pow3A_1162 = arith.mulf %sub3A_1161, %sub3A_1161 : vector<1x32768xf32>
    %add3A_1163 = arith.addf %integer_pow3A_1157, %integer_pow3A_1162 : vector<1x32768xf32>
    %slice3A_1164 = vector.extract_strided_slice %get3A_3 {offsets = [2, 0], sizes = [1, 32768], strides = [1, 1]} : vector<3x32768xf32> to vector<1x32768xf32>
    %slice3A_1165 = vector.extract_strided_slice %dot_general3A_1152 {offsets = [2, 0], sizes = [1, 1], strides = [1, 1]} : vector<3x1xf32> to vector<1x1xf32>
    %sub3A_1166 = vector.broadcast %slice3A_1165 : vector<1x1xf32> to vector<1x32768xf32>
    %sub3A_1167 = arith.subf %slice3A_1164, %sub3A_1166 : vector<1x32768xf32>
    %integer_pow3A_1168 = arith.mulf %sub3A_1167, %sub3A_1167 : vector<1x32768xf32>
    %add3A_1169 = arith.addf %add3A_1163, %integer_pow3A_1168 : vector<1x32768xf32>
    %min3A_1170 = arith.minimumf %min3A_1126, %add3A_1169 : vector<1x32768xf32>
    %reduce_max3A_1171 = vector.shape_cast %min3A_1170 : vector<1x32768xf32> to vector<1x1x32768xf32>
    %reduce_max3A_1172 = arith.constant dense<0xFF800000> : vector<1xf32>
    %reduce_max3A_1173 = vector.multi_reduction <maximumf>, %reduce_max3A_1171, %reduce_max3A_1172 [1, 2] : vector<1x1x32768xf32> to vector<1xf32>
    %reduce_max3A_1174 = vector.shape_cast %reduce_max3A_1173 : vector<1xf32> to vector<1x1x1xf32>
    %reduce_max3A_1175 = vector.extract %reduce_max3A_1174[0, 0, 0] : f32 from vector<1x1x1xf32>
    %eq3A_1176 = vector.broadcast %reduce_max3A_1175 : f32 to vector<1x32768xf32>
    %eq3A_1177 = arith.cmpf oeq, %min3A_1170, %eq3A_1176 : vector<1x32768xf32>
    %jit3A_1178 = arith.constant 32768 : i32
    %broadcast_in_dim3A_1179 = vector.broadcast %jit3A_1178 : i32 to vector<1x32768xi32>
    %select_n3A_1180 = arith.select %eq3A_1177, %iota3A, %broadcast_in_dim3A_1179 : vector<1x32768xi1>, vector<1x32768xi32>
    %reduce_min3A_1181 = vector.shape_cast %select_n3A_1180 : vector<1x32768xi32> to vector<1x1x32768xi32>
    %reduce_min3A_1182 = arith.constant dense<2147483647> : vector<1xi32>
    %reduce_min3A_1183 = vector.multi_reduction <minsi>, %reduce_min3A_1181, %reduce_min3A_1182 [1, 2] : vector<1x1x32768xi32> to vector<1xi32>
    %reduce_min3A_1184 = vector.shape_cast %reduce_min3A_1183 : vector<1xi32> to vector<1x1x1xi32>
    %reduce_min3A_1185 = vector.extract %reduce_min3A_1184[0, 0, 0] : i32 from vector<1x1x1xi32>
    %eq3A_1186 = arith.constant 27 : i32
    %eq3A_1187 = vector.broadcast %eq3A_1186 : i32 to vector<1x36xi32>
    %eq3A_1188 = arith.cmpi eq, %iota3A_4, %eq3A_1187 : vector<1x36xi32>
    %broadcast_in_dim3A_1189 = vector.broadcast %reduce_min3A_1185 : i32 to vector<1x36xi32>
    %select_n3A_1190 = arith.select %eq3A_1188, %broadcast_in_dim3A_1189, %select_n3A_1146 : vector<1x36xi1>, vector<1x36xi32>
    %eq3A_1191 = vector.broadcast %reduce_min3A_1185 : i32 to vector<1x32768xi32>
    %eq3A_1192 = arith.cmpi eq, %iota3A, %eq3A_1191 : vector<1x32768xi32>
    %convert_element_type3A_1193 = arith.extui %eq3A_1192 : vector<1x32768xi1> to vector<1x32768xi32>
    %convert_element_type3A_1194 = arith.sitofp %convert_element_type3A_1193 : vector<1x32768xi32> to vector<1x32768xf32>
    %dot_general3A_1195 = arith.constant dense<0.000000e+00> : vector<3x1xf32>
    %dot_general3A_1196 = tpu.matmul %get3A_3, %convert_element_type3A_1194, %dot_general3A_1195 {dimension_numbers = #tpu.dot_dimension_numbers<[1], [1], [0], [0], [0, 0, 1, 0], [], []>, transpose_lhs_hint = false} : vector<3x32768xf32>, vector<1x32768xf32>, vector<3x1xf32> -> vector<3x1xf32>
    %slice3A_1197 = vector.extract_strided_slice %get3A_3 {offsets = [0, 0], sizes = [1, 32768], strides = [1, 1]} : vector<3x32768xf32> to vector<1x32768xf32>
    %slice3A_1198 = vector.extract_strided_slice %dot_general3A_1196 {offsets = [0, 0], sizes = [1, 1], strides = [1, 1]} : vector<3x1xf32> to vector<1x1xf32>
    %sub3A_1199 = vector.broadcast %slice3A_1198 : vector<1x1xf32> to vector<1x32768xf32>
    %sub3A_1200 = arith.subf %slice3A_1197, %sub3A_1199 : vector<1x32768xf32>
    %integer_pow3A_1201 = arith.mulf %sub3A_1200, %sub3A_1200 : vector<1x32768xf32>
    %slice3A_1202 = vector.extract_strided_slice %get3A_3 {offsets = [1, 0], sizes = [1, 32768], strides = [1, 1]} : vector<3x32768xf32> to vector<1x32768xf32>
    %slice3A_1203 = vector.extract_strided_slice %dot_general3A_1196 {offsets = [1, 0], sizes = [1, 1], strides = [1, 1]} : vector<3x1xf32> to vector<1x1xf32>
    %sub3A_1204 = vector.broadcast %slice3A_1203 : vector<1x1xf32> to vector<1x32768xf32>
    %sub3A_1205 = arith.subf %slice3A_1202, %sub3A_1204 : vector<1x32768xf32>
    %integer_pow3A_1206 = arith.mulf %sub3A_1205, %sub3A_1205 : vector<1x32768xf32>
    %add3A_1207 = arith.addf %integer_pow3A_1201, %integer_pow3A_1206 : vector<1x32768xf32>
    %slice3A_1208 = vector.extract_strided_slice %get3A_3 {offsets = [2, 0], sizes = [1, 32768], strides = [1, 1]} : vector<3x32768xf32> to vector<1x32768xf32>
    %slice3A_1209 = vector.extract_strided_slice %dot_general3A_1196 {offsets = [2, 0], sizes = [1, 1], strides = [1, 1]} : vector<3x1xf32> to vector<1x1xf32>
    %sub3A_1210 = vector.broadcast %slice3A_1209 : vector<1x1xf32> to vector<1x32768xf32>
    %sub3A_1211 = arith.subf %slice3A_1208, %sub3A_1210 : vector<1x32768xf32>
    %integer_pow3A_1212 = arith.mulf %sub3A_1211, %sub3A_1211 : vector<1x32768xf32>
    %add3A_1213 = arith.addf %add3A_1207, %integer_pow3A_1212 : vector<1x32768xf32>
    %min3A_1214 = arith.minimumf %min3A_1170, %add3A_1213 : vector<1x32768xf32>
    %reduce_max3A_1215 = vector.shape_cast %min3A_1214 : vector<1x32768xf32> to vector<1x1x32768xf32>
    %reduce_max3A_1216 = arith.constant dense<0xFF800000> : vector<1xf32>
    %reduce_max3A_1217 = vector.multi_reduction <maximumf>, %reduce_max3A_1215, %reduce_max3A_1216 [1, 2] : vector<1x1x32768xf32> to vector<1xf32>
    %reduce_max3A_1218 = vector.shape_cast %reduce_max3A_1217 : vector<1xf32> to vector<1x1x1xf32>
    %reduce_max3A_1219 = vector.extract %reduce_max3A_1218[0, 0, 0] : f32 from vector<1x1x1xf32>
    %eq3A_1220 = vector.broadcast %reduce_max3A_1219 : f32 to vector<1x32768xf32>
    %eq3A_1221 = arith.cmpf oeq, %min3A_1214, %eq3A_1220 : vector<1x32768xf32>
    %jit3A_1222 = arith.constant 32768 : i32
    %broadcast_in_dim3A_1223 = vector.broadcast %jit3A_1222 : i32 to vector<1x32768xi32>
    %select_n3A_1224 = arith.select %eq3A_1221, %iota3A, %broadcast_in_dim3A_1223 : vector<1x32768xi1>, vector<1x32768xi32>
    %reduce_min3A_1225 = vector.shape_cast %select_n3A_1224 : vector<1x32768xi32> to vector<1x1x32768xi32>
    %reduce_min3A_1226 = arith.constant dense<2147483647> : vector<1xi32>
    %reduce_min3A_1227 = vector.multi_reduction <minsi>, %reduce_min3A_1225, %reduce_min3A_1226 [1, 2] : vector<1x1x32768xi32> to vector<1xi32>
    %reduce_min3A_1228 = vector.shape_cast %reduce_min3A_1227 : vector<1xi32> to vector<1x1x1xi32>
    %reduce_min3A_1229 = vector.extract %reduce_min3A_1228[0, 0, 0] : i32 from vector<1x1x1xi32>
    %eq3A_1230 = arith.constant 28 : i32
    %eq3A_1231 = vector.broadcast %eq3A_1230 : i32 to vector<1x36xi32>
    %eq3A_1232 = arith.cmpi eq, %iota3A_4, %eq3A_1231 : vector<1x36xi32>
    %broadcast_in_dim3A_1233 = vector.broadcast %reduce_min3A_1229 : i32 to vector<1x36xi32>
    %select_n3A_1234 = arith.select %eq3A_1232, %broadcast_in_dim3A_1233, %select_n3A_1190 : vector<1x36xi1>, vector<1x36xi32>
    %eq3A_1235 = vector.broadcast %reduce_min3A_1229 : i32 to vector<1x32768xi32>
    %eq3A_1236 = arith.cmpi eq, %iota3A, %eq3A_1235 : vector<1x32768xi32>
    %convert_element_type3A_1237 = arith.extui %eq3A_1236 : vector<1x32768xi1> to vector<1x32768xi32>
    %convert_element_type3A_1238 = arith.sitofp %convert_element_type3A_1237 : vector<1x32768xi32> to vector<1x32768xf32>
    %dot_general3A_1239 = arith.constant dense<0.000000e+00> : vector<3x1xf32>
    %dot_general3A_1240 = tpu.matmul %get3A_3, %convert_element_type3A_1238, %dot_general3A_1239 {dimension_numbers = #tpu.dot_dimension_numbers<[1], [1], [0], [0], [0, 0, 1, 0], [], []>, transpose_lhs_hint = false} : vector<3x32768xf32>, vector<1x32768xf32>, vector<3x1xf32> -> vector<3x1xf32>
    %slice3A_1241 = vector.extract_strided_slice %get3A_3 {offsets = [0, 0], sizes = [1, 32768], strides = [1, 1]} : vector<3x32768xf32> to vector<1x32768xf32>
    %slice3A_1242 = vector.extract_strided_slice %dot_general3A_1240 {offsets = [0, 0], sizes = [1, 1], strides = [1, 1]} : vector<3x1xf32> to vector<1x1xf32>
    %sub3A_1243 = vector.broadcast %slice3A_1242 : vector<1x1xf32> to vector<1x32768xf32>
    %sub3A_1244 = arith.subf %slice3A_1241, %sub3A_1243 : vector<1x32768xf32>
    %integer_pow3A_1245 = arith.mulf %sub3A_1244, %sub3A_1244 : vector<1x32768xf32>
    %slice3A_1246 = vector.extract_strided_slice %get3A_3 {offsets = [1, 0], sizes = [1, 32768], strides = [1, 1]} : vector<3x32768xf32> to vector<1x32768xf32>
    %slice3A_1247 = vector.extract_strided_slice %dot_general3A_1240 {offsets = [1, 0], sizes = [1, 1], strides = [1, 1]} : vector<3x1xf32> to vector<1x1xf32>
    %sub3A_1248 = vector.broadcast %slice3A_1247 : vector<1x1xf32> to vector<1x32768xf32>
    %sub3A_1249 = arith.subf %slice3A_1246, %sub3A_1248 : vector<1x32768xf32>
    %integer_pow3A_1250 = arith.mulf %sub3A_1249, %sub3A_1249 : vector<1x32768xf32>
    %add3A_1251 = arith.addf %integer_pow3A_1245, %integer_pow3A_1250 : vector<1x32768xf32>
    %slice3A_1252 = vector.extract_strided_slice %get3A_3 {offsets = [2, 0], sizes = [1, 32768], strides = [1, 1]} : vector<3x32768xf32> to vector<1x32768xf32>
    %slice3A_1253 = vector.extract_strided_slice %dot_general3A_1240 {offsets = [2, 0], sizes = [1, 1], strides = [1, 1]} : vector<3x1xf32> to vector<1x1xf32>
    %sub3A_1254 = vector.broadcast %slice3A_1253 : vector<1x1xf32> to vector<1x32768xf32>
    %sub3A_1255 = arith.subf %slice3A_1252, %sub3A_1254 : vector<1x32768xf32>
    %integer_pow3A_1256 = arith.mulf %sub3A_1255, %sub3A_1255 : vector<1x32768xf32>
    %add3A_1257 = arith.addf %add3A_1251, %integer_pow3A_1256 : vector<1x32768xf32>
    %min3A_1258 = arith.minimumf %min3A_1214, %add3A_1257 : vector<1x32768xf32>
    %reduce_max3A_1259 = vector.shape_cast %min3A_1258 : vector<1x32768xf32> to vector<1x1x32768xf32>
    %reduce_max3A_1260 = arith.constant dense<0xFF800000> : vector<1xf32>
    %reduce_max3A_1261 = vector.multi_reduction <maximumf>, %reduce_max3A_1259, %reduce_max3A_1260 [1, 2] : vector<1x1x32768xf32> to vector<1xf32>
    %reduce_max3A_1262 = vector.shape_cast %reduce_max3A_1261 : vector<1xf32> to vector<1x1x1xf32>
    %reduce_max3A_1263 = vector.extract %reduce_max3A_1262[0, 0, 0] : f32 from vector<1x1x1xf32>
    %eq3A_1264 = vector.broadcast %reduce_max3A_1263 : f32 to vector<1x32768xf32>
    %eq3A_1265 = arith.cmpf oeq, %min3A_1258, %eq3A_1264 : vector<1x32768xf32>
    %jit3A_1266 = arith.constant 32768 : i32
    %broadcast_in_dim3A_1267 = vector.broadcast %jit3A_1266 : i32 to vector<1x32768xi32>
    %select_n3A_1268 = arith.select %eq3A_1265, %iota3A, %broadcast_in_dim3A_1267 : vector<1x32768xi1>, vector<1x32768xi32>
    %reduce_min3A_1269 = vector.shape_cast %select_n3A_1268 : vector<1x32768xi32> to vector<1x1x32768xi32>
    %reduce_min3A_1270 = arith.constant dense<2147483647> : vector<1xi32>
    %reduce_min3A_1271 = vector.multi_reduction <minsi>, %reduce_min3A_1269, %reduce_min3A_1270 [1, 2] : vector<1x1x32768xi32> to vector<1xi32>
    %reduce_min3A_1272 = vector.shape_cast %reduce_min3A_1271 : vector<1xi32> to vector<1x1x1xi32>
    %reduce_min3A_1273 = vector.extract %reduce_min3A_1272[0, 0, 0] : i32 from vector<1x1x1xi32>
    %eq3A_1274 = arith.constant 29 : i32
    %eq3A_1275 = vector.broadcast %eq3A_1274 : i32 to vector<1x36xi32>
    %eq3A_1276 = arith.cmpi eq, %iota3A_4, %eq3A_1275 : vector<1x36xi32>
    %broadcast_in_dim3A_1277 = vector.broadcast %reduce_min3A_1273 : i32 to vector<1x36xi32>
    %select_n3A_1278 = arith.select %eq3A_1276, %broadcast_in_dim3A_1277, %select_n3A_1234 : vector<1x36xi1>, vector<1x36xi32>
    %eq3A_1279 = vector.broadcast %reduce_min3A_1273 : i32 to vector<1x32768xi32>
    %eq3A_1280 = arith.cmpi eq, %iota3A, %eq3A_1279 : vector<1x32768xi32>
    %convert_element_type3A_1281 = arith.extui %eq3A_1280 : vector<1x32768xi1> to vector<1x32768xi32>
    %convert_element_type3A_1282 = arith.sitofp %convert_element_type3A_1281 : vector<1x32768xi32> to vector<1x32768xf32>
    %dot_general3A_1283 = arith.constant dense<0.000000e+00> : vector<3x1xf32>
    %dot_general3A_1284 = tpu.matmul %get3A_3, %convert_element_type3A_1282, %dot_general3A_1283 {dimension_numbers = #tpu.dot_dimension_numbers<[1], [1], [0], [0], [0, 0, 1, 0], [], []>, transpose_lhs_hint = false} : vector<3x32768xf32>, vector<1x32768xf32>, vector<3x1xf32> -> vector<3x1xf32>
    %slice3A_1285 = vector.extract_strided_slice %get3A_3 {offsets = [0, 0], sizes = [1, 32768], strides = [1, 1]} : vector<3x32768xf32> to vector<1x32768xf32>
    %slice3A_1286 = vector.extract_strided_slice %dot_general3A_1284 {offsets = [0, 0], sizes = [1, 1], strides = [1, 1]} : vector<3x1xf32> to vector<1x1xf32>
    %sub3A_1287 = vector.broadcast %slice3A_1286 : vector<1x1xf32> to vector<1x32768xf32>
    %sub3A_1288 = arith.subf %slice3A_1285, %sub3A_1287 : vector<1x32768xf32>
    %integer_pow3A_1289 = arith.mulf %sub3A_1288, %sub3A_1288 : vector<1x32768xf32>
    %slice3A_1290 = vector.extract_strided_slice %get3A_3 {offsets = [1, 0], sizes = [1, 32768], strides = [1, 1]} : vector<3x32768xf32> to vector<1x32768xf32>
    %slice3A_1291 = vector.extract_strided_slice %dot_general3A_1284 {offsets = [1, 0], sizes = [1, 1], strides = [1, 1]} : vector<3x1xf32> to vector<1x1xf32>
    %sub3A_1292 = vector.broadcast %slice3A_1291 : vector<1x1xf32> to vector<1x32768xf32>
    %sub3A_1293 = arith.subf %slice3A_1290, %sub3A_1292 : vector<1x32768xf32>
    %integer_pow3A_1294 = arith.mulf %sub3A_1293, %sub3A_1293 : vector<1x32768xf32>
    %add3A_1295 = arith.addf %integer_pow3A_1289, %integer_pow3A_1294 : vector<1x32768xf32>
    %slice3A_1296 = vector.extract_strided_slice %get3A_3 {offsets = [2, 0], sizes = [1, 32768], strides = [1, 1]} : vector<3x32768xf32> to vector<1x32768xf32>
    %slice3A_1297 = vector.extract_strided_slice %dot_general3A_1284 {offsets = [2, 0], sizes = [1, 1], strides = [1, 1]} : vector<3x1xf32> to vector<1x1xf32>
    %sub3A_1298 = vector.broadcast %slice3A_1297 : vector<1x1xf32> to vector<1x32768xf32>
    %sub3A_1299 = arith.subf %slice3A_1296, %sub3A_1298 : vector<1x32768xf32>
    %integer_pow3A_1300 = arith.mulf %sub3A_1299, %sub3A_1299 : vector<1x32768xf32>
    %add3A_1301 = arith.addf %add3A_1295, %integer_pow3A_1300 : vector<1x32768xf32>
    %min3A_1302 = arith.minimumf %min3A_1258, %add3A_1301 : vector<1x32768xf32>
    %reduce_max3A_1303 = vector.shape_cast %min3A_1302 : vector<1x32768xf32> to vector<1x1x32768xf32>
    %reduce_max3A_1304 = arith.constant dense<0xFF800000> : vector<1xf32>
    %reduce_max3A_1305 = vector.multi_reduction <maximumf>, %reduce_max3A_1303, %reduce_max3A_1304 [1, 2] : vector<1x1x32768xf32> to vector<1xf32>
    %reduce_max3A_1306 = vector.shape_cast %reduce_max3A_1305 : vector<1xf32> to vector<1x1x1xf32>
    %reduce_max3A_1307 = vector.extract %reduce_max3A_1306[0, 0, 0] : f32 from vector<1x1x1xf32>
    %eq3A_1308 = vector.broadcast %reduce_max3A_1307 : f32 to vector<1x32768xf32>
    %eq3A_1309 = arith.cmpf oeq, %min3A_1302, %eq3A_1308 : vector<1x32768xf32>
    %jit3A_1310 = arith.constant 32768 : i32
    %broadcast_in_dim3A_1311 = vector.broadcast %jit3A_1310 : i32 to vector<1x32768xi32>
    %select_n3A_1312 = arith.select %eq3A_1309, %iota3A, %broadcast_in_dim3A_1311 : vector<1x32768xi1>, vector<1x32768xi32>
    %reduce_min3A_1313 = vector.shape_cast %select_n3A_1312 : vector<1x32768xi32> to vector<1x1x32768xi32>
    %reduce_min3A_1314 = arith.constant dense<2147483647> : vector<1xi32>
    %reduce_min3A_1315 = vector.multi_reduction <minsi>, %reduce_min3A_1313, %reduce_min3A_1314 [1, 2] : vector<1x1x32768xi32> to vector<1xi32>
    %reduce_min3A_1316 = vector.shape_cast %reduce_min3A_1315 : vector<1xi32> to vector<1x1x1xi32>
    %reduce_min3A_1317 = vector.extract %reduce_min3A_1316[0, 0, 0] : i32 from vector<1x1x1xi32>
    %eq3A_1318 = arith.constant 30 : i32
    %eq3A_1319 = vector.broadcast %eq3A_1318 : i32 to vector<1x36xi32>
    %eq3A_1320 = arith.cmpi eq, %iota3A_4, %eq3A_1319 : vector<1x36xi32>
    %broadcast_in_dim3A_1321 = vector.broadcast %reduce_min3A_1317 : i32 to vector<1x36xi32>
    %select_n3A_1322 = arith.select %eq3A_1320, %broadcast_in_dim3A_1321, %select_n3A_1278 : vector<1x36xi1>, vector<1x36xi32>
    %eq3A_1323 = vector.broadcast %reduce_min3A_1317 : i32 to vector<1x32768xi32>
    %eq3A_1324 = arith.cmpi eq, %iota3A, %eq3A_1323 : vector<1x32768xi32>
    %convert_element_type3A_1325 = arith.extui %eq3A_1324 : vector<1x32768xi1> to vector<1x32768xi32>
    %convert_element_type3A_1326 = arith.sitofp %convert_element_type3A_1325 : vector<1x32768xi32> to vector<1x32768xf32>
    %dot_general3A_1327 = arith.constant dense<0.000000e+00> : vector<3x1xf32>
    %dot_general3A_1328 = tpu.matmul %get3A_3, %convert_element_type3A_1326, %dot_general3A_1327 {dimension_numbers = #tpu.dot_dimension_numbers<[1], [1], [0], [0], [0, 0, 1, 0], [], []>, transpose_lhs_hint = false} : vector<3x32768xf32>, vector<1x32768xf32>, vector<3x1xf32> -> vector<3x1xf32>
    %slice3A_1329 = vector.extract_strided_slice %get3A_3 {offsets = [0, 0], sizes = [1, 32768], strides = [1, 1]} : vector<3x32768xf32> to vector<1x32768xf32>
    %slice3A_1330 = vector.extract_strided_slice %dot_general3A_1328 {offsets = [0, 0], sizes = [1, 1], strides = [1, 1]} : vector<3x1xf32> to vector<1x1xf32>
    %sub3A_1331 = vector.broadcast %slice3A_1330 : vector<1x1xf32> to vector<1x32768xf32>
    %sub3A_1332 = arith.subf %slice3A_1329, %sub3A_1331 : vector<1x32768xf32>
    %integer_pow3A_1333 = arith.mulf %sub3A_1332, %sub3A_1332 : vector<1x32768xf32>
    %slice3A_1334 = vector.extract_strided_slice %get3A_3 {offsets = [1, 0], sizes = [1, 32768], strides = [1, 1]} : vector<3x32768xf32> to vector<1x32768xf32>
    %slice3A_1335 = vector.extract_strided_slice %dot_general3A_1328 {offsets = [1, 0], sizes = [1, 1], strides = [1, 1]} : vector<3x1xf32> to vector<1x1xf32>
    %sub3A_1336 = vector.broadcast %slice3A_1335 : vector<1x1xf32> to vector<1x32768xf32>
    %sub3A_1337 = arith.subf %slice3A_1334, %sub3A_1336 : vector<1x32768xf32>
    %integer_pow3A_1338 = arith.mulf %sub3A_1337, %sub3A_1337 : vector<1x32768xf32>
    %add3A_1339 = arith.addf %integer_pow3A_1333, %integer_pow3A_1338 : vector<1x32768xf32>
    %slice3A_1340 = vector.extract_strided_slice %get3A_3 {offsets = [2, 0], sizes = [1, 32768], strides = [1, 1]} : vector<3x32768xf32> to vector<1x32768xf32>
    %slice3A_1341 = vector.extract_strided_slice %dot_general3A_1328 {offsets = [2, 0], sizes = [1, 1], strides = [1, 1]} : vector<3x1xf32> to vector<1x1xf32>
    %sub3A_1342 = vector.broadcast %slice3A_1341 : vector<1x1xf32> to vector<1x32768xf32>
    %sub3A_1343 = arith.subf %slice3A_1340, %sub3A_1342 : vector<1x32768xf32>
    %integer_pow3A_1344 = arith.mulf %sub3A_1343, %sub3A_1343 : vector<1x32768xf32>
    %add3A_1345 = arith.addf %add3A_1339, %integer_pow3A_1344 : vector<1x32768xf32>
    %min3A_1346 = arith.minimumf %min3A_1302, %add3A_1345 : vector<1x32768xf32>
    %reduce_max3A_1347 = vector.shape_cast %min3A_1346 : vector<1x32768xf32> to vector<1x1x32768xf32>
    %reduce_max3A_1348 = arith.constant dense<0xFF800000> : vector<1xf32>
    %reduce_max3A_1349 = vector.multi_reduction <maximumf>, %reduce_max3A_1347, %reduce_max3A_1348 [1, 2] : vector<1x1x32768xf32> to vector<1xf32>
    %reduce_max3A_1350 = vector.shape_cast %reduce_max3A_1349 : vector<1xf32> to vector<1x1x1xf32>
    %reduce_max3A_1351 = vector.extract %reduce_max3A_1350[0, 0, 0] : f32 from vector<1x1x1xf32>
    %eq3A_1352 = vector.broadcast %reduce_max3A_1351 : f32 to vector<1x32768xf32>
    %eq3A_1353 = arith.cmpf oeq, %min3A_1346, %eq3A_1352 : vector<1x32768xf32>
    %jit3A_1354 = arith.constant 32768 : i32
    %broadcast_in_dim3A_1355 = vector.broadcast %jit3A_1354 : i32 to vector<1x32768xi32>
    %select_n3A_1356 = arith.select %eq3A_1353, %iota3A, %broadcast_in_dim3A_1355 : vector<1x32768xi1>, vector<1x32768xi32>
    %reduce_min3A_1357 = vector.shape_cast %select_n3A_1356 : vector<1x32768xi32> to vector<1x1x32768xi32>
    %reduce_min3A_1358 = arith.constant dense<2147483647> : vector<1xi32>
    %reduce_min3A_1359 = vector.multi_reduction <minsi>, %reduce_min3A_1357, %reduce_min3A_1358 [1, 2] : vector<1x1x32768xi32> to vector<1xi32>
    %reduce_min3A_1360 = vector.shape_cast %reduce_min3A_1359 : vector<1xi32> to vector<1x1x1xi32>
    %reduce_min3A_1361 = vector.extract %reduce_min3A_1360[0, 0, 0] : i32 from vector<1x1x1xi32>
    %eq3A_1362 = arith.constant 31 : i32
    %eq3A_1363 = vector.broadcast %eq3A_1362 : i32 to vector<1x36xi32>
    %eq3A_1364 = arith.cmpi eq, %iota3A_4, %eq3A_1363 : vector<1x36xi32>
    %broadcast_in_dim3A_1365 = vector.broadcast %reduce_min3A_1361 : i32 to vector<1x36xi32>
    %select_n3A_1366 = arith.select %eq3A_1364, %broadcast_in_dim3A_1365, %select_n3A_1322 : vector<1x36xi1>, vector<1x36xi32>
    %eq3A_1367 = vector.broadcast %reduce_min3A_1361 : i32 to vector<1x32768xi32>
    %eq3A_1368 = arith.cmpi eq, %iota3A, %eq3A_1367 : vector<1x32768xi32>
    %convert_element_type3A_1369 = arith.extui %eq3A_1368 : vector<1x32768xi1> to vector<1x32768xi32>
    %convert_element_type3A_1370 = arith.sitofp %convert_element_type3A_1369 : vector<1x32768xi32> to vector<1x32768xf32>
    %dot_general3A_1371 = arith.constant dense<0.000000e+00> : vector<3x1xf32>
    %dot_general3A_1372 = tpu.matmul %get3A_3, %convert_element_type3A_1370, %dot_general3A_1371 {dimension_numbers = #tpu.dot_dimension_numbers<[1], [1], [0], [0], [0, 0, 1, 0], [], []>, transpose_lhs_hint = false} : vector<3x32768xf32>, vector<1x32768xf32>, vector<3x1xf32> -> vector<3x1xf32>
    %slice3A_1373 = vector.extract_strided_slice %get3A_3 {offsets = [0, 0], sizes = [1, 32768], strides = [1, 1]} : vector<3x32768xf32> to vector<1x32768xf32>
    %slice3A_1374 = vector.extract_strided_slice %dot_general3A_1372 {offsets = [0, 0], sizes = [1, 1], strides = [1, 1]} : vector<3x1xf32> to vector<1x1xf32>
    %sub3A_1375 = vector.broadcast %slice3A_1374 : vector<1x1xf32> to vector<1x32768xf32>
    %sub3A_1376 = arith.subf %slice3A_1373, %sub3A_1375 : vector<1x32768xf32>
    %integer_pow3A_1377 = arith.mulf %sub3A_1376, %sub3A_1376 : vector<1x32768xf32>
    %slice3A_1378 = vector.extract_strided_slice %get3A_3 {offsets = [1, 0], sizes = [1, 32768], strides = [1, 1]} : vector<3x32768xf32> to vector<1x32768xf32>
    %slice3A_1379 = vector.extract_strided_slice %dot_general3A_1372 {offsets = [1, 0], sizes = [1, 1], strides = [1, 1]} : vector<3x1xf32> to vector<1x1xf32>
    %sub3A_1380 = vector.broadcast %slice3A_1379 : vector<1x1xf32> to vector<1x32768xf32>
    %sub3A_1381 = arith.subf %slice3A_1378, %sub3A_1380 : vector<1x32768xf32>
    %integer_pow3A_1382 = arith.mulf %sub3A_1381, %sub3A_1381 : vector<1x32768xf32>
    %add3A_1383 = arith.addf %integer_pow3A_1377, %integer_pow3A_1382 : vector<1x32768xf32>
    %slice3A_1384 = vector.extract_strided_slice %get3A_3 {offsets = [2, 0], sizes = [1, 32768], strides = [1, 1]} : vector<3x32768xf32> to vector<1x32768xf32>
    %slice3A_1385 = vector.extract_strided_slice %dot_general3A_1372 {offsets = [2, 0], sizes = [1, 1], strides = [1, 1]} : vector<3x1xf32> to vector<1x1xf32>
    %sub3A_1386 = vector.broadcast %slice3A_1385 : vector<1x1xf32> to vector<1x32768xf32>
    %sub3A_1387 = arith.subf %slice3A_1384, %sub3A_1386 : vector<1x32768xf32>
    %integer_pow3A_1388 = arith.mulf %sub3A_1387, %sub3A_1387 : vector<1x32768xf32>
    %add3A_1389 = arith.addf %add3A_1383, %integer_pow3A_1388 : vector<1x32768xf32>
    %min3A_1390 = arith.minimumf %min3A_1346, %add3A_1389 : vector<1x32768xf32>
    %reduce_max3A_1391 = vector.shape_cast %min3A_1390 : vector<1x32768xf32> to vector<1x1x32768xf32>
    %reduce_max3A_1392 = arith.constant dense<0xFF800000> : vector<1xf32>
    %reduce_max3A_1393 = vector.multi_reduction <maximumf>, %reduce_max3A_1391, %reduce_max3A_1392 [1, 2] : vector<1x1x32768xf32> to vector<1xf32>
    %reduce_max3A_1394 = vector.shape_cast %reduce_max3A_1393 : vector<1xf32> to vector<1x1x1xf32>
    %reduce_max3A_1395 = vector.extract %reduce_max3A_1394[0, 0, 0] : f32 from vector<1x1x1xf32>
    %eq3A_1396 = vector.broadcast %reduce_max3A_1395 : f32 to vector<1x32768xf32>
    %eq3A_1397 = arith.cmpf oeq, %min3A_1390, %eq3A_1396 : vector<1x32768xf32>
    %jit3A_1398 = arith.constant 32768 : i32
    %broadcast_in_dim3A_1399 = vector.broadcast %jit3A_1398 : i32 to vector<1x32768xi32>
    %select_n3A_1400 = arith.select %eq3A_1397, %iota3A, %broadcast_in_dim3A_1399 : vector<1x32768xi1>, vector<1x32768xi32>
    %reduce_min3A_1401 = vector.shape_cast %select_n3A_1400 : vector<1x32768xi32> to vector<1x1x32768xi32>
    %reduce_min3A_1402 = arith.constant dense<2147483647> : vector<1xi32>
    %reduce_min3A_1403 = vector.multi_reduction <minsi>, %reduce_min3A_1401, %reduce_min3A_1402 [1, 2] : vector<1x1x32768xi32> to vector<1xi32>
    %reduce_min3A_1404 = vector.shape_cast %reduce_min3A_1403 : vector<1xi32> to vector<1x1x1xi32>
    %reduce_min3A_1405 = vector.extract %reduce_min3A_1404[0, 0, 0] : i32 from vector<1x1x1xi32>
    %eq3A_1406 = arith.constant 32 : i32
    %eq3A_1407 = vector.broadcast %eq3A_1406 : i32 to vector<1x36xi32>
    %eq3A_1408 = arith.cmpi eq, %iota3A_4, %eq3A_1407 : vector<1x36xi32>
    %broadcast_in_dim3A_1409 = vector.broadcast %reduce_min3A_1405 : i32 to vector<1x36xi32>
    %select_n3A_1410 = arith.select %eq3A_1408, %broadcast_in_dim3A_1409, %select_n3A_1366 : vector<1x36xi1>, vector<1x36xi32>
    %eq3A_1411 = vector.broadcast %reduce_min3A_1405 : i32 to vector<1x32768xi32>
    %eq3A_1412 = arith.cmpi eq, %iota3A, %eq3A_1411 : vector<1x32768xi32>
    %convert_element_type3A_1413 = arith.extui %eq3A_1412 : vector<1x32768xi1> to vector<1x32768xi32>
    %convert_element_type3A_1414 = arith.sitofp %convert_element_type3A_1413 : vector<1x32768xi32> to vector<1x32768xf32>
    %dot_general3A_1415 = arith.constant dense<0.000000e+00> : vector<3x1xf32>
    %dot_general3A_1416 = tpu.matmul %get3A_3, %convert_element_type3A_1414, %dot_general3A_1415 {dimension_numbers = #tpu.dot_dimension_numbers<[1], [1], [0], [0], [0, 0, 1, 0], [], []>, transpose_lhs_hint = false} : vector<3x32768xf32>, vector<1x32768xf32>, vector<3x1xf32> -> vector<3x1xf32>
    %slice3A_1417 = vector.extract_strided_slice %get3A_3 {offsets = [0, 0], sizes = [1, 32768], strides = [1, 1]} : vector<3x32768xf32> to vector<1x32768xf32>
    %slice3A_1418 = vector.extract_strided_slice %dot_general3A_1416 {offsets = [0, 0], sizes = [1, 1], strides = [1, 1]} : vector<3x1xf32> to vector<1x1xf32>
    %sub3A_1419 = vector.broadcast %slice3A_1418 : vector<1x1xf32> to vector<1x32768xf32>
    %sub3A_1420 = arith.subf %slice3A_1417, %sub3A_1419 : vector<1x32768xf32>
    %integer_pow3A_1421 = arith.mulf %sub3A_1420, %sub3A_1420 : vector<1x32768xf32>
    %slice3A_1422 = vector.extract_strided_slice %get3A_3 {offsets = [1, 0], sizes = [1, 32768], strides = [1, 1]} : vector<3x32768xf32> to vector<1x32768xf32>
    %slice3A_1423 = vector.extract_strided_slice %dot_general3A_1416 {offsets = [1, 0], sizes = [1, 1], strides = [1, 1]} : vector<3x1xf32> to vector<1x1xf32>
    %sub3A_1424 = vector.broadcast %slice3A_1423 : vector<1x1xf32> to vector<1x32768xf32>
    %sub3A_1425 = arith.subf %slice3A_1422, %sub3A_1424 : vector<1x32768xf32>
    %integer_pow3A_1426 = arith.mulf %sub3A_1425, %sub3A_1425 : vector<1x32768xf32>
    %add3A_1427 = arith.addf %integer_pow3A_1421, %integer_pow3A_1426 : vector<1x32768xf32>
    %slice3A_1428 = vector.extract_strided_slice %get3A_3 {offsets = [2, 0], sizes = [1, 32768], strides = [1, 1]} : vector<3x32768xf32> to vector<1x32768xf32>
    %slice3A_1429 = vector.extract_strided_slice %dot_general3A_1416 {offsets = [2, 0], sizes = [1, 1], strides = [1, 1]} : vector<3x1xf32> to vector<1x1xf32>
    %sub3A_1430 = vector.broadcast %slice3A_1429 : vector<1x1xf32> to vector<1x32768xf32>
    %sub3A_1431 = arith.subf %slice3A_1428, %sub3A_1430 : vector<1x32768xf32>
    %integer_pow3A_1432 = arith.mulf %sub3A_1431, %sub3A_1431 : vector<1x32768xf32>
    %add3A_1433 = arith.addf %add3A_1427, %integer_pow3A_1432 : vector<1x32768xf32>
    %min3A_1434 = arith.minimumf %min3A_1390, %add3A_1433 : vector<1x32768xf32>
    %reduce_max3A_1435 = vector.shape_cast %min3A_1434 : vector<1x32768xf32> to vector<1x1x32768xf32>
    %reduce_max3A_1436 = arith.constant dense<0xFF800000> : vector<1xf32>
    %reduce_max3A_1437 = vector.multi_reduction <maximumf>, %reduce_max3A_1435, %reduce_max3A_1436 [1, 2] : vector<1x1x32768xf32> to vector<1xf32>
    %reduce_max3A_1438 = vector.shape_cast %reduce_max3A_1437 : vector<1xf32> to vector<1x1x1xf32>
    %reduce_max3A_1439 = vector.extract %reduce_max3A_1438[0, 0, 0] : f32 from vector<1x1x1xf32>
    %eq3A_1440 = vector.broadcast %reduce_max3A_1439 : f32 to vector<1x32768xf32>
    %eq3A_1441 = arith.cmpf oeq, %min3A_1434, %eq3A_1440 : vector<1x32768xf32>
    %jit3A_1442 = arith.constant 32768 : i32
    %broadcast_in_dim3A_1443 = vector.broadcast %jit3A_1442 : i32 to vector<1x32768xi32>
    %select_n3A_1444 = arith.select %eq3A_1441, %iota3A, %broadcast_in_dim3A_1443 : vector<1x32768xi1>, vector<1x32768xi32>
    %reduce_min3A_1445 = vector.shape_cast %select_n3A_1444 : vector<1x32768xi32> to vector<1x1x32768xi32>
    %reduce_min3A_1446 = arith.constant dense<2147483647> : vector<1xi32>
    %reduce_min3A_1447 = vector.multi_reduction <minsi>, %reduce_min3A_1445, %reduce_min3A_1446 [1, 2] : vector<1x1x32768xi32> to vector<1xi32>
    %reduce_min3A_1448 = vector.shape_cast %reduce_min3A_1447 : vector<1xi32> to vector<1x1x1xi32>
    %reduce_min3A_1449 = vector.extract %reduce_min3A_1448[0, 0, 0] : i32 from vector<1x1x1xi32>
    %eq3A_1450 = arith.constant 33 : i32
    %eq3A_1451 = vector.broadcast %eq3A_1450 : i32 to vector<1x36xi32>
    %eq3A_1452 = arith.cmpi eq, %iota3A_4, %eq3A_1451 : vector<1x36xi32>
    %broadcast_in_dim3A_1453 = vector.broadcast %reduce_min3A_1449 : i32 to vector<1x36xi32>
    %select_n3A_1454 = arith.select %eq3A_1452, %broadcast_in_dim3A_1453, %select_n3A_1410 : vector<1x36xi1>, vector<1x36xi32>
    %eq3A_1455 = vector.broadcast %reduce_min3A_1449 : i32 to vector<1x32768xi32>
    %eq3A_1456 = arith.cmpi eq, %iota3A, %eq3A_1455 : vector<1x32768xi32>
    %convert_element_type3A_1457 = arith.extui %eq3A_1456 : vector<1x32768xi1> to vector<1x32768xi32>
    %convert_element_type3A_1458 = arith.sitofp %convert_element_type3A_1457 : vector<1x32768xi32> to vector<1x32768xf32>
    %dot_general3A_1459 = arith.constant dense<0.000000e+00> : vector<3x1xf32>
    %dot_general3A_1460 = tpu.matmul %get3A_3, %convert_element_type3A_1458, %dot_general3A_1459 {dimension_numbers = #tpu.dot_dimension_numbers<[1], [1], [0], [0], [0, 0, 1, 0], [], []>, transpose_lhs_hint = false} : vector<3x32768xf32>, vector<1x32768xf32>, vector<3x1xf32> -> vector<3x1xf32>
    %slice3A_1461 = vector.extract_strided_slice %get3A_3 {offsets = [0, 0], sizes = [1, 32768], strides = [1, 1]} : vector<3x32768xf32> to vector<1x32768xf32>
    %slice3A_1462 = vector.extract_strided_slice %dot_general3A_1460 {offsets = [0, 0], sizes = [1, 1], strides = [1, 1]} : vector<3x1xf32> to vector<1x1xf32>
    %sub3A_1463 = vector.broadcast %slice3A_1462 : vector<1x1xf32> to vector<1x32768xf32>
    %sub3A_1464 = arith.subf %slice3A_1461, %sub3A_1463 : vector<1x32768xf32>
    %integer_pow3A_1465 = arith.mulf %sub3A_1464, %sub3A_1464 : vector<1x32768xf32>
    %slice3A_1466 = vector.extract_strided_slice %get3A_3 {offsets = [1, 0], sizes = [1, 32768], strides = [1, 1]} : vector<3x32768xf32> to vector<1x32768xf32>
    %slice3A_1467 = vector.extract_strided_slice %dot_general3A_1460 {offsets = [1, 0], sizes = [1, 1], strides = [1, 1]} : vector<3x1xf32> to vector<1x1xf32>
    %sub3A_1468 = vector.broadcast %slice3A_1467 : vector<1x1xf32> to vector<1x32768xf32>
    %sub3A_1469 = arith.subf %slice3A_1466, %sub3A_1468 : vector<1x32768xf32>
    %integer_pow3A_1470 = arith.mulf %sub3A_1469, %sub3A_1469 : vector<1x32768xf32>
    %add3A_1471 = arith.addf %integer_pow3A_1465, %integer_pow3A_1470 : vector<1x32768xf32>
    %slice3A_1472 = vector.extract_strided_slice %get3A_3 {offsets = [2, 0], sizes = [1, 32768], strides = [1, 1]} : vector<3x32768xf32> to vector<1x32768xf32>
    %slice3A_1473 = vector.extract_strided_slice %dot_general3A_1460 {offsets = [2, 0], sizes = [1, 1], strides = [1, 1]} : vector<3x1xf32> to vector<1x1xf32>
    %sub3A_1474 = vector.broadcast %slice3A_1473 : vector<1x1xf32> to vector<1x32768xf32>
    %sub3A_1475 = arith.subf %slice3A_1472, %sub3A_1474 : vector<1x32768xf32>
    %integer_pow3A_1476 = arith.mulf %sub3A_1475, %sub3A_1475 : vector<1x32768xf32>
    %add3A_1477 = arith.addf %add3A_1471, %integer_pow3A_1476 : vector<1x32768xf32>
    %min3A_1478 = arith.minimumf %min3A_1434, %add3A_1477 : vector<1x32768xf32>
    %reduce_max3A_1479 = vector.shape_cast %min3A_1478 : vector<1x32768xf32> to vector<1x1x32768xf32>
    %reduce_max3A_1480 = arith.constant dense<0xFF800000> : vector<1xf32>
    %reduce_max3A_1481 = vector.multi_reduction <maximumf>, %reduce_max3A_1479, %reduce_max3A_1480 [1, 2] : vector<1x1x32768xf32> to vector<1xf32>
    %reduce_max3A_1482 = vector.shape_cast %reduce_max3A_1481 : vector<1xf32> to vector<1x1x1xf32>
    %reduce_max3A_1483 = vector.extract %reduce_max3A_1482[0, 0, 0] : f32 from vector<1x1x1xf32>
    %eq3A_1484 = vector.broadcast %reduce_max3A_1483 : f32 to vector<1x32768xf32>
    %eq3A_1485 = arith.cmpf oeq, %min3A_1478, %eq3A_1484 : vector<1x32768xf32>
    %jit3A_1486 = arith.constant 32768 : i32
    %broadcast_in_dim3A_1487 = vector.broadcast %jit3A_1486 : i32 to vector<1x32768xi32>
    %select_n3A_1488 = arith.select %eq3A_1485, %iota3A, %broadcast_in_dim3A_1487 : vector<1x32768xi1>, vector<1x32768xi32>
    %reduce_min3A_1489 = vector.shape_cast %select_n3A_1488 : vector<1x32768xi32> to vector<1x1x32768xi32>
    %reduce_min3A_1490 = arith.constant dense<2147483647> : vector<1xi32>
    %reduce_min3A_1491 = vector.multi_reduction <minsi>, %reduce_min3A_1489, %reduce_min3A_1490 [1, 2] : vector<1x1x32768xi32> to vector<1xi32>
    %reduce_min3A_1492 = vector.shape_cast %reduce_min3A_1491 : vector<1xi32> to vector<1x1x1xi32>
    %reduce_min3A_1493 = vector.extract %reduce_min3A_1492[0, 0, 0] : i32 from vector<1x1x1xi32>
    %eq3A_1494 = arith.constant 34 : i32
    %eq3A_1495 = vector.broadcast %eq3A_1494 : i32 to vector<1x36xi32>
    %eq3A_1496 = arith.cmpi eq, %iota3A_4, %eq3A_1495 : vector<1x36xi32>
    %broadcast_in_dim3A_1497 = vector.broadcast %reduce_min3A_1493 : i32 to vector<1x36xi32>
    %select_n3A_1498 = arith.select %eq3A_1496, %broadcast_in_dim3A_1497, %select_n3A_1454 : vector<1x36xi1>, vector<1x36xi32>
    %eq3A_1499 = vector.broadcast %reduce_min3A_1493 : i32 to vector<1x32768xi32>
    %eq3A_1500 = arith.cmpi eq, %iota3A, %eq3A_1499 : vector<1x32768xi32>
    %convert_element_type3A_1501 = arith.extui %eq3A_1500 : vector<1x32768xi1> to vector<1x32768xi32>
    %convert_element_type3A_1502 = arith.sitofp %convert_element_type3A_1501 : vector<1x32768xi32> to vector<1x32768xf32>
    %dot_general3A_1503 = arith.constant dense<0.000000e+00> : vector<3x1xf32>
    %dot_general3A_1504 = tpu.matmul %get3A_3, %convert_element_type3A_1502, %dot_general3A_1503 {dimension_numbers = #tpu.dot_dimension_numbers<[1], [1], [0], [0], [0, 0, 1, 0], [], []>, transpose_lhs_hint = false} : vector<3x32768xf32>, vector<1x32768xf32>, vector<3x1xf32> -> vector<3x1xf32>
    %slice3A_1505 = vector.extract_strided_slice %get3A_3 {offsets = [0, 0], sizes = [1, 32768], strides = [1, 1]} : vector<3x32768xf32> to vector<1x32768xf32>
    %slice3A_1506 = vector.extract_strided_slice %dot_general3A_1504 {offsets = [0, 0], sizes = [1, 1], strides = [1, 1]} : vector<3x1xf32> to vector<1x1xf32>
    %sub3A_1507 = vector.broadcast %slice3A_1506 : vector<1x1xf32> to vector<1x32768xf32>
    %sub3A_1508 = arith.subf %slice3A_1505, %sub3A_1507 : vector<1x32768xf32>
    %integer_pow3A_1509 = arith.mulf %sub3A_1508, %sub3A_1508 : vector<1x32768xf32>
    %slice3A_1510 = vector.extract_strided_slice %get3A_3 {offsets = [1, 0], sizes = [1, 32768], strides = [1, 1]} : vector<3x32768xf32> to vector<1x32768xf32>
    %slice3A_1511 = vector.extract_strided_slice %dot_general3A_1504 {offsets = [1, 0], sizes = [1, 1], strides = [1, 1]} : vector<3x1xf32> to vector<1x1xf32>
    %sub3A_1512 = vector.broadcast %slice3A_1511 : vector<1x1xf32> to vector<1x32768xf32>
    %sub3A_1513 = arith.subf %slice3A_1510, %sub3A_1512 : vector<1x32768xf32>
    %integer_pow3A_1514 = arith.mulf %sub3A_1513, %sub3A_1513 : vector<1x32768xf32>
    %add3A_1515 = arith.addf %integer_pow3A_1509, %integer_pow3A_1514 : vector<1x32768xf32>
    %slice3A_1516 = vector.extract_strided_slice %get3A_3 {offsets = [2, 0], sizes = [1, 32768], strides = [1, 1]} : vector<3x32768xf32> to vector<1x32768xf32>
    %slice3A_1517 = vector.extract_strided_slice %dot_general3A_1504 {offsets = [2, 0], sizes = [1, 1], strides = [1, 1]} : vector<3x1xf32> to vector<1x1xf32>
    %sub3A_1518 = vector.broadcast %slice3A_1517 : vector<1x1xf32> to vector<1x32768xf32>
    %sub3A_1519 = arith.subf %slice3A_1516, %sub3A_1518 : vector<1x32768xf32>
    %integer_pow3A_1520 = arith.mulf %sub3A_1519, %sub3A_1519 : vector<1x32768xf32>
    %add3A_1521 = arith.addf %add3A_1515, %integer_pow3A_1520 : vector<1x32768xf32>
    %min3A_1522 = arith.minimumf %min3A_1478, %add3A_1521 : vector<1x32768xf32>
    %reduce_max3A_1523 = vector.shape_cast %min3A_1522 : vector<1x32768xf32> to vector<1x1x32768xf32>
    %reduce_max3A_1524 = arith.constant dense<0xFF800000> : vector<1xf32>
    %reduce_max3A_1525 = vector.multi_reduction <maximumf>, %reduce_max3A_1523, %reduce_max3A_1524 [1, 2] : vector<1x1x32768xf32> to vector<1xf32>
    %reduce_max3A_1526 = vector.shape_cast %reduce_max3A_1525 : vector<1xf32> to vector<1x1x1xf32>
    %reduce_max3A_1527 = vector.extract %reduce_max3A_1526[0, 0, 0] : f32 from vector<1x1x1xf32>
    %eq3A_1528 = vector.broadcast %reduce_max3A_1527 : f32 to vector<1x32768xf32>
    %eq3A_1529 = arith.cmpf oeq, %min3A_1522, %eq3A_1528 : vector<1x32768xf32>
    %jit3A_1530 = arith.constant 32768 : i32
    %broadcast_in_dim3A_1531 = vector.broadcast %jit3A_1530 : i32 to vector<1x32768xi32>
    %select_n3A_1532 = arith.select %eq3A_1529, %iota3A, %broadcast_in_dim3A_1531 : vector<1x32768xi1>, vector<1x32768xi32>
    %reduce_min3A_1533 = vector.shape_cast %select_n3A_1532 : vector<1x32768xi32> to vector<1x1x32768xi32>
    %reduce_min3A_1534 = arith.constant dense<2147483647> : vector<1xi32>
    %reduce_min3A_1535 = vector.multi_reduction <minsi>, %reduce_min3A_1533, %reduce_min3A_1534 [1, 2] : vector<1x1x32768xi32> to vector<1xi32>
    %reduce_min3A_1536 = vector.shape_cast %reduce_min3A_1535 : vector<1xi32> to vector<1x1x1xi32>
    %reduce_min3A_1537 = vector.extract %reduce_min3A_1536[0, 0, 0] : i32 from vector<1x1x1xi32>
    %eq3A_1538 = arith.constant 35 : i32
    %eq3A_1539 = vector.broadcast %eq3A_1538 : i32 to vector<1x36xi32>
    %eq3A_1540 = arith.cmpi eq, %iota3A_4, %eq3A_1539 : vector<1x36xi32>
    %broadcast_in_dim3A_1541 = vector.broadcast %reduce_min3A_1537 : i32 to vector<1x36xi32>
    %select_n3A_1542 = arith.select %eq3A_1540, %broadcast_in_dim3A_1541, %select_n3A_1498 : vector<1x36xi1>, vector<1x36xi32>
    %swap3A = arith.constant 0 : index
    %swap3A_1543 = arith.constant 0 : index
    %swap3A_1544 = arith.constant 0 : index
    %swap3A_1545 = vector.load %arg2[%swap3A, %swap3A_1543, %swap3A_1544] : memref<1x1x36xi32, #tpu.memory_space<vmem>>, vector<1x1x36xi32>
    %swap3A_1546 = vector.shape_cast %swap3A_1545 : vector<1x1x36xi32> to vector<1x36xi32>
    %swap3A_1547 = vector.shape_cast %select_n3A_1542 : vector<1x36xi32> to vector<1x1x36xi32>
    tpu.vector_store %arg2[%swap3A, %swap3A_1543, %swap3A_1544], %swap3A_1547 {strides = array<i32>} : memref<1x1x36xi32, #tpu.memory_space<vmem>>, vector<1x1x36xi32>,
    return
  }
  func.func @transform_0(%arg0: i32) -> (i32, i32, i32) {
    %c0_i32 = arith.constant 0 : i32
    %c0_i32_0 = arith.constant 0 : i32
    %c0_i32_1 = arith.constant 0 : i32
    return %arg0, %c0_i32, %c0_i32_0 : i32, i32, i32
  }
  func.func @transform_1(%arg0: i32) -> (i32, i32, i32) {
    %c0_i32 = arith.constant 0 : i32
    %c0_i32_0 = arith.constant 0 : i32
    %c0_i32_1 = arith.constant 0 : i32
    return %arg0, %c0_i32, %c0_i32_0 : i32, i32, i32
  }
}

module attributes {stable_mosaic.version = 14 : i64} {
  func.func @_ballq_kernel(%arg0: i32, %arg1: i32, %arg2: memref<1x1x1xf32, #tpu.memory_space<vmem>>, %arg3: memref<1x3x32768xf32, #tpu.memory_space<vmem>>, %arg4: memref<1x36x3xf32, #tpu.memory_space<vmem>>, %arg5: memref<1x1x36x36xi32, #tpu.memory_space<vmem>>) attributes {dimension_semantics = [#tpu.dimension_semantics<arbitrary>, #tpu.dimension_semantics<arbitrary>], iteration_bounds = array<i64: 8, 3>, scalar_prefetch = 0 : i64, scratch_operands = 0 : i64, tpu.core_type = #tpu.core_type<tc>, window_params = [{transform_indices = @transform_0, window_bounds = array<i64: 1, 1, 1>}, {transform_indices = @transform_1, window_bounds = array<i64: 1, 3, 32768>}, {transform_indices = @transform_2, window_bounds = array<i64: 1, 36, 3>}, {transform_indices = @transform_3, window_bounds = array<i64: 1, 1, 36, 36>}]} {
    %get3A = arith.constant 0 : index
    %get3A_0 = arith.constant 0 : index
    %get3A_1 = arith.constant 0 : index
    %get3A_2 = vector.load %arg2[%get3A, %get3A_0, %get3A_1] : memref<1x1x1xf32, #tpu.memory_space<vmem>>, vector<1x1x1xf32>
    %get3A_3 = vector.extract %get3A_2[0, 0, 0] : f32 from vector<1x1x1xf32>
    %get3A_4 = arith.constant 0 : index
    %get3A_5 = arith.constant 0 : index
    %get3A_6 = arith.constant 0 : index
    %get3A_7 = vector.load %arg3[%get3A_4, %get3A_5, %get3A_6] : memref<1x3x32768xf32, #tpu.memory_space<vmem>>, vector<1x3x32768xf32>
    %get3A_8 = vector.shape_cast %get3A_7 : vector<1x3x32768xf32> to vector<3x32768xf32>
    %get3A_9 = arith.constant 0 : index
    %get3A_10 = arith.constant 0 : index
    %get3A_11 = arith.constant 0 : index
    %get3A_12 = vector.load %arg4[%get3A_9, %get3A_10, %get3A_11] : memref<1x36x3xf32, #tpu.memory_space<vmem>>, vector<1x36x3xf32>
    %get3A_13 = vector.shape_cast %get3A_12 : vector<1x36x3xf32> to vector<36x3xf32>
    %mul3A = arith.mulf %get3A_8, %get3A_8 : vector<3x32768xf32>
    %reduce_sum3A = arith.constant dense<0.000000e+00> : vector<32768xf32>
    %reduce_sum3A_14 = vector.multi_reduction <add>, %mul3A, %reduce_sum3A [0] : vector<3x32768xf32> to vector<32768xf32>
    %broadcast_in_dim3A = vector.shape_cast %reduce_sum3A_14 : vector<32768xf32> to vector<1x32768xf32>
    %mul3A_15 = arith.mulf %get3A_13, %get3A_13 : vector<36x3xf32>
    %reduce_sum3A_16 = arith.constant dense<0.000000e+00> : vector<36xf32>
    %reduce_sum3A_17 = vector.multi_reduction <add>, %mul3A_15, %reduce_sum3A_16 [1] : vector<36x3xf32> to vector<36xf32>
    %broadcast_in_dim3A_18 = vector.shape_cast %reduce_sum3A_17 : vector<36xf32> to vector<36x1xf32>
    %dot_general3A = arith.constant dense<0.000000e+00> : vector<36x32768xf32>
    %dot_general3A_19 = tpu.matmul %get3A_13, %get3A_8, %dot_general3A {dimension_numbers = #tpu.dot_dimension_numbers<[1], [0], [0], [1], [0, 0, 1, 1], [], []>, transpose_lhs_hint = false} : vector<36x3xf32>, vector<3x32768xf32>, vector<36x32768xf32> -> vector<36x32768xf32>
    %add3A = vector.broadcast %broadcast_in_dim3A_18 : vector<36x1xf32> to vector<36x32768xf32>
    %add3A_20 = vector.broadcast %broadcast_in_dim3A : vector<1x32768xf32> to vector<36x32768xf32>
    %add3A_21 = arith.addf %add3A, %add3A_20 : vector<36x32768xf32>
    %mul3A_22 = arith.constant 2.000000e+00 : f32
    %mul3A_23 = vector.broadcast %mul3A_22 : f32 to vector<36x32768xf32>
    %mul3A_24 = arith.mulf %mul3A_23, %dot_general3A_19 : vector<36x32768xf32>
    %sub3A = arith.subf %add3A_21, %mul3A_24 : vector<36x32768xf32>
    %iota3A = tpu.iota {dimensions = array<i32: 1>} : vector<36x32768xi32>
    %le3A = vector.broadcast %get3A_3 : f32 to vector<36x32768xf32>
    %le3A_25 = arith.cmpf ole, %sub3A, %le3A : vector<36x32768xf32>
    %jit3A = arith.constant 32768 : i32
    %broadcast_in_dim3A_26 = vector.broadcast %jit3A : i32 to vector<36x32768xi32>
    %select_n3A = arith.select %le3A_25, %iota3A, %broadcast_in_dim3A_26 : vector<36x32768xi1>, vector<36x32768xi32>
    %reduce_min3A = arith.constant dense<2147483647> : vector<36xi32>
    %reduce_min3A_27 = vector.multi_reduction <minsi>, %select_n3A, %reduce_min3A [1] : vector<36x32768xi32> to vector<36xi32>
    %broadcast_in_dim3A_28 = vector.shape_cast %reduce_min3A_27 : vector<36xi32> to vector<36x1xi32>
    %eq3A = vector.broadcast %broadcast_in_dim3A_28 : vector<36x1xi32> to vector<36x32768xi32>
    %eq3A_29 = arith.cmpi eq, %select_n3A, %eq3A : vector<36x32768xi32>
    %jit3A_30 = arith.constant 32768 : i32
    %broadcast_in_dim3A_31 = vector.broadcast %jit3A_30 : i32 to vector<36x32768xi32>
    %select_n3A_32 = arith.select %eq3A_29, %broadcast_in_dim3A_31, %select_n3A : vector<36x32768xi1>, vector<36x32768xi32>
    %reduce_min3A_33 = arith.constant dense<2147483647> : vector<36xi32>
    %reduce_min3A_34 = vector.multi_reduction <minsi>, %select_n3A_32, %reduce_min3A_33 [1] : vector<36x32768xi32> to vector<36xi32>
    %broadcast_in_dim3A_35 = vector.shape_cast %reduce_min3A_34 : vector<36xi32> to vector<36x1xi32>
    %eq3A_36 = vector.broadcast %broadcast_in_dim3A_35 : vector<36x1xi32> to vector<36x32768xi32>
    %eq3A_37 = arith.cmpi eq, %select_n3A_32, %eq3A_36 : vector<36x32768xi32>
    %jit3A_38 = arith.constant 32768 : i32
    %broadcast_in_dim3A_39 = vector.broadcast %jit3A_38 : i32 to vector<36x32768xi32>
    %select_n3A_40 = arith.select %eq3A_37, %broadcast_in_dim3A_39, %select_n3A_32 : vector<36x32768xi1>, vector<36x32768xi32>
    %reduce_min3A_41 = arith.constant dense<2147483647> : vector<36xi32>
    %reduce_min3A_42 = vector.multi_reduction <minsi>, %select_n3A_40, %reduce_min3A_41 [1] : vector<36x32768xi32> to vector<36xi32>
    %broadcast_in_dim3A_43 = vector.shape_cast %reduce_min3A_42 : vector<36xi32> to vector<36x1xi32>
    %eq3A_44 = vector.broadcast %broadcast_in_dim3A_43 : vector<36x1xi32> to vector<36x32768xi32>
    %eq3A_45 = arith.cmpi eq, %select_n3A_40, %eq3A_44 : vector<36x32768xi32>
    %jit3A_46 = arith.constant 32768 : i32
    %broadcast_in_dim3A_47 = vector.broadcast %jit3A_46 : i32 to vector<36x32768xi32>
    %select_n3A_48 = arith.select %eq3A_45, %broadcast_in_dim3A_47, %select_n3A_40 : vector<36x32768xi1>, vector<36x32768xi32>
    %reduce_min3A_49 = arith.constant dense<2147483647> : vector<36xi32>
    %reduce_min3A_50 = vector.multi_reduction <minsi>, %select_n3A_48, %reduce_min3A_49 [1] : vector<36x32768xi32> to vector<36xi32>
    %broadcast_in_dim3A_51 = vector.shape_cast %reduce_min3A_50 : vector<36xi32> to vector<36x1xi32>
    %eq3A_52 = vector.broadcast %broadcast_in_dim3A_51 : vector<36x1xi32> to vector<36x32768xi32>
    %eq3A_53 = arith.cmpi eq, %select_n3A_48, %eq3A_52 : vector<36x32768xi32>
    %jit3A_54 = arith.constant 32768 : i32
    %broadcast_in_dim3A_55 = vector.broadcast %jit3A_54 : i32 to vector<36x32768xi32>
    %select_n3A_56 = arith.select %eq3A_53, %broadcast_in_dim3A_55, %select_n3A_48 : vector<36x32768xi1>, vector<36x32768xi32>
    %reduce_min3A_57 = arith.constant dense<2147483647> : vector<36xi32>
    %reduce_min3A_58 = vector.multi_reduction <minsi>, %select_n3A_56, %reduce_min3A_57 [1] : vector<36x32768xi32> to vector<36xi32>
    %broadcast_in_dim3A_59 = vector.shape_cast %reduce_min3A_58 : vector<36xi32> to vector<36x1xi32>
    %eq3A_60 = vector.broadcast %broadcast_in_dim3A_59 : vector<36x1xi32> to vector<36x32768xi32>
    %eq3A_61 = arith.cmpi eq, %select_n3A_56, %eq3A_60 : vector<36x32768xi32>
    %jit3A_62 = arith.constant 32768 : i32
    %broadcast_in_dim3A_63 = vector.broadcast %jit3A_62 : i32 to vector<36x32768xi32>
    %select_n3A_64 = arith.select %eq3A_61, %broadcast_in_dim3A_63, %select_n3A_56 : vector<36x32768xi1>, vector<36x32768xi32>
    %reduce_min3A_65 = arith.constant dense<2147483647> : vector<36xi32>
    %reduce_min3A_66 = vector.multi_reduction <minsi>, %select_n3A_64, %reduce_min3A_65 [1] : vector<36x32768xi32> to vector<36xi32>
    %broadcast_in_dim3A_67 = vector.shape_cast %reduce_min3A_66 : vector<36xi32> to vector<36x1xi32>
    %eq3A_68 = vector.broadcast %broadcast_in_dim3A_67 : vector<36x1xi32> to vector<36x32768xi32>
    %eq3A_69 = arith.cmpi eq, %select_n3A_64, %eq3A_68 : vector<36x32768xi32>
    %jit3A_70 = arith.constant 32768 : i32
    %broadcast_in_dim3A_71 = vector.broadcast %jit3A_70 : i32 to vector<36x32768xi32>
    %select_n3A_72 = arith.select %eq3A_69, %broadcast_in_dim3A_71, %select_n3A_64 : vector<36x32768xi1>, vector<36x32768xi32>
    %reduce_min3A_73 = arith.constant dense<2147483647> : vector<36xi32>
    %reduce_min3A_74 = vector.multi_reduction <minsi>, %select_n3A_72, %reduce_min3A_73 [1] : vector<36x32768xi32> to vector<36xi32>
    %broadcast_in_dim3A_75 = vector.shape_cast %reduce_min3A_74 : vector<36xi32> to vector<36x1xi32>
    %eq3A_76 = vector.broadcast %broadcast_in_dim3A_75 : vector<36x1xi32> to vector<36x32768xi32>
    %eq3A_77 = arith.cmpi eq, %select_n3A_72, %eq3A_76 : vector<36x32768xi32>
    %jit3A_78 = arith.constant 32768 : i32
    %broadcast_in_dim3A_79 = vector.broadcast %jit3A_78 : i32 to vector<36x32768xi32>
    %select_n3A_80 = arith.select %eq3A_77, %broadcast_in_dim3A_79, %select_n3A_72 : vector<36x32768xi1>, vector<36x32768xi32>
    %reduce_min3A_81 = arith.constant dense<2147483647> : vector<36xi32>
    %reduce_min3A_82 = vector.multi_reduction <minsi>, %select_n3A_80, %reduce_min3A_81 [1] : vector<36x32768xi32> to vector<36xi32>
    %broadcast_in_dim3A_83 = vector.shape_cast %reduce_min3A_82 : vector<36xi32> to vector<36x1xi32>
    %eq3A_84 = vector.broadcast %broadcast_in_dim3A_83 : vector<36x1xi32> to vector<36x32768xi32>
    %eq3A_85 = arith.cmpi eq, %select_n3A_80, %eq3A_84 : vector<36x32768xi32>
    %jit3A_86 = arith.constant 32768 : i32
    %broadcast_in_dim3A_87 = vector.broadcast %jit3A_86 : i32 to vector<36x32768xi32>
    %select_n3A_88 = arith.select %eq3A_85, %broadcast_in_dim3A_87, %select_n3A_80 : vector<36x32768xi1>, vector<36x32768xi32>
    %reduce_min3A_89 = arith.constant dense<2147483647> : vector<36xi32>
    %reduce_min3A_90 = vector.multi_reduction <minsi>, %select_n3A_88, %reduce_min3A_89 [1] : vector<36x32768xi32> to vector<36xi32>
    %broadcast_in_dim3A_91 = vector.shape_cast %reduce_min3A_90 : vector<36xi32> to vector<36x1xi32>
    %eq3A_92 = vector.broadcast %broadcast_in_dim3A_91 : vector<36x1xi32> to vector<36x32768xi32>
    %eq3A_93 = arith.cmpi eq, %select_n3A_88, %eq3A_92 : vector<36x32768xi32>
    %jit3A_94 = arith.constant 32768 : i32
    %broadcast_in_dim3A_95 = vector.broadcast %jit3A_94 : i32 to vector<36x32768xi32>
    %select_n3A_96 = arith.select %eq3A_93, %broadcast_in_dim3A_95, %select_n3A_88 : vector<36x32768xi1>, vector<36x32768xi32>
    %reduce_min3A_97 = arith.constant dense<2147483647> : vector<36xi32>
    %reduce_min3A_98 = vector.multi_reduction <minsi>, %select_n3A_96, %reduce_min3A_97 [1] : vector<36x32768xi32> to vector<36xi32>
    %broadcast_in_dim3A_99 = vector.shape_cast %reduce_min3A_98 : vector<36xi32> to vector<36x1xi32>
    %eq3A_100 = vector.broadcast %broadcast_in_dim3A_99 : vector<36x1xi32> to vector<36x32768xi32>
    %eq3A_101 = arith.cmpi eq, %select_n3A_96, %eq3A_100 : vector<36x32768xi32>
    %jit3A_102 = arith.constant 32768 : i32
    %broadcast_in_dim3A_103 = vector.broadcast %jit3A_102 : i32 to vector<36x32768xi32>
    %select_n3A_104 = arith.select %eq3A_101, %broadcast_in_dim3A_103, %select_n3A_96 : vector<36x32768xi1>, vector<36x32768xi32>
    %reduce_min3A_105 = arith.constant dense<2147483647> : vector<36xi32>
    %reduce_min3A_106 = vector.multi_reduction <minsi>, %select_n3A_104, %reduce_min3A_105 [1] : vector<36x32768xi32> to vector<36xi32>
    %broadcast_in_dim3A_107 = vector.shape_cast %reduce_min3A_106 : vector<36xi32> to vector<36x1xi32>
    %eq3A_108 = vector.broadcast %broadcast_in_dim3A_107 : vector<36x1xi32> to vector<36x32768xi32>
    %eq3A_109 = arith.cmpi eq, %select_n3A_104, %eq3A_108 : vector<36x32768xi32>
    %jit3A_110 = arith.constant 32768 : i32
    %broadcast_in_dim3A_111 = vector.broadcast %jit3A_110 : i32 to vector<36x32768xi32>
    %select_n3A_112 = arith.select %eq3A_109, %broadcast_in_dim3A_111, %select_n3A_104 : vector<36x32768xi1>, vector<36x32768xi32>
    %reduce_min3A_113 = arith.constant dense<2147483647> : vector<36xi32>
    %reduce_min3A_114 = vector.multi_reduction <minsi>, %select_n3A_112, %reduce_min3A_113 [1] : vector<36x32768xi32> to vector<36xi32>
    %broadcast_in_dim3A_115 = vector.shape_cast %reduce_min3A_114 : vector<36xi32> to vector<36x1xi32>
    %eq3A_116 = vector.broadcast %broadcast_in_dim3A_115 : vector<36x1xi32> to vector<36x32768xi32>
    %eq3A_117 = arith.cmpi eq, %select_n3A_112, %eq3A_116 : vector<36x32768xi32>
    %jit3A_118 = arith.constant 32768 : i32
    %broadcast_in_dim3A_119 = vector.broadcast %jit3A_118 : i32 to vector<36x32768xi32>
    %select_n3A_120 = arith.select %eq3A_117, %broadcast_in_dim3A_119, %select_n3A_112 : vector<36x32768xi1>, vector<36x32768xi32>
    %reduce_min3A_121 = arith.constant dense<2147483647> : vector<36xi32>
    %reduce_min3A_122 = vector.multi_reduction <minsi>, %select_n3A_120, %reduce_min3A_121 [1] : vector<36x32768xi32> to vector<36xi32>
    %broadcast_in_dim3A_123 = vector.shape_cast %reduce_min3A_122 : vector<36xi32> to vector<36x1xi32>
    %eq3A_124 = vector.broadcast %broadcast_in_dim3A_123 : vector<36x1xi32> to vector<36x32768xi32>
    %eq3A_125 = arith.cmpi eq, %select_n3A_120, %eq3A_124 : vector<36x32768xi32>
    %jit3A_126 = arith.constant 32768 : i32
    %broadcast_in_dim3A_127 = vector.broadcast %jit3A_126 : i32 to vector<36x32768xi32>
    %select_n3A_128 = arith.select %eq3A_125, %broadcast_in_dim3A_127, %select_n3A_120 : vector<36x32768xi1>, vector<36x32768xi32>
    %reduce_min3A_129 = arith.constant dense<2147483647> : vector<36xi32>
    %reduce_min3A_130 = vector.multi_reduction <minsi>, %select_n3A_128, %reduce_min3A_129 [1] : vector<36x32768xi32> to vector<36xi32>
    %broadcast_in_dim3A_131 = vector.shape_cast %reduce_min3A_130 : vector<36xi32> to vector<36x1xi32>
    %eq3A_132 = vector.broadcast %broadcast_in_dim3A_131 : vector<36x1xi32> to vector<36x32768xi32>
    %eq3A_133 = arith.cmpi eq, %select_n3A_128, %eq3A_132 : vector<36x32768xi32>
    %jit3A_134 = arith.constant 32768 : i32
    %broadcast_in_dim3A_135 = vector.broadcast %jit3A_134 : i32 to vector<36x32768xi32>
    %select_n3A_136 = arith.select %eq3A_133, %broadcast_in_dim3A_135, %select_n3A_128 : vector<36x32768xi1>, vector<36x32768xi32>
    %reduce_min3A_137 = arith.constant dense<2147483647> : vector<36xi32>
    %reduce_min3A_138 = vector.multi_reduction <minsi>, %select_n3A_136, %reduce_min3A_137 [1] : vector<36x32768xi32> to vector<36xi32>
    %broadcast_in_dim3A_139 = vector.shape_cast %reduce_min3A_138 : vector<36xi32> to vector<36x1xi32>
    %eq3A_140 = vector.broadcast %broadcast_in_dim3A_139 : vector<36x1xi32> to vector<36x32768xi32>
    %eq3A_141 = arith.cmpi eq, %select_n3A_136, %eq3A_140 : vector<36x32768xi32>
    %jit3A_142 = arith.constant 32768 : i32
    %broadcast_in_dim3A_143 = vector.broadcast %jit3A_142 : i32 to vector<36x32768xi32>
    %select_n3A_144 = arith.select %eq3A_141, %broadcast_in_dim3A_143, %select_n3A_136 : vector<36x32768xi1>, vector<36x32768xi32>
    %reduce_min3A_145 = arith.constant dense<2147483647> : vector<36xi32>
    %reduce_min3A_146 = vector.multi_reduction <minsi>, %select_n3A_144, %reduce_min3A_145 [1] : vector<36x32768xi32> to vector<36xi32>
    %broadcast_in_dim3A_147 = vector.shape_cast %reduce_min3A_146 : vector<36xi32> to vector<36x1xi32>
    %eq3A_148 = vector.broadcast %broadcast_in_dim3A_147 : vector<36x1xi32> to vector<36x32768xi32>
    %eq3A_149 = arith.cmpi eq, %select_n3A_144, %eq3A_148 : vector<36x32768xi32>
    %jit3A_150 = arith.constant 32768 : i32
    %broadcast_in_dim3A_151 = vector.broadcast %jit3A_150 : i32 to vector<36x32768xi32>
    %select_n3A_152 = arith.select %eq3A_149, %broadcast_in_dim3A_151, %select_n3A_144 : vector<36x32768xi1>, vector<36x32768xi32>
    %reduce_min3A_153 = arith.constant dense<2147483647> : vector<36xi32>
    %reduce_min3A_154 = vector.multi_reduction <minsi>, %select_n3A_152, %reduce_min3A_153 [1] : vector<36x32768xi32> to vector<36xi32>
    %broadcast_in_dim3A_155 = vector.shape_cast %reduce_min3A_154 : vector<36xi32> to vector<36x1xi32>
    %eq3A_156 = vector.broadcast %broadcast_in_dim3A_155 : vector<36x1xi32> to vector<36x32768xi32>
    %eq3A_157 = arith.cmpi eq, %select_n3A_152, %eq3A_156 : vector<36x32768xi32>
    %jit3A_158 = arith.constant 32768 : i32
    %broadcast_in_dim3A_159 = vector.broadcast %jit3A_158 : i32 to vector<36x32768xi32>
    %select_n3A_160 = arith.select %eq3A_157, %broadcast_in_dim3A_159, %select_n3A_152 : vector<36x32768xi1>, vector<36x32768xi32>
    %reduce_min3A_161 = arith.constant dense<2147483647> : vector<36xi32>
    %reduce_min3A_162 = vector.multi_reduction <minsi>, %select_n3A_160, %reduce_min3A_161 [1] : vector<36x32768xi32> to vector<36xi32>
    %broadcast_in_dim3A_163 = vector.shape_cast %reduce_min3A_162 : vector<36xi32> to vector<36x1xi32>
    %eq3A_164 = vector.broadcast %broadcast_in_dim3A_163 : vector<36x1xi32> to vector<36x32768xi32>
    %eq3A_165 = arith.cmpi eq, %select_n3A_160, %eq3A_164 : vector<36x32768xi32>
    %jit3A_166 = arith.constant 32768 : i32
    %broadcast_in_dim3A_167 = vector.broadcast %jit3A_166 : i32 to vector<36x32768xi32>
    %select_n3A_168 = arith.select %eq3A_165, %broadcast_in_dim3A_167, %select_n3A_160 : vector<36x32768xi1>, vector<36x32768xi32>
    %reduce_min3A_169 = arith.constant dense<2147483647> : vector<36xi32>
    %reduce_min3A_170 = vector.multi_reduction <minsi>, %select_n3A_168, %reduce_min3A_169 [1] : vector<36x32768xi32> to vector<36xi32>
    %broadcast_in_dim3A_171 = vector.shape_cast %reduce_min3A_170 : vector<36xi32> to vector<36x1xi32>
    %eq3A_172 = vector.broadcast %broadcast_in_dim3A_171 : vector<36x1xi32> to vector<36x32768xi32>
    %eq3A_173 = arith.cmpi eq, %select_n3A_168, %eq3A_172 : vector<36x32768xi32>
    %jit3A_174 = arith.constant 32768 : i32
    %broadcast_in_dim3A_175 = vector.broadcast %jit3A_174 : i32 to vector<36x32768xi32>
    %select_n3A_176 = arith.select %eq3A_173, %broadcast_in_dim3A_175, %select_n3A_168 : vector<36x32768xi1>, vector<36x32768xi32>
    %reduce_min3A_177 = arith.constant dense<2147483647> : vector<36xi32>
    %reduce_min3A_178 = vector.multi_reduction <minsi>, %select_n3A_176, %reduce_min3A_177 [1] : vector<36x32768xi32> to vector<36xi32>
    %broadcast_in_dim3A_179 = vector.shape_cast %reduce_min3A_178 : vector<36xi32> to vector<36x1xi32>
    %eq3A_180 = vector.broadcast %broadcast_in_dim3A_179 : vector<36x1xi32> to vector<36x32768xi32>
    %eq3A_181 = arith.cmpi eq, %select_n3A_176, %eq3A_180 : vector<36x32768xi32>
    %jit3A_182 = arith.constant 32768 : i32
    %broadcast_in_dim3A_183 = vector.broadcast %jit3A_182 : i32 to vector<36x32768xi32>
    %select_n3A_184 = arith.select %eq3A_181, %broadcast_in_dim3A_183, %select_n3A_176 : vector<36x32768xi1>, vector<36x32768xi32>
    %reduce_min3A_185 = arith.constant dense<2147483647> : vector<36xi32>
    %reduce_min3A_186 = vector.multi_reduction <minsi>, %select_n3A_184, %reduce_min3A_185 [1] : vector<36x32768xi32> to vector<36xi32>
    %broadcast_in_dim3A_187 = vector.shape_cast %reduce_min3A_186 : vector<36xi32> to vector<36x1xi32>
    %eq3A_188 = vector.broadcast %broadcast_in_dim3A_187 : vector<36x1xi32> to vector<36x32768xi32>
    %eq3A_189 = arith.cmpi eq, %select_n3A_184, %eq3A_188 : vector<36x32768xi32>
    %jit3A_190 = arith.constant 32768 : i32
    %broadcast_in_dim3A_191 = vector.broadcast %jit3A_190 : i32 to vector<36x32768xi32>
    %select_n3A_192 = arith.select %eq3A_189, %broadcast_in_dim3A_191, %select_n3A_184 : vector<36x32768xi1>, vector<36x32768xi32>
    %reduce_min3A_193 = arith.constant dense<2147483647> : vector<36xi32>
    %reduce_min3A_194 = vector.multi_reduction <minsi>, %select_n3A_192, %reduce_min3A_193 [1] : vector<36x32768xi32> to vector<36xi32>
    %broadcast_in_dim3A_195 = vector.shape_cast %reduce_min3A_194 : vector<36xi32> to vector<36x1xi32>
    %eq3A_196 = vector.broadcast %broadcast_in_dim3A_195 : vector<36x1xi32> to vector<36x32768xi32>
    %eq3A_197 = arith.cmpi eq, %select_n3A_192, %eq3A_196 : vector<36x32768xi32>
    %jit3A_198 = arith.constant 32768 : i32
    %broadcast_in_dim3A_199 = vector.broadcast %jit3A_198 : i32 to vector<36x32768xi32>
    %select_n3A_200 = arith.select %eq3A_197, %broadcast_in_dim3A_199, %select_n3A_192 : vector<36x32768xi1>, vector<36x32768xi32>
    %reduce_min3A_201 = arith.constant dense<2147483647> : vector<36xi32>
    %reduce_min3A_202 = vector.multi_reduction <minsi>, %select_n3A_200, %reduce_min3A_201 [1] : vector<36x32768xi32> to vector<36xi32>
    %broadcast_in_dim3A_203 = vector.shape_cast %reduce_min3A_202 : vector<36xi32> to vector<36x1xi32>
    %eq3A_204 = vector.broadcast %broadcast_in_dim3A_203 : vector<36x1xi32> to vector<36x32768xi32>
    %eq3A_205 = arith.cmpi eq, %select_n3A_200, %eq3A_204 : vector<36x32768xi32>
    %jit3A_206 = arith.constant 32768 : i32
    %broadcast_in_dim3A_207 = vector.broadcast %jit3A_206 : i32 to vector<36x32768xi32>
    %select_n3A_208 = arith.select %eq3A_205, %broadcast_in_dim3A_207, %select_n3A_200 : vector<36x32768xi1>, vector<36x32768xi32>
    %reduce_min3A_209 = arith.constant dense<2147483647> : vector<36xi32>
    %reduce_min3A_210 = vector.multi_reduction <minsi>, %select_n3A_208, %reduce_min3A_209 [1] : vector<36x32768xi32> to vector<36xi32>
    %broadcast_in_dim3A_211 = vector.shape_cast %reduce_min3A_210 : vector<36xi32> to vector<36x1xi32>
    %eq3A_212 = vector.broadcast %broadcast_in_dim3A_211 : vector<36x1xi32> to vector<36x32768xi32>
    %eq3A_213 = arith.cmpi eq, %select_n3A_208, %eq3A_212 : vector<36x32768xi32>
    %jit3A_214 = arith.constant 32768 : i32
    %broadcast_in_dim3A_215 = vector.broadcast %jit3A_214 : i32 to vector<36x32768xi32>
    %select_n3A_216 = arith.select %eq3A_213, %broadcast_in_dim3A_215, %select_n3A_208 : vector<36x32768xi1>, vector<36x32768xi32>
    %reduce_min3A_217 = arith.constant dense<2147483647> : vector<36xi32>
    %reduce_min3A_218 = vector.multi_reduction <minsi>, %select_n3A_216, %reduce_min3A_217 [1] : vector<36x32768xi32> to vector<36xi32>
    %broadcast_in_dim3A_219 = vector.shape_cast %reduce_min3A_218 : vector<36xi32> to vector<36x1xi32>
    %eq3A_220 = vector.broadcast %broadcast_in_dim3A_219 : vector<36x1xi32> to vector<36x32768xi32>
    %eq3A_221 = arith.cmpi eq, %select_n3A_216, %eq3A_220 : vector<36x32768xi32>
    %jit3A_222 = arith.constant 32768 : i32
    %broadcast_in_dim3A_223 = vector.broadcast %jit3A_222 : i32 to vector<36x32768xi32>
    %select_n3A_224 = arith.select %eq3A_221, %broadcast_in_dim3A_223, %select_n3A_216 : vector<36x32768xi1>, vector<36x32768xi32>
    %reduce_min3A_225 = arith.constant dense<2147483647> : vector<36xi32>
    %reduce_min3A_226 = vector.multi_reduction <minsi>, %select_n3A_224, %reduce_min3A_225 [1] : vector<36x32768xi32> to vector<36xi32>
    %broadcast_in_dim3A_227 = vector.shape_cast %reduce_min3A_226 : vector<36xi32> to vector<36x1xi32>
    %eq3A_228 = vector.broadcast %broadcast_in_dim3A_227 : vector<36x1xi32> to vector<36x32768xi32>
    %eq3A_229 = arith.cmpi eq, %select_n3A_224, %eq3A_228 : vector<36x32768xi32>
    %jit3A_230 = arith.constant 32768 : i32
    %broadcast_in_dim3A_231 = vector.broadcast %jit3A_230 : i32 to vector<36x32768xi32>
    %select_n3A_232 = arith.select %eq3A_229, %broadcast_in_dim3A_231, %select_n3A_224 : vector<36x32768xi1>, vector<36x32768xi32>
    %reduce_min3A_233 = arith.constant dense<2147483647> : vector<36xi32>
    %reduce_min3A_234 = vector.multi_reduction <minsi>, %select_n3A_232, %reduce_min3A_233 [1] : vector<36x32768xi32> to vector<36xi32>
    %broadcast_in_dim3A_235 = vector.shape_cast %reduce_min3A_234 : vector<36xi32> to vector<36x1xi32>
    %eq3A_236 = vector.broadcast %broadcast_in_dim3A_235 : vector<36x1xi32> to vector<36x32768xi32>
    %eq3A_237 = arith.cmpi eq, %select_n3A_232, %eq3A_236 : vector<36x32768xi32>
    %jit3A_238 = arith.constant 32768 : i32
    %broadcast_in_dim3A_239 = vector.broadcast %jit3A_238 : i32 to vector<36x32768xi32>
    %select_n3A_240 = arith.select %eq3A_237, %broadcast_in_dim3A_239, %select_n3A_232 : vector<36x32768xi1>, vector<36x32768xi32>
    %reduce_min3A_241 = arith.constant dense<2147483647> : vector<36xi32>
    %reduce_min3A_242 = vector.multi_reduction <minsi>, %select_n3A_240, %reduce_min3A_241 [1] : vector<36x32768xi32> to vector<36xi32>
    %broadcast_in_dim3A_243 = vector.shape_cast %reduce_min3A_242 : vector<36xi32> to vector<36x1xi32>
    %eq3A_244 = vector.broadcast %broadcast_in_dim3A_243 : vector<36x1xi32> to vector<36x32768xi32>
    %eq3A_245 = arith.cmpi eq, %select_n3A_240, %eq3A_244 : vector<36x32768xi32>
    %jit3A_246 = arith.constant 32768 : i32
    %broadcast_in_dim3A_247 = vector.broadcast %jit3A_246 : i32 to vector<36x32768xi32>
    %select_n3A_248 = arith.select %eq3A_245, %broadcast_in_dim3A_247, %select_n3A_240 : vector<36x32768xi1>, vector<36x32768xi32>
    %reduce_min3A_249 = arith.constant dense<2147483647> : vector<36xi32>
    %reduce_min3A_250 = vector.multi_reduction <minsi>, %select_n3A_248, %reduce_min3A_249 [1] : vector<36x32768xi32> to vector<36xi32>
    %broadcast_in_dim3A_251 = vector.shape_cast %reduce_min3A_250 : vector<36xi32> to vector<36x1xi32>
    %eq3A_252 = vector.broadcast %broadcast_in_dim3A_251 : vector<36x1xi32> to vector<36x32768xi32>
    %eq3A_253 = arith.cmpi eq, %select_n3A_248, %eq3A_252 : vector<36x32768xi32>
    %jit3A_254 = arith.constant 32768 : i32
    %broadcast_in_dim3A_255 = vector.broadcast %jit3A_254 : i32 to vector<36x32768xi32>
    %select_n3A_256 = arith.select %eq3A_253, %broadcast_in_dim3A_255, %select_n3A_248 : vector<36x32768xi1>, vector<36x32768xi32>
    %reduce_min3A_257 = arith.constant dense<2147483647> : vector<36xi32>
    %reduce_min3A_258 = vector.multi_reduction <minsi>, %select_n3A_256, %reduce_min3A_257 [1] : vector<36x32768xi32> to vector<36xi32>
    %broadcast_in_dim3A_259 = vector.shape_cast %reduce_min3A_258 : vector<36xi32> to vector<36x1xi32>
    %eq3A_260 = vector.broadcast %broadcast_in_dim3A_259 : vector<36x1xi32> to vector<36x32768xi32>
    %eq3A_261 = arith.cmpi eq, %select_n3A_256, %eq3A_260 : vector<36x32768xi32>
    %jit3A_262 = arith.constant 32768 : i32
    %broadcast_in_dim3A_263 = vector.broadcast %jit3A_262 : i32 to vector<36x32768xi32>
    %select_n3A_264 = arith.select %eq3A_261, %broadcast_in_dim3A_263, %select_n3A_256 : vector<36x32768xi1>, vector<36x32768xi32>
    %reduce_min3A_265 = arith.constant dense<2147483647> : vector<36xi32>
    %reduce_min3A_266 = vector.multi_reduction <minsi>, %select_n3A_264, %reduce_min3A_265 [1] : vector<36x32768xi32> to vector<36xi32>
    %broadcast_in_dim3A_267 = vector.shape_cast %reduce_min3A_266 : vector<36xi32> to vector<36x1xi32>
    %eq3A_268 = vector.broadcast %broadcast_in_dim3A_267 : vector<36x1xi32> to vector<36x32768xi32>
    %eq3A_269 = arith.cmpi eq, %select_n3A_264, %eq3A_268 : vector<36x32768xi32>
    %jit3A_270 = arith.constant 32768 : i32
    %broadcast_in_dim3A_271 = vector.broadcast %jit3A_270 : i32 to vector<36x32768xi32>
    %select_n3A_272 = arith.select %eq3A_269, %broadcast_in_dim3A_271, %select_n3A_264 : vector<36x32768xi1>, vector<36x32768xi32>
    %reduce_min3A_273 = arith.constant dense<2147483647> : vector<36xi32>
    %reduce_min3A_274 = vector.multi_reduction <minsi>, %select_n3A_272, %reduce_min3A_273 [1] : vector<36x32768xi32> to vector<36xi32>
    %broadcast_in_dim3A_275 = vector.shape_cast %reduce_min3A_274 : vector<36xi32> to vector<36x1xi32>
    %eq3A_276 = vector.broadcast %broadcast_in_dim3A_275 : vector<36x1xi32> to vector<36x32768xi32>
    %eq3A_277 = arith.cmpi eq, %select_n3A_272, %eq3A_276 : vector<36x32768xi32>
    %jit3A_278 = arith.constant 32768 : i32
    %broadcast_in_dim3A_279 = vector.broadcast %jit3A_278 : i32 to vector<36x32768xi32>
    %select_n3A_280 = arith.select %eq3A_277, %broadcast_in_dim3A_279, %select_n3A_272 : vector<36x32768xi1>, vector<36x32768xi32>
    %reduce_min3A_281 = arith.constant dense<2147483647> : vector<36xi32>
    %reduce_min3A_282 = vector.multi_reduction <minsi>, %select_n3A_280, %reduce_min3A_281 [1] : vector<36x32768xi32> to vector<36xi32>
    %broadcast_in_dim3A_283 = vector.shape_cast %reduce_min3A_282 : vector<36xi32> to vector<36x1xi32>
    %eq3A_284 = vector.broadcast %broadcast_in_dim3A_283 : vector<36x1xi32> to vector<36x32768xi32>
    %eq3A_285 = arith.cmpi eq, %select_n3A_280, %eq3A_284 : vector<36x32768xi32>
    %jit3A_286 = arith.constant 32768 : i32
    %broadcast_in_dim3A_287 = vector.broadcast %jit3A_286 : i32 to vector<36x32768xi32>
    %select_n3A_288 = arith.select %eq3A_285, %broadcast_in_dim3A_287, %select_n3A_280 : vector<36x32768xi1>, vector<36x32768xi32>
    %reduce_min3A_289 = arith.constant dense<2147483647> : vector<36xi32>
    %reduce_min3A_290 = vector.multi_reduction <minsi>, %select_n3A_288, %reduce_min3A_289 [1] : vector<36x32768xi32> to vector<36xi32>
    %broadcast_in_dim3A_291 = vector.shape_cast %reduce_min3A_290 : vector<36xi32> to vector<36x1xi32>
    %eq3A_292 = vector.broadcast %broadcast_in_dim3A_291 : vector<36x1xi32> to vector<36x32768xi32>
    %eq3A_293 = arith.cmpi eq, %select_n3A_288, %eq3A_292 : vector<36x32768xi32>
    %jit3A_294 = arith.constant 32768 : i32
    %broadcast_in_dim3A_295 = vector.broadcast %jit3A_294 : i32 to vector<36x32768xi32>
    %select_n3A_296 = arith.select %eq3A_293, %broadcast_in_dim3A_295, %select_n3A_288 : vector<36x32768xi1>, vector<36x32768xi32>
    %reduce_min3A_297 = arith.constant dense<2147483647> : vector<36xi32>
    %reduce_min3A_298 = vector.multi_reduction <minsi>, %select_n3A_296, %reduce_min3A_297 [1] : vector<36x32768xi32> to vector<36xi32>
    %broadcast_in_dim3A_299 = vector.shape_cast %reduce_min3A_298 : vector<36xi32> to vector<36x1xi32>
    %eq3A_300 = vector.broadcast %broadcast_in_dim3A_299 : vector<36x1xi32> to vector<36x32768xi32>
    %eq3A_301 = arith.cmpi eq, %select_n3A_296, %eq3A_300 : vector<36x32768xi32>
    %jit3A_302 = arith.constant 32768 : i32
    %broadcast_in_dim3A_303 = vector.broadcast %jit3A_302 : i32 to vector<36x32768xi32>
    %select_n3A_304 = arith.select %eq3A_301, %broadcast_in_dim3A_303, %select_n3A_296 : vector<36x32768xi1>, vector<36x32768xi32>
    %reduce_min3A_305 = arith.constant dense<2147483647> : vector<36xi32>
    %reduce_min3A_306 = vector.multi_reduction <minsi>, %select_n3A_304, %reduce_min3A_305 [1] : vector<36x32768xi32> to vector<36xi32>
    %broadcast_in_dim3A_307 = vector.shape_cast %reduce_min3A_306 : vector<36xi32> to vector<36x1xi32>
    %concatenate3A = tpu.concatenate %broadcast_in_dim3A_28, %broadcast_in_dim3A_35, %broadcast_in_dim3A_43, %broadcast_in_dim3A_51, %broadcast_in_dim3A_59, %broadcast_in_dim3A_67, %broadcast_in_dim3A_75, %broadcast_in_dim3A_83, %broadcast_in_dim3A_91, %broadcast_in_dim3A_99, %broadcast_in_dim3A_107, %broadcast_in_dim3A_115, %broadcast_in_dim3A_123, %broadcast_in_dim3A_131, %broadcast_in_dim3A_139, %broadcast_in_dim3A_147, %broadcast_in_dim3A_155, %broadcast_in_dim3A_163, %broadcast_in_dim3A_171, %broadcast_in_dim3A_179, %broadcast_in_dim3A_187, %broadcast_in_dim3A_195, %broadcast_in_dim3A_203, %broadcast_in_dim3A_211, %broadcast_in_dim3A_219, %broadcast_in_dim3A_227, %broadcast_in_dim3A_235, %broadcast_in_dim3A_243, %broadcast_in_dim3A_251, %broadcast_in_dim3A_259, %broadcast_in_dim3A_267, %broadcast_in_dim3A_275, %broadcast_in_dim3A_283, %broadcast_in_dim3A_291, %broadcast_in_dim3A_299, %broadcast_in_dim3A_307 in 1 : vector<36x1xi32>, vector<36x1xi32>, vector<36x1xi32>, vector<36x1xi32>, vector<36x1xi32>, vector<36x1xi32>, vector<36x1xi32>, vector<36x1xi32>, vector<36x1xi32>, vector<36x1xi32>, vector<36x1xi32>, vector<36x1xi32>, vector<36x1xi32>, vector<36x1xi32>, vector<36x1xi32>, vector<36x1xi32>, vector<36x1xi32>, vector<36x1xi32>, vector<36x1xi32>, vector<36x1xi32>, vector<36x1xi32>, vector<36x1xi32>, vector<36x1xi32>, vector<36x1xi32>, vector<36x1xi32>, vector<36x1xi32>, vector<36x1xi32>, vector<36x1xi32>, vector<36x1xi32>, vector<36x1xi32>, vector<36x1xi32>, vector<36x1xi32>, vector<36x1xi32>, vector<36x1xi32>, vector<36x1xi32>, vector<36x1xi32> -> vector<36x36xi32>
    %eq3A_308 = arith.constant 32768 : i32
    %eq3A_309 = vector.broadcast %eq3A_308 : i32 to vector<36x36xi32>
    %eq3A_310 = arith.cmpi eq, %concatenate3A, %eq3A_309 : vector<36x36xi32>
    %slice3A = vector.extract_strided_slice %concatenate3A {offsets = [0, 0], sizes = [36, 1], strides = [1, 1]} : vector<36x36xi32> to vector<36x1xi32>
    %broadcast_in_dim3A_311 = vector.shape_cast %slice3A : vector<36x1xi32> to vector<36x1xi32>
    %broadcast_in_dim3A_312 = vector.broadcast %broadcast_in_dim3A_311 : vector<36x1xi32> to vector<36x36xi32>
    %select_n3A_313 = arith.select %eq3A_310, %broadcast_in_dim3A_312, %concatenate3A : vector<36x36xi1>, vector<36x36xi32>
    %broadcast_in_dim3A_314 = vector.shape_cast %select_n3A_313 : vector<36x36xi32> to vector<1x1x36x36xi32>
    %swap3A = arith.constant 0 : index
    %swap3A_315 = arith.constant 0 : index
    %swap3A_316 = arith.constant 0 : index
    %swap3A_317 = arith.constant 0 : index
    %swap3A_318 = vector.load %arg5[%swap3A, %swap3A_315, %swap3A_316, %swap3A_317] : memref<1x1x36x36xi32, #tpu.memory_space<vmem>>, vector<1x1x36x36xi32>
    tpu.vector_store %arg5[%swap3A, %swap3A_315, %swap3A_316, %swap3A_317], %broadcast_in_dim3A_314 {strides = array<i32>} : memref<1x1x36x36xi32, #tpu.memory_space<vmem>>, vector<1x1x36x36xi32>,
    return
  }
  func.func @transform_0(%arg0: i32, %arg1: i32) -> (i32, i32, i32) {
    %c0_i32 = arith.constant 0 : i32
    %c0_i32_0 = arith.constant 0 : i32
    %c0_i32_1 = arith.constant 0 : i32
    return %arg1, %c0_i32, %c0_i32_0 : i32, i32, i32
  }
  func.func @transform_1(%arg0: i32, %arg1: i32) -> (i32, i32, i32) {
    %c0_i32 = arith.constant 0 : i32
    %c0_i32_0 = arith.constant 0 : i32
    %c0_i32_1 = arith.constant 0 : i32
    return %arg0, %c0_i32, %c0_i32_0 : i32, i32, i32
  }
  func.func @transform_2(%arg0: i32, %arg1: i32) -> (i32, i32, i32) {
    %c0_i32 = arith.constant 0 : i32
    %c0_i32_0 = arith.constant 0 : i32
    %c0_i32_1 = arith.constant 0 : i32
    return %arg0, %c0_i32, %c0_i32_0 : i32, i32, i32
  }
  func.func @transform_3(%arg0: i32, %arg1: i32) -> (i32, i32, i32, i32) {
    %c0_i32 = arith.constant 0 : i32
    %c0_i32_0 = arith.constant 0 : i32
    %c0_i32_1 = arith.constant 0 : i32
    return %arg0, %arg1, %c0_i32, %c0_i32_0 : i32, i32, i32, i32
  }
}

module attributes {stable_mosaic.version = 14 : i64} {
  func.func @_sa_kernel(%arg0: memref<10368x9xf32, #tpu.memory_space<vmem>>, %arg1: memref<64x9xf32, #tpu.memory_space<vmem>>, %arg2: memref<1x64xf32, #tpu.memory_space<vmem>>, %arg3: memref<1x64xf32, #tpu.memory_space<vmem>>, %arg4: memref<1x64xf32, #tpu.memory_space<vmem>>, %arg5: memref<128x64xf32, #tpu.memory_space<vmem>>, %arg6: memref<1x128xf32, #tpu.memory_space<vmem>>, %arg7: memref<1x128xf32, #tpu.memory_space<vmem>>, %arg8: memref<1x128xf32, #tpu.memory_space<vmem>>, %arg9: memref<10368x9xf32, #tpu.memory_space<vmem>>, %arg10: memref<128x9xf32, #tpu.memory_space<vmem>>, %arg11: memref<1x128xf32, #tpu.memory_space<vmem>>, %arg12: memref<1x128xf32, #tpu.memory_space<vmem>>, %arg13: memref<1x128xf32, #tpu.memory_space<vmem>>, %arg14: memref<256x128xf32, #tpu.memory_space<vmem>>, %arg15: memref<1x256xf32, #tpu.memory_space<vmem>>, %arg16: memref<1x256xf32, #tpu.memory_space<vmem>>, %arg17: memref<1x256xf32, #tpu.memory_space<vmem>>, %arg18: memref<10368x9xf32, #tpu.memory_space<vmem>>, %arg19: memref<64x9xf32, #tpu.memory_space<vmem>>, %arg20: memref<1x64xf32, #tpu.memory_space<vmem>>, %arg21: memref<1x64xf32, #tpu.memory_space<vmem>>, %arg22: memref<1x64xf32, #tpu.memory_space<vmem>>, %arg23: memref<128x64xf32, #tpu.memory_space<vmem>>, %arg24: memref<1x128xf32, #tpu.memory_space<vmem>>, %arg25: memref<1x128xf32, #tpu.memory_space<vmem>>, %arg26: memref<1x128xf32, #tpu.memory_space<vmem>>, %arg27: memref<288x512xf32, #tpu.memory_space<vmem>>) attributes {dimension_semantics = [], scalar_prefetch = 0 : i64, scratch_operands = 0 : i64, tpu.core_type = #tpu.core_type<tc>} {
    %get3A = arith.constant 0 : index
    %get3A_0 = arith.constant 0 : index
    %get3A_1 = vector.load %arg0[%get3A, %get3A_0] : memref<10368x9xf32, #tpu.memory_space<vmem>>, vector<10368x9xf32>
    %get3A_2 = arith.constant 0 : index
    %get3A_3 = arith.constant 0 : index
    %get3A_4 = vector.load %arg1[%get3A_2, %get3A_3] : memref<64x9xf32, #tpu.memory_space<vmem>>, vector<64x9xf32>
    %dot_general3A = arith.constant dense<0.000000e+00> : vector<10368x64xf32>
    %dot_general3A_5 = tpu.matmul %get3A_1, %get3A_4, %dot_general3A {dimension_numbers = #tpu.dot_dimension_numbers<[1], [1], [0], [0], [0, 0, 1, 0], [], []>, transpose_lhs_hint = false} : vector<10368x9xf32>, vector<64x9xf32>, vector<10368x64xf32> -> vector<10368x64xf32>
    %get3A_6 = arith.constant 0 : index
    %get3A_7 = arith.constant 0 : index
    %get3A_8 = vector.load %arg2[%get3A_6, %get3A_7] : memref<1x64xf32, #tpu.memory_space<vmem>>, vector<1x64xf32>
    %add3A = vector.broadcast %get3A_8 : vector<1x64xf32> to vector<10368x64xf32>
    %add3A_9 = arith.addf %dot_general3A_5, %add3A : vector<10368x64xf32>
    %get3A_10 = arith.constant 0 : index
    %get3A_11 = arith.constant 0 : index
    %get3A_12 = vector.load %arg3[%get3A_10, %get3A_11] : memref<1x64xf32, #tpu.memory_space<vmem>>, vector<1x64xf32>
    %get3A_13 = arith.constant 0 : index
    %get3A_14 = arith.constant 0 : index
    %get3A_15 = vector.load %arg4[%get3A_13, %get3A_14] : memref<1x64xf32, #tpu.memory_space<vmem>>, vector<1x64xf32>
    %reduce_sum3A = arith.constant dense<0.000000e+00> : vector<64xf32>
    %reduce_sum3A_16 = vector.multi_reduction <add>, %add3A_9, %reduce_sum3A [0] : vector<10368x64xf32> to vector<64xf32>
    %broadcast_in_dim3A = vector.shape_cast %reduce_sum3A_16 : vector<64xf32> to vector<1x64xf32>
    %div3A = arith.constant 1.036800e+04 : f32
    %div3A_17 = vector.broadcast %div3A : f32 to vector<1x64xf32>
    %div3A_18 = arith.divf %broadcast_in_dim3A, %div3A_17 : vector<1x64xf32>
    %sub3A = vector.broadcast %div3A_18 : vector<1x64xf32> to vector<10368x64xf32>
    %sub3A_19 = arith.subf %add3A_9, %sub3A : vector<10368x64xf32>
    %integer_pow3A = arith.mulf %sub3A_19, %sub3A_19 : vector<10368x64xf32>
    %reduce_sum3A_20 = arith.constant dense<0.000000e+00> : vector<64xf32>
    %reduce_sum3A_21 = vector.multi_reduction <add>, %integer_pow3A, %reduce_sum3A_20 [0] : vector<10368x64xf32> to vector<64xf32>
    %broadcast_in_dim3A_22 = vector.shape_cast %reduce_sum3A_21 : vector<64xf32> to vector<1x64xf32>
    %div3A_23 = arith.constant 1.036800e+04 : f32
    %div3A_24 = vector.broadcast %div3A_23 : f32 to vector<1x64xf32>
    %div3A_25 = arith.divf %broadcast_in_dim3A_22, %div3A_24 : vector<1x64xf32>
    %sub3A_26 = vector.broadcast %div3A_18 : vector<1x64xf32> to vector<10368x64xf32>
    %sub3A_27 = arith.subf %add3A_9, %sub3A_26 : vector<10368x64xf32>
    %add3A_28 = arith.constant 9.99999974E-6 : f32
    %add3A_29 = vector.broadcast %add3A_28 : f32 to vector<1x64xf32>
    %add3A_30 = arith.addf %div3A_25, %add3A_29 : vector<1x64xf32>
    %sqrt3A = math.sqrt %add3A_30 : vector<1x64xf32>
    %div3A_31 = vector.broadcast %sqrt3A : vector<1x64xf32> to vector<10368x64xf32>
    %div3A_32 = arith.divf %sub3A_27, %div3A_31 : vector<10368x64xf32>
    %mul3A = vector.broadcast %get3A_12 : vector<1x64xf32> to vector<10368x64xf32>
    %mul3A_33 = arith.mulf %div3A_32, %mul3A : vector<10368x64xf32>
    %add3A_34 = vector.broadcast %get3A_15 : vector<1x64xf32> to vector<10368x64xf32>
    %add3A_35 = arith.addf %mul3A_33, %add3A_34 : vector<10368x64xf32>
    %max3A = arith.constant 0.000000e+00 : f32
    %max3A_36 = vector.broadcast %max3A : f32 to vector<10368x64xf32>
    %max3A_37 = arith.maximumf %add3A_35, %max3A_36 : vector<10368x64xf32>
    %get3A_38 = arith.constant 0 : index
    %get3A_39 = arith.constant 0 : index
    %get3A_40 = vector.load %arg5[%get3A_38, %get3A_39] : memref<128x64xf32, #tpu.memory_space<vmem>>, vector<128x64xf32>
    %dot_general3A_41 = arith.constant dense<0.000000e+00> : vector<10368x128xf32>
    %dot_general3A_42 = tpu.matmul %max3A_37, %get3A_40, %dot_general3A_41 {dimension_numbers = #tpu.dot_dimension_numbers<[1], [1], [0], [0], [0, 0, 1, 0], [], []>, transpose_lhs_hint = false} : vector<10368x64xf32>, vector<128x64xf32>, vector<10368x128xf32> -> vector<10368x128xf32>
    %get3A_43 = arith.constant 0 : index
    %get3A_44 = arith.constant 0 : index
    %get3A_45 = vector.load %arg6[%get3A_43, %get3A_44] : memref<1x128xf32, #tpu.memory_space<vmem>>, vector<1x128xf32>
    %add3A_46 = vector.broadcast %get3A_45 : vector<1x128xf32> to vector<10368x128xf32>
    %add3A_47 = arith.addf %dot_general3A_42, %add3A_46 : vector<10368x128xf32>
    %get3A_48 = arith.constant 0 : index
    %get3A_49 = arith.constant 0 : index
    %get3A_50 = vector.load %arg7[%get3A_48, %get3A_49] : memref<1x128xf32, #tpu.memory_space<vmem>>, vector<1x128xf32>
    %get3A_51 = arith.constant 0 : index
    %get3A_52 = arith.constant 0 : index
    %get3A_53 = vector.load %arg8[%get3A_51, %get3A_52] : memref<1x128xf32, #tpu.memory_space<vmem>>, vector<1x128xf32>
    %reduce_sum3A_54 = arith.constant dense<0.000000e+00> : vector<128xf32>
    %reduce_sum3A_55 = vector.multi_reduction <add>, %add3A_47, %reduce_sum3A_54 [0] : vector<10368x128xf32> to vector<128xf32>
    %broadcast_in_dim3A_56 = vector.shape_cast %reduce_sum3A_55 : vector<128xf32> to vector<1x128xf32>
    %div3A_57 = arith.constant 1.036800e+04 : f32
    %div3A_58 = vector.broadcast %div3A_57 : f32 to vector<1x128xf32>
    %div3A_59 = arith.divf %broadcast_in_dim3A_56, %div3A_58 : vector<1x128xf32>
    %sub3A_60 = vector.broadcast %div3A_59 : vector<1x128xf32> to vector<10368x128xf32>
    %sub3A_61 = arith.subf %add3A_47, %sub3A_60 : vector<10368x128xf32>
    %integer_pow3A_62 = arith.mulf %sub3A_61, %sub3A_61 : vector<10368x128xf32>
    %reduce_sum3A_63 = arith.constant dense<0.000000e+00> : vector<128xf32>
    %reduce_sum3A_64 = vector.multi_reduction <add>, %integer_pow3A_62, %reduce_sum3A_63 [0] : vector<10368x128xf32> to vector<128xf32>
    %broadcast_in_dim3A_65 = vector.shape_cast %reduce_sum3A_64 : vector<128xf32> to vector<1x128xf32>
    %div3A_66 = arith.constant 1.036800e+04 : f32
    %div3A_67 = vector.broadcast %div3A_66 : f32 to vector<1x128xf32>
    %div3A_68 = arith.divf %broadcast_in_dim3A_65, %div3A_67 : vector<1x128xf32>
    %sub3A_69 = vector.broadcast %div3A_59 : vector<1x128xf32> to vector<10368x128xf32>
    %sub3A_70 = arith.subf %add3A_47, %sub3A_69 : vector<10368x128xf32>
    %add3A_71 = arith.constant 9.99999974E-6 : f32
    %add3A_72 = vector.broadcast %add3A_71 : f32 to vector<1x128xf32>
    %add3A_73 = arith.addf %div3A_68, %add3A_72 : vector<1x128xf32>
    %sqrt3A_74 = math.sqrt %add3A_73 : vector<1x128xf32>
    %div3A_75 = vector.broadcast %sqrt3A_74 : vector<1x128xf32> to vector<10368x128xf32>
    %div3A_76 = arith.divf %sub3A_70, %div3A_75 : vector<10368x128xf32>
    %mul3A_77 = vector.broadcast %get3A_50 : vector<1x128xf32> to vector<10368x128xf32>
    %mul3A_78 = arith.mulf %div3A_76, %mul3A_77 : vector<10368x128xf32>
    %add3A_79 = vector.broadcast %get3A_53 : vector<1x128xf32> to vector<10368x128xf32>
    %add3A_80 = arith.addf %mul3A_78, %add3A_79 : vector<10368x128xf32>
    %max3A_81 = arith.constant 0.000000e+00 : f32
    %max3A_82 = vector.broadcast %max3A_81 : f32 to vector<10368x128xf32>
    %max3A_83 = arith.maximumf %add3A_80, %max3A_82 : vector<10368x128xf32>
    %slice3A = vector.extract_strided_slice %max3A_83 {offsets = [0, 0], sizes = [288, 128], strides = [1, 1]} : vector<10368x128xf32> to vector<288x128xf32>
    %slice3A_84 = vector.extract_strided_slice %max3A_83 {offsets = [288, 0], sizes = [288, 128], strides = [1, 1]} : vector<10368x128xf32> to vector<288x128xf32>
    %max3A_85 = arith.maximumf %slice3A, %slice3A_84 : vector<288x128xf32>
    %slice3A_86 = vector.extract_strided_slice %max3A_83 {offsets = [576, 0], sizes = [288, 128], strides = [1, 1]} : vector<10368x128xf32> to vector<288x128xf32>
    %max3A_87 = arith.maximumf %max3A_85, %slice3A_86 : vector<288x128xf32>
    %slice3A_88 = vector.extract_strided_slice %max3A_83 {offsets = [864, 0], sizes = [288, 128], strides = [1, 1]} : vector<10368x128xf32> to vector<288x128xf32>
    %max3A_89 = arith.maximumf %max3A_87, %slice3A_88 : vector<288x128xf32>
    %slice3A_90 = vector.extract_strided_slice %max3A_83 {offsets = [1152, 0], sizes = [288, 128], strides = [1, 1]} : vector<10368x128xf32> to vector<288x128xf32>
    %max3A_91 = arith.maximumf %max3A_89, %slice3A_90 : vector<288x128xf32>
    %slice3A_92 = vector.extract_strided_slice %max3A_83 {offsets = [1440, 0], sizes = [288, 128], strides = [1, 1]} : vector<10368x128xf32> to vector<288x128xf32>
    %max3A_93 = arith.maximumf %max3A_91, %slice3A_92 : vector<288x128xf32>
    %slice3A_94 = vector.extract_strided_slice %max3A_83 {offsets = [1728, 0], sizes = [288, 128], strides = [1, 1]} : vector<10368x128xf32> to vector<288x128xf32>
    %max3A_95 = arith.maximumf %max3A_93, %slice3A_94 : vector<288x128xf32>
    %slice3A_96 = vector.extract_strided_slice %max3A_83 {offsets = [2016, 0], sizes = [288, 128], strides = [1, 1]} : vector<10368x128xf32> to vector<288x128xf32>
    %max3A_97 = arith.maximumf %max3A_95, %slice3A_96 : vector<288x128xf32>
    %slice3A_98 = vector.extract_strided_slice %max3A_83 {offsets = [2304, 0], sizes = [288, 128], strides = [1, 1]} : vector<10368x128xf32> to vector<288x128xf32>
    %max3A_99 = arith.maximumf %max3A_97, %slice3A_98 : vector<288x128xf32>
    %slice3A_100 = vector.extract_strided_slice %max3A_83 {offsets = [2592, 0], sizes = [288, 128], strides = [1, 1]} : vector<10368x128xf32> to vector<288x128xf32>
    %max3A_101 = arith.maximumf %max3A_99, %slice3A_100 : vector<288x128xf32>
    %slice3A_102 = vector.extract_strided_slice %max3A_83 {offsets = [2880, 0], sizes = [288, 128], strides = [1, 1]} : vector<10368x128xf32> to vector<288x128xf32>
    %max3A_103 = arith.maximumf %max3A_101, %slice3A_102 : vector<288x128xf32>
    %slice3A_104 = vector.extract_strided_slice %max3A_83 {offsets = [3168, 0], sizes = [288, 128], strides = [1, 1]} : vector<10368x128xf32> to vector<288x128xf32>
    %max3A_105 = arith.maximumf %max3A_103, %slice3A_104 : vector<288x128xf32>
    %slice3A_106 = vector.extract_strided_slice %max3A_83 {offsets = [3456, 0], sizes = [288, 128], strides = [1, 1]} : vector<10368x128xf32> to vector<288x128xf32>
    %max3A_107 = arith.maximumf %max3A_105, %slice3A_106 : vector<288x128xf32>
    %slice3A_108 = vector.extract_strided_slice %max3A_83 {offsets = [3744, 0], sizes = [288, 128], strides = [1, 1]} : vector<10368x128xf32> to vector<288x128xf32>
    %max3A_109 = arith.maximumf %max3A_107, %slice3A_108 : vector<288x128xf32>
    %slice3A_110 = vector.extract_strided_slice %max3A_83 {offsets = [4032, 0], sizes = [288, 128], strides = [1, 1]} : vector<10368x128xf32> to vector<288x128xf32>
    %max3A_111 = arith.maximumf %max3A_109, %slice3A_110 : vector<288x128xf32>
    %slice3A_112 = vector.extract_strided_slice %max3A_83 {offsets = [4320, 0], sizes = [288, 128], strides = [1, 1]} : vector<10368x128xf32> to vector<288x128xf32>
    %max3A_113 = arith.maximumf %max3A_111, %slice3A_112 : vector<288x128xf32>
    %slice3A_114 = vector.extract_strided_slice %max3A_83 {offsets = [4608, 0], sizes = [288, 128], strides = [1, 1]} : vector<10368x128xf32> to vector<288x128xf32>
    %max3A_115 = arith.maximumf %max3A_113, %slice3A_114 : vector<288x128xf32>
    %slice3A_116 = vector.extract_strided_slice %max3A_83 {offsets = [4896, 0], sizes = [288, 128], strides = [1, 1]} : vector<10368x128xf32> to vector<288x128xf32>
    %max3A_117 = arith.maximumf %max3A_115, %slice3A_116 : vector<288x128xf32>
    %slice3A_118 = vector.extract_strided_slice %max3A_83 {offsets = [5184, 0], sizes = [288, 128], strides = [1, 1]} : vector<10368x128xf32> to vector<288x128xf32>
    %max3A_119 = arith.maximumf %max3A_117, %slice3A_118 : vector<288x128xf32>
    %slice3A_120 = vector.extract_strided_slice %max3A_83 {offsets = [5472, 0], sizes = [288, 128], strides = [1, 1]} : vector<10368x128xf32> to vector<288x128xf32>
    %max3A_121 = arith.maximumf %max3A_119, %slice3A_120 : vector<288x128xf32>
    %slice3A_122 = vector.extract_strided_slice %max3A_83 {offsets = [5760, 0], sizes = [288, 128], strides = [1, 1]} : vector<10368x128xf32> to vector<288x128xf32>
    %max3A_123 = arith.maximumf %max3A_121, %slice3A_122 : vector<288x128xf32>
    %slice3A_124 = vector.extract_strided_slice %max3A_83 {offsets = [6048, 0], sizes = [288, 128], strides = [1, 1]} : vector<10368x128xf32> to vector<288x128xf32>
    %max3A_125 = arith.maximumf %max3A_123, %slice3A_124 : vector<288x128xf32>
    %slice3A_126 = vector.extract_strided_slice %max3A_83 {offsets = [6336, 0], sizes = [288, 128], strides = [1, 1]} : vector<10368x128xf32> to vector<288x128xf32>
    %max3A_127 = arith.maximumf %max3A_125, %slice3A_126 : vector<288x128xf32>
    %slice3A_128 = vector.extract_strided_slice %max3A_83 {offsets = [6624, 0], sizes = [288, 128], strides = [1, 1]} : vector<10368x128xf32> to vector<288x128xf32>
    %max3A_129 = arith.maximumf %max3A_127, %slice3A_128 : vector<288x128xf32>
    %slice3A_130 = vector.extract_strided_slice %max3A_83 {offsets = [6912, 0], sizes = [288, 128], strides = [1, 1]} : vector<10368x128xf32> to vector<288x128xf32>
    %max3A_131 = arith.maximumf %max3A_129, %slice3A_130 : vector<288x128xf32>
    %slice3A_132 = vector.extract_strided_slice %max3A_83 {offsets = [7200, 0], sizes = [288, 128], strides = [1, 1]} : vector<10368x128xf32> to vector<288x128xf32>
    %max3A_133 = arith.maximumf %max3A_131, %slice3A_132 : vector<288x128xf32>
    %slice3A_134 = vector.extract_strided_slice %max3A_83 {offsets = [7488, 0], sizes = [288, 128], strides = [1, 1]} : vector<10368x128xf32> to vector<288x128xf32>
    %max3A_135 = arith.maximumf %max3A_133, %slice3A_134 : vector<288x128xf32>
    %slice3A_136 = vector.extract_strided_slice %max3A_83 {offsets = [7776, 0], sizes = [288, 128], strides = [1, 1]} : vector<10368x128xf32> to vector<288x128xf32>
    %max3A_137 = arith.maximumf %max3A_135, %slice3A_136 : vector<288x128xf32>
    %slice3A_138 = vector.extract_strided_slice %max3A_83 {offsets = [8064, 0], sizes = [288, 128], strides = [1, 1]} : vector<10368x128xf32> to vector<288x128xf32>
    %max3A_139 = arith.maximumf %max3A_137, %slice3A_138 : vector<288x128xf32>
    %slice3A_140 = vector.extract_strided_slice %max3A_83 {offsets = [8352, 0], sizes = [288, 128], strides = [1, 1]} : vector<10368x128xf32> to vector<288x128xf32>
    %max3A_141 = arith.maximumf %max3A_139, %slice3A_140 : vector<288x128xf32>
    %slice3A_142 = vector.extract_strided_slice %max3A_83 {offsets = [8640, 0], sizes = [288, 128], strides = [1, 1]} : vector<10368x128xf32> to vector<288x128xf32>
    %max3A_143 = arith.maximumf %max3A_141, %slice3A_142 : vector<288x128xf32>
    %slice3A_144 = vector.extract_strided_slice %max3A_83 {offsets = [8928, 0], sizes = [288, 128], strides = [1, 1]} : vector<10368x128xf32> to vector<288x128xf32>
    %max3A_145 = arith.maximumf %max3A_143, %slice3A_144 : vector<288x128xf32>
    %slice3A_146 = vector.extract_strided_slice %max3A_83 {offsets = [9216, 0], sizes = [288, 128], strides = [1, 1]} : vector<10368x128xf32> to vector<288x128xf32>
    %max3A_147 = arith.maximumf %max3A_145, %slice3A_146 : vector<288x128xf32>
    %slice3A_148 = vector.extract_strided_slice %max3A_83 {offsets = [9504, 0], sizes = [288, 128], strides = [1, 1]} : vector<10368x128xf32> to vector<288x128xf32>
    %max3A_149 = arith.maximumf %max3A_147, %slice3A_148 : vector<288x128xf32>
    %slice3A_150 = vector.extract_strided_slice %max3A_83 {offsets = [9792, 0], sizes = [288, 128], strides = [1, 1]} : vector<10368x128xf32> to vector<288x128xf32>
    %max3A_151 = arith.maximumf %max3A_149, %slice3A_150 : vector<288x128xf32>
    %slice3A_152 = vector.extract_strided_slice %max3A_83 {offsets = [10080, 0], sizes = [288, 128], strides = [1, 1]} : vector<10368x128xf32> to vector<288x128xf32>
    %max3A_153 = arith.maximumf %max3A_151, %slice3A_152 : vector<288x128xf32>
    %get3A_154 = arith.constant 0 : index
    %get3A_155 = arith.constant 0 : index
    %get3A_156 = vector.load %arg9[%get3A_154, %get3A_155] : memref<10368x9xf32, #tpu.memory_space<vmem>>, vector<10368x9xf32>
    %get3A_157 = arith.constant 0 : index
    %get3A_158 = arith.constant 0 : index
    %get3A_159 = vector.load %arg10[%get3A_157, %get3A_158] : memref<128x9xf32, #tpu.memory_space<vmem>>, vector<128x9xf32>
    %dot_general3A_160 = arith.constant dense<0.000000e+00> : vector<10368x128xf32>
    %dot_general3A_161 = tpu.matmul %get3A_156, %get3A_159, %dot_general3A_160 {dimension_numbers = #tpu.dot_dimension_numbers<[1], [1], [0], [0], [0, 0, 1, 0], [], []>, transpose_lhs_hint = false} : vector<10368x9xf32>, vector<128x9xf32>, vector<10368x128xf32> -> vector<10368x128xf32>
    %get3A_162 = arith.constant 0 : index
    %get3A_163 = arith.constant 0 : index
    %get3A_164 = vector.load %arg11[%get3A_162, %get3A_163] : memref<1x128xf32, #tpu.memory_space<vmem>>, vector<1x128xf32>
    %add3A_165 = vector.broadcast %get3A_164 : vector<1x128xf32> to vector<10368x128xf32>
    %add3A_166 = arith.addf %dot_general3A_161, %add3A_165 : vector<10368x128xf32>
    %get3A_167 = arith.constant 0 : index
    %get3A_168 = arith.constant 0 : index
    %get3A_169 = vector.load %arg12[%get3A_167, %get3A_168] : memref<1x128xf32, #tpu.memory_space<vmem>>, vector<1x128xf32>
    %get3A_170 = arith.constant 0 : index
    %get3A_171 = arith.constant 0 : index
    %get3A_172 = vector.load %arg13[%get3A_170, %get3A_171] : memref<1x128xf32, #tpu.memory_space<vmem>>, vector<1x128xf32>
    %reduce_sum3A_173 = arith.constant dense<0.000000e+00> : vector<128xf32>
    %reduce_sum3A_174 = vector.multi_reduction <add>, %add3A_166, %reduce_sum3A_173 [0] : vector<10368x128xf32> to vector<128xf32>
    %broadcast_in_dim3A_175 = vector.shape_cast %reduce_sum3A_174 : vector<128xf32> to vector<1x128xf32>
    %div3A_176 = arith.constant 1.036800e+04 : f32
    %div3A_177 = vector.broadcast %div3A_176 : f32 to vector<1x128xf32>
    %div3A_178 = arith.divf %broadcast_in_dim3A_175, %div3A_177 : vector<1x128xf32>
    %sub3A_179 = vector.broadcast %div3A_178 : vector<1x128xf32> to vector<10368x128xf32>
    %sub3A_180 = arith.subf %add3A_166, %sub3A_179 : vector<10368x128xf32>
    %integer_pow3A_181 = arith.mulf %sub3A_180, %sub3A_180 : vector<10368x128xf32>
    %reduce_sum3A_182 = arith.constant dense<0.000000e+00> : vector<128xf32>
    %reduce_sum3A_183 = vector.multi_reduction <add>, %integer_pow3A_181, %reduce_sum3A_182 [0] : vector<10368x128xf32> to vector<128xf32>
    %broadcast_in_dim3A_184 = vector.shape_cast %reduce_sum3A_183 : vector<128xf32> to vector<1x128xf32>
    %div3A_185 = arith.constant 1.036800e+04 : f32
    %div3A_186 = vector.broadcast %div3A_185 : f32 to vector<1x128xf32>
    %div3A_187 = arith.divf %broadcast_in_dim3A_184, %div3A_186 : vector<1x128xf32>
    %sub3A_188 = vector.broadcast %div3A_178 : vector<1x128xf32> to vector<10368x128xf32>
    %sub3A_189 = arith.subf %add3A_166, %sub3A_188 : vector<10368x128xf32>
    %add3A_190 = arith.constant 9.99999974E-6 : f32
    %add3A_191 = vector.broadcast %add3A_190 : f32 to vector<1x128xf32>
    %add3A_192 = arith.addf %div3A_187, %add3A_191 : vector<1x128xf32>
    %sqrt3A_193 = math.sqrt %add3A_192 : vector<1x128xf32>
    %div3A_194 = vector.broadcast %sqrt3A_193 : vector<1x128xf32> to vector<10368x128xf32>
    %div3A_195 = arith.divf %sub3A_189, %div3A_194 : vector<10368x128xf32>
    %mul3A_196 = vector.broadcast %get3A_169 : vector<1x128xf32> to vector<10368x128xf32>
    %mul3A_197 = arith.mulf %div3A_195, %mul3A_196 : vector<10368x128xf32>
    %add3A_198 = vector.broadcast %get3A_172 : vector<1x128xf32> to vector<10368x128xf32>
    %add3A_199 = arith.addf %mul3A_197, %add3A_198 : vector<10368x128xf32>
    %max3A_200 = arith.constant 0.000000e+00 : f32
    %max3A_201 = vector.broadcast %max3A_200 : f32 to vector<10368x128xf32>
    %max3A_202 = arith.maximumf %add3A_199, %max3A_201 : vector<10368x128xf32>
    %get3A_203 = arith.constant 0 : index
    %get3A_204 = arith.constant 0 : index
    %get3A_205 = vector.load %arg14[%get3A_203, %get3A_204] : memref<256x128xf32, #tpu.memory_space<vmem>>, vector<256x128xf32>
    %dot_general3A_206 = arith.constant dense<0.000000e+00> : vector<10368x256xf32>
    %dot_general3A_207 = tpu.matmul %max3A_202, %get3A_205, %dot_general3A_206 {dimension_numbers = #tpu.dot_dimension_numbers<[1], [1], [0], [0], [0, 0, 1, 0], [], []>, transpose_lhs_hint = false} : vector<10368x128xf32>, vector<256x128xf32>, vector<10368x256xf32> -> vector<10368x256xf32>
    %get3A_208 = arith.constant 0 : index
    %get3A_209 = arith.constant 0 : index
    %get3A_210 = vector.load %arg15[%get3A_208, %get3A_209] : memref<1x256xf32, #tpu.memory_space<vmem>>, vector<1x256xf32>
    %add3A_211 = vector.broadcast %get3A_210 : vector<1x256xf32> to vector<10368x256xf32>
    %add3A_212 = arith.addf %dot_general3A_207, %add3A_211 : vector<10368x256xf32>
    %get3A_213 = arith.constant 0 : index
    %get3A_214 = arith.constant 0 : index
    %get3A_215 = vector.load %arg16[%get3A_213, %get3A_214] : memref<1x256xf32, #tpu.memory_space<vmem>>, vector<1x256xf32>
    %get3A_216 = arith.constant 0 : index
    %get3A_217 = arith.constant 0 : index
    %get3A_218 = vector.load %arg17[%get3A_216, %get3A_217] : memref<1x256xf32, #tpu.memory_space<vmem>>, vector<1x256xf32>
    %reduce_sum3A_219 = arith.constant dense<0.000000e+00> : vector<256xf32>
    %reduce_sum3A_220 = vector.multi_reduction <add>, %add3A_212, %reduce_sum3A_219 [0] : vector<10368x256xf32> to vector<256xf32>
    %broadcast_in_dim3A_221 = vector.shape_cast %reduce_sum3A_220 : vector<256xf32> to vector<1x256xf32>
    %div3A_222 = arith.constant 1.036800e+04 : f32
    %div3A_223 = vector.broadcast %div3A_222 : f32 to vector<1x256xf32>
    %div3A_224 = arith.divf %broadcast_in_dim3A_221, %div3A_223 : vector<1x256xf32>
    %sub3A_225 = vector.broadcast %div3A_224 : vector<1x256xf32> to vector<10368x256xf32>
    %sub3A_226 = arith.subf %add3A_212, %sub3A_225 : vector<10368x256xf32>
    %integer_pow3A_227 = arith.mulf %sub3A_226, %sub3A_226 : vector<10368x256xf32>
    %reduce_sum3A_228 = arith.constant dense<0.000000e+00> : vector<256xf32>
    %reduce_sum3A_229 = vector.multi_reduction <add>, %integer_pow3A_227, %reduce_sum3A_228 [0] : vector<10368x256xf32> to vector<256xf32>
    %broadcast_in_dim3A_230 = vector.shape_cast %reduce_sum3A_229 : vector<256xf32> to vector<1x256xf32>
    %div3A_231 = arith.constant 1.036800e+04 : f32
    %div3A_232 = vector.broadcast %div3A_231 : f32 to vector<1x256xf32>
    %div3A_233 = arith.divf %broadcast_in_dim3A_230, %div3A_232 : vector<1x256xf32>
    %sub3A_234 = vector.broadcast %div3A_224 : vector<1x256xf32> to vector<10368x256xf32>
    %sub3A_235 = arith.subf %add3A_212, %sub3A_234 : vector<10368x256xf32>
    %add3A_236 = arith.constant 9.99999974E-6 : f32
    %add3A_237 = vector.broadcast %add3A_236 : f32 to vector<1x256xf32>
    %add3A_238 = arith.addf %div3A_233, %add3A_237 : vector<1x256xf32>
    %sqrt3A_239 = math.sqrt %add3A_238 : vector<1x256xf32>
    %div3A_240 = vector.broadcast %sqrt3A_239 : vector<1x256xf32> to vector<10368x256xf32>
    %div3A_241 = arith.divf %sub3A_235, %div3A_240 : vector<10368x256xf32>
    %mul3A_242 = vector.broadcast %get3A_215 : vector<1x256xf32> to vector<10368x256xf32>
    %mul3A_243 = arith.mulf %div3A_241, %mul3A_242 : vector<10368x256xf32>
    %add3A_244 = vector.broadcast %get3A_218 : vector<1x256xf32> to vector<10368x256xf32>
    %add3A_245 = arith.addf %mul3A_243, %add3A_244 : vector<10368x256xf32>
    %max3A_246 = arith.constant 0.000000e+00 : f32
    %max3A_247 = vector.broadcast %max3A_246 : f32 to vector<10368x256xf32>
    %max3A_248 = arith.maximumf %add3A_245, %max3A_247 : vector<10368x256xf32>
    %slice3A_249 = vector.extract_strided_slice %max3A_248 {offsets = [0, 0], sizes = [288, 256], strides = [1, 1]} : vector<10368x256xf32> to vector<288x256xf32>
    %slice3A_250 = vector.extract_strided_slice %max3A_248 {offsets = [288, 0], sizes = [288, 256], strides = [1, 1]} : vector<10368x256xf32> to vector<288x256xf32>
    %max3A_251 = arith.maximumf %slice3A_249, %slice3A_250 : vector<288x256xf32>
    %slice3A_252 = vector.extract_strided_slice %max3A_248 {offsets = [576, 0], sizes = [288, 256], strides = [1, 1]} : vector<10368x256xf32> to vector<288x256xf32>
    %max3A_253 = arith.maximumf %max3A_251, %slice3A_252 : vector<288x256xf32>
    %slice3A_254 = vector.extract_strided_slice %max3A_248 {offsets = [864, 0], sizes = [288, 256], strides = [1, 1]} : vector<10368x256xf32> to vector<288x256xf32>
    %max3A_255 = arith.maximumf %max3A_253, %slice3A_254 : vector<288x256xf32>
    %slice3A_256 = vector.extract_strided_slice %max3A_248 {offsets = [1152, 0], sizes = [288, 256], strides = [1, 1]} : vector<10368x256xf32> to vector<288x256xf32>
    %max3A_257 = arith.maximumf %max3A_255, %slice3A_256 : vector<288x256xf32>
    %slice3A_258 = vector.extract_strided_slice %max3A_248 {offsets = [1440, 0], sizes = [288, 256], strides = [1, 1]} : vector<10368x256xf32> to vector<288x256xf32>
    %max3A_259 = arith.maximumf %max3A_257, %slice3A_258 : vector<288x256xf32>
    %slice3A_260 = vector.extract_strided_slice %max3A_248 {offsets = [1728, 0], sizes = [288, 256], strides = [1, 1]} : vector<10368x256xf32> to vector<288x256xf32>
    %max3A_261 = arith.maximumf %max3A_259, %slice3A_260 : vector<288x256xf32>
    %slice3A_262 = vector.extract_strided_slice %max3A_248 {offsets = [2016, 0], sizes = [288, 256], strides = [1, 1]} : vector<10368x256xf32> to vector<288x256xf32>
    %max3A_263 = arith.maximumf %max3A_261, %slice3A_262 : vector<288x256xf32>
    %slice3A_264 = vector.extract_strided_slice %max3A_248 {offsets = [2304, 0], sizes = [288, 256], strides = [1, 1]} : vector<10368x256xf32> to vector<288x256xf32>
    %max3A_265 = arith.maximumf %max3A_263, %slice3A_264 : vector<288x256xf32>
    %slice3A_266 = vector.extract_strided_slice %max3A_248 {offsets = [2592, 0], sizes = [288, 256], strides = [1, 1]} : vector<10368x256xf32> to vector<288x256xf32>
    %max3A_267 = arith.maximumf %max3A_265, %slice3A_266 : vector<288x256xf32>
    %slice3A_268 = vector.extract_strided_slice %max3A_248 {offsets = [2880, 0], sizes = [288, 256], strides = [1, 1]} : vector<10368x256xf32> to vector<288x256xf32>
    %max3A_269 = arith.maximumf %max3A_267, %slice3A_268 : vector<288x256xf32>
    %slice3A_270 = vector.extract_strided_slice %max3A_248 {offsets = [3168, 0], sizes = [288, 256], strides = [1, 1]} : vector<10368x256xf32> to vector<288x256xf32>
    %max3A_271 = arith.maximumf %max3A_269, %slice3A_270 : vector<288x256xf32>
    %slice3A_272 = vector.extract_strided_slice %max3A_248 {offsets = [3456, 0], sizes = [288, 256], strides = [1, 1]} : vector<10368x256xf32> to vector<288x256xf32>
    %max3A_273 = arith.maximumf %max3A_271, %slice3A_272 : vector<288x256xf32>
    %slice3A_274 = vector.extract_strided_slice %max3A_248 {offsets = [3744, 0], sizes = [288, 256], strides = [1, 1]} : vector<10368x256xf32> to vector<288x256xf32>
    %max3A_275 = arith.maximumf %max3A_273, %slice3A_274 : vector<288x256xf32>
    %slice3A_276 = vector.extract_strided_slice %max3A_248 {offsets = [4032, 0], sizes = [288, 256], strides = [1, 1]} : vector<10368x256xf32> to vector<288x256xf32>
    %max3A_277 = arith.maximumf %max3A_275, %slice3A_276 : vector<288x256xf32>
    %slice3A_278 = vector.extract_strided_slice %max3A_248 {offsets = [4320, 0], sizes = [288, 256], strides = [1, 1]} : vector<10368x256xf32> to vector<288x256xf32>
    %max3A_279 = arith.maximumf %max3A_277, %slice3A_278 : vector<288x256xf32>
    %slice3A_280 = vector.extract_strided_slice %max3A_248 {offsets = [4608, 0], sizes = [288, 256], strides = [1, 1]} : vector<10368x256xf32> to vector<288x256xf32>
    %max3A_281 = arith.maximumf %max3A_279, %slice3A_280 : vector<288x256xf32>
    %slice3A_282 = vector.extract_strided_slice %max3A_248 {offsets = [4896, 0], sizes = [288, 256], strides = [1, 1]} : vector<10368x256xf32> to vector<288x256xf32>
    %max3A_283 = arith.maximumf %max3A_281, %slice3A_282 : vector<288x256xf32>
    %slice3A_284 = vector.extract_strided_slice %max3A_248 {offsets = [5184, 0], sizes = [288, 256], strides = [1, 1]} : vector<10368x256xf32> to vector<288x256xf32>
    %max3A_285 = arith.maximumf %max3A_283, %slice3A_284 : vector<288x256xf32>
    %slice3A_286 = vector.extract_strided_slice %max3A_248 {offsets = [5472, 0], sizes = [288, 256], strides = [1, 1]} : vector<10368x256xf32> to vector<288x256xf32>
    %max3A_287 = arith.maximumf %max3A_285, %slice3A_286 : vector<288x256xf32>
    %slice3A_288 = vector.extract_strided_slice %max3A_248 {offsets = [5760, 0], sizes = [288, 256], strides = [1, 1]} : vector<10368x256xf32> to vector<288x256xf32>
    %max3A_289 = arith.maximumf %max3A_287, %slice3A_288 : vector<288x256xf32>
    %slice3A_290 = vector.extract_strided_slice %max3A_248 {offsets = [6048, 0], sizes = [288, 256], strides = [1, 1]} : vector<10368x256xf32> to vector<288x256xf32>
    %max3A_291 = arith.maximumf %max3A_289, %slice3A_290 : vector<288x256xf32>
    %slice3A_292 = vector.extract_strided_slice %max3A_248 {offsets = [6336, 0], sizes = [288, 256], strides = [1, 1]} : vector<10368x256xf32> to vector<288x256xf32>
    %max3A_293 = arith.maximumf %max3A_291, %slice3A_292 : vector<288x256xf32>
    %slice3A_294 = vector.extract_strided_slice %max3A_248 {offsets = [6624, 0], sizes = [288, 256], strides = [1, 1]} : vector<10368x256xf32> to vector<288x256xf32>
    %max3A_295 = arith.maximumf %max3A_293, %slice3A_294 : vector<288x256xf32>
    %slice3A_296 = vector.extract_strided_slice %max3A_248 {offsets = [6912, 0], sizes = [288, 256], strides = [1, 1]} : vector<10368x256xf32> to vector<288x256xf32>
    %max3A_297 = arith.maximumf %max3A_295, %slice3A_296 : vector<288x256xf32>
    %slice3A_298 = vector.extract_strided_slice %max3A_248 {offsets = [7200, 0], sizes = [288, 256], strides = [1, 1]} : vector<10368x256xf32> to vector<288x256xf32>
    %max3A_299 = arith.maximumf %max3A_297, %slice3A_298 : vector<288x256xf32>
    %slice3A_300 = vector.extract_strided_slice %max3A_248 {offsets = [7488, 0], sizes = [288, 256], strides = [1, 1]} : vector<10368x256xf32> to vector<288x256xf32>
    %max3A_301 = arith.maximumf %max3A_299, %slice3A_300 : vector<288x256xf32>
    %slice3A_302 = vector.extract_strided_slice %max3A_248 {offsets = [7776, 0], sizes = [288, 256], strides = [1, 1]} : vector<10368x256xf32> to vector<288x256xf32>
    %max3A_303 = arith.maximumf %max3A_301, %slice3A_302 : vector<288x256xf32>
    %slice3A_304 = vector.extract_strided_slice %max3A_248 {offsets = [8064, 0], sizes = [288, 256], strides = [1, 1]} : vector<10368x256xf32> to vector<288x256xf32>
    %max3A_305 = arith.maximumf %max3A_303, %slice3A_304 : vector<288x256xf32>
    %slice3A_306 = vector.extract_strided_slice %max3A_248 {offsets = [8352, 0], sizes = [288, 256], strides = [1, 1]} : vector<10368x256xf32> to vector<288x256xf32>
    %max3A_307 = arith.maximumf %max3A_305, %slice3A_306 : vector<288x256xf32>
    %slice3A_308 = vector.extract_strided_slice %max3A_248 {offsets = [8640, 0], sizes = [288, 256], strides = [1, 1]} : vector<10368x256xf32> to vector<288x256xf32>
    %max3A_309 = arith.maximumf %max3A_307, %slice3A_308 : vector<288x256xf32>
    %slice3A_310 = vector.extract_strided_slice %max3A_248 {offsets = [8928, 0], sizes = [288, 256], strides = [1, 1]} : vector<10368x256xf32> to vector<288x256xf32>
    %max3A_311 = arith.maximumf %max3A_309, %slice3A_310 : vector<288x256xf32>
    %slice3A_312 = vector.extract_strided_slice %max3A_248 {offsets = [9216, 0], sizes = [288, 256], strides = [1, 1]} : vector<10368x256xf32> to vector<288x256xf32>
    %max3A_313 = arith.maximumf %max3A_311, %slice3A_312 : vector<288x256xf32>
    %slice3A_314 = vector.extract_strided_slice %max3A_248 {offsets = [9504, 0], sizes = [288, 256], strides = [1, 1]} : vector<10368x256xf32> to vector<288x256xf32>
    %max3A_315 = arith.maximumf %max3A_313, %slice3A_314 : vector<288x256xf32>
    %slice3A_316 = vector.extract_strided_slice %max3A_248 {offsets = [9792, 0], sizes = [288, 256], strides = [1, 1]} : vector<10368x256xf32> to vector<288x256xf32>
    %max3A_317 = arith.maximumf %max3A_315, %slice3A_316 : vector<288x256xf32>
    %slice3A_318 = vector.extract_strided_slice %max3A_248 {offsets = [10080, 0], sizes = [288, 256], strides = [1, 1]} : vector<10368x256xf32> to vector<288x256xf32>
    %max3A_319 = arith.maximumf %max3A_317, %slice3A_318 : vector<288x256xf32>
    %get3A_320 = arith.constant 0 : index
    %get3A_321 = arith.constant 0 : index
    %get3A_322 = vector.load %arg18[%get3A_320, %get3A_321] : memref<10368x9xf32, #tpu.memory_space<vmem>>, vector<10368x9xf32>
    %get3A_323 = arith.constant 0 : index
    %get3A_324 = arith.constant 0 : index
    %get3A_325 = vector.load %arg19[%get3A_323, %get3A_324] : memref<64x9xf32, #tpu.memory_space<vmem>>, vector<64x9xf32>
    %dot_general3A_326 = arith.constant dense<0.000000e+00> : vector<10368x64xf32>
    %dot_general3A_327 = tpu.matmul %get3A_322, %get3A_325, %dot_general3A_326 {dimension_numbers = #tpu.dot_dimension_numbers<[1], [1], [0], [0], [0, 0, 1, 0], [], []>, transpose_lhs_hint = false} : vector<10368x9xf32>, vector<64x9xf32>, vector<10368x64xf32> -> vector<10368x64xf32>
    %get3A_328 = arith.constant 0 : index
    %get3A_329 = arith.constant 0 : index
    %get3A_330 = vector.load %arg20[%get3A_328, %get3A_329] : memref<1x64xf32, #tpu.memory_space<vmem>>, vector<1x64xf32>
    %add3A_331 = vector.broadcast %get3A_330 : vector<1x64xf32> to vector<10368x64xf32>
    %add3A_332 = arith.addf %dot_general3A_327, %add3A_331 : vector<10368x64xf32>
    %get3A_333 = arith.constant 0 : index
    %get3A_334 = arith.constant 0 : index
    %get3A_335 = vector.load %arg21[%get3A_333, %get3A_334] : memref<1x64xf32, #tpu.memory_space<vmem>>, vector<1x64xf32>
    %get3A_336 = arith.constant 0 : index
    %get3A_337 = arith.constant 0 : index
    %get3A_338 = vector.load %arg22[%get3A_336, %get3A_337] : memref<1x64xf32, #tpu.memory_space<vmem>>, vector<1x64xf32>
    %reduce_sum3A_339 = arith.constant dense<0.000000e+00> : vector<64xf32>
    %reduce_sum3A_340 = vector.multi_reduction <add>, %add3A_332, %reduce_sum3A_339 [0] : vector<10368x64xf32> to vector<64xf32>
    %broadcast_in_dim3A_341 = vector.shape_cast %reduce_sum3A_340 : vector<64xf32> to vector<1x64xf32>
    %div3A_342 = arith.constant 1.036800e+04 : f32
    %div3A_343 = vector.broadcast %div3A_342 : f32 to vector<1x64xf32>
    %div3A_344 = arith.divf %broadcast_in_dim3A_341, %div3A_343 : vector<1x64xf32>
    %sub3A_345 = vector.broadcast %div3A_344 : vector<1x64xf32> to vector<10368x64xf32>
    %sub3A_346 = arith.subf %add3A_332, %sub3A_345 : vector<10368x64xf32>
    %integer_pow3A_347 = arith.mulf %sub3A_346, %sub3A_346 : vector<10368x64xf32>
    %reduce_sum3A_348 = arith.constant dense<0.000000e+00> : vector<64xf32>
    %reduce_sum3A_349 = vector.multi_reduction <add>, %integer_pow3A_347, %reduce_sum3A_348 [0] : vector<10368x64xf32> to vector<64xf32>
    %broadcast_in_dim3A_350 = vector.shape_cast %reduce_sum3A_349 : vector<64xf32> to vector<1x64xf32>
    %div3A_351 = arith.constant 1.036800e+04 : f32
    %div3A_352 = vector.broadcast %div3A_351 : f32 to vector<1x64xf32>
    %div3A_353 = arith.divf %broadcast_in_dim3A_350, %div3A_352 : vector<1x64xf32>
    %sub3A_354 = vector.broadcast %div3A_344 : vector<1x64xf32> to vector<10368x64xf32>
    %sub3A_355 = arith.subf %add3A_332, %sub3A_354 : vector<10368x64xf32>
    %add3A_356 = arith.constant 9.99999974E-6 : f32
    %add3A_357 = vector.broadcast %add3A_356 : f32 to vector<1x64xf32>
    %add3A_358 = arith.addf %div3A_353, %add3A_357 : vector<1x64xf32>
    %sqrt3A_359 = math.sqrt %add3A_358 : vector<1x64xf32>
    %div3A_360 = vector.broadcast %sqrt3A_359 : vector<1x64xf32> to vector<10368x64xf32>
    %div3A_361 = arith.divf %sub3A_355, %div3A_360 : vector<10368x64xf32>
    %mul3A_362 = vector.broadcast %get3A_335 : vector<1x64xf32> to vector<10368x64xf32>
    %mul3A_363 = arith.mulf %div3A_361, %mul3A_362 : vector<10368x64xf32>
    %add3A_364 = vector.broadcast %get3A_338 : vector<1x64xf32> to vector<10368x64xf32>
    %add3A_365 = arith.addf %mul3A_363, %add3A_364 : vector<10368x64xf32>
    %max3A_366 = arith.constant 0.000000e+00 : f32
    %max3A_367 = vector.broadcast %max3A_366 : f32 to vector<10368x64xf32>
    %max3A_368 = arith.maximumf %add3A_365, %max3A_367 : vector<10368x64xf32>
    %get3A_369 = arith.constant 0 : index
    %get3A_370 = arith.constant 0 : index
    %get3A_371 = vector.load %arg23[%get3A_369, %get3A_370] : memref<128x64xf32, #tpu.memory_space<vmem>>, vector<128x64xf32>
    %dot_general3A_372 = arith.constant dense<0.000000e+00> : vector<10368x128xf32>
    %dot_general3A_373 = tpu.matmul %max3A_368, %get3A_371, %dot_general3A_372 {dimension_numbers = #tpu.dot_dimension_numbers<[1], [1], [0], [0], [0, 0, 1, 0], [], []>, transpose_lhs_hint = false} : vector<10368x64xf32>, vector<128x64xf32>, vector<10368x128xf32> -> vector<10368x128xf32>
    %get3A_374 = arith.constant 0 : index
    %get3A_375 = arith.constant 0 : index
    %get3A_376 = vector.load %arg24[%get3A_374, %get3A_375] : memref<1x128xf32, #tpu.memory_space<vmem>>, vector<1x128xf32>
    %add3A_377 = vector.broadcast %get3A_376 : vector<1x128xf32> to vector<10368x128xf32>
    %add3A_378 = arith.addf %dot_general3A_373, %add3A_377 : vector<10368x128xf32>
    %get3A_379 = arith.constant 0 : index
    %get3A_380 = arith.constant 0 : index
    %get3A_381 = vector.load %arg25[%get3A_379, %get3A_380] : memref<1x128xf32, #tpu.memory_space<vmem>>, vector<1x128xf32>
    %get3A_382 = arith.constant 0 : index
    %get3A_383 = arith.constant 0 : index
    %get3A_384 = vector.load %arg26[%get3A_382, %get3A_383] : memref<1x128xf32, #tpu.memory_space<vmem>>, vector<1x128xf32>
    %reduce_sum3A_385 = arith.constant dense<0.000000e+00> : vector<128xf32>
    %reduce_sum3A_386 = vector.multi_reduction <add>, %add3A_378, %reduce_sum3A_385 [0] : vector<10368x128xf32> to vector<128xf32>
    %broadcast_in_dim3A_387 = vector.shape_cast %reduce_sum3A_386 : vector<128xf32> to vector<1x128xf32>
    %div3A_388 = arith.constant 1.036800e+04 : f32
    %div3A_389 = vector.broadcast %div3A_388 : f32 to vector<1x128xf32>
    %div3A_390 = arith.divf %broadcast_in_dim3A_387, %div3A_389 : vector<1x128xf32>
    %sub3A_391 = vector.broadcast %div3A_390 : vector<1x128xf32> to vector<10368x128xf32>
    %sub3A_392 = arith.subf %add3A_378, %sub3A_391 : vector<10368x128xf32>
    %integer_pow3A_393 = arith.mulf %sub3A_392, %sub3A_392 : vector<10368x128xf32>
    %reduce_sum3A_394 = arith.constant dense<0.000000e+00> : vector<128xf32>
    %reduce_sum3A_395 = vector.multi_reduction <add>, %integer_pow3A_393, %reduce_sum3A_394 [0] : vector<10368x128xf32> to vector<128xf32>
    %broadcast_in_dim3A_396 = vector.shape_cast %reduce_sum3A_395 : vector<128xf32> to vector<1x128xf32>
    %div3A_397 = arith.constant 1.036800e+04 : f32
    %div3A_398 = vector.broadcast %div3A_397 : f32 to vector<1x128xf32>
    %div3A_399 = arith.divf %broadcast_in_dim3A_396, %div3A_398 : vector<1x128xf32>
    %sub3A_400 = vector.broadcast %div3A_390 : vector<1x128xf32> to vector<10368x128xf32>
    %sub3A_401 = arith.subf %add3A_378, %sub3A_400 : vector<10368x128xf32>
    %add3A_402 = arith.constant 9.99999974E-6 : f32
    %add3A_403 = vector.broadcast %add3A_402 : f32 to vector<1x128xf32>
    %add3A_404 = arith.addf %div3A_399, %add3A_403 : vector<1x128xf32>
    %sqrt3A_405 = math.sqrt %add3A_404 : vector<1x128xf32>
    %div3A_406 = vector.broadcast %sqrt3A_405 : vector<1x128xf32> to vector<10368x128xf32>
    %div3A_407 = arith.divf %sub3A_401, %div3A_406 : vector<10368x128xf32>
    %mul3A_408 = vector.broadcast %get3A_381 : vector<1x128xf32> to vector<10368x128xf32>
    %mul3A_409 = arith.mulf %div3A_407, %mul3A_408 : vector<10368x128xf32>
    %add3A_410 = vector.broadcast %get3A_384 : vector<1x128xf32> to vector<10368x128xf32>
    %add3A_411 = arith.addf %mul3A_409, %add3A_410 : vector<10368x128xf32>
    %max3A_412 = arith.constant 0.000000e+00 : f32
    %max3A_413 = vector.broadcast %max3A_412 : f32 to vector<10368x128xf32>
    %max3A_414 = arith.maximumf %add3A_411, %max3A_413 : vector<10368x128xf32>
    %slice3A_415 = vector.extract_strided_slice %max3A_414 {offsets = [0, 0], sizes = [288, 128], strides = [1, 1]} : vector<10368x128xf32> to vector<288x128xf32>
    %slice3A_416 = vector.extract_strided_slice %max3A_414 {offsets = [288, 0], sizes = [288, 128], strides = [1, 1]} : vector<10368x128xf32> to vector<288x128xf32>
    %max3A_417 = arith.maximumf %slice3A_415, %slice3A_416 : vector<288x128xf32>
    %slice3A_418 = vector.extract_strided_slice %max3A_414 {offsets = [576, 0], sizes = [288, 128], strides = [1, 1]} : vector<10368x128xf32> to vector<288x128xf32>
    %max3A_419 = arith.maximumf %max3A_417, %slice3A_418 : vector<288x128xf32>
    %slice3A_420 = vector.extract_strided_slice %max3A_414 {offsets = [864, 0], sizes = [288, 128], strides = [1, 1]} : vector<10368x128xf32> to vector<288x128xf32>
    %max3A_421 = arith.maximumf %max3A_419, %slice3A_420 : vector<288x128xf32>
    %slice3A_422 = vector.extract_strided_slice %max3A_414 {offsets = [1152, 0], sizes = [288, 128], strides = [1, 1]} : vector<10368x128xf32> to vector<288x128xf32>
    %max3A_423 = arith.maximumf %max3A_421, %slice3A_422 : vector<288x128xf32>
    %slice3A_424 = vector.extract_strided_slice %max3A_414 {offsets = [1440, 0], sizes = [288, 128], strides = [1, 1]} : vector<10368x128xf32> to vector<288x128xf32>
    %max3A_425 = arith.maximumf %max3A_423, %slice3A_424 : vector<288x128xf32>
    %slice3A_426 = vector.extract_strided_slice %max3A_414 {offsets = [1728, 0], sizes = [288, 128], strides = [1, 1]} : vector<10368x128xf32> to vector<288x128xf32>
    %max3A_427 = arith.maximumf %max3A_425, %slice3A_426 : vector<288x128xf32>
    %slice3A_428 = vector.extract_strided_slice %max3A_414 {offsets = [2016, 0], sizes = [288, 128], strides = [1, 1]} : vector<10368x128xf32> to vector<288x128xf32>
    %max3A_429 = arith.maximumf %max3A_427, %slice3A_428 : vector<288x128xf32>
    %slice3A_430 = vector.extract_strided_slice %max3A_414 {offsets = [2304, 0], sizes = [288, 128], strides = [1, 1]} : vector<10368x128xf32> to vector<288x128xf32>
    %max3A_431 = arith.maximumf %max3A_429, %slice3A_430 : vector<288x128xf32>
    %slice3A_432 = vector.extract_strided_slice %max3A_414 {offsets = [2592, 0], sizes = [288, 128], strides = [1, 1]} : vector<10368x128xf32> to vector<288x128xf32>
    %max3A_433 = arith.maximumf %max3A_431, %slice3A_432 : vector<288x128xf32>
    %slice3A_434 = vector.extract_strided_slice %max3A_414 {offsets = [2880, 0], sizes = [288, 128], strides = [1, 1]} : vector<10368x128xf32> to vector<288x128xf32>
    %max3A_435 = arith.maximumf %max3A_433, %slice3A_434 : vector<288x128xf32>
    %slice3A_436 = vector.extract_strided_slice %max3A_414 {offsets = [3168, 0], sizes = [288, 128], strides = [1, 1]} : vector<10368x128xf32> to vector<288x128xf32>
    %max3A_437 = arith.maximumf %max3A_435, %slice3A_436 : vector<288x128xf32>
    %slice3A_438 = vector.extract_strided_slice %max3A_414 {offsets = [3456, 0], sizes = [288, 128], strides = [1, 1]} : vector<10368x128xf32> to vector<288x128xf32>
    %max3A_439 = arith.maximumf %max3A_437, %slice3A_438 : vector<288x128xf32>
    %slice3A_440 = vector.extract_strided_slice %max3A_414 {offsets = [3744, 0], sizes = [288, 128], strides = [1, 1]} : vector<10368x128xf32> to vector<288x128xf32>
    %max3A_441 = arith.maximumf %max3A_439, %slice3A_440 : vector<288x128xf32>
    %slice3A_442 = vector.extract_strided_slice %max3A_414 {offsets = [4032, 0], sizes = [288, 128], strides = [1, 1]} : vector<10368x128xf32> to vector<288x128xf32>
    %max3A_443 = arith.maximumf %max3A_441, %slice3A_442 : vector<288x128xf32>
    %slice3A_444 = vector.extract_strided_slice %max3A_414 {offsets = [4320, 0], sizes = [288, 128], strides = [1, 1]} : vector<10368x128xf32> to vector<288x128xf32>
    %max3A_445 = arith.maximumf %max3A_443, %slice3A_444 : vector<288x128xf32>
    %slice3A_446 = vector.extract_strided_slice %max3A_414 {offsets = [4608, 0], sizes = [288, 128], strides = [1, 1]} : vector<10368x128xf32> to vector<288x128xf32>
    %max3A_447 = arith.maximumf %max3A_445, %slice3A_446 : vector<288x128xf32>
    %slice3A_448 = vector.extract_strided_slice %max3A_414 {offsets = [4896, 0], sizes = [288, 128], strides = [1, 1]} : vector<10368x128xf32> to vector<288x128xf32>
    %max3A_449 = arith.maximumf %max3A_447, %slice3A_448 : vector<288x128xf32>
    %slice3A_450 = vector.extract_strided_slice %max3A_414 {offsets = [5184, 0], sizes = [288, 128], strides = [1, 1]} : vector<10368x128xf32> to vector<288x128xf32>
    %max3A_451 = arith.maximumf %max3A_449, %slice3A_450 : vector<288x128xf32>
    %slice3A_452 = vector.extract_strided_slice %max3A_414 {offsets = [5472, 0], sizes = [288, 128], strides = [1, 1]} : vector<10368x128xf32> to vector<288x128xf32>
    %max3A_453 = arith.maximumf %max3A_451, %slice3A_452 : vector<288x128xf32>
    %slice3A_454 = vector.extract_strided_slice %max3A_414 {offsets = [5760, 0], sizes = [288, 128], strides = [1, 1]} : vector<10368x128xf32> to vector<288x128xf32>
    %max3A_455 = arith.maximumf %max3A_453, %slice3A_454 : vector<288x128xf32>
    %slice3A_456 = vector.extract_strided_slice %max3A_414 {offsets = [6048, 0], sizes = [288, 128], strides = [1, 1]} : vector<10368x128xf32> to vector<288x128xf32>
    %max3A_457 = arith.maximumf %max3A_455, %slice3A_456 : vector<288x128xf32>
    %slice3A_458 = vector.extract_strided_slice %max3A_414 {offsets = [6336, 0], sizes = [288, 128], strides = [1, 1]} : vector<10368x128xf32> to vector<288x128xf32>
    %max3A_459 = arith.maximumf %max3A_457, %slice3A_458 : vector<288x128xf32>
    %slice3A_460 = vector.extract_strided_slice %max3A_414 {offsets = [6624, 0], sizes = [288, 128], strides = [1, 1]} : vector<10368x128xf32> to vector<288x128xf32>
    %max3A_461 = arith.maximumf %max3A_459, %slice3A_460 : vector<288x128xf32>
    %slice3A_462 = vector.extract_strided_slice %max3A_414 {offsets = [6912, 0], sizes = [288, 128], strides = [1, 1]} : vector<10368x128xf32> to vector<288x128xf32>
    %max3A_463 = arith.maximumf %max3A_461, %slice3A_462 : vector<288x128xf32>
    %slice3A_464 = vector.extract_strided_slice %max3A_414 {offsets = [7200, 0], sizes = [288, 128], strides = [1, 1]} : vector<10368x128xf32> to vector<288x128xf32>
    %max3A_465 = arith.maximumf %max3A_463, %slice3A_464 : vector<288x128xf32>
    %slice3A_466 = vector.extract_strided_slice %max3A_414 {offsets = [7488, 0], sizes = [288, 128], strides = [1, 1]} : vector<10368x128xf32> to vector<288x128xf32>
    %max3A_467 = arith.maximumf %max3A_465, %slice3A_466 : vector<288x128xf32>
    %slice3A_468 = vector.extract_strided_slice %max3A_414 {offsets = [7776, 0], sizes = [288, 128], strides = [1, 1]} : vector<10368x128xf32> to vector<288x128xf32>
    %max3A_469 = arith.maximumf %max3A_467, %slice3A_468 : vector<288x128xf32>
    %slice3A_470 = vector.extract_strided_slice %max3A_414 {offsets = [8064, 0], sizes = [288, 128], strides = [1, 1]} : vector<10368x128xf32> to vector<288x128xf32>
    %max3A_471 = arith.maximumf %max3A_469, %slice3A_470 : vector<288x128xf32>
    %slice3A_472 = vector.extract_strided_slice %max3A_414 {offsets = [8352, 0], sizes = [288, 128], strides = [1, 1]} : vector<10368x128xf32> to vector<288x128xf32>
    %max3A_473 = arith.maximumf %max3A_471, %slice3A_472 : vector<288x128xf32>
    %slice3A_474 = vector.extract_strided_slice %max3A_414 {offsets = [8640, 0], sizes = [288, 128], strides = [1, 1]} : vector<10368x128xf32> to vector<288x128xf32>
    %max3A_475 = arith.maximumf %max3A_473, %slice3A_474 : vector<288x128xf32>
    %slice3A_476 = vector.extract_strided_slice %max3A_414 {offsets = [8928, 0], sizes = [288, 128], strides = [1, 1]} : vector<10368x128xf32> to vector<288x128xf32>
    %max3A_477 = arith.maximumf %max3A_475, %slice3A_476 : vector<288x128xf32>
    %slice3A_478 = vector.extract_strided_slice %max3A_414 {offsets = [9216, 0], sizes = [288, 128], strides = [1, 1]} : vector<10368x128xf32> to vector<288x128xf32>
    %max3A_479 = arith.maximumf %max3A_477, %slice3A_478 : vector<288x128xf32>
    %slice3A_480 = vector.extract_strided_slice %max3A_414 {offsets = [9504, 0], sizes = [288, 128], strides = [1, 1]} : vector<10368x128xf32> to vector<288x128xf32>
    %max3A_481 = arith.maximumf %max3A_479, %slice3A_480 : vector<288x128xf32>
    %slice3A_482 = vector.extract_strided_slice %max3A_414 {offsets = [9792, 0], sizes = [288, 128], strides = [1, 1]} : vector<10368x128xf32> to vector<288x128xf32>
    %max3A_483 = arith.maximumf %max3A_481, %slice3A_482 : vector<288x128xf32>
    %slice3A_484 = vector.extract_strided_slice %max3A_414 {offsets = [10080, 0], sizes = [288, 128], strides = [1, 1]} : vector<10368x128xf32> to vector<288x128xf32>
    %max3A_485 = arith.maximumf %max3A_483, %slice3A_484 : vector<288x128xf32>
    %concatenate3A = tpu.concatenate %max3A_153, %max3A_319, %max3A_485 in 1 : vector<288x128xf32>, vector<288x256xf32>, vector<288x128xf32> -> vector<288x512xf32>
    %swap3A = arith.constant 0 : index
    %swap3A_486 = arith.constant 0 : index
    %swap3A_487 = vector.load %arg27[%swap3A, %swap3A_486] : memref<288x512xf32, #tpu.memory_space<vmem>>, vector<288x512xf32>
    tpu.vector_store %arg27[%swap3A, %swap3A_486], %concatenate3A {strides = array<i32>} : memref<288x512xf32, #tpu.memory_space<vmem>>, vector<288x512xf32>,
    return
  }
}

module attributes {stable_mosaic.version = 14 : i64} {
  func.func @_fp1_kernel(%arg0: i32, %arg1: memref<1x4096x3xf32, #tpu.memory_space<vmem>>, %arg2: memref<1x36x3xf32, #tpu.memory_space<vmem>>, %arg3: memref<1x36x512xf32, #tpu.memory_space<vmem>>, %arg4: memref<1x64x1xf32, #tpu.memory_space<vmem>>, %arg5: memref<512x576xf32, #tpu.memory_space<vmem>>, %arg6: memref<1x512xf32, #tpu.memory_space<vmem>>, %arg7: memref<1x4096x512xf32, #tpu.memory_space<vmem>>, %arg8: memref<1x1x512xf32, #tpu.memory_space<vmem>>, %arg9: memref<1x1x512xf32, #tpu.memory_space<vmem>>) attributes {dimension_semantics = [#tpu.dimension_semantics<arbitrary>], iteration_bounds = array<i64: 8>, scalar_prefetch = 0 : i64, scratch_operands = 0 : i64, tpu.core_type = #tpu.core_type<tc>, window_params = [{transform_indices = @transform_0, window_bounds = array<i64: 1, 4096, 3>}, {transform_indices = @transform_1, window_bounds = array<i64: 1, 36, 3>}, {transform_indices = @transform_2, window_bounds = array<i64: 1, 36, 512>}, {transform_indices = @transform_3, window_bounds = array<i64: 1, 64, 1>}, {pipeline_mode = #tpu.pipeline_mode<synchronous>, transform_indices = @transform_4, window_bounds = array<i64: 512, 576>}, {pipeline_mode = #tpu.pipeline_mode<synchronous>, transform_indices = @transform_5, window_bounds = array<i64: 1, 512>}, {transform_indices = @transform_6, window_bounds = array<i64: 1, 4096, 512>}, {transform_indices = @transform_7, window_bounds = array<i64: 1, 1, 512>}, {transform_indices = @transform_8, window_bounds = array<i64: 1, 1, 512>}]} {
    %get3A = arith.constant 0 : index
    %get3A_0 = arith.constant 0 : index
    %get3A_1 = arith.constant 0 : index
    %get3A_2 = vector.load %arg1[%get3A, %get3A_0, %get3A_1] : memref<1x4096x3xf32, #tpu.memory_space<vmem>>, vector<1x4096x3xf32>
    %get3A_3 = vector.shape_cast %get3A_2 : vector<1x4096x3xf32> to vector<4096x3xf32>
    %get3A_4 = arith.constant 0 : index
    %get3A_5 = arith.constant 0 : index
    %get3A_6 = arith.constant 0 : index
    %get3A_7 = vector.load %arg2[%get3A_4, %get3A_5, %get3A_6] : memref<1x36x3xf32, #tpu.memory_space<vmem>>, vector<1x36x3xf32>
    %get3A_8 = vector.shape_cast %get3A_7 : vector<1x36x3xf32> to vector<36x3xf32>
    %mul3A = arith.mulf %get3A_3, %get3A_3 : vector<4096x3xf32>
    %reduce_sum3A = arith.constant dense<0.000000e+00> : vector<4096xf32>
    %reduce_sum3A_9 = vector.multi_reduction <add>, %mul3A, %reduce_sum3A [1] : vector<4096x3xf32> to vector<4096xf32>
    %broadcast_in_dim3A = vector.shape_cast %reduce_sum3A_9 : vector<4096xf32> to vector<4096x1xf32>
    %mul3A_10 = arith.mulf %get3A_8, %get3A_8 : vector<36x3xf32>
    %reduce_sum3A_11 = arith.constant dense<0.000000e+00> : vector<36xf32>
    %reduce_sum3A_12 = vector.multi_reduction <add>, %mul3A_10, %reduce_sum3A_11 [1] : vector<36x3xf32> to vector<36xf32>
    %broadcast_in_dim3A_13 = vector.shape_cast %reduce_sum3A_12 : vector<36xf32> to vector<1x36xf32>
    %dot_general3A = arith.constant dense<0.000000e+00> : vector<4096x36xf32>
    %dot_general3A_14 = tpu.matmul %get3A_3, %get3A_8, %dot_general3A {dimension_numbers = #tpu.dot_dimension_numbers<[1], [1], [0], [0], [0, 0, 1, 0], [], []>, transpose_lhs_hint = false} : vector<4096x3xf32>, vector<36x3xf32>, vector<4096x36xf32> -> vector<4096x36xf32>
    %add3A = vector.broadcast %broadcast_in_dim3A : vector<4096x1xf32> to vector<4096x36xf32>
    %add3A_15 = vector.broadcast %broadcast_in_dim3A_13 : vector<1x36xf32> to vector<4096x36xf32>
    %add3A_16 = arith.addf %add3A, %add3A_15 : vector<4096x36xf32>
    %mul3A_17 = arith.constant 2.000000e+00 : f32
    %mul3A_18 = vector.broadcast %mul3A_17 : f32 to vector<4096x36xf32>
    %mul3A_19 = arith.mulf %mul3A_18, %dot_general3A_14 : vector<4096x36xf32>
    %sub3A = arith.subf %add3A_16, %mul3A_19 : vector<4096x36xf32>
    %iota3A = tpu.iota {dimensions = array<i32: 1>} : vector<4096x36xi32>
    %reduce_min3A = arith.constant dense<0x7F800000> : vector<4096xf32>
    %reduce_min3A_20 = vector.multi_reduction <minimumf>, %sub3A, %reduce_min3A [1] : vector<4096x36xf32> to vector<4096xf32>
    %broadcast_in_dim3A_21 = vector.shape_cast %reduce_min3A_20 : vector<4096xf32> to vector<4096x1xf32>
    %eq3A = vector.broadcast %broadcast_in_dim3A_21 : vector<4096x1xf32> to vector<4096x36xf32>
    %eq3A_22 = arith.cmpf oeq, %sub3A, %eq3A : vector<4096x36xf32>
    %jit3A = arith.constant 36 : i32
    %broadcast_in_dim3A_23 = vector.broadcast %jit3A : i32 to vector<4096x36xi32>
    %select_n3A = arith.select %eq3A_22, %iota3A, %broadcast_in_dim3A_23 : vector<4096x36xi1>, vector<4096x36xi32>
    %reduce_min3A_24 = arith.constant dense<2147483647> : vector<4096xi32>
    %reduce_min3A_25 = vector.multi_reduction <minsi>, %select_n3A, %reduce_min3A_24 [1] : vector<4096x36xi32> to vector<4096xi32>
    %broadcast_in_dim3A_26 = vector.shape_cast %reduce_min3A_25 : vector<4096xi32> to vector<4096x1xi32>
    %eq3A_27 = vector.broadcast %broadcast_in_dim3A_26 : vector<4096x1xi32> to vector<4096x36xi32>
    %eq3A_28 = arith.cmpi eq, %iota3A, %eq3A_27 : vector<4096x36xi32>
    %convert_element_type3A = arith.extui %eq3A_28 : vector<4096x36xi1> to vector<4096x36xi32>
    %convert_element_type3A_29 = arith.sitofp %convert_element_type3A : vector<4096x36xi32> to vector<4096x36xf32>
    %add3A_30 = arith.constant 9.99999993E-9 : f32
    %add3A_31 = vector.broadcast %add3A_30 : f32 to vector<4096x1xf32>
    %add3A_32 = arith.addf %broadcast_in_dim3A_21, %add3A_31 : vector<4096x1xf32>
    %div3A = arith.constant 1.000000e+00 : f32
    %div3A_33 = vector.broadcast %div3A : f32 to vector<4096x1xf32>
    %div3A_34 = arith.divf %div3A_33, %add3A_32 : vector<4096x1xf32>
    %eq3A_35 = vector.broadcast %broadcast_in_dim3A_26 : vector<4096x1xi32> to vector<4096x36xi32>
    %eq3A_36 = arith.cmpi eq, %iota3A, %eq3A_35 : vector<4096x36xi32>
    %jit3A_37 = arith.constant 1.000000e+30 : f32
    %broadcast_in_dim3A_38 = vector.broadcast %jit3A_37 : f32 to vector<4096x36xf32>
    %select_n3A_39 = arith.select %eq3A_36, %broadcast_in_dim3A_38, %sub3A : vector<4096x36xi1>, vector<4096x36xf32>
    %reduce_min3A_40 = arith.constant dense<0x7F800000> : vector<4096xf32>
    %reduce_min3A_41 = vector.multi_reduction <minimumf>, %select_n3A_39, %reduce_min3A_40 [1] : vector<4096x36xf32> to vector<4096xf32>
    %broadcast_in_dim3A_42 = vector.shape_cast %reduce_min3A_41 : vector<4096xf32> to vector<4096x1xf32>
    %eq3A_43 = vector.broadcast %broadcast_in_dim3A_42 : vector<4096x1xf32> to vector<4096x36xf32>
    %eq3A_44 = arith.cmpf oeq, %select_n3A_39, %eq3A_43 : vector<4096x36xf32>
    %jit3A_45 = arith.constant 36 : i32
    %broadcast_in_dim3A_46 = vector.broadcast %jit3A_45 : i32 to vector<4096x36xi32>
    %select_n3A_47 = arith.select %eq3A_44, %iota3A, %broadcast_in_dim3A_46 : vector<4096x36xi1>, vector<4096x36xi32>
    %reduce_min3A_48 = arith.constant dense<2147483647> : vector<4096xi32>
    %reduce_min3A_49 = vector.multi_reduction <minsi>, %select_n3A_47, %reduce_min3A_48 [1] : vector<4096x36xi32> to vector<4096xi32>
    %broadcast_in_dim3A_50 = vector.shape_cast %reduce_min3A_49 : vector<4096xi32> to vector<4096x1xi32>
    %eq3A_51 = vector.broadcast %broadcast_in_dim3A_50 : vector<4096x1xi32> to vector<4096x36xi32>
    %eq3A_52 = arith.cmpi eq, %iota3A, %eq3A_51 : vector<4096x36xi32>
    %convert_element_type3A_53 = arith.extui %eq3A_52 : vector<4096x36xi1> to vector<4096x36xi32>
    %convert_element_type3A_54 = arith.sitofp %convert_element_type3A_53 : vector<4096x36xi32> to vector<4096x36xf32>
    %add3A_55 = arith.constant 9.99999993E-9 : f32
    %add3A_56 = vector.broadcast %add3A_55 : f32 to vector<4096x1xf32>
    %add3A_57 = arith.addf %broadcast_in_dim3A_42, %add3A_56 : vector<4096x1xf32>
    %div3A_58 = arith.constant 1.000000e+00 : f32
    %div3A_59 = vector.broadcast %div3A_58 : f32 to vector<4096x1xf32>
    %div3A_60 = arith.divf %div3A_59, %add3A_57 : vector<4096x1xf32>
    %eq3A_61 = vector.broadcast %broadcast_in_dim3A_50 : vector<4096x1xi32> to vector<4096x36xi32>
    %eq3A_62 = arith.cmpi eq, %iota3A, %eq3A_61 : vector<4096x36xi32>
    %jit3A_63 = arith.constant 1.000000e+30 : f32
    %broadcast_in_dim3A_64 = vector.broadcast %jit3A_63 : f32 to vector<4096x36xf32>
    %select_n3A_65 = arith.select %eq3A_62, %broadcast_in_dim3A_64, %select_n3A_39 : vector<4096x36xi1>, vector<4096x36xf32>
    %reduce_min3A_66 = arith.constant dense<0x7F800000> : vector<4096xf32>
    %reduce_min3A_67 = vector.multi_reduction <minimumf>, %select_n3A_65, %reduce_min3A_66 [1] : vector<4096x36xf32> to vector<4096xf32>
    %broadcast_in_dim3A_68 = vector.shape_cast %reduce_min3A_67 : vector<4096xf32> to vector<4096x1xf32>
    %eq3A_69 = vector.broadcast %broadcast_in_dim3A_68 : vector<4096x1xf32> to vector<4096x36xf32>
    %eq3A_70 = arith.cmpf oeq, %select_n3A_65, %eq3A_69 : vector<4096x36xf32>
    %jit3A_71 = arith.constant 36 : i32
    %broadcast_in_dim3A_72 = vector.broadcast %jit3A_71 : i32 to vector<4096x36xi32>
    %select_n3A_73 = arith.select %eq3A_70, %iota3A, %broadcast_in_dim3A_72 : vector<4096x36xi1>, vector<4096x36xi32>
    %reduce_min3A_74 = arith.constant dense<2147483647> : vector<4096xi32>
    %reduce_min3A_75 = vector.multi_reduction <minsi>, %select_n3A_73, %reduce_min3A_74 [1] : vector<4096x36xi32> to vector<4096xi32>
    %broadcast_in_dim3A_76 = vector.shape_cast %reduce_min3A_75 : vector<4096xi32> to vector<4096x1xi32>
    %eq3A_77 = vector.broadcast %broadcast_in_dim3A_76 : vector<4096x1xi32> to vector<4096x36xi32>
    %eq3A_78 = arith.cmpi eq, %iota3A, %eq3A_77 : vector<4096x36xi32>
    %convert_element_type3A_79 = arith.extui %eq3A_78 : vector<4096x36xi1> to vector<4096x36xi32>
    %convert_element_type3A_80 = arith.sitofp %convert_element_type3A_79 : vector<4096x36xi32> to vector<4096x36xf32>
    %add3A_81 = arith.constant 9.99999993E-9 : f32
    %add3A_82 = vector.broadcast %add3A_81 : f32 to vector<4096x1xf32>
    %add3A_83 = arith.addf %broadcast_in_dim3A_68, %add3A_82 : vector<4096x1xf32>
    %div3A_84 = arith.constant 1.000000e+00 : f32
    %div3A_85 = vector.broadcast %div3A_84 : f32 to vector<4096x1xf32>
    %div3A_86 = arith.divf %div3A_85, %add3A_83 : vector<4096x1xf32>
    %add3A_87 = arith.addf %div3A_34, %div3A_60 : vector<4096x1xf32>
    %add3A_88 = arith.addf %add3A_87, %div3A_86 : vector<4096x1xf32>
    %div3A_89 = arith.divf %div3A_34, %add3A_88 : vector<4096x1xf32>
    %mul3A_90 = vector.broadcast %div3A_89 : vector<4096x1xf32> to vector<4096x36xf32>
    %mul3A_91 = arith.mulf %mul3A_90, %convert_element_type3A_29 : vector<4096x36xf32>
    %div3A_92 = arith.divf %div3A_60, %add3A_88 : vector<4096x1xf32>
    %mul3A_93 = vector.broadcast %div3A_92 : vector<4096x1xf32> to vector<4096x36xf32>
    %mul3A_94 = arith.mulf %mul3A_93, %convert_element_type3A_54 : vector<4096x36xf32>
    %add3A_95 = arith.addf %mul3A_91, %mul3A_94 : vector<4096x36xf32>
    %div3A_96 = arith.divf %div3A_86, %add3A_88 : vector<4096x1xf32>
    %mul3A_97 = vector.broadcast %div3A_96 : vector<4096x1xf32> to vector<4096x36xf32>
    %mul3A_98 = arith.mulf %mul3A_97, %convert_element_type3A_80 : vector<4096x36xf32>
    %add3A_99 = arith.addf %add3A_95, %mul3A_98 : vector<4096x36xf32>
    %get3A_100 = arith.constant 0 : index
    %get3A_101 = arith.constant 0 : index
    %get3A_102 = arith.constant 0 : index
    %get3A_103 = vector.load %arg3[%get3A_100, %get3A_101, %get3A_102] : memref<1x36x512xf32, #tpu.memory_space<vmem>>, vector<1x36x512xf32>
    %get3A_104 = vector.shape_cast %get3A_103 : vector<1x36x512xf32> to vector<36x512xf32>
    %dot_general3A_105 = arith.constant dense<0.000000e+00> : vector<4096x512xf32>
    %dot_general3A_106 = tpu.matmul %add3A_99, %get3A_104, %dot_general3A_105 {dimension_numbers = #tpu.dot_dimension_numbers<[1], [0], [0], [1], [0, 0, 1, 1], [], []>, transpose_lhs_hint = false} : vector<4096x36xf32>, vector<36x512xf32>, vector<4096x512xf32> -> vector<4096x512xf32>
    %get3A_107 = arith.constant 0 : index
    %get3A_108 = arith.constant 0 : index
    %get3A_109 = vector.load %arg5[%get3A_107, %get3A_108] : memref<512x576xf32, #tpu.memory_space<vmem>>, vector<512x576xf32>
    %slice3A = vector.extract_strided_slice %get3A_109 {offsets = [0, 64], sizes = [512, 512], strides = [1, 1]} : vector<512x576xf32> to vector<512x512xf32>
    %dot_general3A_110 = arith.constant dense<0.000000e+00> : vector<4096x512xf32>
    %dot_general3A_111 = tpu.matmul %dot_general3A_106, %slice3A, %dot_general3A_110 {dimension_numbers = #tpu.dot_dimension_numbers<[1], [1], [0], [0], [0, 0, 1, 0], [], []>, transpose_lhs_hint = false} : vector<4096x512xf32>, vector<512x512xf32>, vector<4096x512xf32> -> vector<4096x512xf32>
    %slice3A_112 = vector.extract_strided_slice %get3A_109 {offsets = [0, 0], sizes = [512, 64], strides = [1, 1]} : vector<512x576xf32> to vector<512x64xf32>
    %get3A_113 = arith.constant 0 : index
    %get3A_114 = arith.constant 0 : index
    %get3A_115 = arith.constant 0 : index
    %get3A_116 = vector.load %arg4[%get3A_113, %get3A_114, %get3A_115] : memref<1x64x1xf32, #tpu.memory_space<vmem>>, vector<1x64x1xf32>
    %get3A_117 = vector.shape_cast %get3A_116 : vector<1x64x1xf32> to vector<64x1xf32>
    %dot_general3A_118 = arith.constant dense<0.000000e+00> : vector<512x1xf32>
    %dot_general3A_119 = tpu.matmul %slice3A_112, %get3A_117, %dot_general3A_118 {dimension_numbers = #tpu.dot_dimension_numbers<[1], [0], [0], [1], [0, 0, 1, 1], [], []>, transpose_lhs_hint = false} : vector<512x64xf32>, vector<64x1xf32>, vector<512x1xf32> -> vector<512x1xf32>
    %transpose3A = tpu.transpose %dot_general3A_119, [1, 0] : vector<512x1xf32> -> vector<1x512xf32>
    %add3A_120 = vector.broadcast %transpose3A : vector<1x512xf32> to vector<4096x512xf32>
    %add3A_121 = arith.addf %dot_general3A_111, %add3A_120 : vector<4096x512xf32>
    %get3A_122 = arith.constant 0 : index
    %get3A_123 = arith.constant 0 : index
    %get3A_124 = vector.load %arg6[%get3A_122, %get3A_123] : memref<1x512xf32, #tpu.memory_space<vmem>>, vector<1x512xf32>
    %add3A_125 = vector.broadcast %get3A_124 : vector<1x512xf32> to vector<4096x512xf32>
    %add3A_126 = arith.addf %add3A_121, %add3A_125 : vector<4096x512xf32>
    %swap3A = arith.constant 0 : index
    %swap3A_127 = arith.constant 0 : index
    %swap3A_128 = arith.constant 0 : index
    %swap3A_129 = vector.load %arg7[%swap3A, %swap3A_127, %swap3A_128] : memref<1x4096x512xf32, #tpu.memory_space<vmem>>, vector<1x4096x512xf32>
    %swap3A_130 = vector.shape_cast %swap3A_129 : vector<1x4096x512xf32> to vector<4096x512xf32>
    %swap3A_131 = vector.shape_cast %add3A_126 : vector<4096x512xf32> to vector<1x4096x512xf32>
    tpu.vector_store %arg7[%swap3A, %swap3A_127, %swap3A_128], %swap3A_131 {strides = array<i32>} : memref<1x4096x512xf32, #tpu.memory_space<vmem>>, vector<1x4096x512xf32>,
    %reduce_sum3A_132 = arith.constant dense<0.000000e+00> : vector<512xf32>
    %reduce_sum3A_133 = vector.multi_reduction <add>, %add3A_126, %reduce_sum3A_132 [0] : vector<4096x512xf32> to vector<512xf32>
    %broadcast_in_dim3A_134 = vector.shape_cast %reduce_sum3A_133 : vector<512xf32> to vector<1x512xf32>
    %swap3A_135 = arith.constant 0 : index
    %swap3A_136 = arith.constant 0 : index
    %swap3A_137 = arith.constant 0 : index
    %swap3A_138 = vector.load %arg8[%swap3A_135, %swap3A_136, %swap3A_137] : memref<1x1x512xf32, #tpu.memory_space<vmem>>, vector<1x1x512xf32>
    %swap3A_139 = vector.shape_cast %swap3A_138 : vector<1x1x512xf32> to vector<1x512xf32>
    %swap3A_140 = vector.shape_cast %broadcast_in_dim3A_134 : vector<1x512xf32> to vector<1x1x512xf32>
    tpu.vector_store %arg8[%swap3A_135, %swap3A_136, %swap3A_137], %swap3A_140 {strides = array<i32>} : memref<1x1x512xf32, #tpu.memory_space<vmem>>, vector<1x1x512xf32>,
    %mul3A_141 = arith.mulf %add3A_126, %add3A_126 : vector<4096x512xf32>
    %reduce_sum3A_142 = arith.constant dense<0.000000e+00> : vector<512xf32>
    %reduce_sum3A_143 = vector.multi_reduction <add>, %mul3A_141, %reduce_sum3A_142 [0] : vector<4096x512xf32> to vector<512xf32>
    %broadcast_in_dim3A_144 = vector.shape_cast %reduce_sum3A_143 : vector<512xf32> to vector<1x512xf32>
    %swap3A_145 = arith.constant 0 : index
    %swap3A_146 = arith.constant 0 : index
    %swap3A_147 = arith.constant 0 : index
    %swap3A_148 = vector.load %arg9[%swap3A_145, %swap3A_146, %swap3A_147] : memref<1x1x512xf32, #tpu.memory_space<vmem>>, vector<1x1x512xf32>
    %swap3A_149 = vector.shape_cast %swap3A_148 : vector<1x1x512xf32> to vector<1x512xf32>
    %swap3A_150 = vector.shape_cast %broadcast_in_dim3A_144 : vector<1x512xf32> to vector<1x1x512xf32>
    tpu.vector_store %arg9[%swap3A_145, %swap3A_146, %swap3A_147], %swap3A_150 {strides = array<i32>} : memref<1x1x512xf32, #tpu.memory_space<vmem>>, vector<1x1x512xf32>,
    return
  }
  func.func @transform_0(%arg0: i32) -> (i32, i32, i32) {
    %c0_i32 = arith.constant 0 : i32
    %c0_i32_0 = arith.constant 0 : i32
    %c0_i32_1 = arith.constant 0 : i32
    return %arg0, %c0_i32, %c0_i32_0 : i32, i32, i32
  }
  func.func @transform_1(%arg0: i32) -> (i32, i32, i32) {
    %c0_i32 = arith.constant 0 : i32
    %c0_i32_0 = arith.constant 0 : i32
    %c0_i32_1 = arith.constant 0 : i32
    return %arg0, %c0_i32, %c0_i32_0 : i32, i32, i32
  }
  func.func @transform_2(%arg0: i32) -> (i32, i32, i32) {
    %c0_i32 = arith.constant 0 : i32
    %c0_i32_0 = arith.constant 0 : i32
    %c0_i32_1 = arith.constant 0 : i32
    return %arg0, %c0_i32, %c0_i32_0 : i32, i32, i32
  }
  func.func @transform_3(%arg0: i32) -> (i32, i32, i32) {
    %c0_i32 = arith.constant 0 : i32
    %c0_i32_0 = arith.constant 0 : i32
    %c0_i32_1 = arith.constant 0 : i32
    return %arg0, %c0_i32, %c0_i32_0 : i32, i32, i32
  }
  func.func @transform_4(%arg0: i32) -> (i32, i32) {
    %c0_i32 = arith.constant 0 : i32
    %c0_i32_0 = arith.constant 0 : i32
    %c0_i32_1 = arith.constant 0 : i32
    return %c0_i32, %c0_i32_0 : i32, i32
  }
  func.func @transform_5(%arg0: i32) -> (i32, i32) {
    %c0_i32 = arith.constant 0 : i32
    %c0_i32_0 = arith.constant 0 : i32
    %c0_i32_1 = arith.constant 0 : i32
    return %c0_i32, %c0_i32_0 : i32, i32
  }
  func.func @transform_6(%arg0: i32) -> (i32, i32, i32) {
    %c0_i32 = arith.constant 0 : i32
    %c0_i32_0 = arith.constant 0 : i32
    %c0_i32_1 = arith.constant 0 : i32
    return %arg0, %c0_i32, %c0_i32_0 : i32, i32, i32
  }
  func.func @transform_7(%arg0: i32) -> (i32, i32, i32) {
    %c0_i32 = arith.constant 0 : i32
    %c0_i32_0 = arith.constant 0 : i32
    %c0_i32_1 = arith.constant 0 : i32
    return %arg0, %c0_i32, %c0_i32_0 : i32, i32, i32
  }
  func.func @transform_8(%arg0: i32) -> (i32, i32, i32) {
    %c0_i32 = arith.constant 0 : i32
    %c0_i32_0 = arith.constant 0 : i32
    %c0_i32_1 = arith.constant 0 : i32
    return %arg0, %c0_i32, %c0_i32_0 : i32, i32, i32
  }
}

module attributes {stable_mosaic.version = 14 : i64} {
  func.func @_fp2_kernel(%arg0: i32, %arg1: memref<1x4096x512xf32, #tpu.memory_space<vmem>>, %arg2: memref<1x512xf32, #tpu.memory_space<vmem>>, %arg3: memref<1x512xf32, #tpu.memory_space<vmem>>, %arg4: memref<1x512xf32, #tpu.memory_space<vmem>>, %arg5: memref<1x512xf32, #tpu.memory_space<vmem>>, %arg6: memref<256x512xf32, #tpu.memory_space<vmem>>, %arg7: memref<1x256xf32, #tpu.memory_space<vmem>>, %arg8: memref<1x4096x256xf32, #tpu.memory_space<vmem>>, %arg9: memref<1x1x256xf32, #tpu.memory_space<vmem>>, %arg10: memref<1x1x256xf32, #tpu.memory_space<vmem>>) attributes {dimension_semantics = [#tpu.dimension_semantics<arbitrary>], iteration_bounds = array<i64: 8>, scalar_prefetch = 0 : i64, scratch_operands = 0 : i64, tpu.core_type = #tpu.core_type<tc>, window_params = [{transform_indices = @transform_0, window_bounds = array<i64: 1, 4096, 512>}, {pipeline_mode = #tpu.pipeline_mode<synchronous>, transform_indices = @transform_1, window_bounds = array<i64: 1, 512>}, {pipeline_mode = #tpu.pipeline_mode<synchronous>, transform_indices = @transform_2, window_bounds = array<i64: 1, 512>}, {pipeline_mode = #tpu.pipeline_mode<synchronous>, transform_indices = @transform_3, window_bounds = array<i64: 1, 512>}, {pipeline_mode = #tpu.pipeline_mode<synchronous>, transform_indices = @transform_4, window_bounds = array<i64: 1, 512>}, {pipeline_mode = #tpu.pipeline_mode<synchronous>, transform_indices = @transform_5, window_bounds = array<i64: 256, 512>}, {pipeline_mode = #tpu.pipeline_mode<synchronous>, transform_indices = @transform_6, window_bounds = array<i64: 1, 256>}, {transform_indices = @transform_7, window_bounds = array<i64: 1, 4096, 256>}, {transform_indices = @transform_8, window_bounds = array<i64: 1, 1, 256>}, {transform_indices = @transform_9, window_bounds = array<i64: 1, 1, 256>}]} {
    %get3A = arith.constant 0 : index
    %get3A_0 = arith.constant 0 : index
    %get3A_1 = arith.constant 0 : index
    %get3A_2 = vector.load %arg1[%get3A, %get3A_0, %get3A_1] : memref<1x4096x512xf32, #tpu.memory_space<vmem>>, vector<1x4096x512xf32>
    %get3A_3 = vector.shape_cast %get3A_2 : vector<1x4096x512xf32> to vector<4096x512xf32>
    %get3A_4 = arith.constant 0 : index
    %get3A_5 = arith.constant 0 : index
    %get3A_6 = vector.load %arg2[%get3A_4, %get3A_5] : memref<1x512xf32, #tpu.memory_space<vmem>>, vector<1x512xf32>
    %sub3A = vector.broadcast %get3A_6 : vector<1x512xf32> to vector<4096x512xf32>
    %sub3A_7 = arith.subf %get3A_3, %sub3A : vector<4096x512xf32>
    %get3A_8 = arith.constant 0 : index
    %get3A_9 = arith.constant 0 : index
    %get3A_10 = vector.load %arg3[%get3A_8, %get3A_9] : memref<1x512xf32, #tpu.memory_space<vmem>>, vector<1x512xf32>
    %add3A = arith.constant 9.99999974E-6 : f32
    %add3A_11 = vector.broadcast %add3A : f32 to vector<1x512xf32>
    %add3A_12 = arith.addf %get3A_10, %add3A_11 : vector<1x512xf32>
    %sqrt3A = math.sqrt %add3A_12 : vector<1x512xf32>
    %div3A = vector.broadcast %sqrt3A : vector<1x512xf32> to vector<4096x512xf32>
    %div3A_13 = arith.divf %sub3A_7, %div3A : vector<4096x512xf32>
    %get3A_14 = arith.constant 0 : index
    %get3A_15 = arith.constant 0 : index
    %get3A_16 = vector.load %arg4[%get3A_14, %get3A_15] : memref<1x512xf32, #tpu.memory_space<vmem>>, vector<1x512xf32>
    %mul3A = vector.broadcast %get3A_16 : vector<1x512xf32> to vector<4096x512xf32>
    %mul3A_17 = arith.mulf %div3A_13, %mul3A : vector<4096x512xf32>
    %get3A_18 = arith.constant 0 : index
    %get3A_19 = arith.constant 0 : index
    %get3A_20 = vector.load %arg5[%get3A_18, %get3A_19] : memref<1x512xf32, #tpu.memory_space<vmem>>, vector<1x512xf32>
    %add3A_21 = vector.broadcast %get3A_20 : vector<1x512xf32> to vector<4096x512xf32>
    %add3A_22 = arith.addf %mul3A_17, %add3A_21 : vector<4096x512xf32>
    %max3A = arith.constant 0.000000e+00 : f32
    %max3A_23 = vector.broadcast %max3A : f32 to vector<4096x512xf32>
    %max3A_24 = arith.maximumf %add3A_22, %max3A_23 : vector<4096x512xf32>
    %get3A_25 = arith.constant 0 : index
    %get3A_26 = arith.constant 0 : index
    %get3A_27 = vector.load %arg6[%get3A_25, %get3A_26] : memref<256x512xf32, #tpu.memory_space<vmem>>, vector<256x512xf32>
    %dot_general3A = arith.constant dense<0.000000e+00> : vector<4096x256xf32>
    %dot_general3A_28 = tpu.matmul %max3A_24, %get3A_27, %dot_general3A {dimension_numbers = #tpu.dot_dimension_numbers<[1], [1], [0], [0], [0, 0, 1, 0], [], []>, transpose_lhs_hint = false} : vector<4096x512xf32>, vector<256x512xf32>, vector<4096x256xf32> -> vector<4096x256xf32>
    %get3A_29 = arith.constant 0 : index
    %get3A_30 = arith.constant 0 : index
    %get3A_31 = vector.load %arg7[%get3A_29, %get3A_30] : memref<1x256xf32, #tpu.memory_space<vmem>>, vector<1x256xf32>
    %add3A_32 = vector.broadcast %get3A_31 : vector<1x256xf32> to vector<4096x256xf32>
    %add3A_33 = arith.addf %dot_general3A_28, %add3A_32 : vector<4096x256xf32>
    %swap3A = arith.constant 0 : index
    %swap3A_34 = arith.constant 0 : index
    %swap3A_35 = arith.constant 0 : index
    %swap3A_36 = vector.load %arg8[%swap3A, %swap3A_34, %swap3A_35] : memref<1x4096x256xf32, #tpu.memory_space<vmem>>, vector<1x4096x256xf32>
    %swap3A_37 = vector.shape_cast %swap3A_36 : vector<1x4096x256xf32> to vector<4096x256xf32>
    %swap3A_38 = vector.shape_cast %add3A_33 : vector<4096x256xf32> to vector<1x4096x256xf32>
    tpu.vector_store %arg8[%swap3A, %swap3A_34, %swap3A_35], %swap3A_38 {strides = array<i32>} : memref<1x4096x256xf32, #tpu.memory_space<vmem>>, vector<1x4096x256xf32>,
    %reduce_sum3A = arith.constant dense<0.000000e+00> : vector<256xf32>
    %reduce_sum3A_39 = vector.multi_reduction <add>, %add3A_33, %reduce_sum3A [0] : vector<4096x256xf32> to vector<256xf32>
    %broadcast_in_dim3A = vector.shape_cast %reduce_sum3A_39 : vector<256xf32> to vector<1x256xf32>
    %swap3A_40 = arith.constant 0 : index
    %swap3A_41 = arith.constant 0 : index
    %swap3A_42 = arith.constant 0 : index
    %swap3A_43 = vector.load %arg9[%swap3A_40, %swap3A_41, %swap3A_42] : memref<1x1x256xf32, #tpu.memory_space<vmem>>, vector<1x1x256xf32>
    %swap3A_44 = vector.shape_cast %swap3A_43 : vector<1x1x256xf32> to vector<1x256xf32>
    %swap3A_45 = vector.shape_cast %broadcast_in_dim3A : vector<1x256xf32> to vector<1x1x256xf32>
    tpu.vector_store %arg9[%swap3A_40, %swap3A_41, %swap3A_42], %swap3A_45 {strides = array<i32>} : memref<1x1x256xf32, #tpu.memory_space<vmem>>, vector<1x1x256xf32>,
    %mul3A_46 = arith.mulf %add3A_33, %add3A_33 : vector<4096x256xf32>
    %reduce_sum3A_47 = arith.constant dense<0.000000e+00> : vector<256xf32>
    %reduce_sum3A_48 = vector.multi_reduction <add>, %mul3A_46, %reduce_sum3A_47 [0] : vector<4096x256xf32> to vector<256xf32>
    %broadcast_in_dim3A_49 = vector.shape_cast %reduce_sum3A_48 : vector<256xf32> to vector<1x256xf32>
    %swap3A_50 = arith.constant 0 : index
    %swap3A_51 = arith.constant 0 : index
    %swap3A_52 = arith.constant 0 : index
    %swap3A_53 = vector.load %arg10[%swap3A_50, %swap3A_51, %swap3A_52] : memref<1x1x256xf32, #tpu.memory_space<vmem>>, vector<1x1x256xf32>
    %swap3A_54 = vector.shape_cast %swap3A_53 : vector<1x1x256xf32> to vector<1x256xf32>
    %swap3A_55 = vector.shape_cast %broadcast_in_dim3A_49 : vector<1x256xf32> to vector<1x1x256xf32>
    tpu.vector_store %arg10[%swap3A_50, %swap3A_51, %swap3A_52], %swap3A_55 {strides = array<i32>} : memref<1x1x256xf32, #tpu.memory_space<vmem>>, vector<1x1x256xf32>,
    return
  }
  func.func @transform_0(%arg0: i32) -> (i32, i32, i32) {
    %c0_i32 = arith.constant 0 : i32
    %c0_i32_0 = arith.constant 0 : i32
    %c0_i32_1 = arith.constant 0 : i32
    return %arg0, %c0_i32, %c0_i32_0 : i32, i32, i32
  }
  func.func @transform_1(%arg0: i32) -> (i32, i32) {
    %c0_i32 = arith.constant 0 : i32
    %c0_i32_0 = arith.constant 0 : i32
    %c0_i32_1 = arith.constant 0 : i32
    return %c0_i32, %c0_i32_0 : i32, i32
  }
  func.func @transform_2(%arg0: i32) -> (i32, i32) {
    %c0_i32 = arith.constant 0 : i32
    %c0_i32_0 = arith.constant 0 : i32
    %c0_i32_1 = arith.constant 0 : i32
    return %c0_i32, %c0_i32_0 : i32, i32
  }
  func.func @transform_3(%arg0: i32) -> (i32, i32) {
    %c0_i32 = arith.constant 0 : i32
    %c0_i32_0 = arith.constant 0 : i32
    %c0_i32_1 = arith.constant 0 : i32
    return %c0_i32, %c0_i32_0 : i32, i32
  }
  func.func @transform_4(%arg0: i32) -> (i32, i32) {
    %c0_i32 = arith.constant 0 : i32
    %c0_i32_0 = arith.constant 0 : i32
    %c0_i32_1 = arith.constant 0 : i32
    return %c0_i32, %c0_i32_0 : i32, i32
  }
  func.func @transform_5(%arg0: i32) -> (i32, i32) {
    %c0_i32 = arith.constant 0 : i32
    %c0_i32_0 = arith.constant 0 : i32
    %c0_i32_1 = arith.constant 0 : i32
    return %c0_i32, %c0_i32_0 : i32, i32
  }
  func.func @transform_6(%arg0: i32) -> (i32, i32) {
    %c0_i32 = arith.constant 0 : i32
    %c0_i32_0 = arith.constant 0 : i32
    %c0_i32_1 = arith.constant 0 : i32
    return %c0_i32, %c0_i32_0 : i32, i32
  }
  func.func @transform_7(%arg0: i32) -> (i32, i32, i32) {
    %c0_i32 = arith.constant 0 : i32
    %c0_i32_0 = arith.constant 0 : i32
    %c0_i32_1 = arith.constant 0 : i32
    return %arg0, %c0_i32, %c0_i32_0 : i32, i32, i32
  }
  func.func @transform_8(%arg0: i32) -> (i32, i32, i32) {
    %c0_i32 = arith.constant 0 : i32
    %c0_i32_0 = arith.constant 0 : i32
    %c0_i32_1 = arith.constant 0 : i32
    return %arg0, %c0_i32, %c0_i32_0 : i32, i32, i32
  }
  func.func @transform_9(%arg0: i32) -> (i32, i32, i32) {
    %c0_i32 = arith.constant 0 : i32
    %c0_i32_0 = arith.constant 0 : i32
    %c0_i32_1 = arith.constant 0 : i32
    return %arg0, %c0_i32, %c0_i32_0 : i32, i32, i32
  }
}

module attributes {stable_mosaic.version = 14 : i64} {
  func.func @_fp3_kernel(%arg0: i32, %arg1: memref<1x4096x256xf32, #tpu.memory_space<vmem>>, %arg2: memref<1x256xf32, #tpu.memory_space<vmem>>, %arg3: memref<1x256xf32, #tpu.memory_space<vmem>>, %arg4: memref<1x256xf32, #tpu.memory_space<vmem>>, %arg5: memref<1x256xf32, #tpu.memory_space<vmem>>, %arg6: memref<32x256xf32, #tpu.memory_space<vmem>>, %arg7: memref<32x1xf32, #tpu.memory_space<vmem>>, %arg8: memref<1x32x4096xf32, #tpu.memory_space<vmem>>) attributes {dimension_semantics = [#tpu.dimension_semantics<arbitrary>], iteration_bounds = array<i64: 8>, scalar_prefetch = 0 : i64, scratch_operands = 0 : i64, tpu.core_type = #tpu.core_type<tc>, window_params = [{transform_indices = @transform_0, window_bounds = array<i64: 1, 4096, 256>}, {pipeline_mode = #tpu.pipeline_mode<synchronous>, transform_indices = @transform_1, window_bounds = array<i64: 1, 256>}, {pipeline_mode = #tpu.pipeline_mode<synchronous>, transform_indices = @transform_2, window_bounds = array<i64: 1, 256>}, {pipeline_mode = #tpu.pipeline_mode<synchronous>, transform_indices = @transform_3, window_bounds = array<i64: 1, 256>}, {pipeline_mode = #tpu.pipeline_mode<synchronous>, transform_indices = @transform_4, window_bounds = array<i64: 1, 256>}, {pipeline_mode = #tpu.pipeline_mode<synchronous>, transform_indices = @transform_5, window_bounds = array<i64: 32, 256>}, {pipeline_mode = #tpu.pipeline_mode<synchronous>, transform_indices = @transform_6, window_bounds = array<i64: 32, 1>}, {transform_indices = @transform_7, window_bounds = array<i64: 1, 32, 4096>}]} {
    %get3A = arith.constant 0 : index
    %get3A_0 = arith.constant 0 : index
    %get3A_1 = arith.constant 0 : index
    %get3A_2 = vector.load %arg1[%get3A, %get3A_0, %get3A_1] : memref<1x4096x256xf32, #tpu.memory_space<vmem>>, vector<1x4096x256xf32>
    %get3A_3 = vector.shape_cast %get3A_2 : vector<1x4096x256xf32> to vector<4096x256xf32>
    %get3A_4 = arith.constant 0 : index
    %get3A_5 = arith.constant 0 : index
    %get3A_6 = vector.load %arg2[%get3A_4, %get3A_5] : memref<1x256xf32, #tpu.memory_space<vmem>>, vector<1x256xf32>
    %sub3A = vector.broadcast %get3A_6 : vector<1x256xf32> to vector<4096x256xf32>
    %sub3A_7 = arith.subf %get3A_3, %sub3A : vector<4096x256xf32>
    %get3A_8 = arith.constant 0 : index
    %get3A_9 = arith.constant 0 : index
    %get3A_10 = vector.load %arg3[%get3A_8, %get3A_9] : memref<1x256xf32, #tpu.memory_space<vmem>>, vector<1x256xf32>
    %add3A = arith.constant 9.99999974E-6 : f32
    %add3A_11 = vector.broadcast %add3A : f32 to vector<1x256xf32>
    %add3A_12 = arith.addf %get3A_10, %add3A_11 : vector<1x256xf32>
    %sqrt3A = math.sqrt %add3A_12 : vector<1x256xf32>
    %div3A = vector.broadcast %sqrt3A : vector<1x256xf32> to vector<4096x256xf32>
    %div3A_13 = arith.divf %sub3A_7, %div3A : vector<4096x256xf32>
    %get3A_14 = arith.constant 0 : index
    %get3A_15 = arith.constant 0 : index
    %get3A_16 = vector.load %arg4[%get3A_14, %get3A_15] : memref<1x256xf32, #tpu.memory_space<vmem>>, vector<1x256xf32>
    %mul3A = vector.broadcast %get3A_16 : vector<1x256xf32> to vector<4096x256xf32>
    %mul3A_17 = arith.mulf %div3A_13, %mul3A : vector<4096x256xf32>
    %get3A_18 = arith.constant 0 : index
    %get3A_19 = arith.constant 0 : index
    %get3A_20 = vector.load %arg5[%get3A_18, %get3A_19] : memref<1x256xf32, #tpu.memory_space<vmem>>, vector<1x256xf32>
    %add3A_21 = vector.broadcast %get3A_20 : vector<1x256xf32> to vector<4096x256xf32>
    %add3A_22 = arith.addf %mul3A_17, %add3A_21 : vector<4096x256xf32>
    %max3A = arith.constant 0.000000e+00 : f32
    %max3A_23 = vector.broadcast %max3A : f32 to vector<4096x256xf32>
    %max3A_24 = arith.maximumf %add3A_22, %max3A_23 : vector<4096x256xf32>
    %get3A_25 = arith.constant 0 : index
    %get3A_26 = arith.constant 0 : index
    %get3A_27 = vector.load %arg6[%get3A_25, %get3A_26] : memref<32x256xf32, #tpu.memory_space<vmem>>, vector<32x256xf32>
    %dot_general3A = arith.constant dense<0.000000e+00> : vector<32x4096xf32>
    %dot_general3A_28 = tpu.matmul %get3A_27, %max3A_24, %dot_general3A {dimension_numbers = #tpu.dot_dimension_numbers<[1], [1], [0], [0], [0, 0, 1, 0], [], []>, transpose_lhs_hint = false} : vector<32x256xf32>, vector<4096x256xf32>, vector<32x4096xf32> -> vector<32x4096xf32>
    %get3A_29 = arith.constant 0 : index
    %get3A_30 = arith.constant 0 : index
    %get3A_31 = vector.load %arg7[%get3A_29, %get3A_30] : memref<32x1xf32, #tpu.memory_space<vmem>>, vector<32x1xf32>
    %add3A_32 = vector.broadcast %get3A_31 : vector<32x1xf32> to vector<32x4096xf32>
    %add3A_33 = arith.addf %dot_general3A_28, %add3A_32 : vector<32x4096xf32>
    %swap3A = arith.constant 0 : index
    %swap3A_34 = arith.constant 0 : index
    %swap3A_35 = arith.constant 0 : index
    %swap3A_36 = vector.load %arg8[%swap3A, %swap3A_34, %swap3A_35] : memref<1x32x4096xf32, #tpu.memory_space<vmem>>, vector<1x32x4096xf32>
    %swap3A_37 = vector.shape_cast %swap3A_36 : vector<1x32x4096xf32> to vector<32x4096xf32>
    %swap3A_38 = vector.shape_cast %add3A_33 : vector<32x4096xf32> to vector<1x32x4096xf32>
    tpu.vector_store %arg8[%swap3A, %swap3A_34, %swap3A_35], %swap3A_38 {strides = array<i32>} : memref<1x32x4096xf32, #tpu.memory_space<vmem>>, vector<1x32x4096xf32>,
    return
  }
  func.func @transform_0(%arg0: i32) -> (i32, i32, i32) {
    %c0_i32 = arith.constant 0 : i32
    %c0_i32_0 = arith.constant 0 : i32
    %c0_i32_1 = arith.constant 0 : i32
    return %arg0, %c0_i32, %c0_i32_0 : i32, i32, i32
  }
  func.func @transform_1(%arg0: i32) -> (i32, i32) {
    %c0_i32 = arith.constant 0 : i32
    %c0_i32_0 = arith.constant 0 : i32
    %c0_i32_1 = arith.constant 0 : i32
    return %c0_i32, %c0_i32_0 : i32, i32
  }
  func.func @transform_2(%arg0: i32) -> (i32, i32) {
    %c0_i32 = arith.constant 0 : i32
    %c0_i32_0 = arith.constant 0 : i32
    %c0_i32_1 = arith.constant 0 : i32
    return %c0_i32, %c0_i32_0 : i32, i32
  }
  func.func @transform_3(%arg0: i32) -> (i32, i32) {
    %c0_i32 = arith.constant 0 : i32
    %c0_i32_0 = arith.constant 0 : i32
    %c0_i32_1 = arith.constant 0 : i32
    return %c0_i32, %c0_i32_0 : i32, i32
  }
  func.func @transform_4(%arg0: i32) -> (i32, i32) {
    %c0_i32 = arith.constant 0 : i32
    %c0_i32_0 = arith.constant 0 : i32
    %c0_i32_1 = arith.constant 0 : i32
    return %c0_i32, %c0_i32_0 : i32, i32
  }
  func.func @transform_5(%arg0: i32) -> (i32, i32) {
    %c0_i32 = arith.constant 0 : i32
    %c0_i32_0 = arith.constant 0 : i32
    %c0_i32_1 = arith.constant 0 : i32
    return %c0_i32, %c0_i32_0 : i32, i32
  }
  func.func @transform_6(%arg0: i32) -> (i32, i32) {
    %c0_i32 = arith.constant 0 : i32
    %c0_i32_0 = arith.constant 0 : i32
    %c0_i32_1 = arith.constant 0 : i32
    return %c0_i32, %c0_i32_0 : i32, i32
  }
  func.func @transform_7(%arg0: i32) -> (i32, i32, i32) {
    %c0_i32 = arith.constant 0 : i32
    %c0_i32_0 = arith.constant 0 : i32
    %c0_i32_1 = arith.constant 0 : i32
    return %arg0, %c0_i32, %c0_i32_0 : i32, i32, i32
  }
}

</mosaic_0001>

<sc_bundles>
// kernel: gather_offload_async_start.1
scs
__scs_entry_jumppad:
0x0: {  	(pc) =	sbr.rel $0x88, $3  }
0x1: {  	(tag) =	ssettag $0x0;
	lr =	simm.s32 $0x1  }
0x2: {  	[smem:$0x3F7C] =	sst lr;
	_ =	strace $0xD0000000  }
0x3: {  	_ = 	snop  }
0x4: {  	_ = 	snop  }
0x5: {  	_ = 	snop  }
0x6: {  	_ = 	snop  }
0x7: {  	_ = 	snop  }
__scs_overlays_trampoline_lowered:
0x8: {  	[smem:$0x3F8B] =	sst s0  }
0x9: {  	[smem:$0x3F8C] =	sst s1  }
0xa: {  	[smem:$0x3F8D] =	sst s2  }
0xb: {  	[smem:$0x3F8E] =	sst s3  }
0xc: {  	[smem:$0x3F8F] =	sst s4  }
0xd: {  	[smem:$0x3F90] =	sst s5  }
0xe: {  	[smem:$0x3F91] =	sst s6  }
0xf: {  	[smem:$0x3F92] =	sst s7  }
0x10: {  	[smem:$0x3F93] =	sst s8  }
0x11: {  	[smem:$0x3F94] =	sst s9;
	s0 =	simm.s32 @!p0 $0x0  }
0x12: {  	s1 =	sld [smem:$0x3F7A];
	s0 =	simm.s32 @p0 $0x1  }
0x13: {  	[smem:$0x3F95] =	sst s0;
	s0 =	simm.s32 @!p1 $0x0  }
0x14: {  	s2 =	sld [smem:$0x3F79];
	s0 =	simm.s32 @p1 $0x1  }
0x15: {  	[smem:$0x3F96] =	sst s0;
	s0 =	simm.s32 @!p2 $0x0  }
0x16: {  	s3 =	sld [smem:$0x3FDB];
	s0 =	simm.s32 @p2 $0x1  }
0x17: {  	s4 =	simm.s32 $0x1BF5;
	[smem:$0x3F98] =	sst s0  }
0x18: {  	s0 =	sld [smem:$0x3F7B];
	_ =	swait.ge [sflag:s4], $0x0  }
0x19: {  	s7 =	sld [smem:$0x3F7C]  }
0x1a: {  	s8 =	sadd.s32 $0xFFFFE003, lr  }
0x1b: {  	s9 =	sadd.s32 $0xFFFFFEF7, lr;
	s5 =	simm.s32 $0xFFFFFFFF;
	p2 =	slt.u32 s8, $0xFFFFF086  }
0x1c: {  	p1 =	slt.u32 s9, $0xF7A;
	s5 =	simm.s32 @!p2 $0x0  }
0x1d: {  	s5 =	simm.s32 @p1 $0x1;
	p0 =	seq.s32 s7, s2  }
0x1e: {  	s7 =	smul.u32 @!p0 $0xF7A, s2;
	p2 =	seq.s32 @!p0 s5, $0x0  }
0x1f: {  	s9 =	smul.u32 $0xF7A, s1;
	s8 =	simm.s32 @!p0 $0x1BF5;
	p2 =	por !p2, p0  }
0x20: {  	[sflag:s8] =	ssyncset.s32 @!p0 $0xFFFFF086;
	s6 =	sadd.s32 @!p0 s3, s7;
	s7 =	simm.s32 @!p0 $0x108  }
0x21: {  	s3 =	sadd.s32 s3, s9;
	s6 =	sadd.s32 @!p0 $0x88, s6;
	s7 =	simm.s32 @p2 $0x1082  }
0x22: {  	[simem:s7], [sflag:s8] =	dma.local @!p0 [hbm:s6], $0xF7A  }
0x23: {  	s9 =	sor.u32 $0xD0000000, s2;
	s6 =	simm.s32 $0x108;
	_ =	swait.ge @!p0 [sflag:s8], $0x0  }
0x24: {  	s3 =	sadd.s32 $0x88, s3;
	s6 =	simm.s32 @!p1 $0x1082;
	[sflag:s4] =	ssyncset.s32 $0xFFFFF086  }
0x25: {  	[simem:s6], [sflag:s4] =	dma.local [hbm:s3], $0xF7A  }
0x26: {  	[smem:$0x3F7C] =	sst s1;
	(tag) =	ssettag s2;
	_ =	strace s9  }
0x27: {  	s1 =	sld [smem:$0x3F8C]  }
0x28: {  	s2 =	sld [smem:$0x3F8D]  }
0x29: {  	s4 =	sld [smem:$0x3F8F]  }
0x2a: {  	p0 =	seq.s32 s5, $0x0;
	s5 =	sld [smem:$0x3F90]  }
0x2b: {  	s6 =	sld [smem:$0x3F91]  }
0x2c: {  	s7 =	sld [smem:$0x3F92]  }
0x2d: {  	s3 =	simm.s32 $0x108;
	s8 =	sld [smem:$0x3F93]  }
0x2e: {  	s3 =	simm.s32 @!p0 $0x1082;
	s9 =	sld [smem:$0x3F94]  }
0x2f: {  	lr =	sadd.s32 s0, s3;
	s0 =	sld [smem:$0x3F8B]  }
0x30: {  	s3 =	sld [smem:$0x3F8E]  }
0x31: {  	[smem:$0x3F97] =	sst s10  }
0x32: {  	s10 =	sld [smem:$0x3F95];
	_ =	sdelay $0x3  }
0x33: {  	p0 =	seq.s32 s10, $0x1;
	s10 =	sld [smem:$0x3F97];
	_ =	sdelay $0x3  }
0x34: {  	[smem:$0x3F97] =	sst s10  }
0x35: {  	s10 =	sld [smem:$0x3F96];
	_ =	sdelay $0x3  }
0x36: {  	p1 =	seq.s32 s10, $0x1;
	s10 =	sld [smem:$0x3F97];
	_ =	sdelay $0x3  }
0x37: {  	[smem:$0x3F97] =	sst s10  }
0x38: {  	s10 =	sld [smem:$0x3F98]  }
0x39: {  	_ = 	snop;
	(pc) =	sbr.ind lr, $3  }
0x3a: {  	_ = 	snop  }
0x3b: {  	_ = 	snop  }
0x3c: {  	p2 =	seq.s32 s10, $0x1;
	s10 =	sld [smem:$0x3F97]  }
0x3d: {  	_ =	shalt  }
0x3e: {  	_ =	shalt  }
0x3f: {  	_ =	shalt  }
0x40: {  	_ =	shalt  }
0x41: {  	_ =	shalt  }
0x42: {  	_ =	shalt  }
0x43: {  	_ =	shalt  }
0x44: {  	_ =	shalt  }
0x45: {  	_ =	shalt  }
0x46: {  	_ =	shalt  }
0x47: {  	_ =	shalt  }
0x48: {  	_ =	shalt  }
0x49: {  	_ =	shalt  }
0x4a: {  	_ =	shalt  }
0x4b: {  	_ =	shalt  }
0x4c: {  	_ =	shalt  }
0x4d: {  	_ =	shalt  }
0x4e: {  	_ =	shalt  }
0x4f: {  	_ =	shalt  }
0x50: {  	_ =	shalt  }
0x51: {  	_ =	shalt  }
0x52: {  	_ =	shalt  }
0x53: {  	_ =	shalt  }
0x54: {  	_ =	shalt  }
0x55: {  	_ =	shalt  }
0x56: {  	_ =	shalt  }
0x57: {  	_ =	shalt  }
0x58: {  	_ =	shalt  }
0x59: {  	_ =	shalt  }
0x5a: {  	_ =	shalt  }
0x5b: {  	_ =	shalt  }
0x5c: {  	_ =	shalt  }
0x5d: {  	_ =	shalt  }
0x5e: {  	_ =	shalt  }
0x5f: {  	_ =	shalt  }
0x60: {  	_ =	shalt  }
0x61: {  	_ =	shalt  }
0x62: {  	_ =	shalt  }
0x63: {  	_ =	shalt  }
0x64: {  	_ =	shalt  }
0x65: {  	_ =	shalt  }
0x66: {  	_ =	shalt  }
0x67: {  	_ =	shalt  }
0x68: {  	_ =	shalt  }
0x69: {  	_ =	shalt  }
0x6a: {  	_ =	shalt  }
0x6b: {  	_ =	shalt  }
0x6c: {  	_ =	shalt  }
0x6d: {  	_ =	shalt  }
0x6e: {  	_ =	shalt  }
0x6f: {  	_ =	shalt  }
0x70: {  	_ =	shalt  }
0x71: {  	_ =	shalt  }
0x72: {  	_ =	shalt  }
0x73: {  	_ =	shalt  }
0x74: {  	_ =	shalt  }
0x75: {  	_ =	shalt  }
0x76: {  	_ =	shalt  }
0x77: {  	_ =	shalt  }
0x78: {  	_ =	shalt  }
0x79: {  	_ =	shalt  }
0x7a: {  	_ =	shalt  }
0x7b: {  	_ =	shalt  }
0x7c: {  	_ =	shalt  }
0x7d: {  	_ =	shalt  }
0x7e: {  	_ =	shalt  }
0x7f: {  	_ =	shalt  }
0x80: {  	_ =	shalt  }
0x81: {  	_ =	shalt  }
0x82: {  	_ =	shalt  }
0x83: {  	_ =	shalt  }
0x84: {  	_ =	shalt  }
0x85: {  	_ =	shalt  }
0x86: {  	_ =	shalt  }
0x87: {  	_ =	shalt  }
.Lfunc_end0:
.L_simem_size_0:
called_computation.1_lowered:
.L_overlay_start_0:
0x88: {  	s2 =	sld [smem:$0x3FD9]  }
0x89: {  	s3 =	sld [smem:$0x3FFE];
	_ =	sdelay $0x1  }
0x8a: {  	s1 =	srdreg.scid  }
0x8b: {  	s0 =	sand.u32 $0x1, s1  }
0x8c: {  	s16 =	sshll.u32 s0, $0xA;
	s2 =	sadd.s32 s3, s2  }
0x8d: {  	s2 =	sadd.s32 s2, s16  }
0x8e: {  	[smem:$0x3FA3] =	sst s2  }
0x8f: {  	_ = 	snop  }
0x90: {  	(tm) =	ssettm $0x1  }
0x91: {  	s17 =	sld [smem:$0x3FFB];
	_ =	sdelay $0x3  }
0x92: {  	_ =	strace s17  }
0x93: {  	s2 =	sld [smem:$0x3FFC];
	_ =	sdelay $0x3  }
0x94: {  	_ =	strace s2  }
0x95: {  	s2 =	sld [smem:$0x3FFD];
	_ =	sdelay $0x3  }
0x96: {  	_ =	strace s2  }
0x97: {  	_ =	strace $0x8FFFFFFF  }
0x98: {  	s18 =	sld [smem:$0x3FDB];
	_ =	sdelay $0x1  }
0x99: {  	s19 =	simm.s32 $_scs_section_size  }
0x9a: {  	s4 =	simm.s32 $_size__tile_overlayer_lowered;
	s5 =	simm.s32 $_tile_overlayer_lowered  }
0x9b: {  	s22 =	simm.s32 $0x1BFF;
	s21 =	sshll.u32 s5, $0x1;
	s2 =	sadd.s32 s19, s18  }
0x9c: {  	s6 =	simm.s32 $0x0;
	s20 =	sshll.u32 s4, $0x1;
	s4 =	sadd.s32 s21, s2  }
0x9d: {  	[timem:s6], [sflag:s22] =	dma.local [hbm:s4], s20  }
0x9e: {  	_ =	swait.ge [sflag:s22], s20  }
0x9f: {  	s3 =	ssub.s32 $0x0, s20;
	[sflag:s22] =	ssyncset.done $0x0  }
0xa0: {  	[sflag:s22] =	ssyncadd.s32 s3;
	_ =	sdelay $0x1  }
0xa1: {  	s23 =	simm.s32 $0x1B8B  }
0xa2: {  	_ =	swait.ge [sflag:s23], $0x1  }
0xa3: {  	[sflag:s23] =	ssyncset.done $0x0  }
0xa4: {  	s25 =	simm.s32 $0x1B8E;
	s24 =	sld [smem:$0x3FFE];
	[sflag:s23] =	ssyncadd.s32 $0xFFFFFFFF  }
0xa5: {  	s26 =	simm.s32 $execute0_lowered;
	[smem:$0x3FD2] =	sst s25  }
0xa6: {  	s4 =	sshll.u32 s26, $0x1;
	_ =	strace $0x80000046;
	[dreg:$0x1] =	wrdreg $0xFFFFFFFF  }
0xa7: {  	s28 =	simm.s32 $_size_execute0_lowered;
	s2 =	sadd.s32 s2, s4;
	[dreg:$0x0] =	wrdreg $0x0  }
0xa8: {  	s4 =	sshll.u32 s28, $0x1;
	[dreg:$0x2] =	wrdreg s2  }
0xa9: {  	[dreg:$0x3] =	wrdreg s4  }
0xaa: {  	[dreg:$0x4] =	wrdreg $0xC0  }
0xab: {  	_ =	task [dreg:s6], $0x5FFFF  }
0xac: {  	[dreg:$0x1] =	wrdreg $0xFFFFFFFF  }
0xad: {  	[dreg:$0x0] =	wrdreg $0x60  }
0xae: {  	[dreg:$0x2] =	wrdreg s24  }
0xaf: {  	[dreg:$0x3] =	wrdreg $0xA  }
0xb0: {  	_ =	task.clear_ibuf [dreg:s6], $0x4FFFF;
	_ =	strace $0x90000046  }
0xb1: {  	s29 =	simm.s32 $0xA;
	_ =	strace $0x80000048  }
0xb2: {  	_ =	swait.ge [sflag:s29], $0x1  }
0xb3: {  	[sflag:s29] =	ssyncadd.s32 $0xFFFFFFFF  }
0xb4: {  	_ =	strace $0x90000048  }
0xb5: {  	_ =	sfence  }
0xb6: {  	s30 =	sld [smem:$0x0];
	_ =	sdelay $0x2  }
0xb7: {  	s31 =	sshll.u32 s1, $0xD;
	s1 =	sshrl.u32 s1, $0x2  }
0xb8: {  	s3 =	sand.u32 $0x4000, s31;
	s1 =	sadd.s32 s1, s30  }
0xb9: {  	s0 =	sor.u32 s3, s0;
	s1 =	sshll.u32 s1, $0x11  }
0xba: {  	s0 =	sor.u32 s1, s0  }
0xbb: {  	s0 =	sadd.s32 $0x8F2B, s0  }
0xbc: {  	[sflag:s0] =	ssyncadd.remote.s32 $0x1  }
0xbd: {  	_ =	sfence.sel $0xFFFF  }
0xbe: {  	[dreg:$0x0] =	wrdreg $0xFFFFFFFF;
	(pc) =	sbr.abs _section_cstart, $3  }
0xbf: {  	[dreg:$0x1] =	wrdreg $0xFFFFFFFF  }
0xc0: {  	_ =	task.clear_ibuf [dreg:s6], $0x2FFFF;
	_ =	strace $0x9FFFFFFF  }
0xc1: {  	(tm) =	ssettm $0x7FFFFFFF  }
tec
execute0_lowered:
.L_overlay_start_1:
0x0: {  	(tag) =	ssettag $0x1  }
0x1: {  	s0 =	srdreg.scid  }
0x2: {  	s1 =	sshll.u32 s0, $0x4  }
0x3: {  	s0 =	stileid.u32;
	s1 =	sand.u32 $0x10, s1  }
0x4: {  	s1 =	sor.u32 s0, s1  }
0x5: {  	s2 =	smin.u32 s1, $0x4  }
0x6: {  	s2 =	sadd.s32 s1, s2  }
0x7: {  	p0 =	slt.u32 s1, $0x4;
	s1 =	simm.s32 $0x240;
	s2 =	smul.u32 $0x120, s2  }
0x8: {  	s1 =	simm.s32 @!p0 $0x120  }
0x9: {  	s1 =	sadd.s32 s1, s2  }
0xa: {  	s3 =	smin.u32 s1, $0x2880  }
0xb: {  	s7 =	ssub.s32 s3, s2  }
0xc: {  	p0 =	sgt.s32 s7, $0x0  }
0xd: {  	s7 =	simm.s32 @!p0 $0x0  }
0xe: {  	s31 =	smul.u32 $0xE38F, s7  }
0xf: {  	s9 =	rddreg [dreg:$0x0];
	s6 =	simm.s32 $0x1;
	s11 =	simm.s32 $0x3  }
0x10: {  	s13 =	simm.s32 $0x0;
	s12 =	simm.s32 $0x0;
	s8 =	sshrl.u32 s31, $0x18  }
0x11: {  	s4 =	sadd.s32 $0x6E00, s9;
	s5 =	sadd.s32 $0x407000, s9;
	s10 =	smul.u32 $0x120, s8  }
.Ltmp0:
0x12: {  	s9 =	sadd.s32 $0x407600, s9;
	s1 =	rddreg [dreg:$0x1];
	(pc) =	sbr.rel .LBB2_1-.Ltmp0, $4  }
0x13: {  	_ =	strace $0x80000047;
	p0 =	sne.s32 s7, s10;
	s10 =	simm.s32 $0x1  }
0x14: {  	[sflag:s6] =	ssyncpa.u1 $0x0;
	s7 =	simm.s32 $0x2;
	s10 =	simm.s32 @!p0 $0x0  }
0x15: {  	[sflag:s7] =	ssyncpa.u1 $0x0;
	p0 =	por $0x0, $0x0;
	s8 =	sadd.s32 s8, s10  }
0x16: {  	vm0 =	vmmov $0xff;
	vm1 =	vcmask $0x3F20;
	[sflag:s11] =	ssyncpa.u1 $0x0;
	s11 =	smov.u32 s2;
	s10 =	sadd.s32 $0x1, s8  }
.LBB2_6:
0x17: {  	[hbm:s17] =	stream.linear.scatter [tilespmem:s14], [sflag:$0x3], $0x400, $0x38;
	[tilespmem:$0x12240] =	vst v63  }
.LBB2_7:
0x18: {  	s13 =	sadd.s32 $0x120, s11  }
0x19: {  	s15 =	smov.u32 s2;
	p2 =	slt.s32 s13, s3  }
0x1a: {  	s15 =	smov.u32 @p2 s13;
	p2 =	sne.s32 s12, s10  }
.Ltmp1:
0x1b: {  	p1 =	slt.u32 s12, $0x2;
	(pc) =	sbr.rel @!p2 .LBB2_8-.Ltmp1, $4  }
0x1c: {  	s14 =	simm.s32 @!p1 $0x3  }
0x1d: {  	s16 =	sadd.s32 $0x1, s12;
	_ =	swait.ge @!p1 [sflag:s14], $0x9000  }
0x1e: {  	p0 =	por !p0, !p0;
	s13 =	smov.u32 s11;
	[sflag:s14] =	ssyncset.done @!p1 $0x0  }
0x1f: {  	s12 =	smov.u32 s16;
	s11 =	smov.u32 s15;
	[sflag:s14] =	ssyncadd.s32 @!p1 $0xFFFF7000  }
.LBB2_1:
0x20: {  	p1 =	sge.u32 s12, s8  }
0x21: {  	s14 =	sxor.u32 @!p1 $0xFFFFFFFF, s12  }
0x22: {  	s14 =	sand.u32 @!p1 $0x1, s14  }
0x23: {  	s14 =	smul.u32 @!p1 $0x480, s14  }
0x24: {  	s31 =	sadd.s32 $0xFFFFFFFF, s12;
	s15 =	sshrl.u32 @!p1 s11, $0x3  }
0x25: {  	s16 =	sand.u32 @!p1 $0x7, s11;
	s15 =	sadd.s32 @!p1 s5, s15;
	s14 =	sshrl.u32 @!p1 s14, $0x2  }
0x26: {  	[tilespmem:s14], [sflag:$0x2] =	stream.linear.gather @!p1 [hbm4b:s15+s16], $0x120, $0x38;
	[tilespmem:$0x12240] =	vst v63  }
0x27: {  	p1 =	sge.u32 s31, s8  }
.Ltmp2:
0x28: {  	_ = 	snop;
	(pc) =	sbr.rel @p1 .LBB2_7-.Ltmp2, $1  }
0x29: {  	_ =	sdelay $0x3  }
0x2a: {  	s14 =	simm.s32 $0x1  }
0x2b: {  	s14 =	simm.s32 @!p0 $0x0  }
0x2c: {  	s15 =	smul.u32 $0x480, s14  }
0x2d: {  	_ =	swait.ge [sflag:s7], $0x120  }
0x2e: {  	[sflag:s7] =	ssyncset.done $0x0;
	s16 =	sshrl.u32 s15, $0x2  }
0x2f: {  	[sflag:s7] =	ssyncadd.s32 $0xFFFFFEE0;
	s15 =	sadd.s32 $0x0, s16  }
0x30: {  	v0 =	vld.msk [tilespmem:s15+$0x0 ss:$0x1], $0xffff;
	_ =	sdelay $0x4  }
0x31: {  	v1 =	vshll.u32 v0, $0x4  }
0x32: {  	vm2 =	veq.s32 v0, $0x80000000;
	v0 =	vshll.u32 v0, $0x16;
	v1 =	vand.u32 $0x3FFF80, v1  }
0x33: {  	v0 =	vand.u32 $0x1C00000, v0;
	v1 =	vsel vm2, $0xFFFFFF80, v1  }
0x34: {  	v0 =	vsel vm2, $0xFFC00000, v0;
	v2 =	vand.u32 $0xFFFFFC00, v1  }
0x35: {  	v1 =	vand.u32 $0x380, v1;
	v0 =	vadd.s32 v0, v2  }
0x36: {  	v0 =	vor.u32 v1, v0  }
0x37: {  	v0 =	vshrl.u32 v0, $0x3  }
0x38: {  	s14 =	smul.u32 $0x24000, s14;
	_ =	sdelay $0x1  }
0x39: {  	s14 =	sshrl.u32 s14, $0x2  }
0x3a: {  	s14 =	sor.u32 $0x240, s14  }
0x3b: {  	[tilespmem:s14], [sflag:$0x1] =	stream.indirect_vreg.gather [hbm:s4], $0x80, v0, vm0, $0x38;
	[tilespmem:$0x12240] =	vst v63  }
0x3c: {  	s17 =	sadd.s32 $0x10, s16;
	s15 =	sadd.s32 $0x400, s14  }
0x3d: {  	[tilespmem:s15], [sflag:$0x1] =	stream.indirect_vreg.gather [hbm:s4], $0x80, v0, vm1, $0x38;
	[tilespmem:$0x12240] =	vst v63  }
0x3e: {  	s18 =	simm.s32 $0x80;
	v0 =	vld.msk [tilespmem:s17+$0x0 ss:$0x1], $0xffff;
	s17 =	smov.u32 s14  }
.LBB2_3:
0x3f: {  	p1 =	sne.s32 s18, $0x440;
	_ =	sdelay $0x4  }
0x40: {  	v1 =	vshll.u32 v0, $0x4  }
0x41: {  	vm2 =	veq.s32 v0, $0x80000000;
	v0 =	vshll.u32 v0, $0x16;
	v1 =	vand.u32 $0x3FFF80, v1  }
0x42: {  	v0 =	vand.u32 $0x1C00000, v0;
	v1 =	vsel vm2, $0xFFFFFF80, v1  }
0x43: {  	v0 =	vsel vm2, $0xFFC00000, v0;
	v2 =	vand.u32 $0xFFFFFC00, v1  }
0x44: {  	v1 =	vand.u32 $0x380, v1;
	v0 =	vadd.s32 v0, v2  }
0x45: {  	v0 =	vor.u32 v1, v0  }
0x46: {  	v0 =	vshrl.u32 v0, $0x3;
	_ =	sdelay $0x3  }
.Ltmp3:
0x47: {  	s19 =	sshra.s32 s18, $0x2;
	s17 =	sadd.s32 $0x800, s17;
	(pc) =	sbr.rel @p1 .LBB2_3-.Ltmp3, $4  }
0x48: {  	[tilespmem:s17], [sflag:$0x1] =	stream.indirect_vreg.gather [hbm:s4], $0x80, v0, vm0, $0x38;
	[tilespmem:$0x12240] =	vst v63  }
0x49: {  	s19 =	sadd.s32 s19, s16;
	s20 =	sadd.s32 $0x400, s17  }
0x4a: {  	[tilespmem:s20], [sflag:$0x1] =	stream.indirect_vreg.gather [hbm:s4], $0x80, v0, vm1, $0x38;
	[tilespmem:$0x12240] =	vst v63  }
0x4b: {  	s18 =	sadd.s32 $0x40, s18;
	v0 =	vld.msk [tilespmem:s19+$0x0 ss:$0x1], $0xffff  }
0x4c: {  	_ =	sdelay $0x3  }
0x4d: {  	v1 =	vshll.u32 v0, $0x4  }
0x4e: {  	vm2 =	veq.s32 v0, $0x80000000;
	v63 =	vshll.u32 v0, $0x16;
	v1 =	vand.u32 $0x3FFF80, v1  }
0x4f: {  	v0 =	vand.u32 $0x1C00000, v63;
	v1 =	vsel vm2, $0xFFFFFF80, v1  }
0x50: {  	v0 =	vsel vm2, $0xFFC00000, v0;
	v2 =	vand.u32 $0xFFFFFC00, v1  }
0x51: {  	v1 =	vand.u32 $0x380, v1;
	v0 =	vadd.s32 v0, v2  }
0x52: {  	v0 =	vor.u32 v1, v0  }
0x53: {  	v0 =	vshrl.u32 v0, $0x3;
	_ =	sdelay $0x3  }
0x54: {  	s16 =	sadd.s32 $0x800, s17  }
0x55: {  	[tilespmem:s16], [sflag:$0x1] =	stream.indirect_vreg.gather [hbm:s4], $0x80, v0, vm0, $0x38;
	[tilespmem:$0x12240] =	vst v63  }
0x56: {  	s16 =	sadd.s32 $0x400, s16  }
0x57: {  	[tilespmem:s16], [sflag:$0x1] =	stream.indirect_vreg.gather [hbm:s4], $0x80, v0, vm1, $0x38;
	[tilespmem:$0x12240] =	vst v63  }
0x58: {  	s13 =	sshll.u32 s13, $0x4;
	_ =	swait.ge [sflag:s6], $0x9000  }
0x59: {  	s13 =	sadd.s32 s13, s9;
	[sflag:s6] =	ssyncset.done $0x0  }
0x5a: {  	s17 =	sadd.s32 $0x0, s13;
	s16 =	simm.s32 $0x80;
	[sflag:s6] =	ssyncadd.s32 $0xFFFF7000  }
.LBB2_5:
0x5b: {  	[hbm:s17] =	stream.linear.scatter [tilespmem:s14], [sflag:$0x3], $0x400, $0x38;
	[tilespmem:$0x12240] =	vst v63  }
0x5c: {  	s17 =	smov.u32 s16;
	s14 =	smov.u32 s15;
	p1 =	sne.s32 s16, $0x1180  }
.Ltmp4:
0x5d: {  	s16 =	sadd.s32 $0x80, s16;
	(pc) =	sbr.rel @p1 .LBB2_5-.Ltmp4, $2  }
0x5e: {  	_ =	sdelay $0x2  }
0x5f: {  	s15 =	sadd.s32 $0x400, s15;
	s17 =	sadd.s32 s17, s13  }
.Ltmp5:
0x60: {  	_ = 	snop;
	(pc) =	sbr.rel .LBB2_6-.Ltmp5, $1  }
0x61: {  	_ =	sdelay $0x3  }
.LBB2_8:
0x62: {  	_ =	sfence.sel $0x180000  }
0x63: {  	s2 =	simm.s32 $0x2;
	[bflag:$0x0] =	sbarrier.arrive $0xFFFF  }
0x64: {  	s30 =	simm.s32 $0x3;
	[sflag:s2] =	ssyncpa.u1 $0x1  }
0x65: {  	s31 =	simm.s32 $0x1;
	[sflag:s30] =	ssyncpa.u1 $0x1  }
0x66: {  	[sflag:s31] =	ssyncpa.u1 $0x1  }
0x67: {  	p0 =	sne.s32 s0, $0x0;
	_ =	strace $0x90000047  }
0x68: {  	s0 =	sadd.s32 @!p0 $0x100000, s1;
	[bflag:$0x2] =	sbarrier.arrive $0xFFFF  }
0x69: {  	[sflag:s0] =	ssyncadd.tile.s32 @!p0 $0x1;
	_ =	shalt  }
.Lfunc_end2:
_tile_overlayer_lowered:
.L_overlay_start_2:
0x6a: {  	(tag) =	ssettag $0x2  }
0x6b: {  	s0 =	rddreg [dreg:$0x0];
	s2 =	stileid.u32  }
0x6c: {  	s1 =	rddreg [dreg:$0x1];
	p0 =	sne.s32 s2, $0x0  }
0x6d: {  	s3 =	rddreg [dreg:$0x2];
	[bflag:$0x3] =	sbarrier.arrive $0xFFFF;
	s2 =	simm.s32 @!p0 $0x1C01  }
0x6e: {  	[timem:s3], [sflag:s2] =	dma.local @!p0 [hbm:s0], s1  }
0x6f: {  	s0 =	simm.s32 @!p0 $0x1  }
0x70: {  	_ =	swait.ge @!p0 [sflag:s0], s1  }
0x71: {  	s1 =	ssub.s32 @!p0 $0x0, s1;
	[sflag:s0] =	ssyncset.done @!p0 $0x0  }
0x72: {  	[sflag:s0] =	ssyncadd.s32 @!p0 s1  }
0x73: {  	[bflag:$0x3] =	sbarrier.arrive $0xFFFF  }
0x74: {  	_ =	shalt  }

// kernel: gather_offload_async_start.2
scs
__scs_entry_jumppad:
0x0: {  	(pc) =	sbr.rel $0x88, $3  }
0x1: {  	(tag) =	ssettag $0x0;
	lr =	simm.s32 $0x1  }
0x2: {  	[smem:$0x3F7C] =	sst lr;
	_ =	strace $0xD0000000  }
0x3: {  	_ = 	snop  }
0x4: {  	_ = 	snop  }
0x5: {  	_ = 	snop  }
0x6: {  	_ = 	snop  }
0x7: {  	_ = 	snop  }
__scs_overlays_trampoline_lowered:
0x8: {  	[smem:$0x3F8B] =	sst s0  }
0x9: {  	[smem:$0x3F8C] =	sst s1  }
0xa: {  	[smem:$0x3F8D] =	sst s2  }
0xb: {  	[smem:$0x3F8E] =	sst s3  }
0xc: {  	[smem:$0x3F8F] =	sst s4  }
0xd: {  	[smem:$0x3F90] =	sst s5  }
0xe: {  	[smem:$0x3F91] =	sst s6  }
0xf: {  	[smem:$0x3F92] =	sst s7  }
0x10: {  	[smem:$0x3F93] =	sst s8  }
0x11: {  	[smem:$0x3F94] =	sst s9;
	s0 =	simm.s32 @!p0 $0x0  }
0x12: {  	s1 =	sld [smem:$0x3F7A];
	s0 =	simm.s32 @p0 $0x1  }
0x13: {  	[smem:$0x3F95] =	sst s0;
	s0 =	simm.s32 @!p1 $0x0  }
0x14: {  	s2 =	sld [smem:$0x3F79];
	s0 =	simm.s32 @p1 $0x1  }
0x15: {  	[smem:$0x3F96] =	sst s0;
	s0 =	simm.s32 @!p2 $0x0  }
0x16: {  	s3 =	sld [smem:$0x3FDB];
	s0 =	simm.s32 @p2 $0x1  }
0x17: {  	s4 =	simm.s32 $0x1BF5;
	[smem:$0x3F98] =	sst s0  }
0x18: {  	s0 =	sld [smem:$0x3F7B];
	_ =	swait.ge [sflag:s4], $0x0  }
0x19: {  	s7 =	sld [smem:$0x3F7C]  }
0x1a: {  	s8 =	sadd.s32 $0xFFFFE003, lr  }
0x1b: {  	s9 =	sadd.s32 $0xFFFFFEF7, lr;
	s5 =	simm.s32 $0xFFFFFFFF;
	p2 =	slt.u32 s8, $0xFFFFF086  }
0x1c: {  	p1 =	slt.u32 s9, $0xF7A;
	s5 =	simm.s32 @!p2 $0x0  }
0x1d: {  	s5 =	simm.s32 @p1 $0x1;
	p0 =	seq.s32 s7, s2  }
0x1e: {  	s7 =	smul.u32 @!p0 $0xF7A, s2;
	p2 =	seq.s32 @!p0 s5, $0x0  }
0x1f: {  	s9 =	smul.u32 $0xF7A, s1;
	s8 =	simm.s32 @!p0 $0x1BF5;
	p2 =	por !p2, p0  }
0x20: {  	[sflag:s8] =	ssyncset.s32 @!p0 $0xFFFFF086;
	s6 =	sadd.s32 @!p0 s3, s7;
	s7 =	simm.s32 @!p0 $0x108  }
0x21: {  	s3 =	sadd.s32 s3, s9;
	s6 =	sadd.s32 @!p0 $0x88, s6;
	s7 =	simm.s32 @p2 $0x1082  }
0x22: {  	[simem:s7], [sflag:s8] =	dma.local @!p0 [hbm:s6], $0xF7A  }
0x23: {  	s9 =	sor.u32 $0xD0000000, s2;
	s6 =	simm.s32 $0x108;
	_ =	swait.ge @!p0 [sflag:s8], $0x0  }
0x24: {  	s3 =	sadd.s32 $0x88, s3;
	s6 =	simm.s32 @!p1 $0x1082;
	[sflag:s4] =	ssyncset.s32 $0xFFFFF086  }
0x25: {  	[simem:s6], [sflag:s4] =	dma.local [hbm:s3], $0xF7A  }
0x26: {  	[smem:$0x3F7C] =	sst s1;
	(tag) =	ssettag s2;
	_ =	strace s9  }
0x27: {  	s1 =	sld [smem:$0x3F8C]  }
0x28: {  	s2 =	sld [smem:$0x3F8D]  }
0x29: {  	s4 =	sld [smem:$0x3F8F]  }
0x2a: {  	p0 =	seq.s32 s5, $0x0;
	s5 =	sld [smem:$0x3F90]  }
0x2b: {  	s6 =	sld [smem:$0x3F91]  }
0x2c: {  	s7 =	sld [smem:$0x3F92]  }
0x2d: {  	s3 =	simm.s32 $0x108;
	s8 =	sld [smem:$0x3F93]  }
0x2e: {  	s3 =	simm.s32 @!p0 $0x1082;
	s9 =	sld [smem:$0x3F94]  }
0x2f: {  	lr =	sadd.s32 s0, s3;
	s0 =	sld [smem:$0x3F8B]  }
0x30: {  	s3 =	sld [smem:$0x3F8E]  }
0x31: {  	[smem:$0x3F97] =	sst s10  }
0x32: {  	s10 =	sld [smem:$0x3F95];
	_ =	sdelay $0x3  }
0x33: {  	p0 =	seq.s32 s10, $0x1;
	s10 =	sld [smem:$0x3F97];
	_ =	sdelay $0x3  }
0x34: {  	[smem:$0x3F97] =	sst s10  }
0x35: {  	s10 =	sld [smem:$0x3F96];
	_ =	sdelay $0x3  }
0x36: {  	p1 =	seq.s32 s10, $0x1;
	s10 =	sld [smem:$0x3F97];
	_ =	sdelay $0x3  }
0x37: {  	[smem:$0x3F97] =	sst s10  }
0x38: {  	s10 =	sld [smem:$0x3F98]  }
0x39: {  	_ = 	snop;
	(pc) =	sbr.ind lr, $3  }
0x3a: {  	_ = 	snop  }
0x3b: {  	_ = 	snop  }
0x3c: {  	p2 =	seq.s32 s10, $0x1;
	s10 =	sld [smem:$0x3F97]  }
0x3d: {  	_ =	shalt  }
0x3e: {  	_ =	shalt  }
0x3f: {  	_ =	shalt  }
0x40: {  	_ =	shalt  }
0x41: {  	_ =	shalt  }
0x42: {  	_ =	shalt  }
0x43: {  	_ =	shalt  }
0x44: {  	_ =	shalt  }
0x45: {  	_ =	shalt  }
0x46: {  	_ =	shalt  }
0x47: {  	_ =	shalt  }
0x48: {  	_ =	shalt  }
0x49: {  	_ =	shalt  }
0x4a: {  	_ =	shalt  }
0x4b: {  	_ =	shalt  }
0x4c: {  	_ =	shalt  }
0x4d: {  	_ =	shalt  }
0x4e: {  	_ =	shalt  }
0x4f: {  	_ =	shalt  }
0x50: {  	_ =	shalt  }
0x51: {  	_ =	shalt  }
0x52: {  	_ =	shalt  }
0x53: {  	_ =	shalt  }
0x54: {  	_ =	shalt  }
0x55: {  	_ =	shalt  }
0x56: {  	_ =	shalt  }
0x57: {  	_ =	shalt  }
0x58: {  	_ =	shalt  }
0x59: {  	_ =	shalt  }
0x5a: {  	_ =	shalt  }
0x5b: {  	_ =	shalt  }
0x5c: {  	_ =	shalt  }
0x5d: {  	_ =	shalt  }
0x5e: {  	_ =	shalt  }
0x5f: {  	_ =	shalt  }
0x60: {  	_ =	shalt  }
0x61: {  	_ =	shalt  }
0x62: {  	_ =	shalt  }
0x63: {  	_ =	shalt  }
0x64: {  	_ =	shalt  }
0x65: {  	_ =	shalt  }
0x66: {  	_ =	shalt  }
0x67: {  	_ =	shalt  }
0x68: {  	_ =	shalt  }
0x69: {  	_ =	shalt  }
0x6a: {  	_ =	shalt  }
0x6b: {  	_ =	shalt  }
0x6c: {  	_ =	shalt  }
0x6d: {  	_ =	shalt  }
0x6e: {  	_ =	shalt  }
0x6f: {  	_ =	shalt  }
0x70: {  	_ =	shalt  }
0x71: {  	_ =	shalt  }
0x72: {  	_ =	shalt  }
0x73: {  	_ =	shalt  }
0x74: {  	_ =	shalt  }
0x75: {  	_ =	shalt  }
0x76: {  	_ =	shalt  }
0x77: {  	_ =	shalt  }
0x78: {  	_ =	shalt  }
0x79: {  	_ =	shalt  }
0x7a: {  	_ =	shalt  }
0x7b: {  	_ =	shalt  }
0x7c: {  	_ =	shalt  }
0x7d: {  	_ =	shalt  }
0x7e: {  	_ =	shalt  }
0x7f: {  	_ =	shalt  }
0x80: {  	_ =	shalt  }
0x81: {  	_ =	shalt  }
0x82: {  	_ =	shalt  }
0x83: {  	_ =	shalt  }
0x84: {  	_ =	shalt  }
0x85: {  	_ =	shalt  }
0x86: {  	_ =	shalt  }
0x87: {  	_ =	shalt  }
.Lfunc_end0:
.L_simem_size_0:
called_computation.2_lowered:
.L_overlay_start_0:
0x88: {  	s2 =	sld [smem:$0x3FD9]  }
0x89: {  	s3 =	sld [smem:$0x3FFE];
	_ =	sdelay $0x1  }
0x8a: {  	s1 =	srdreg.scid  }
0x8b: {  	s0 =	sand.u32 $0x1, s1  }
0x8c: {  	s17 =	sshll.u32 s0, $0xA;
	s2 =	sadd.s32 s3, s2  }
0x8d: {  	s2 =	sadd.s32 s2, s17  }
0x8e: {  	[smem:$0x3FA3] =	sst s2  }
0x8f: {  	_ = 	snop  }
0x90: {  	(tm) =	ssettm $0x1  }
0x91: {  	s18 =	sld [smem:$0x3FFB];
	_ =	sdelay $0x3  }
0x92: {  	_ =	strace s18  }
0x93: {  	s2 =	sld [smem:$0x3FFC];
	_ =	sdelay $0x3  }
0x94: {  	_ =	strace s2  }
0x95: {  	s2 =	sld [smem:$0x3FFD];
	_ =	sdelay $0x3  }
0x96: {  	_ =	strace s2  }
0x97: {  	_ =	strace $0x8FFFFFFF  }
0x98: {  	s19 =	sld [smem:$0x3FDB];
	_ =	sdelay $0x1  }
0x99: {  	s20 =	simm.s32 $_scs_section_size  }
0x9a: {  	s4 =	simm.s32 $_size__tile_overlayer_lowered;
	s5 =	simm.s32 $_tile_overlayer_lowered  }
0x9b: {  	s6 =	simm.s32 $0x1BFF;
	s21 =	sshll.u32 s5, $0x1;
	s3 =	sadd.s32 s20, s19  }
0x9c: {  	s22 =	simm.s32 $0x0;
	s4 =	sshll.u32 s4, $0x1;
	s5 =	sadd.s32 s21, s3  }
0x9d: {  	[timem:s22], [sflag:s6] =	dma.local [hbm:s5], s4  }
0x9e: {  	_ =	swait.ge [sflag:s6], s4  }
0x9f: {  	s4 =	ssub.s32 $0x0, s4;
	[sflag:s6] =	ssyncset.done $0x0  }
0xa0: {  	[sflag:s6] =	ssyncadd.s32 s4;
	_ =	sdelay $0x1  }
0xa1: {  	s23 =	simm.s32 $0x1B8B  }
0xa2: {  	_ =	swait.ge [sflag:s23], $0x1  }
0xa3: {  	[sflag:s23] =	ssyncset.done $0x0  }
0xa4: {  	[sflag:s23] =	ssyncadd.s32 $0xFFFFFFFF  }
0xa5: {  	s4 =	sld [smem:$0x0]  }
0xa6: {  	s5 =	sand.u32 $0xFFFFFFFE, s1  }
0xa7: {  	p0 =	sne.s32 s1, s5  }
0xa8: {  	s5 =	sshll.u32 @p0 s5, $0xE  }
0xa9: {  	s5 =	sadd.s32 @p0 $0x11B8D, s5;
	s6 =	sshll.u32 @p0 s4, $0x11  }
0xaa: {  	s5 =	sor.u32 @p0 s6, s5  }
0xab: {  	[sflag:s5] =	ssyncadd.remote.s32 @p0 $0x1;
	_ =	sdelay $0x1  }
0xac: {  	s5 =	simm.s32 @p0 $0x1B8D  }
0xad: {  	_ =	swait.eq @p0 [sflag:s5], $0x1  }
0xae: {  	[sflag:s5] =	ssyncadd.s32 @p0 $0xFFFFFFFF  }
0xaf: {  	s6 =	sshll.u32 @!p0 s1, $0xE  }
0xb0: {  	s6 =	sor.u32 @!p0 $0x4000, s6;
	s5 =	simm.s32 @!p0 $0x1B8D  }
0xb1: {  	s4 =	sshll.u32 @!p0 s4, $0x11;
	s6 =	sadd.s32 @!p0 $0x11B8D, s6;
	_ =	swait.eq @!p0 [sflag:s5], $0x1  }
0xb2: {  	s4 =	sor.u32 @!p0 s4, s6;
	[sflag:s5] =	ssyncadd.s32 @!p0 $0xFFFFFFFF  }
0xb3: {  	s25 =	simm.s32 $0x1B8E;
	s24 =	sld [smem:$0x3FFE];
	[sflag:s4] =	ssyncadd.remote.s32 @!p0 $0x1  }
0xb4: {  	s26 =	simm.s32 $execute0_lowered;
	[smem:$0x3FD2] =	sst s25  }
0xb5: {  	s5 =	sshll.u32 s26, $0x1;
	_ =	strace $0x80000052;
	[dreg:$0x1] =	wrdreg $0xFFFFFFFF  }
0xb6: {  	s28 =	simm.s32 $_size_execute0_lowered;
	s3 =	sadd.s32 s3, s5;
	[dreg:$0x0] =	wrdreg $0x0  }
0xb7: {  	s5 =	sshll.u32 s28, $0x1;
	[dreg:$0x2] =	wrdreg s3  }
0xb8: {  	[dreg:$0x3] =	wrdreg s5  }
0xb9: {  	[dreg:$0x4] =	wrdreg $0xC0  }
0xba: {  	_ =	task [dreg:s22], $0x5FFFF  }
0xbb: {  	[dreg:$0x1] =	wrdreg $0xFFFFFFFF  }
0xbc: {  	[dreg:$0x0] =	wrdreg $0x60  }
0xbd: {  	[dreg:$0x2] =	wrdreg s24  }
0xbe: {  	[dreg:$0x3] =	wrdreg $0xA  }
0xbf: {  	_ =	task.clear_ibuf [dreg:s22], $0x4FFFF;
	_ =	strace $0x90000052  }
0xc0: {  	s29 =	simm.s32 $0xA;
	_ =	strace $0x80000054  }
0xc1: {  	_ =	swait.ge [sflag:s29], $0x1  }
0xc2: {  	[sflag:s29] =	ssyncadd.s32 $0xFFFFFFFF  }
0xc3: {  	_ =	strace $0x90000054  }
0xc4: {  	_ =	sfence  }
0xc5: {  	s30 =	sld [smem:$0x0];
	_ =	sdelay $0x2  }
0xc6: {  	s31 =	sshll.u32 s1, $0xD;
	s1 =	sshrl.u32 s1, $0x2  }
0xc7: {  	s4 =	sand.u32 $0x4000, s31;
	s1 =	sadd.s32 s1, s30  }
0xc8: {  	s0 =	sor.u32 s4, s0;
	s1 =	sshll.u32 s1, $0x11  }
0xc9: {  	s0 =	sor.u32 s1, s0  }
0xca: {  	s0 =	sadd.s32 $0x8F2B, s0  }
0xcb: {  	[sflag:s0] =	ssyncadd.remote.s32 $0x1  }
0xcc: {  	_ =	sfence.sel $0xFFFF  }
0xcd: {  	[dreg:$0x0] =	wrdreg $0xFFFFFFFF;
	(pc) =	sbr.abs _section_cstart, $3  }
0xce: {  	[dreg:$0x1] =	wrdreg $0xFFFFFFFF  }
0xcf: {  	_ =	task.clear_ibuf [dreg:s22], $0x2FFFF;
	_ =	strace $0x9FFFFFFF  }
0xd0: {  	(tm) =	ssettm $0x7FFFFFFF  }
0xd1: {  	_ =	shalt  }
tec
execute0_lowered:
.L_overlay_start_1:
0x0: {  	(tag) =	ssettag $0x1  }
0x1: {  	s0 =	srdreg.scid  }
0x2: {  	s1 =	sshll.u32 s0, $0x4  }
0x3: {  	s0 =	stileid.u32;
	s1 =	sand.u32 $0x10, s1  }
0x4: {  	s1 =	sor.u32 s0, s1  }
0x5: {  	s2 =	smin.u32 s1, $0x4  }
0x6: {  	s2 =	sadd.s32 s1, s2  }
0x7: {  	p0 =	slt.u32 s1, $0x4;
	s1 =	simm.s32 $0x240;
	s2 =	smul.u32 $0x120, s2  }
0x8: {  	s1 =	simm.s32 @!p0 $0x120  }
0x9: {  	s1 =	sadd.s32 s1, s2  }
0xa: {  	s3 =	smin.u32 s1, $0x2880  }
0xb: {  	s7 =	ssub.s32 s3, s2  }
0xc: {  	p0 =	sgt.s32 s7, $0x0  }
0xd: {  	s7 =	simm.s32 @!p0 $0x0  }
0xe: {  	s4 =	smul.u32 $0xE38F, s7  }
0xf: {  	s9 =	rddreg [dreg:$0x0];
	s6 =	simm.s32 $0x1;
	s11 =	simm.s32 $0x3  }
0x10: {  	s13 =	simm.s32 $0x0;
	s12 =	simm.s32 $0x0;
	s8 =	sshrl.u32 s4, $0x18  }
0x11: {  	s1 =	rddreg [dreg:$0x1];
	_ =	strace $0x80000053;
	s10 =	smul.u32 $0x120, s8  }
.Ltmp0:
0x12: {  	s5 =	sadd.s32 $0x42FE00, s9;
	[sflag:s6] =	ssyncpa.u1 $0x0;
	(pc) =	sbr.rel .LBB2_1-.Ltmp0, $4  }
0x13: {  	s4 =	sadd.s32 $0x481A00, s9;
	p0 =	sne.s32 s7, s10;
	s10 =	simm.s32 $0x1  }
0x14: {  	s9 =	sadd.s32 $0x407600, s9;
	s7 =	simm.s32 $0x2;
	s10 =	simm.s32 @!p0 $0x0  }
0x15: {  	[sflag:s7] =	ssyncpa.u1 $0x0;
	p0 =	por $0x0, $0x0;
	s8 =	sadd.s32 s8, s10  }
0x16: {  	vm0 =	vmmov $0xff;
	vm1 =	vcmask $0x3F20;
	[sflag:s11] =	ssyncpa.u1 $0x0;
	s11 =	smov.u32 s2;
	s10 =	sadd.s32 $0x1, s8  }
.LBB2_6:
0x17: {  	[hbm:s17] =	stream.linear.scatter [tilespmem:s14], [sflag:$0x3], $0x400, $0x38;
	[tilespmem:$0x12240] =	vst v63  }
.LBB2_7:
0x18: {  	s13 =	sadd.s32 $0x120, s11  }
0x19: {  	s15 =	smov.u32 s2;
	p2 =	slt.s32 s13, s3  }
0x1a: {  	s15 =	smov.u32 @p2 s13;
	p2 =	sne.s32 s12, s10  }
.Ltmp1:
0x1b: {  	p1 =	slt.u32 s12, $0x2;
	(pc) =	sbr.rel @!p2 .LBB2_8-.Ltmp1, $4  }
0x1c: {  	s14 =	simm.s32 @!p1 $0x3  }
0x1d: {  	s16 =	sadd.s32 $0x1, s12;
	_ =	swait.ge @!p1 [sflag:s14], $0x9000  }
0x1e: {  	p0 =	por !p0, !p0;
	s13 =	smov.u32 s11;
	[sflag:s14] =	ssyncset.done @!p1 $0x0  }
0x1f: {  	s12 =	smov.u32 s16;
	s11 =	smov.u32 s15;
	[sflag:s14] =	ssyncadd.s32 @!p1 $0xFFFF7000  }
.LBB2_1:
0x20: {  	p1 =	sge.u32 s12, s8  }
0x21: {  	s14 =	sxor.u32 @!p1 $0xFFFFFFFF, s12  }
0x22: {  	s14 =	sand.u32 @!p1 $0x1, s14  }
0x23: {  	s14 =	smul.u32 @!p1 $0x480, s14  }
0x24: {  	s31 =	sadd.s32 $0xFFFFFFFF, s12;
	s15 =	sshrl.u32 @!p1 s11, $0x3  }
0x25: {  	s16 =	sand.u32 @!p1 $0x7, s11;
	s15 =	sadd.s32 @!p1 s5, s15;
	s14 =	sshrl.u32 @!p1 s14, $0x2  }
0x26: {  	[tilespmem:s14], [sflag:$0x2] =	stream.linear.gather @!p1 [hbm4b:s15+s16], $0x120, $0x38;
	[tilespmem:$0x12240] =	vst v63  }
0x27: {  	p1 =	sge.u32 s31, s8  }
.Ltmp2:
0x28: {  	_ = 	snop;
	(pc) =	sbr.rel @p1 .LBB2_7-.Ltmp2, $1  }
0x29: {  	_ =	sdelay $0x3  }
0x2a: {  	s14 =	simm.s32 $0x1  }
0x2b: {  	s14 =	simm.s32 @!p0 $0x0  }
0x2c: {  	s15 =	smul.u32 $0x480, s14  }
0x2d: {  	_ =	swait.ge [sflag:s7], $0x120  }
0x2e: {  	[sflag:s7] =	ssyncset.done $0x0;
	s16 =	sshrl.u32 s15, $0x2  }
0x2f: {  	[sflag:s7] =	ssyncadd.s32 $0xFFFFFEE0;
	s15 =	sadd.s32 $0x0, s16  }
0x30: {  	v0 =	vld.msk [tilespmem:s15+$0x0 ss:$0x1], $0xffff;
	_ =	sdelay $0x4  }
0x31: {  	v1 =	vshll.u32 v0, $0x4  }
0x32: {  	vm2 =	veq.s32 v0, $0x80000000;
	v0 =	vshll.u32 v0, $0x16;
	v1 =	vand.u32 $0x3FFF80, v1  }
0x33: {  	v0 =	vand.u32 $0x1C00000, v0;
	v1 =	vsel vm2, $0xFFFFFF80, v1  }
0x34: {  	v0 =	vsel vm2, $0xFFC00000, v0;
	v2 =	vand.u32 $0xFFFFFC00, v1  }
0x35: {  	v1 =	vand.u32 $0x380, v1;
	v0 =	vadd.s32 v0, v2  }
0x36: {  	v0 =	vor.u32 v1, v0  }
0x37: {  	v0 =	vshrl.u32 v0, $0x3  }
0x38: {  	s14 =	smul.u32 $0x24000, s14;
	_ =	sdelay $0x1  }
0x39: {  	s14 =	sshrl.u32 s14, $0x2  }
0x3a: {  	s14 =	sor.u32 $0x240, s14  }
0x3b: {  	[tilespmem:s14], [sflag:$0x1] =	stream.indirect_vreg.gather [hbm:s4], $0x80, v0, vm0, $0x38;
	[tilespmem:$0x12240] =	vst v63  }
0x3c: {  	s17 =	sadd.s32 $0x10, s16;
	s15 =	sadd.s32 $0x400, s14  }
0x3d: {  	[tilespmem:s15], [sflag:$0x1] =	stream.indirect_vreg.gather [hbm:s4], $0x80, v0, vm1, $0x38;
	[tilespmem:$0x12240] =	vst v63  }
0x3e: {  	s18 =	simm.s32 $0x80;
	v0 =	vld.msk [tilespmem:s17+$0x0 ss:$0x1], $0xffff;
	s17 =	smov.u32 s14  }
.LBB2_3:
0x3f: {  	p1 =	sne.s32 s18, $0x440;
	_ =	sdelay $0x4  }
0x40: {  	v1 =	vshll.u32 v0, $0x4  }
0x41: {  	vm2 =	veq.s32 v0, $0x80000000;
	v0 =	vshll.u32 v0, $0x16;
	v1 =	vand.u32 $0x3FFF80, v1  }
0x42: {  	v0 =	vand.u32 $0x1C00000, v0;
	v1 =	vsel vm2, $0xFFFFFF80, v1  }
0x43: {  	v0 =	vsel vm2, $0xFFC00000, v0;
	v2 =	vand.u32 $0xFFFFFC00, v1  }
0x44: {  	v1 =	vand.u32 $0x380, v1;
	v0 =	vadd.s32 v0, v2  }
0x45: {  	v0 =	vor.u32 v1, v0  }
0x46: {  	v0 =	vshrl.u32 v0, $0x3;
	_ =	sdelay $0x3  }
.Ltmp3:
0x47: {  	s19 =	sshra.s32 s18, $0x2;
	s17 =	sadd.s32 $0x800, s17;
	(pc) =	sbr.rel @p1 .LBB2_3-.Ltmp3, $4  }
0x48: {  	[tilespmem:s17], [sflag:$0x1] =	stream.indirect_vreg.gather [hbm:s4], $0x80, v0, vm0, $0x38;
	[tilespmem:$0x12240] =	vst v63  }
0x49: {  	s19 =	sadd.s32 s19, s16;
	s20 =	sadd.s32 $0x400, s17  }
0x4a: {  	[tilespmem:s20], [sflag:$0x1] =	stream.indirect_vreg.gather [hbm:s4], $0x80, v0, vm1, $0x38;
	[tilespmem:$0x12240] =	vst v63  }
0x4b: {  	s18 =	sadd.s32 $0x40, s18;
	v0 =	vld.msk [tilespmem:s19+$0x0 ss:$0x1], $0xffff  }
0x4c: {  	_ =	sdelay $0x3  }
0x4d: {  	v1 =	vshll.u32 v0, $0x4  }
0x4e: {  	vm2 =	veq.s32 v0, $0x80000000;
	v63 =	vshll.u32 v0, $0x16;
	v1 =	vand.u32 $0x3FFF80, v1  }
0x4f: {  	v0 =	vand.u32 $0x1C00000, v63;
	v1 =	vsel vm2, $0xFFFFFF80, v1  }
0x50: {  	v0 =	vsel vm2, $0xFFC00000, v0;
	v2 =	vand.u32 $0xFFFFFC00, v1  }
0x51: {  	v1 =	vand.u32 $0x380, v1;
	v0 =	vadd.s32 v0, v2  }
0x52: {  	v0 =	vor.u32 v1, v0  }
0x53: {  	v0 =	vshrl.u32 v0, $0x3;
	_ =	sdelay $0x3  }
0x54: {  	s16 =	sadd.s32 $0x800, s17  }
0x55: {  	[tilespmem:s16], [sflag:$0x1] =	stream.indirect_vreg.gather [hbm:s4], $0x80, v0, vm0, $0x38;
	[tilespmem:$0x12240] =	vst v63  }
0x56: {  	s16 =	sadd.s32 $0x400, s16  }
0x57: {  	[tilespmem:s16], [sflag:$0x1] =	stream.indirect_vreg.gather [hbm:s4], $0x80, v0, vm1, $0x38;
	[tilespmem:$0x12240] =	vst v63  }
0x58: {  	s13 =	sshll.u32 s13, $0x4;
	_ =	swait.ge [sflag:s6], $0x9000  }
0x59: {  	s13 =	sadd.s32 s13, s9;
	[sflag:s6] =	ssyncset.done $0x0  }
0x5a: {  	s17 =	sadd.s32 $0x0, s13;
	s16 =	simm.s32 $0x80;
	[sflag:s6] =	ssyncadd.s32 $0xFFFF7000  }
.LBB2_5:
0x5b: {  	[hbm:s17] =	stream.linear.scatter [tilespmem:s14], [sflag:$0x3], $0x400, $0x38;
	[tilespmem:$0x12240] =	vst v63  }
0x5c: {  	s17 =	smov.u32 s16;
	s14 =	smov.u32 s15;
	p1 =	sne.s32 s16, $0x1180  }
.Ltmp4:
0x5d: {  	s16 =	sadd.s32 $0x80, s16;
	(pc) =	sbr.rel @p1 .LBB2_5-.Ltmp4, $2  }
0x5e: {  	_ =	sdelay $0x2  }
0x5f: {  	s15 =	sadd.s32 $0x400, s15;
	s17 =	sadd.s32 s17, s13  }
.Ltmp5:
0x60: {  	_ = 	snop;
	(pc) =	sbr.rel .LBB2_6-.Ltmp5, $1  }
0x61: {  	_ =	sdelay $0x3  }
.LBB2_8:
0x62: {  	_ =	sfence.sel $0x180000  }
0x63: {  	s2 =	simm.s32 $0x2;
	[bflag:$0x0] =	sbarrier.arrive $0xFFFF  }
0x64: {  	s30 =	simm.s32 $0x3;
	[sflag:s2] =	ssyncpa.u1 $0x1  }
0x65: {  	s31 =	simm.s32 $0x1;
	[sflag:s30] =	ssyncpa.u1 $0x1  }
0x66: {  	[sflag:s31] =	ssyncpa.u1 $0x1  }
0x67: {  	p0 =	sne.s32 s0, $0x0;
	_ =	strace $0x90000053  }
0x68: {  	s0 =	sadd.s32 @!p0 $0x100000, s1;
	[bflag:$0x2] =	sbarrier.arrive $0xFFFF  }
0x69: {  	[sflag:s0] =	ssyncadd.tile.s32 @!p0 $0x1;
	_ =	shalt  }
.Lfunc_end2:
_tile_overlayer_lowered:
.L_overlay_start_2:
0x6a: {  	(tag) =	ssettag $0x2  }
0x6b: {  	s0 =	rddreg [dreg:$0x0];
	s2 =	stileid.u32  }
0x6c: {  	s1 =	rddreg [dreg:$0x1];
	p0 =	sne.s32 s2, $0x0  }
0x6d: {  	s3 =	rddreg [dreg:$0x2];
	[bflag:$0x3] =	sbarrier.arrive $0xFFFF;
	s2 =	simm.s32 @!p0 $0x1C01  }
0x6e: {  	[timem:s3], [sflag:s2] =	dma.local @!p0 [hbm:s0], s1  }
0x6f: {  	s0 =	simm.s32 @!p0 $0x1  }
0x70: {  	_ =	swait.ge @!p0 [sflag:s0], s1  }
0x71: {  	s1 =	ssub.s32 @!p0 $0x0, s1;
	[sflag:s0] =	ssyncset.done @!p0 $0x0  }
0x72: {  	[sflag:s0] =	ssyncadd.s32 @!p0 s1  }
0x73: {  	[bflag:$0x3] =	sbarrier.arrive $0xFFFF  }
0x74: {  	_ =	shalt  }

// kernel: gather_offload_async_start.3
scs
__scs_entry_jumppad:
0x0: {  	(pc) =	sbr.rel $0x88, $3  }
0x1: {  	(tag) =	ssettag $0x0;
	lr =	simm.s32 $0x1  }
0x2: {  	[smem:$0x3F7C] =	sst lr;
	_ =	strace $0xD0000000  }
0x3: {  	_ = 	snop  }
0x4: {  	_ = 	snop  }
0x5: {  	_ = 	snop  }
0x6: {  	_ = 	snop  }
0x7: {  	_ = 	snop  }
__scs_overlays_trampoline_lowered:
0x8: {  	[smem:$0x3F8B] =	sst s0  }
0x9: {  	[smem:$0x3F8C] =	sst s1  }
0xa: {  	[smem:$0x3F8D] =	sst s2  }
0xb: {  	[smem:$0x3F8E] =	sst s3  }
0xc: {  	[smem:$0x3F8F] =	sst s4  }
0xd: {  	[smem:$0x3F90] =	sst s5  }
0xe: {  	[smem:$0x3F91] =	sst s6  }
0xf: {  	[smem:$0x3F92] =	sst s7  }
0x10: {  	[smem:$0x3F93] =	sst s8  }
0x11: {  	[smem:$0x3F94] =	sst s9;
	s0 =	simm.s32 @!p0 $0x0  }
0x12: {  	s1 =	sld [smem:$0x3F7A];
	s0 =	simm.s32 @p0 $0x1  }
0x13: {  	[smem:$0x3F95] =	sst s0;
	s0 =	simm.s32 @!p1 $0x0  }
0x14: {  	s2 =	sld [smem:$0x3F79];
	s0 =	simm.s32 @p1 $0x1  }
0x15: {  	[smem:$0x3F96] =	sst s0;
	s0 =	simm.s32 @!p2 $0x0  }
0x16: {  	s3 =	sld [smem:$0x3FDB];
	s0 =	simm.s32 @p2 $0x1  }
0x17: {  	s4 =	simm.s32 $0x1BF5;
	[smem:$0x3F98] =	sst s0  }
0x18: {  	s0 =	sld [smem:$0x3F7B];
	_ =	swait.ge [sflag:s4], $0x0  }
0x19: {  	s7 =	sld [smem:$0x3F7C]  }
0x1a: {  	s8 =	sadd.s32 $0xFFFFE003, lr  }
0x1b: {  	s9 =	sadd.s32 $0xFFFFFEF7, lr;
	s5 =	simm.s32 $0xFFFFFFFF;
	p2 =	slt.u32 s8, $0xFFFFF086  }
0x1c: {  	p1 =	slt.u32 s9, $0xF7A;
	s5 =	simm.s32 @!p2 $0x0  }
0x1d: {  	s5 =	simm.s32 @p1 $0x1;
	p0 =	seq.s32 s7, s2  }
0x1e: {  	s7 =	smul.u32 @!p0 $0xF7A, s2;
	p2 =	seq.s32 @!p0 s5, $0x0  }
0x1f: {  	s9 =	smul.u32 $0xF7A, s1;
	s8 =	simm.s32 @!p0 $0x1BF5;
	p2 =	por !p2, p0  }
0x20: {  	[sflag:s8] =	ssyncset.s32 @!p0 $0xFFFFF086;
	s6 =	sadd.s32 @!p0 s3, s7;
	s7 =	simm.s32 @!p0 $0x108  }
0x21: {  	s3 =	sadd.s32 s3, s9;
	s6 =	sadd.s32 @!p0 $0x88, s6;
	s7 =	simm.s32 @p2 $0x1082  }
0x22: {  	[simem:s7], [sflag:s8] =	dma.local @!p0 [hbm:s6], $0xF7A  }
0x23: {  	s9 =	sor.u32 $0xD0000000, s2;
	s6 =	simm.s32 $0x108;
	_ =	swait.ge @!p0 [sflag:s8], $0x0  }
0x24: {  	s3 =	sadd.s32 $0x88, s3;
	s6 =	simm.s32 @!p1 $0x1082;
	[sflag:s4] =	ssyncset.s32 $0xFFFFF086  }
0x25: {  	[simem:s6], [sflag:s4] =	dma.local [hbm:s3], $0xF7A  }
0x26: {  	[smem:$0x3F7C] =	sst s1;
	(tag) =	ssettag s2;
	_ =	strace s9  }
0x27: {  	s1 =	sld [smem:$0x3F8C]  }
0x28: {  	s2 =	sld [smem:$0x3F8D]  }
0x29: {  	s4 =	sld [smem:$0x3F8F]  }
0x2a: {  	p0 =	seq.s32 s5, $0x0;
	s5 =	sld [smem:$0x3F90]  }
0x2b: {  	s6 =	sld [smem:$0x3F91]  }
0x2c: {  	s7 =	sld [smem:$0x3F92]  }
0x2d: {  	s3 =	simm.s32 $0x108;
	s8 =	sld [smem:$0x3F93]  }
0x2e: {  	s3 =	simm.s32 @!p0 $0x1082;
	s9 =	sld [smem:$0x3F94]  }
0x2f: {  	lr =	sadd.s32 s0, s3;
	s0 =	sld [smem:$0x3F8B]  }
0x30: {  	s3 =	sld [smem:$0x3F8E]  }
0x31: {  	[smem:$0x3F97] =	sst s10  }
0x32: {  	s10 =	sld [smem:$0x3F95];
	_ =	sdelay $0x3  }
0x33: {  	p0 =	seq.s32 s10, $0x1;
	s10 =	sld [smem:$0x3F97];
	_ =	sdelay $0x3  }
0x34: {  	[smem:$0x3F97] =	sst s10  }
0x35: {  	s10 =	sld [smem:$0x3F96];
	_ =	sdelay $0x3  }
0x36: {  	p1 =	seq.s32 s10, $0x1;
	s10 =	sld [smem:$0x3F97];
	_ =	sdelay $0x3  }
0x37: {  	[smem:$0x3F97] =	sst s10  }
0x38: {  	s10 =	sld [smem:$0x3F98]  }
0x39: {  	_ = 	snop;
	(pc) =	sbr.ind lr, $3  }
0x3a: {  	_ = 	snop  }
0x3b: {  	_ = 	snop  }
0x3c: {  	p2 =	seq.s32 s10, $0x1;
	s10 =	sld [smem:$0x3F97]  }
0x3d: {  	_ =	shalt  }
0x3e: {  	_ =	shalt  }
0x3f: {  	_ =	shalt  }
0x40: {  	_ =	shalt  }
0x41: {  	_ =	shalt  }
0x42: {  	_ =	shalt  }
0x43: {  	_ =	shalt  }
0x44: {  	_ =	shalt  }
0x45: {  	_ =	shalt  }
0x46: {  	_ =	shalt  }
0x47: {  	_ =	shalt  }
0x48: {  	_ =	shalt  }
0x49: {  	_ =	shalt  }
0x4a: {  	_ =	shalt  }
0x4b: {  	_ =	shalt  }
0x4c: {  	_ =	shalt  }
0x4d: {  	_ =	shalt  }
0x4e: {  	_ =	shalt  }
0x4f: {  	_ =	shalt  }
0x50: {  	_ =	shalt  }
0x51: {  	_ =	shalt  }
0x52: {  	_ =	shalt  }
0x53: {  	_ =	shalt  }
0x54: {  	_ =	shalt  }
0x55: {  	_ =	shalt  }
0x56: {  	_ =	shalt  }
0x57: {  	_ =	shalt  }
0x58: {  	_ =	shalt  }
0x59: {  	_ =	shalt  }
0x5a: {  	_ =	shalt  }
0x5b: {  	_ =	shalt  }
0x5c: {  	_ =	shalt  }
0x5d: {  	_ =	shalt  }
0x5e: {  	_ =	shalt  }
0x5f: {  	_ =	shalt  }
0x60: {  	_ =	shalt  }
0x61: {  	_ =	shalt  }
0x62: {  	_ =	shalt  }
0x63: {  	_ =	shalt  }
0x64: {  	_ =	shalt  }
0x65: {  	_ =	shalt  }
0x66: {  	_ =	shalt  }
0x67: {  	_ =	shalt  }
0x68: {  	_ =	shalt  }
0x69: {  	_ =	shalt  }
0x6a: {  	_ =	shalt  }
0x6b: {  	_ =	shalt  }
0x6c: {  	_ =	shalt  }
0x6d: {  	_ =	shalt  }
0x6e: {  	_ =	shalt  }
0x6f: {  	_ =	shalt  }
0x70: {  	_ =	shalt  }
0x71: {  	_ =	shalt  }
0x72: {  	_ =	shalt  }
0x73: {  	_ =	shalt  }
0x74: {  	_ =	shalt  }
0x75: {  	_ =	shalt  }
0x76: {  	_ =	shalt  }
0x77: {  	_ =	shalt  }
0x78: {  	_ =	shalt  }
0x79: {  	_ =	shalt  }
0x7a: {  	_ =	shalt  }
0x7b: {  	_ =	shalt  }
0x7c: {  	_ =	shalt  }
0x7d: {  	_ =	shalt  }
0x7e: {  	_ =	shalt  }
0x7f: {  	_ =	shalt  }
0x80: {  	_ =	shalt  }
0x81: {  	_ =	shalt  }
0x82: {  	_ =	shalt  }
0x83: {  	_ =	shalt  }
0x84: {  	_ =	shalt  }
0x85: {  	_ =	shalt  }
0x86: {  	_ =	shalt  }
0x87: {  	_ =	shalt  }
.Lfunc_end0:
.L_simem_size_0:
called_computation.3_lowered:
.L_overlay_start_0:
0x88: {  	s2 =	sld [smem:$0x3FD9]  }
0x89: {  	s3 =	sld [smem:$0x3FFE];
	_ =	sdelay $0x1  }
0x8a: {  	s1 =	srdreg.scid  }
0x8b: {  	s0 =	sand.u32 $0x1, s1  }
0x8c: {  	s17 =	sshll.u32 s0, $0xA;
	s2 =	sadd.s32 s3, s2  }
0x8d: {  	s2 =	sadd.s32 s2, s17  }
0x8e: {  	[smem:$0x3FA3] =	sst s2  }
0x8f: {  	_ = 	snop  }
0x90: {  	(tm) =	ssettm $0x1  }
0x91: {  	s18 =	sld [smem:$0x3FFB];
	_ =	sdelay $0x3  }
0x92: {  	_ =	strace s18  }
0x93: {  	s2 =	sld [smem:$0x3FFC];
	_ =	sdelay $0x3  }
0x94: {  	_ =	strace s2  }
0x95: {  	s2 =	sld [smem:$0x3FFD];
	_ =	sdelay $0x3  }
0x96: {  	_ =	strace s2  }
0x97: {  	_ =	strace $0x8FFFFFFF  }
0x98: {  	s19 =	sld [smem:$0x3FDB];
	_ =	sdelay $0x1  }
0x99: {  	s20 =	simm.s32 $_scs_section_size  }
0x9a: {  	s4 =	simm.s32 $_size__tile_overlayer_lowered;
	s5 =	simm.s32 $_tile_overlayer_lowered  }
0x9b: {  	s6 =	simm.s32 $0x1BFF;
	s21 =	sshll.u32 s5, $0x1;
	s3 =	sadd.s32 s20, s19  }
0x9c: {  	s22 =	simm.s32 $0x0;
	s4 =	sshll.u32 s4, $0x1;
	s5 =	sadd.s32 s21, s3  }
0x9d: {  	[timem:s22], [sflag:s6] =	dma.local [hbm:s5], s4  }
0x9e: {  	_ =	swait.ge [sflag:s6], s4  }
0x9f: {  	s4 =	ssub.s32 $0x0, s4;
	[sflag:s6] =	ssyncset.done $0x0  }
0xa0: {  	[sflag:s6] =	ssyncadd.s32 s4;
	_ =	sdelay $0x1  }
0xa1: {  	s23 =	simm.s32 $0x1B8B  }
0xa2: {  	_ =	swait.ge [sflag:s23], $0x1  }
0xa3: {  	[sflag:s23] =	ssyncset.done $0x0  }
0xa4: {  	[sflag:s23] =	ssyncadd.s32 $0xFFFFFFFF  }
0xa5: {  	s4 =	sld [smem:$0x0]  }
0xa6: {  	s5 =	sand.u32 $0xFFFFFFFE, s1  }
0xa7: {  	p0 =	sne.s32 s1, s5  }
0xa8: {  	s5 =	sshll.u32 @p0 s5, $0xE  }
0xa9: {  	s5 =	sadd.s32 @p0 $0x11B8D, s5;
	s6 =	sshll.u32 @p0 s4, $0x11  }
0xaa: {  	s5 =	sor.u32 @p0 s6, s5  }
0xab: {  	[sflag:s5] =	ssyncadd.remote.s32 @p0 $0x1;
	_ =	sdelay $0x1  }
0xac: {  	s5 =	simm.s32 @p0 $0x1B8D  }
0xad: {  	_ =	swait.eq @p0 [sflag:s5], $0x1  }
0xae: {  	[sflag:s5] =	ssyncadd.s32 @p0 $0xFFFFFFFF  }
0xaf: {  	s6 =	sshll.u32 @!p0 s1, $0xE  }
0xb0: {  	s6 =	sor.u32 @!p0 $0x4000, s6;
	s5 =	simm.s32 @!p0 $0x1B8D  }
0xb1: {  	s4 =	sshll.u32 @!p0 s4, $0x11;
	s6 =	sadd.s32 @!p0 $0x11B8D, s6;
	_ =	swait.eq @!p0 [sflag:s5], $0x1  }
0xb2: {  	s4 =	sor.u32 @!p0 s4, s6;
	[sflag:s5] =	ssyncadd.s32 @!p0 $0xFFFFFFFF  }
0xb3: {  	s25 =	simm.s32 $0x1B8E;
	s24 =	sld [smem:$0x3FFE];
	[sflag:s4] =	ssyncadd.remote.s32 @!p0 $0x1  }
0xb4: {  	s26 =	simm.s32 $execute0_lowered;
	[smem:$0x3FD2] =	sst s25  }
0xb5: {  	s5 =	sshll.u32 s26, $0x1;
	_ =	strace $0x80000049;
	[dreg:$0x1] =	wrdreg $0xFFFFFFFF  }
0xb6: {  	s28 =	simm.s32 $_size_execute0_lowered;
	s3 =	sadd.s32 s3, s5;
	[dreg:$0x0] =	wrdreg $0x0  }
0xb7: {  	s5 =	sshll.u32 s28, $0x1;
	[dreg:$0x2] =	wrdreg s3  }
0xb8: {  	[dreg:$0x3] =	wrdreg s5  }
0xb9: {  	[dreg:$0x4] =	wrdreg $0xC0  }
0xba: {  	_ =	task [dreg:s22], $0x5FFFF  }
0xbb: {  	[dreg:$0x1] =	wrdreg $0xFFFFFFFF  }
0xbc: {  	[dreg:$0x0] =	wrdreg $0x60  }
0xbd: {  	[dreg:$0x2] =	wrdreg s24  }
0xbe: {  	[dreg:$0x3] =	wrdreg $0xB  }
0xbf: {  	_ =	task.clear_ibuf [dreg:s22], $0x4FFFF;
	_ =	strace $0x90000049  }
0xc0: {  	s29 =	simm.s32 $0xB;
	_ =	strace $0x8000004B  }
0xc1: {  	_ =	swait.ge [sflag:s29], $0x1  }
0xc2: {  	[sflag:s29] =	ssyncadd.s32 $0xFFFFFFFF  }
0xc3: {  	_ =	strace $0x9000004B  }
0xc4: {  	_ =	sfence  }
0xc5: {  	s30 =	sld [smem:$0x0];
	_ =	sdelay $0x2  }
0xc6: {  	s31 =	sshll.u32 s1, $0xD;
	s1 =	sshrl.u32 s1, $0x2  }
0xc7: {  	s4 =	sand.u32 $0x4000, s31;
	s1 =	sadd.s32 s1, s30  }
0xc8: {  	s0 =	sor.u32 s4, s0;
	s1 =	sshll.u32 s1, $0x11  }
0xc9: {  	s0 =	sor.u32 s1, s0  }
0xca: {  	s0 =	sadd.s32 $0x8F2B, s0  }
0xcb: {  	[sflag:s0] =	ssyncadd.remote.s32 $0x1  }
0xcc: {  	_ =	sfence.sel $0xFFFF  }
0xcd: {  	[dreg:$0x0] =	wrdreg $0xFFFFFFFF;
	(pc) =	sbr.abs _section_cstart, $3  }
0xce: {  	[dreg:$0x1] =	wrdreg $0xFFFFFFFF  }
0xcf: {  	_ =	task.clear_ibuf [dreg:s22], $0x2FFFF;
	_ =	strace $0x9FFFFFFF  }
0xd0: {  	(tm) =	ssettm $0x7FFFFFFF  }
0xd1: {  	_ =	shalt  }
tec
execute0_lowered:
.L_overlay_start_1:
0x0: {  	(tag) =	ssettag $0x1  }
0x1: {  	s0 =	srdreg.scid  }
0x2: {  	s1 =	sshll.u32 s0, $0x4  }
0x3: {  	s0 =	stileid.u32;
	s1 =	sand.u32 $0x10, s1  }
0x4: {  	s1 =	sor.u32 s0, s1  }
0x5: {  	s2 =	smin.u32 s1, $0x4  }
0x6: {  	s2 =	sadd.s32 s1, s2  }
0x7: {  	p0 =	slt.u32 s1, $0x4;
	s1 =	simm.s32 $0x240;
	s2 =	smul.u32 $0x120, s2  }
0x8: {  	s1 =	simm.s32 @!p0 $0x120  }
0x9: {  	s1 =	sadd.s32 s1, s2  }
0xa: {  	s3 =	smin.u32 s1, $0x2880  }
0xb: {  	s7 =	ssub.s32 s3, s2  }
0xc: {  	p0 =	sgt.s32 s7, $0x0  }
0xd: {  	s7 =	simm.s32 @!p0 $0x0  }
0xe: {  	s4 =	smul.u32 $0xE38F, s7  }
0xf: {  	s9 =	rddreg [dreg:$0x0];
	s6 =	simm.s32 $0x1;
	s11 =	simm.s32 $0x3  }
0x10: {  	s13 =	simm.s32 $0x0;
	s12 =	simm.s32 $0x0;
	s8 =	sshrl.u32 s4, $0x18  }
0x11: {  	s1 =	rddreg [dreg:$0x1];
	_ =	strace $0x8000004A;
	s10 =	smul.u32 $0x120, s8  }
.Ltmp0:
0x12: {  	s5 =	sadd.s32 $0x42FE00, s9;
	[sflag:s6] =	ssyncpa.u1 $0x0;
	(pc) =	sbr.rel .LBB2_1-.Ltmp0, $4  }
0x13: {  	s4 =	sadd.s32 $0x6E00, s9;
	p0 =	sne.s32 s7, s10;
	s10 =	simm.s32 $0x1  }
0x14: {  	s9 =	sadd.s32 $0x430400, s9;
	s7 =	simm.s32 $0x2;
	s10 =	simm.s32 @!p0 $0x0  }
0x15: {  	[sflag:s7] =	ssyncpa.u1 $0x0;
	p0 =	por $0x0, $0x0;
	s8 =	sadd.s32 s8, s10  }
0x16: {  	vm0 =	vmmov $0xff;
	vm1 =	vcmask $0x3F20;
	[sflag:s11] =	ssyncpa.u1 $0x0;
	s11 =	smov.u32 s2;
	s10 =	sadd.s32 $0x1, s8  }
.LBB2_6:
0x17: {  	[hbm:s17] =	stream.linear.scatter [tilespmem:s14], [sflag:$0x3], $0x400, $0x38;
	[tilespmem:$0x12240] =	vst v63  }
.LBB2_7:
0x18: {  	s13 =	sadd.s32 $0x120, s11  }
0x19: {  	s15 =	smov.u32 s2;
	p2 =	slt.s32 s13, s3  }
0x1a: {  	s15 =	smov.u32 @p2 s13;
	p2 =	sne.s32 s12, s10  }
.Ltmp1:
0x1b: {  	p1 =	slt.u32 s12, $0x2;
	(pc) =	sbr.rel @!p2 .LBB2_8-.Ltmp1, $4  }
0x1c: {  	s14 =	simm.s32 @!p1 $0x3  }
0x1d: {  	s16 =	sadd.s32 $0x1, s12;
	_ =	swait.ge @!p1 [sflag:s14], $0x9000  }
0x1e: {  	p0 =	por !p0, !p0;
	s13 =	smov.u32 s11;
	[sflag:s14] =	ssyncset.done @!p1 $0x0  }
0x1f: {  	s12 =	smov.u32 s16;
	s11 =	smov.u32 s15;
	[sflag:s14] =	ssyncadd.s32 @!p1 $0xFFFF7000  }
.LBB2_1:
0x20: {  	p1 =	sge.u32 s12, s8  }
0x21: {  	s14 =	sxor.u32 @!p1 $0xFFFFFFFF, s12  }
0x22: {  	s14 =	sand.u32 @!p1 $0x1, s14  }
0x23: {  	s14 =	smul.u32 @!p1 $0x480, s14  }
0x24: {  	s31 =	sadd.s32 $0xFFFFFFFF, s12;
	s15 =	sshrl.u32 @!p1 s11, $0x3  }
0x25: {  	s16 =	sand.u32 @!p1 $0x7, s11;
	s15 =	sadd.s32 @!p1 s5, s15;
	s14 =	sshrl.u32 @!p1 s14, $0x2  }
0x26: {  	[tilespmem:s14], [sflag:$0x2] =	stream.linear.gather @!p1 [hbm4b:s15+s16], $0x120, $0x38;
	[tilespmem:$0x12240] =	vst v63  }
0x27: {  	p1 =	sge.u32 s31, s8  }
.Ltmp2:
0x28: {  	_ = 	snop;
	(pc) =	sbr.rel @p1 .LBB2_7-.Ltmp2, $1  }
0x29: {  	_ =	sdelay $0x3  }
0x2a: {  	s14 =	simm.s32 $0x1  }
0x2b: {  	s14 =	simm.s32 @!p0 $0x0  }
0x2c: {  	s15 =	smul.u32 $0x480, s14  }
0x2d: {  	_ =	swait.ge [sflag:s7], $0x120  }
0x2e: {  	[sflag:s7] =	ssyncset.done $0x0;
	s16 =	sshrl.u32 s15, $0x2  }
0x2f: {  	[sflag:s7] =	ssyncadd.s32 $0xFFFFFEE0;
	s15 =	sadd.s32 $0x0, s16  }
0x30: {  	v0 =	vld.msk [tilespmem:s15+$0x0 ss:$0x1], $0xffff;
	_ =	sdelay $0x4  }
0x31: {  	v1 =	vshll.u32 v0, $0x4  }
0x32: {  	vm2 =	veq.s32 v0, $0x80000000;
	v0 =	vshll.u32 v0, $0x16;
	v1 =	vand.u32 $0x3FFF80, v1  }
0x33: {  	v0 =	vand.u32 $0x1C00000, v0;
	v1 =	vsel vm2, $0xFFFFFF80, v1  }
0x34: {  	v0 =	vsel vm2, $0xFFC00000, v0;
	v2 =	vand.u32 $0xFFFFFC00, v1  }
0x35: {  	v1 =	vand.u32 $0x380, v1;
	v0 =	vadd.s32 v0, v2  }
0x36: {  	v0 =	vor.u32 v1, v0  }
0x37: {  	v0 =	vshrl.u32 v0, $0x3  }
0x38: {  	s14 =	smul.u32 $0x24000, s14;
	_ =	sdelay $0x1  }
0x39: {  	s14 =	sshrl.u32 s14, $0x2  }
0x3a: {  	s14 =	sor.u32 $0x240, s14  }
0x3b: {  	[tilespmem:s14], [sflag:$0x1] =	stream.indirect_vreg.gather [hbm:s4], $0x80, v0, vm0, $0x38;
	[tilespmem:$0x12240] =	vst v63  }
0x3c: {  	s17 =	sadd.s32 $0x10, s16;
	s15 =	sadd.s32 $0x400, s14  }
0x3d: {  	[tilespmem:s15], [sflag:$0x1] =	stream.indirect_vreg.gather [hbm:s4], $0x80, v0, vm1, $0x38;
	[tilespmem:$0x12240] =	vst v63  }
0x3e: {  	s18 =	simm.s32 $0x80;
	v0 =	vld.msk [tilespmem:s17+$0x0 ss:$0x1], $0xffff;
	s17 =	smov.u32 s14  }
.LBB2_3:
0x3f: {  	p1 =	sne.s32 s18, $0x440;
	_ =	sdelay $0x4  }
0x40: {  	v1 =	vshll.u32 v0, $0x4  }
0x41: {  	vm2 =	veq.s32 v0, $0x80000000;
	v0 =	vshll.u32 v0, $0x16;
	v1 =	vand.u32 $0x3FFF80, v1  }
0x42: {  	v0 =	vand.u32 $0x1C00000, v0;
	v1 =	vsel vm2, $0xFFFFFF80, v1  }
0x43: {  	v0 =	vsel vm2, $0xFFC00000, v0;
	v2 =	vand.u32 $0xFFFFFC00, v1  }
0x44: {  	v1 =	vand.u32 $0x380, v1;
	v0 =	vadd.s32 v0, v2  }
0x45: {  	v0 =	vor.u32 v1, v0  }
0x46: {  	v0 =	vshrl.u32 v0, $0x3;
	_ =	sdelay $0x3  }
.Ltmp3:
0x47: {  	s19 =	sshra.s32 s18, $0x2;
	s17 =	sadd.s32 $0x800, s17;
	(pc) =	sbr.rel @p1 .LBB2_3-.Ltmp3, $4  }
0x48: {  	[tilespmem:s17], [sflag:$0x1] =	stream.indirect_vreg.gather [hbm:s4], $0x80, v0, vm0, $0x38;
	[tilespmem:$0x12240] =	vst v63  }
0x49: {  	s19 =	sadd.s32 s19, s16;
	s20 =	sadd.s32 $0x400, s17  }
0x4a: {  	[tilespmem:s20], [sflag:$0x1] =	stream.indirect_vreg.gather [hbm:s4], $0x80, v0, vm1, $0x38;
	[tilespmem:$0x12240] =	vst v63  }
0x4b: {  	s18 =	sadd.s32 $0x40, s18;
	v0 =	vld.msk [tilespmem:s19+$0x0 ss:$0x1], $0xffff  }
0x4c: {  	_ =	sdelay $0x3  }
0x4d: {  	v1 =	vshll.u32 v0, $0x4  }
0x4e: {  	vm2 =	veq.s32 v0, $0x80000000;
	v63 =	vshll.u32 v0, $0x16;
	v1 =	vand.u32 $0x3FFF80, v1  }
0x4f: {  	v0 =	vand.u32 $0x1C00000, v63;
	v1 =	vsel vm2, $0xFFFFFF80, v1  }
0x50: {  	v0 =	vsel vm2, $0xFFC00000, v0;
	v2 =	vand.u32 $0xFFFFFC00, v1  }
0x51: {  	v1 =	vand.u32 $0x380, v1;
	v0 =	vadd.s32 v0, v2  }
0x52: {  	v0 =	vor.u32 v1, v0  }
0x53: {  	v0 =	vshrl.u32 v0, $0x3;
	_ =	sdelay $0x3  }
0x54: {  	s16 =	sadd.s32 $0x800, s17  }
0x55: {  	[tilespmem:s16], [sflag:$0x1] =	stream.indirect_vreg.gather [hbm:s4], $0x80, v0, vm0, $0x38;
	[tilespmem:$0x12240] =	vst v63  }
0x56: {  	s16 =	sadd.s32 $0x400, s16  }
0x57: {  	[tilespmem:s16], [sflag:$0x1] =	stream.indirect_vreg.gather [hbm:s4], $0x80, v0, vm1, $0x38;
	[tilespmem:$0x12240] =	vst v63  }
0x58: {  	s13 =	sshll.u32 s13, $0x4;
	_ =	swait.ge [sflag:s6], $0x9000  }
0x59: {  	s13 =	sadd.s32 s13, s9;
	[sflag:s6] =	ssyncset.done $0x0  }
0x5a: {  	s17 =	sadd.s32 $0x0, s13;
	s16 =	simm.s32 $0x80;
	[sflag:s6] =	ssyncadd.s32 $0xFFFF7000  }
.LBB2_5:
0x5b: {  	[hbm:s17] =	stream.linear.scatter [tilespmem:s14], [sflag:$0x3], $0x400, $0x38;
	[tilespmem:$0x12240] =	vst v63  }
0x5c: {  	s17 =	smov.u32 s16;
	s14 =	smov.u32 s15;
	p1 =	sne.s32 s16, $0x1180  }
.Ltmp4:
0x5d: {  	s16 =	sadd.s32 $0x80, s16;
	(pc) =	sbr.rel @p1 .LBB2_5-.Ltmp4, $2  }
0x5e: {  	_ =	sdelay $0x2  }
0x5f: {  	s15 =	sadd.s32 $0x400, s15;
	s17 =	sadd.s32 s17, s13  }
.Ltmp5:
0x60: {  	_ = 	snop;
	(pc) =	sbr.rel .LBB2_6-.Ltmp5, $1  }
0x61: {  	_ =	sdelay $0x3  }
.LBB2_8:
0x62: {  	_ =	sfence.sel $0x180000  }
0x63: {  	s2 =	simm.s32 $0x2;
	[bflag:$0x0] =	sbarrier.arrive $0xFFFF  }
0x64: {  	s30 =	simm.s32 $0x3;
	[sflag:s2] =	ssyncpa.u1 $0x1  }
0x65: {  	s31 =	simm.s32 $0x1;
	[sflag:s30] =	ssyncpa.u1 $0x1  }
0x66: {  	[sflag:s31] =	ssyncpa.u1 $0x1  }
0x67: {  	p0 =	sne.s32 s0, $0x0;
	_ =	strace $0x9000004A  }
0x68: {  	s0 =	sadd.s32 @!p0 $0x100000, s1;
	[bflag:$0x2] =	sbarrier.arrive $0xFFFF  }
0x69: {  	[sflag:s0] =	ssyncadd.tile.s32 @!p0 $0x1;
	_ =	shalt  }
.Lfunc_end2:
_tile_overlayer_lowered:
.L_overlay_start_2:
0x6a: {  	(tag) =	ssettag $0x2  }
0x6b: {  	s0 =	rddreg [dreg:$0x0];
	s2 =	stileid.u32  }
0x6c: {  	s1 =	rddreg [dreg:$0x1];
	p0 =	sne.s32 s2, $0x0  }
0x6d: {  	s3 =	rddreg [dreg:$0x2];
	[bflag:$0x3] =	sbarrier.arrive $0xFFFF;
	s2 =	simm.s32 @!p0 $0x1C01  }
0x6e: {  	[timem:s3], [sflag:s2] =	dma.local @!p0 [hbm:s0], s1  }
0x6f: {  	s0 =	simm.s32 @!p0 $0x1  }
0x70: {  	_ =	swait.ge @!p0 [sflag:s0], s1  }
0x71: {  	s1 =	ssub.s32 @!p0 $0x0, s1;
	[sflag:s0] =	ssyncset.done @!p0 $0x0  }
0x72: {  	[sflag:s0] =	ssyncadd.s32 @!p0 s1  }
0x73: {  	[bflag:$0x3] =	sbarrier.arrive $0xFFFF  }
0x74: {  	_ =	shalt  }

// kernel: gather_offload_async_start.4
scs
__scs_entry_jumppad:
0x0: {  	(pc) =	sbr.rel $0x88, $3  }
0x1: {  	(tag) =	ssettag $0x0;
	lr =	simm.s32 $0x1  }
0x2: {  	[smem:$0x3F7C] =	sst lr;
	_ =	strace $0xD0000000  }
0x3: {  	_ = 	snop  }
0x4: {  	_ = 	snop  }
0x5: {  	_ = 	snop  }
0x6: {  	_ = 	snop  }
0x7: {  	_ = 	snop  }
__scs_overlays_trampoline_lowered:
0x8: {  	[smem:$0x3F8B] =	sst s0  }
0x9: {  	[smem:$0x3F8C] =	sst s1  }
0xa: {  	[smem:$0x3F8D] =	sst s2  }
0xb: {  	[smem:$0x3F8E] =	sst s3  }
0xc: {  	[smem:$0x3F8F] =	sst s4  }
0xd: {  	[smem:$0x3F90] =	sst s5  }
0xe: {  	[smem:$0x3F91] =	sst s6  }
0xf: {  	[smem:$0x3F92] =	sst s7  }
0x10: {  	[smem:$0x3F93] =	sst s8  }
0x11: {  	[smem:$0x3F94] =	sst s9;
	s0 =	simm.s32 @!p0 $0x0  }
0x12: {  	s1 =	sld [smem:$0x3F7A];
	s0 =	simm.s32 @p0 $0x1  }
0x13: {  	[smem:$0x3F95] =	sst s0;
	s0 =	simm.s32 @!p1 $0x0  }
0x14: {  	s2 =	sld [smem:$0x3F79];
	s0 =	simm.s32 @p1 $0x1  }
0x15: {  	[smem:$0x3F96] =	sst s0;
	s0 =	simm.s32 @!p2 $0x0  }
0x16: {  	s3 =	sld [smem:$0x3FDB];
	s0 =	simm.s32 @p2 $0x1  }
0x17: {  	s4 =	simm.s32 $0x1BF5;
	[smem:$0x3F98] =	sst s0  }
0x18: {  	s0 =	sld [smem:$0x3F7B];
	_ =	swait.ge [sflag:s4], $0x0  }
0x19: {  	s7 =	sld [smem:$0x3F7C]  }
0x1a: {  	s8 =	sadd.s32 $0xFFFFE003, lr  }
0x1b: {  	s9 =	sadd.s32 $0xFFFFFEF7, lr;
	s5 =	simm.s32 $0xFFFFFFFF;
	p2 =	slt.u32 s8, $0xFFFFF086  }
0x1c: {  	p1 =	slt.u32 s9, $0xF7A;
	s5 =	simm.s32 @!p2 $0x0  }
0x1d: {  	s5 =	simm.s32 @p1 $0x1;
	p0 =	seq.s32 s7, s2  }
0x1e: {  	s7 =	smul.u32 @!p0 $0xF7A, s2;
	p2 =	seq.s32 @!p0 s5, $0x0  }
0x1f: {  	s9 =	smul.u32 $0xF7A, s1;
	s8 =	simm.s32 @!p0 $0x1BF5;
	p2 =	por !p2, p0  }
0x20: {  	[sflag:s8] =	ssyncset.s32 @!p0 $0xFFFFF086;
	s6 =	sadd.s32 @!p0 s3, s7;
	s7 =	simm.s32 @!p0 $0x108  }
0x21: {  	s3 =	sadd.s32 s3, s9;
	s6 =	sadd.s32 @!p0 $0x88, s6;
	s7 =	simm.s32 @p2 $0x1082  }
0x22: {  	[simem:s7], [sflag:s8] =	dma.local @!p0 [hbm:s6], $0xF7A  }
0x23: {  	s9 =	sor.u32 $0xD0000000, s2;
	s6 =	simm.s32 $0x108;
	_ =	swait.ge @!p0 [sflag:s8], $0x0  }
0x24: {  	s3 =	sadd.s32 $0x88, s3;
	s6 =	simm.s32 @!p1 $0x1082;
	[sflag:s4] =	ssyncset.s32 $0xFFFFF086  }
0x25: {  	[simem:s6], [sflag:s4] =	dma.local [hbm:s3], $0xF7A  }
0x26: {  	[smem:$0x3F7C] =	sst s1;
	(tag) =	ssettag s2;
	_ =	strace s9  }
0x27: {  	s1 =	sld [smem:$0x3F8C]  }
0x28: {  	s2 =	sld [smem:$0x3F8D]  }
0x29: {  	s4 =	sld [smem:$0x3F8F]  }
0x2a: {  	p0 =	seq.s32 s5, $0x0;
	s5 =	sld [smem:$0x3F90]  }
0x2b: {  	s6 =	sld [smem:$0x3F91]  }
0x2c: {  	s7 =	sld [smem:$0x3F92]  }
0x2d: {  	s3 =	simm.s32 $0x108;
	s8 =	sld [smem:$0x3F93]  }
0x2e: {  	s3 =	simm.s32 @!p0 $0x1082;
	s9 =	sld [smem:$0x3F94]  }
0x2f: {  	lr =	sadd.s32 s0, s3;
	s0 =	sld [smem:$0x3F8B]  }
0x30: {  	s3 =	sld [smem:$0x3F8E]  }
0x31: {  	[smem:$0x3F97] =	sst s10  }
0x32: {  	s10 =	sld [smem:$0x3F95];
	_ =	sdelay $0x3  }
0x33: {  	p0 =	seq.s32 s10, $0x1;
	s10 =	sld [smem:$0x3F97];
	_ =	sdelay $0x3  }
0x34: {  	[smem:$0x3F97] =	sst s10  }
0x35: {  	s10 =	sld [smem:$0x3F96];
	_ =	sdelay $0x3  }
0x36: {  	p1 =	seq.s32 s10, $0x1;
	s10 =	sld [smem:$0x3F97];
	_ =	sdelay $0x3  }
0x37: {  	[smem:$0x3F97] =	sst s10  }
0x38: {  	s10 =	sld [smem:$0x3F98]  }
0x39: {  	_ = 	snop;
	(pc) =	sbr.ind lr, $3  }
0x3a: {  	_ = 	snop  }
0x3b: {  	_ = 	snop  }
0x3c: {  	p2 =	seq.s32 s10, $0x1;
	s10 =	sld [smem:$0x3F97]  }
0x3d: {  	_ =	shalt  }
0x3e: {  	_ =	shalt  }
0x3f: {  	_ =	shalt  }
0x40: {  	_ =	shalt  }
0x41: {  	_ =	shalt  }
0x42: {  	_ =	shalt  }
0x43: {  	_ =	shalt  }
0x44: {  	_ =	shalt  }
0x45: {  	_ =	shalt  }
0x46: {  	_ =	shalt  }
0x47: {  	_ =	shalt  }
0x48: {  	_ =	shalt  }
0x49: {  	_ =	shalt  }
0x4a: {  	_ =	shalt  }
0x4b: {  	_ =	shalt  }
0x4c: {  	_ =	shalt  }
0x4d: {  	_ =	shalt  }
0x4e: {  	_ =	shalt  }
0x4f: {  	_ =	shalt  }
0x50: {  	_ =	shalt  }
0x51: {  	_ =	shalt  }
0x52: {  	_ =	shalt  }
0x53: {  	_ =	shalt  }
0x54: {  	_ =	shalt  }
0x55: {  	_ =	shalt  }
0x56: {  	_ =	shalt  }
0x57: {  	_ =	shalt  }
0x58: {  	_ =	shalt  }
0x59: {  	_ =	shalt  }
0x5a: {  	_ =	shalt  }
0x5b: {  	_ =	shalt  }
0x5c: {  	_ =	shalt  }
0x5d: {  	_ =	shalt  }
0x5e: {  	_ =	shalt  }
0x5f: {  	_ =	shalt  }
0x60: {  	_ =	shalt  }
0x61: {  	_ =	shalt  }
0x62: {  	_ =	shalt  }
0x63: {  	_ =	shalt  }
0x64: {  	_ =	shalt  }
0x65: {  	_ =	shalt  }
0x66: {  	_ =	shalt  }
0x67: {  	_ =	shalt  }
0x68: {  	_ =	shalt  }
0x69: {  	_ =	shalt  }
0x6a: {  	_ =	shalt  }
0x6b: {  	_ =	shalt  }
0x6c: {  	_ =	shalt  }
0x6d: {  	_ =	shalt  }
0x6e: {  	_ =	shalt  }
0x6f: {  	_ =	shalt  }
0x70: {  	_ =	shalt  }
0x71: {  	_ =	shalt  }
0x72: {  	_ =	shalt  }
0x73: {  	_ =	shalt  }
0x74: {  	_ =	shalt  }
0x75: {  	_ =	shalt  }
0x76: {  	_ =	shalt  }
0x77: {  	_ =	shalt  }
0x78: {  	_ =	shalt  }
0x79: {  	_ =	shalt  }
0x7a: {  	_ =	shalt  }
0x7b: {  	_ =	shalt  }
0x7c: {  	_ =	shalt  }
0x7d: {  	_ =	shalt  }
0x7e: {  	_ =	shalt  }
0x7f: {  	_ =	shalt  }
0x80: {  	_ =	shalt  }
0x81: {  	_ =	shalt  }
0x82: {  	_ =	shalt  }
0x83: {  	_ =	shalt  }
0x84: {  	_ =	shalt  }
0x85: {  	_ =	shalt  }
0x86: {  	_ =	shalt  }
0x87: {  	_ =	shalt  }
.Lfunc_end0:
.L_simem_size_0:
called_computation.4_lowered:
.L_overlay_start_0:
0x88: {  	s2 =	sld [smem:$0x3FD9]  }
0x89: {  	s3 =	sld [smem:$0x3FFE];
	_ =	sdelay $0x1  }
0x8a: {  	s1 =	srdreg.scid  }
0x8b: {  	s0 =	sand.u32 $0x1, s1  }
0x8c: {  	s16 =	sshll.u32 s0, $0xA;
	s2 =	sadd.s32 s3, s2  }
0x8d: {  	s2 =	sadd.s32 s2, s16  }
0x8e: {  	[smem:$0x3FA3] =	sst s2  }
0x8f: {  	_ = 	snop  }
0x90: {  	(tm) =	ssettm $0x1  }
0x91: {  	s17 =	sld [smem:$0x3FFB];
	_ =	sdelay $0x3  }
0x92: {  	_ =	strace s17  }
0x93: {  	s2 =	sld [smem:$0x3FFC];
	_ =	sdelay $0x3  }
0x94: {  	_ =	strace s2  }
0x95: {  	s2 =	sld [smem:$0x3FFD];
	_ =	sdelay $0x3  }
0x96: {  	_ =	strace s2  }
0x97: {  	_ =	strace $0x8FFFFFFF  }
0x98: {  	s18 =	sld [smem:$0x3FDB];
	_ =	sdelay $0x1  }
0x99: {  	s19 =	simm.s32 $_scs_section_size  }
0x9a: {  	s4 =	simm.s32 $_size__tile_overlayer_lowered;
	s5 =	simm.s32 $_tile_overlayer_lowered  }
0x9b: {  	s22 =	simm.s32 $0x1BFF;
	s21 =	sshll.u32 s5, $0x1;
	s2 =	sadd.s32 s19, s18  }
0x9c: {  	s6 =	simm.s32 $0x0;
	s20 =	sshll.u32 s4, $0x1;
	s4 =	sadd.s32 s21, s2  }
0x9d: {  	[timem:s6], [sflag:s22] =	dma.local [hbm:s4], s20  }
0x9e: {  	_ =	swait.ge [sflag:s22], s20  }
0x9f: {  	s3 =	ssub.s32 $0x0, s20;
	[sflag:s22] =	ssyncset.done $0x0  }
0xa0: {  	[sflag:s22] =	ssyncadd.s32 s3;
	_ =	sdelay $0x1  }
0xa1: {  	s23 =	simm.s32 $0x1B8B  }
0xa2: {  	_ =	swait.ge [sflag:s23], $0x1  }
0xa3: {  	[sflag:s23] =	ssyncset.done $0x0  }
0xa4: {  	s25 =	simm.s32 $0x1B8E;
	s24 =	sld [smem:$0x3FFE];
	[sflag:s23] =	ssyncadd.s32 $0xFFFFFFFF  }
0xa5: {  	s26 =	simm.s32 $execute0_lowered;
	[smem:$0x3FD2] =	sst s25  }
0xa6: {  	s4 =	sshll.u32 s26, $0x1;
	_ =	strace $0x80000055;
	[dreg:$0x1] =	wrdreg $0xFFFFFFFF  }
0xa7: {  	s28 =	simm.s32 $_size_execute0_lowered;
	s2 =	sadd.s32 s2, s4;
	[dreg:$0x0] =	wrdreg $0x0  }
0xa8: {  	s4 =	sshll.u32 s28, $0x1;
	[dreg:$0x2] =	wrdreg s2  }
0xa9: {  	[dreg:$0x3] =	wrdreg s4  }
0xaa: {  	[dreg:$0x4] =	wrdreg $0xC0  }
0xab: {  	_ =	task [dreg:s6], $0x5FFFF  }
0xac: {  	[dreg:$0x1] =	wrdreg $0xFFFFFFFF  }
0xad: {  	[dreg:$0x0] =	wrdreg $0x60  }
0xae: {  	[dreg:$0x2] =	wrdreg s24  }
0xaf: {  	[dreg:$0x3] =	wrdreg $0x9  }
0xb0: {  	_ =	task.clear_ibuf [dreg:s6], $0x4FFFF;
	_ =	strace $0x90000055  }
0xb1: {  	s29 =	simm.s32 $0x9;
	_ =	strace $0x80000057  }
0xb2: {  	_ =	swait.ge [sflag:s29], $0x1  }
0xb3: {  	[sflag:s29] =	ssyncadd.s32 $0xFFFFFFFF  }
0xb4: {  	_ =	strace $0x90000057  }
0xb5: {  	_ =	sfence  }
0xb6: {  	s30 =	sld [smem:$0x0];
	_ =	sdelay $0x2  }
0xb7: {  	s31 =	sshll.u32 s1, $0xD;
	s1 =	sshrl.u32 s1, $0x2  }
0xb8: {  	s3 =	sand.u32 $0x4000, s31;
	s1 =	sadd.s32 s1, s30  }
0xb9: {  	s0 =	sor.u32 s3, s0;
	s1 =	sshll.u32 s1, $0x11  }
0xba: {  	s0 =	sor.u32 s1, s0  }
0xbb: {  	s0 =	sadd.s32 $0x8F2B, s0  }
0xbc: {  	[sflag:s0] =	ssyncadd.remote.s32 $0x1  }
0xbd: {  	_ =	sfence.sel $0xFFFF  }
0xbe: {  	[dreg:$0x0] =	wrdreg $0xFFFFFFFF;
	(pc) =	sbr.abs _section_cstart, $3  }
0xbf: {  	[dreg:$0x1] =	wrdreg $0xFFFFFFFF  }
0xc0: {  	_ =	task.clear_ibuf [dreg:s6], $0x2FFFF;
	_ =	strace $0x9FFFFFFF  }
0xc1: {  	(tm) =	ssettm $0x7FFFFFFF  }
tec
execute0_lowered:
.L_overlay_start_1:
0x0: {  	(tag) =	ssettag $0x1  }
0x1: {  	s0 =	srdreg.scid  }
0x2: {  	s1 =	sshll.u32 s0, $0x4  }
0x3: {  	s0 =	stileid.u32;
	s1 =	sand.u32 $0x10, s1  }
0x4: {  	s1 =	sor.u32 s0, s1  }
0x5: {  	s2 =	smin.u32 s1, $0x4  }
0x6: {  	s2 =	sadd.s32 s1, s2  }
0x7: {  	p0 =	slt.u32 s1, $0x4;
	s1 =	simm.s32 $0x240;
	s2 =	smul.u32 $0x120, s2  }
0x8: {  	s1 =	simm.s32 @!p0 $0x120  }
0x9: {  	s1 =	sadd.s32 s1, s2  }
0xa: {  	s3 =	smin.u32 s1, $0x2880  }
0xb: {  	s7 =	ssub.s32 s3, s2  }
0xc: {  	p0 =	sgt.s32 s7, $0x0  }
0xd: {  	s7 =	simm.s32 @!p0 $0x0  }
0xe: {  	s4 =	smul.u32 $0xE38F, s7  }
0xf: {  	s9 =	rddreg [dreg:$0x0];
	s6 =	simm.s32 $0x1;
	s11 =	simm.s32 $0x3  }
0x10: {  	s13 =	simm.s32 $0x0;
	s12 =	simm.s32 $0x0;
	s8 =	sshrl.u32 s4, $0x18  }
0x11: {  	s1 =	rddreg [dreg:$0x1];
	_ =	strace $0x80000056;
	s10 =	smul.u32 $0x120, s8  }
.Ltmp0:
0x12: {  	s5 =	sadd.s32 $0x458C00, s9;
	[sflag:s6] =	ssyncpa.u1 $0x0;
	(pc) =	sbr.rel .LBB2_1-.Ltmp0, $4  }
0x13: {  	s4 =	sadd.s32 $0x481A00, s9;
	p0 =	sne.s32 s7, s10;
	s10 =	simm.s32 $0x1  }
0x14: {  	s9 =	sadd.s32 $0x459200, s9;
	s7 =	simm.s32 $0x2;
	s10 =	simm.s32 @!p0 $0x0  }
0x15: {  	[sflag:s7] =	ssyncpa.u1 $0x0;
	p0 =	por $0x0, $0x0;
	s8 =	sadd.s32 s8, s10  }
0x16: {  	vm0 =	vmmov $0xff;
	vm1 =	vcmask $0x3F20;
	[sflag:s11] =	ssyncpa.u1 $0x0;
	s11 =	smov.u32 s2;
	s10 =	sadd.s32 $0x1, s8  }
.LBB2_6:
0x17: {  	[hbm:s17] =	stream.linear.scatter [tilespmem:s14], [sflag:$0x3], $0x400, $0x38;
	[tilespmem:$0x12240] =	vst v63  }
.LBB2_7:
0x18: {  	s13 =	sadd.s32 $0x120, s11  }
0x19: {  	s15 =	smov.u32 s2;
	p2 =	slt.s32 s13, s3  }
0x1a: {  	s15 =	smov.u32 @p2 s13;
	p2 =	sne.s32 s12, s10  }
.Ltmp1:
0x1b: {  	p1 =	slt.u32 s12, $0x2;
	(pc) =	sbr.rel @!p2 .LBB2_8-.Ltmp1, $4  }
0x1c: {  	s14 =	simm.s32 @!p1 $0x3  }
0x1d: {  	s16 =	sadd.s32 $0x1, s12;
	_ =	swait.ge @!p1 [sflag:s14], $0x9000  }
0x1e: {  	p0 =	por !p0, !p0;
	s13 =	smov.u32 s11;
	[sflag:s14] =	ssyncset.done @!p1 $0x0  }
0x1f: {  	s12 =	smov.u32 s16;
	s11 =	smov.u32 s15;
	[sflag:s14] =	ssyncadd.s32 @!p1 $0xFFFF7000  }
.LBB2_1:
0x20: {  	p1 =	sge.u32 s12, s8  }
0x21: {  	s14 =	sxor.u32 @!p1 $0xFFFFFFFF, s12  }
0x22: {  	s14 =	sand.u32 @!p1 $0x1, s14  }
0x23: {  	s14 =	smul.u32 @!p1 $0x480, s14  }
0x24: {  	s31 =	sadd.s32 $0xFFFFFFFF, s12;
	s15 =	sshrl.u32 @!p1 s11, $0x3  }
0x25: {  	s16 =	sand.u32 @!p1 $0x7, s11;
	s15 =	sadd.s32 @!p1 s5, s15;
	s14 =	sshrl.u32 @!p1 s14, $0x2  }
0x26: {  	[tilespmem:s14], [sflag:$0x2] =	stream.linear.gather @!p1 [hbm4b:s15+s16], $0x120, $0x38;
	[tilespmem:$0x12240] =	vst v63  }
0x27: {  	p1 =	sge.u32 s31, s8  }
.Ltmp2:
0x28: {  	_ = 	snop;
	(pc) =	sbr.rel @p1 .LBB2_7-.Ltmp2, $1  }
0x29: {  	_ =	sdelay $0x3  }
0x2a: {  	s14 =	simm.s32 $0x1  }
0x2b: {  	s14 =	simm.s32 @!p0 $0x0  }
0x2c: {  	s15 =	smul.u32 $0x480, s14  }
0x2d: {  	_ =	swait.ge [sflag:s7], $0x120  }
0x2e: {  	[sflag:s7] =	ssyncset.done $0x0;
	s16 =	sshrl.u32 s15, $0x2  }
0x2f: {  	[sflag:s7] =	ssyncadd.s32 $0xFFFFFEE0;
	s15 =	sadd.s32 $0x0, s16  }
0x30: {  	v0 =	vld.msk [tilespmem:s15+$0x0 ss:$0x1], $0xffff;
	_ =	sdelay $0x4  }
0x31: {  	v1 =	vshll.u32 v0, $0x4  }
0x32: {  	vm2 =	veq.s32 v0, $0x80000000;
	v0 =	vshll.u32 v0, $0x16;
	v1 =	vand.u32 $0x3FFF80, v1  }
0x33: {  	v0 =	vand.u32 $0x1C00000, v0;
	v1 =	vsel vm2, $0xFFFFFF80, v1  }
0x34: {  	v0 =	vsel vm2, $0xFFC00000, v0;
	v2 =	vand.u32 $0xFFFFFC00, v1  }
0x35: {  	v1 =	vand.u32 $0x380, v1;
	v0 =	vadd.s32 v0, v2  }
0x36: {  	v0 =	vor.u32 v1, v0  }
0x37: {  	v0 =	vshrl.u32 v0, $0x3  }
0x38: {  	s14 =	smul.u32 $0x24000, s14;
	_ =	sdelay $0x1  }
0x39: {  	s14 =	sshrl.u32 s14, $0x2  }
0x3a: {  	s14 =	sor.u32 $0x240, s14  }
0x3b: {  	[tilespmem:s14], [sflag:$0x1] =	stream.indirect_vreg.gather [hbm:s4], $0x80, v0, vm0, $0x38;
	[tilespmem:$0x12240] =	vst v63  }
0x3c: {  	s17 =	sadd.s32 $0x10, s16;
	s15 =	sadd.s32 $0x400, s14  }
0x3d: {  	[tilespmem:s15], [sflag:$0x1] =	stream.indirect_vreg.gather [hbm:s4], $0x80, v0, vm1, $0x38;
	[tilespmem:$0x12240] =	vst v63  }
0x3e: {  	s18 =	simm.s32 $0x80;
	v0 =	vld.msk [tilespmem:s17+$0x0 ss:$0x1], $0xffff;
	s17 =	smov.u32 s14  }
.LBB2_3:
0x3f: {  	p1 =	sne.s32 s18, $0x440;
	_ =	sdelay $0x4  }
0x40: {  	v1 =	vshll.u32 v0, $0x4  }
0x41: {  	vm2 =	veq.s32 v0, $0x80000000;
	v0 =	vshll.u32 v0, $0x16;
	v1 =	vand.u32 $0x3FFF80, v1  }
0x42: {  	v0 =	vand.u32 $0x1C00000, v0;
	v1 =	vsel vm2, $0xFFFFFF80, v1  }
0x43: {  	v0 =	vsel vm2, $0xFFC00000, v0;
	v2 =	vand.u32 $0xFFFFFC00, v1  }
0x44: {  	v1 =	vand.u32 $0x380, v1;
	v0 =	vadd.s32 v0, v2  }
0x45: {  	v0 =	vor.u32 v1, v0  }
0x46: {  	v0 =	vshrl.u32 v0, $0x3;
	_ =	sdelay $0x3  }
.Ltmp3:
0x47: {  	s19 =	sshra.s32 s18, $0x2;
	s17 =	sadd.s32 $0x800, s17;
	(pc) =	sbr.rel @p1 .LBB2_3-.Ltmp3, $4  }
0x48: {  	[tilespmem:s17], [sflag:$0x1] =	stream.indirect_vreg.gather [hbm:s4], $0x80, v0, vm0, $0x38;
	[tilespmem:$0x12240] =	vst v63  }
0x49: {  	s19 =	sadd.s32 s19, s16;
	s20 =	sadd.s32 $0x400, s17  }
0x4a: {  	[tilespmem:s20], [sflag:$0x1] =	stream.indirect_vreg.gather [hbm:s4], $0x80, v0, vm1, $0x38;
	[tilespmem:$0x12240] =	vst v63  }
0x4b: {  	s18 =	sadd.s32 $0x40, s18;
	v0 =	vld.msk [tilespmem:s19+$0x0 ss:$0x1], $0xffff  }
0x4c: {  	_ =	sdelay $0x3  }
0x4d: {  	v1 =	vshll.u32 v0, $0x4  }
0x4e: {  	vm2 =	veq.s32 v0, $0x80000000;
	v63 =	vshll.u32 v0, $0x16;
	v1 =	vand.u32 $0x3FFF80, v1  }
0x4f: {  	v0 =	vand.u32 $0x1C00000, v63;
	v1 =	vsel vm2, $0xFFFFFF80, v1  }
0x50: {  	v0 =	vsel vm2, $0xFFC00000, v0;
	v2 =	vand.u32 $0xFFFFFC00, v1  }
0x51: {  	v1 =	vand.u32 $0x380, v1;
	v0 =	vadd.s32 v0, v2  }
0x52: {  	v0 =	vor.u32 v1, v0  }
0x53: {  	v0 =	vshrl.u32 v0, $0x3;
	_ =	sdelay $0x3  }
0x54: {  	s16 =	sadd.s32 $0x800, s17  }
0x55: {  	[tilespmem:s16], [sflag:$0x1] =	stream.indirect_vreg.gather [hbm:s4], $0x80, v0, vm0, $0x38;
	[tilespmem:$0x12240] =	vst v63  }
0x56: {  	s16 =	sadd.s32 $0x400, s16  }
0x57: {  	[tilespmem:s16], [sflag:$0x1] =	stream.indirect_vreg.gather [hbm:s4], $0x80, v0, vm1, $0x38;
	[tilespmem:$0x12240] =	vst v63  }
0x58: {  	s13 =	sshll.u32 s13, $0x4;
	_ =	swait.ge [sflag:s6], $0x9000  }
0x59: {  	s13 =	sadd.s32 s13, s9;
	[sflag:s6] =	ssyncset.done $0x0  }
0x5a: {  	s17 =	sadd.s32 $0x0, s13;
	s16 =	simm.s32 $0x80;
	[sflag:s6] =	ssyncadd.s32 $0xFFFF7000  }
.LBB2_5:
0x5b: {  	[hbm:s17] =	stream.linear.scatter [tilespmem:s14], [sflag:$0x3], $0x400, $0x38;
	[tilespmem:$0x12240] =	vst v63  }
0x5c: {  	s17 =	smov.u32 s16;
	s14 =	smov.u32 s15;
	p1 =	sne.s32 s16, $0x1180  }
.Ltmp4:
0x5d: {  	s16 =	sadd.s32 $0x80, s16;
	(pc) =	sbr.rel @p1 .LBB2_5-.Ltmp4, $2  }
0x5e: {  	_ =	sdelay $0x2  }
0x5f: {  	s15 =	sadd.s32 $0x400, s15;
	s17 =	sadd.s32 s17, s13  }
.Ltmp5:
0x60: {  	_ = 	snop;
	(pc) =	sbr.rel .LBB2_6-.Ltmp5, $1  }
0x61: {  	_ =	sdelay $0x3  }
.LBB2_8:
0x62: {  	_ =	sfence.sel $0x180000  }
0x63: {  	s2 =	simm.s32 $0x2;
	[bflag:$0x0] =	sbarrier.arrive $0xFFFF  }
0x64: {  	s30 =	simm.s32 $0x3;
	[sflag:s2] =	ssyncpa.u1 $0x1  }
0x65: {  	s31 =	simm.s32 $0x1;
	[sflag:s30] =	ssyncpa.u1 $0x1  }
0x66: {  	[sflag:s31] =	ssyncpa.u1 $0x1  }
0x67: {  	p0 =	sne.s32 s0, $0x0;
	_ =	strace $0x90000056  }
0x68: {  	s0 =	sadd.s32 @!p0 $0x100000, s1;
	[bflag:$0x2] =	sbarrier.arrive $0xFFFF  }
0x69: {  	[sflag:s0] =	ssyncadd.tile.s32 @!p0 $0x1;
	_ =	shalt  }
.Lfunc_end2:
_tile_overlayer_lowered:
.L_overlay_start_2:
0x6a: {  	(tag) =	ssettag $0x2  }
0x6b: {  	s0 =	rddreg [dreg:$0x0];
	s2 =	stileid.u32  }
0x6c: {  	s1 =	rddreg [dreg:$0x1];
	p0 =	sne.s32 s2, $0x0  }
0x6d: {  	s3 =	rddreg [dreg:$0x2];
	[bflag:$0x3] =	sbarrier.arrive $0xFFFF;
	s2 =	simm.s32 @!p0 $0x1C01  }
0x6e: {  	[timem:s3], [sflag:s2] =	dma.local @!p0 [hbm:s0], s1  }
0x6f: {  	s0 =	simm.s32 @!p0 $0x1  }
0x70: {  	_ =	swait.ge @!p0 [sflag:s0], s1  }
0x71: {  	s1 =	ssub.s32 @!p0 $0x0, s1;
	[sflag:s0] =	ssyncset.done @!p0 $0x0  }
0x72: {  	[sflag:s0] =	ssyncadd.s32 @!p0 s1  }
0x73: {  	[bflag:$0x3] =	sbarrier.arrive $0xFFFF  }
0x74: {  	_ =	shalt  }

// kernel: gather_offload_async_start.5
scs
__scs_entry_jumppad:
0x0: {  	(pc) =	sbr.rel $0x88, $3  }
0x1: {  	(tag) =	ssettag $0x0;
	lr =	simm.s32 $0x1  }
0x2: {  	[smem:$0x3F7C] =	sst lr;
	_ =	strace $0xD0000000  }
0x3: {  	_ = 	snop  }
0x4: {  	_ = 	snop  }
0x5: {  	_ = 	snop  }
0x6: {  	_ = 	snop  }
0x7: {  	_ = 	snop  }
__scs_overlays_trampoline_lowered:
0x8: {  	[smem:$0x3F8B] =	sst s0  }
0x9: {  	[smem:$0x3F8C] =	sst s1  }
0xa: {  	[smem:$0x3F8D] =	sst s2  }
0xb: {  	[smem:$0x3F8E] =	sst s3  }
0xc: {  	[smem:$0x3F8F] =	sst s4  }
0xd: {  	[smem:$0x3F90] =	sst s5  }
0xe: {  	[smem:$0x3F91] =	sst s6  }
0xf: {  	[smem:$0x3F92] =	sst s7  }
0x10: {  	[smem:$0x3F93] =	sst s8  }
0x11: {  	[smem:$0x3F94] =	sst s9;
	s0 =	simm.s32 @!p0 $0x0  }
0x12: {  	s1 =	sld [smem:$0x3F7A];
	s0 =	simm.s32 @p0 $0x1  }
0x13: {  	[smem:$0x3F95] =	sst s0;
	s0 =	simm.s32 @!p1 $0x0  }
0x14: {  	s2 =	sld [smem:$0x3F79];
	s0 =	simm.s32 @p1 $0x1  }
0x15: {  	[smem:$0x3F96] =	sst s0;
	s0 =	simm.s32 @!p2 $0x0  }
0x16: {  	s3 =	sld [smem:$0x3FDB];
	s0 =	simm.s32 @p2 $0x1  }
0x17: {  	s4 =	simm.s32 $0x1BF5;
	[smem:$0x3F98] =	sst s0  }
0x18: {  	s0 =	sld [smem:$0x3F7B];
	_ =	swait.ge [sflag:s4], $0x0  }
0x19: {  	s7 =	sld [smem:$0x3F7C]  }
0x1a: {  	s8 =	sadd.s32 $0xFFFFE003, lr  }
0x1b: {  	s9 =	sadd.s32 $0xFFFFFEF7, lr;
	s5 =	simm.s32 $0xFFFFFFFF;
	p2 =	slt.u32 s8, $0xFFFFF086  }
0x1c: {  	p1 =	slt.u32 s9, $0xF7A;
	s5 =	simm.s32 @!p2 $0x0  }
0x1d: {  	s5 =	simm.s32 @p1 $0x1;
	p0 =	seq.s32 s7, s2  }
0x1e: {  	s7 =	smul.u32 @!p0 $0xF7A, s2;
	p2 =	seq.s32 @!p0 s5, $0x0  }
0x1f: {  	s9 =	smul.u32 $0xF7A, s1;
	s8 =	simm.s32 @!p0 $0x1BF5;
	p2 =	por !p2, p0  }
0x20: {  	[sflag:s8] =	ssyncset.s32 @!p0 $0xFFFFF086;
	s6 =	sadd.s32 @!p0 s3, s7;
	s7 =	simm.s32 @!p0 $0x108  }
0x21: {  	s3 =	sadd.s32 s3, s9;
	s6 =	sadd.s32 @!p0 $0x88, s6;
	s7 =	simm.s32 @p2 $0x1082  }
0x22: {  	[simem:s7], [sflag:s8] =	dma.local @!p0 [hbm:s6], $0xF7A  }
0x23: {  	s9 =	sor.u32 $0xD0000000, s2;
	s6 =	simm.s32 $0x108;
	_ =	swait.ge @!p0 [sflag:s8], $0x0  }
0x24: {  	s3 =	sadd.s32 $0x88, s3;
	s6 =	simm.s32 @!p1 $0x1082;
	[sflag:s4] =	ssyncset.s32 $0xFFFFF086  }
0x25: {  	[simem:s6], [sflag:s4] =	dma.local [hbm:s3], $0xF7A  }
0x26: {  	[smem:$0x3F7C] =	sst s1;
	(tag) =	ssettag s2;
	_ =	strace s9  }
0x27: {  	s1 =	sld [smem:$0x3F8C]  }
0x28: {  	s2 =	sld [smem:$0x3F8D]  }
0x29: {  	s4 =	sld [smem:$0x3F8F]  }
0x2a: {  	p0 =	seq.s32 s5, $0x0;
	s5 =	sld [smem:$0x3F90]  }
0x2b: {  	s6 =	sld [smem:$0x3F91]  }
0x2c: {  	s7 =	sld [smem:$0x3F92]  }
0x2d: {  	s3 =	simm.s32 $0x108;
	s8 =	sld [smem:$0x3F93]  }
0x2e: {  	s3 =	simm.s32 @!p0 $0x1082;
	s9 =	sld [smem:$0x3F94]  }
0x2f: {  	lr =	sadd.s32 s0, s3;
	s0 =	sld [smem:$0x3F8B]  }
0x30: {  	s3 =	sld [smem:$0x3F8E]  }
0x31: {  	[smem:$0x3F97] =	sst s10  }
0x32: {  	s10 =	sld [smem:$0x3F95];
	_ =	sdelay $0x3  }
0x33: {  	p0 =	seq.s32 s10, $0x1;
	s10 =	sld [smem:$0x3F97];
	_ =	sdelay $0x3  }
0x34: {  	[smem:$0x3F97] =	sst s10  }
0x35: {  	s10 =	sld [smem:$0x3F96];
	_ =	sdelay $0x3  }
0x36: {  	p1 =	seq.s32 s10, $0x1;
	s10 =	sld [smem:$0x3F97];
	_ =	sdelay $0x3  }
0x37: {  	[smem:$0x3F97] =	sst s10  }
0x38: {  	s10 =	sld [smem:$0x3F98]  }
0x39: {  	_ = 	snop;
	(pc) =	sbr.ind lr, $3  }
0x3a: {  	_ = 	snop  }
0x3b: {  	_ = 	snop  }
0x3c: {  	p2 =	seq.s32 s10, $0x1;
	s10 =	sld [smem:$0x3F97]  }
0x3d: {  	_ =	shalt  }
0x3e: {  	_ =	shalt  }
0x3f: {  	_ =	shalt  }
0x40: {  	_ =	shalt  }
0x41: {  	_ =	shalt  }
0x42: {  	_ =	shalt  }
0x43: {  	_ =	shalt  }
0x44: {  	_ =	shalt  }
0x45: {  	_ =	shalt  }
0x46: {  	_ =	shalt  }
0x47: {  	_ =	shalt  }
0x48: {  	_ =	shalt  }
0x49: {  	_ =	shalt  }
0x4a: {  	_ =	shalt  }
0x4b: {  	_ =	shalt  }
0x4c: {  	_ =	shalt  }
0x4d: {  	_ =	shalt  }
0x4e: {  	_ =	shalt  }
0x4f: {  	_ =	shalt  }
0x50: {  	_ =	shalt  }
0x51: {  	_ =	shalt  }
0x52: {  	_ =	shalt  }
0x53: {  	_ =	shalt  }
0x54: {  	_ =	shalt  }
0x55: {  	_ =	shalt  }
0x56: {  	_ =	shalt  }
0x57: {  	_ =	shalt  }
0x58: {  	_ =	shalt  }
0x59: {  	_ =	shalt  }
0x5a: {  	_ =	shalt  }
0x5b: {  	_ =	shalt  }
0x5c: {  	_ =	shalt  }
0x5d: {  	_ =	shalt  }
0x5e: {  	_ =	shalt  }
0x5f: {  	_ =	shalt  }
0x60: {  	_ =	shalt  }
0x61: {  	_ =	shalt  }
0x62: {  	_ =	shalt  }
0x63: {  	_ =	shalt  }
0x64: {  	_ =	shalt  }
0x65: {  	_ =	shalt  }
0x66: {  	_ =	shalt  }
0x67: {  	_ =	shalt  }
0x68: {  	_ =	shalt  }
0x69: {  	_ =	shalt  }
0x6a: {  	_ =	shalt  }
0x6b: {  	_ =	shalt  }
0x6c: {  	_ =	shalt  }
0x6d: {  	_ =	shalt  }
0x6e: {  	_ =	shalt  }
0x6f: {  	_ =	shalt  }
0x70: {  	_ =	shalt  }
0x71: {  	_ =	shalt  }
0x72: {  	_ =	shalt  }
0x73: {  	_ =	shalt  }
0x74: {  	_ =	shalt  }
0x75: {  	_ =	shalt  }
0x76: {  	_ =	shalt  }
0x77: {  	_ =	shalt  }
0x78: {  	_ =	shalt  }
0x79: {  	_ =	shalt  }
0x7a: {  	_ =	shalt  }
0x7b: {  	_ =	shalt  }
0x7c: {  	_ =	shalt  }
0x7d: {  	_ =	shalt  }
0x7e: {  	_ =	shalt  }
0x7f: {  	_ =	shalt  }
0x80: {  	_ =	shalt  }
0x81: {  	_ =	shalt  }
0x82: {  	_ =	shalt  }
0x83: {  	_ =	shalt  }
0x84: {  	_ =	shalt  }
0x85: {  	_ =	shalt  }
0x86: {  	_ =	shalt  }
0x87: {  	_ =	shalt  }
.Lfunc_end0:
.L_simem_size_0:
called_computation.5_lowered:
.L_overlay_start_0:
0x88: {  	s2 =	sld [smem:$0x3FD9]  }
0x89: {  	s3 =	sld [smem:$0x3FFE];
	_ =	sdelay $0x1  }
0x8a: {  	s1 =	srdreg.scid  }
0x8b: {  	s0 =	sand.u32 $0x1, s1  }
0x8c: {  	s17 =	sshll.u32 s0, $0xA;
	s2 =	sadd.s32 s3, s2  }
0x8d: {  	s2 =	sadd.s32 s2, s17  }
0x8e: {  	[smem:$0x3FA3] =	sst s2  }
0x8f: {  	_ = 	snop  }
0x90: {  	(tm) =	ssettm $0x1  }
0x91: {  	s18 =	sld [smem:$0x3FFB];
	_ =	sdelay $0x3  }
0x92: {  	_ =	strace s18  }
0x93: {  	s2 =	sld [smem:$0x3FFC];
	_ =	sdelay $0x3  }
0x94: {  	_ =	strace s2  }
0x95: {  	s2 =	sld [smem:$0x3FFD];
	_ =	sdelay $0x3  }
0x96: {  	_ =	strace s2  }
0x97: {  	_ =	strace $0x8FFFFFFF  }
0x98: {  	s19 =	sld [smem:$0x3FDB];
	_ =	sdelay $0x1  }
0x99: {  	s20 =	simm.s32 $_scs_section_size  }
0x9a: {  	s4 =	simm.s32 $_size__tile_overlayer_lowered;
	s5 =	simm.s32 $_tile_overlayer_lowered  }
0x9b: {  	s6 =	simm.s32 $0x1BFF;
	s21 =	sshll.u32 s5, $0x1;
	s3 =	sadd.s32 s20, s19  }
0x9c: {  	s22 =	simm.s32 $0x0;
	s4 =	sshll.u32 s4, $0x1;
	s5 =	sadd.s32 s21, s3  }
0x9d: {  	[timem:s22], [sflag:s6] =	dma.local [hbm:s5], s4  }
0x9e: {  	_ =	swait.ge [sflag:s6], s4  }
0x9f: {  	s4 =	ssub.s32 $0x0, s4;
	[sflag:s6] =	ssyncset.done $0x0  }
0xa0: {  	[sflag:s6] =	ssyncadd.s32 s4;
	_ =	sdelay $0x1  }
0xa1: {  	s23 =	simm.s32 $0x1B8B  }
0xa2: {  	_ =	swait.ge [sflag:s23], $0x1  }
0xa3: {  	[sflag:s23] =	ssyncset.done $0x0  }
0xa4: {  	[sflag:s23] =	ssyncadd.s32 $0xFFFFFFFF  }
0xa5: {  	s4 =	sld [smem:$0x0]  }
0xa6: {  	s5 =	sand.u32 $0xFFFFFFFE, s1  }
0xa7: {  	p0 =	sne.s32 s1, s5  }
0xa8: {  	s5 =	sshll.u32 @p0 s5, $0xE  }
0xa9: {  	s5 =	sadd.s32 @p0 $0x11B8D, s5;
	s6 =	sshll.u32 @p0 s4, $0x11  }
0xaa: {  	s5 =	sor.u32 @p0 s6, s5  }
0xab: {  	[sflag:s5] =	ssyncadd.remote.s32 @p0 $0x1;
	_ =	sdelay $0x1  }
0xac: {  	s5 =	simm.s32 @p0 $0x1B8D  }
0xad: {  	_ =	swait.eq @p0 [sflag:s5], $0x1  }
0xae: {  	[sflag:s5] =	ssyncadd.s32 @p0 $0xFFFFFFFF  }
0xaf: {  	s6 =	sshll.u32 @!p0 s1, $0xE  }
0xb0: {  	s6 =	sor.u32 @!p0 $0x4000, s6;
	s5 =	simm.s32 @!p0 $0x1B8D  }
0xb1: {  	s4 =	sshll.u32 @!p0 s4, $0x11;
	s6 =	sadd.s32 @!p0 $0x11B8D, s6;
	_ =	swait.eq @!p0 [sflag:s5], $0x1  }
0xb2: {  	s4 =	sor.u32 @!p0 s4, s6;
	[sflag:s5] =	ssyncadd.s32 @!p0 $0xFFFFFFFF  }
0xb3: {  	s25 =	simm.s32 $0x1B8E;
	s24 =	sld [smem:$0x3FFE];
	[sflag:s4] =	ssyncadd.remote.s32 @!p0 $0x1  }
0xb4: {  	s26 =	simm.s32 $execute0_lowered;
	[smem:$0x3FD2] =	sst s25  }
0xb5: {  	s5 =	sshll.u32 s26, $0x1;
	_ =	strace $0x8000004C;
	[dreg:$0x1] =	wrdreg $0xFFFFFFFF  }
0xb6: {  	s28 =	simm.s32 $_size_execute0_lowered;
	s3 =	sadd.s32 s3, s5;
	[dreg:$0x0] =	wrdreg $0x0  }
0xb7: {  	s5 =	sshll.u32 s28, $0x1;
	[dreg:$0x2] =	wrdreg s3  }
0xb8: {  	[dreg:$0x3] =	wrdreg s5  }
0xb9: {  	[dreg:$0x4] =	wrdreg $0xC0  }
0xba: {  	_ =	task [dreg:s22], $0x5FFFF  }
0xbb: {  	[dreg:$0x1] =	wrdreg $0xFFFFFFFF  }
0xbc: {  	[dreg:$0x0] =	wrdreg $0x60  }
0xbd: {  	[dreg:$0x2] =	wrdreg s24  }
0xbe: {  	[dreg:$0x3] =	wrdreg $0xC  }
0xbf: {  	_ =	task.clear_ibuf [dreg:s22], $0x4FFFF;
	_ =	strace $0x9000004C  }
0xc0: {  	s29 =	simm.s32 $0xC;
	_ =	strace $0x8000004E  }
0xc1: {  	_ =	swait.ge [sflag:s29], $0x1  }
0xc2: {  	[sflag:s29] =	ssyncadd.s32 $0xFFFFFFFF  }
0xc3: {  	_ =	strace $0x9000004E  }
0xc4: {  	_ =	sfence  }
0xc5: {  	s30 =	sld [smem:$0x0];
	_ =	sdelay $0x2  }
0xc6: {  	s31 =	sshll.u32 s1, $0xD;
	s1 =	sshrl.u32 s1, $0x2  }
0xc7: {  	s4 =	sand.u32 $0x4000, s31;
	s1 =	sadd.s32 s1, s30  }
0xc8: {  	s0 =	sor.u32 s4, s0;
	s1 =	sshll.u32 s1, $0x11  }
0xc9: {  	s0 =	sor.u32 s1, s0  }
0xca: {  	s0 =	sadd.s32 $0x8F2B, s0  }
0xcb: {  	[sflag:s0] =	ssyncadd.remote.s32 $0x1  }
0xcc: {  	_ =	sfence.sel $0xFFFF  }
0xcd: {  	[dreg:$0x0] =	wrdreg $0xFFFFFFFF;
	(pc) =	sbr.abs _section_cstart, $3  }
0xce: {  	[dreg:$0x1] =	wrdreg $0xFFFFFFFF  }
0xcf: {  	_ =	task.clear_ibuf [dreg:s22], $0x2FFFF;
	_ =	strace $0x9FFFFFFF  }
0xd0: {  	(tm) =	ssettm $0x7FFFFFFF  }
0xd1: {  	_ =	shalt  }
tec
execute0_lowered:
.L_overlay_start_1:
0x0: {  	(tag) =	ssettag $0x1  }
0x1: {  	s0 =	srdreg.scid  }
0x2: {  	s1 =	sshll.u32 s0, $0x4  }
0x3: {  	s0 =	stileid.u32;
	s1 =	sand.u32 $0x10, s1  }
0x4: {  	s1 =	sor.u32 s0, s1  }
0x5: {  	s2 =	smin.u32 s1, $0x4  }
0x6: {  	s2 =	sadd.s32 s1, s2  }
0x7: {  	p0 =	slt.u32 s1, $0x4;
	s1 =	simm.s32 $0x240;
	s2 =	smul.u32 $0x120, s2  }
0x8: {  	s1 =	simm.s32 @!p0 $0x120  }
0x9: {  	s1 =	sadd.s32 s1, s2  }
0xa: {  	s3 =	smin.u32 s1, $0x2880  }
0xb: {  	s7 =	ssub.s32 s3, s2  }
0xc: {  	p0 =	sgt.s32 s7, $0x0  }
0xd: {  	s7 =	simm.s32 @!p0 $0x0  }
0xe: {  	s4 =	smul.u32 $0xE38F, s7  }
0xf: {  	s9 =	rddreg [dreg:$0x0];
	s6 =	simm.s32 $0x1;
	s11 =	simm.s32 $0x3  }
0x10: {  	s13 =	simm.s32 $0x0;
	s12 =	simm.s32 $0x0;
	s8 =	sshrl.u32 s4, $0x18  }
0x11: {  	s1 =	rddreg [dreg:$0x1];
	_ =	strace $0x8000004D;
	s10 =	smul.u32 $0x120, s8  }
.Ltmp0:
0x12: {  	s5 =	sadd.s32 $0x458C00, s9;
	[sflag:s6] =	ssyncpa.u1 $0x0;
	(pc) =	sbr.rel .LBB2_1-.Ltmp0, $4  }
0x13: {  	s4 =	sadd.s32 $0x6E00, s9;
	p0 =	sne.s32 s7, s10;
	s10 =	simm.s32 $0x1  }
0x14: {  	s9 =	sadd.s32 $0x459200, s9;
	s7 =	simm.s32 $0x2;
	s10 =	simm.s32 @!p0 $0x0  }
0x15: {  	[sflag:s7] =	ssyncpa.u1 $0x0;
	p0 =	por $0x0, $0x0;
	s8 =	sadd.s32 s8, s10  }
0x16: {  	vm0 =	vmmov $0xff;
	vm1 =	vcmask $0x3F20;
	[sflag:s11] =	ssyncpa.u1 $0x0;
	s11 =	smov.u32 s2;
	s10 =	sadd.s32 $0x1, s8  }
.LBB2_6:
0x17: {  	[hbm:s17] =	stream.linear.scatter [tilespmem:s14], [sflag:$0x3], $0x400, $0x38;
	[tilespmem:$0x12240] =	vst v63  }
.LBB2_7:
0x18: {  	s13 =	sadd.s32 $0x120, s11  }
0x19: {  	s15 =	smov.u32 s2;
	p2 =	slt.s32 s13, s3  }
0x1a: {  	s15 =	smov.u32 @p2 s13;
	p2 =	sne.s32 s12, s10  }
.Ltmp1:
0x1b: {  	p1 =	slt.u32 s12, $0x2;
	(pc) =	sbr.rel @!p2 .LBB2_8-.Ltmp1, $4  }
0x1c: {  	s14 =	simm.s32 @!p1 $0x3  }
0x1d: {  	s16 =	sadd.s32 $0x1, s12;
	_ =	swait.ge @!p1 [sflag:s14], $0x9000  }
0x1e: {  	p0 =	por !p0, !p0;
	s13 =	smov.u32 s11;
	[sflag:s14] =	ssyncset.done @!p1 $0x0  }
0x1f: {  	s12 =	smov.u32 s16;
	s11 =	smov.u32 s15;
	[sflag:s14] =	ssyncadd.s32 @!p1 $0xFFFF7000  }
.LBB2_1:
0x20: {  	p1 =	sge.u32 s12, s8  }
0x21: {  	s14 =	sxor.u32 @!p1 $0xFFFFFFFF, s12  }
0x22: {  	s14 =	sand.u32 @!p1 $0x1, s14  }
0x23: {  	s14 =	smul.u32 @!p1 $0x480, s14  }
0x24: {  	s31 =	sadd.s32 $0xFFFFFFFF, s12;
	s15 =	sshrl.u32 @!p1 s11, $0x3  }
0x25: {  	s16 =	sand.u32 @!p1 $0x7, s11;
	s15 =	sadd.s32 @!p1 s5, s15;
	s14 =	sshrl.u32 @!p1 s14, $0x2  }
0x26: {  	[tilespmem:s14], [sflag:$0x2] =	stream.linear.gather @!p1 [hbm4b:s15+s16], $0x120, $0x38;
	[tilespmem:$0x12240] =	vst v63  }
0x27: {  	p1 =	sge.u32 s31, s8  }
.Ltmp2:
0x28: {  	_ = 	snop;
	(pc) =	sbr.rel @p1 .LBB2_7-.Ltmp2, $1  }
0x29: {  	_ =	sdelay $0x3  }
0x2a: {  	s14 =	simm.s32 $0x1  }
0x2b: {  	s14 =	simm.s32 @!p0 $0x0  }
0x2c: {  	s15 =	smul.u32 $0x480, s14  }
0x2d: {  	_ =	swait.ge [sflag:s7], $0x120  }
0x2e: {  	[sflag:s7] =	ssyncset.done $0x0;
	s16 =	sshrl.u32 s15, $0x2  }
0x2f: {  	[sflag:s7] =	ssyncadd.s32 $0xFFFFFEE0;
	s15 =	sadd.s32 $0x0, s16  }
0x30: {  	v0 =	vld.msk [tilespmem:s15+$0x0 ss:$0x1], $0xffff;
	_ =	sdelay $0x4  }
0x31: {  	v1 =	vshll.u32 v0, $0x4  }
0x32: {  	vm2 =	veq.s32 v0, $0x80000000;
	v0 =	vshll.u32 v0, $0x16;
	v1 =	vand.u32 $0x3FFF80, v1  }
0x33: {  	v0 =	vand.u32 $0x1C00000, v0;
	v1 =	vsel vm2, $0xFFFFFF80, v1  }
0x34: {  	v0 =	vsel vm2, $0xFFC00000, v0;
	v2 =	vand.u32 $0xFFFFFC00, v1  }
0x35: {  	v1 =	vand.u32 $0x380, v1;
	v0 =	vadd.s32 v0, v2  }
0x36: {  	v0 =	vor.u32 v1, v0  }
0x37: {  	v0 =	vshrl.u32 v0, $0x3  }
0x38: {  	s14 =	smul.u32 $0x24000, s14;
	_ =	sdelay $0x1  }
0x39: {  	s14 =	sshrl.u32 s14, $0x2  }
0x3a: {  	s14 =	sor.u32 $0x240, s14  }
0x3b: {  	[tilespmem:s14], [sflag:$0x1] =	stream.indirect_vreg.gather [hbm:s4], $0x80, v0, vm0, $0x38;
	[tilespmem:$0x12240] =	vst v63  }
0x3c: {  	s17 =	sadd.s32 $0x10, s16;
	s15 =	sadd.s32 $0x400, s14  }
0x3d: {  	[tilespmem:s15], [sflag:$0x1] =	stream.indirect_vreg.gather [hbm:s4], $0x80, v0, vm1, $0x38;
	[tilespmem:$0x12240] =	vst v63  }
0x3e: {  	s18 =	simm.s32 $0x80;
	v0 =	vld.msk [tilespmem:s17+$0x0 ss:$0x1], $0xffff;
	s17 =	smov.u32 s14  }
.LBB2_3:
0x3f: {  	p1 =	sne.s32 s18, $0x440;
	_ =	sdelay $0x4  }
0x40: {  	v1 =	vshll.u32 v0, $0x4  }
0x41: {  	vm2 =	veq.s32 v0, $0x80000000;
	v0 =	vshll.u32 v0, $0x16;
	v1 =	vand.u32 $0x3FFF80, v1  }
0x42: {  	v0 =	vand.u32 $0x1C00000, v0;
	v1 =	vsel vm2, $0xFFFFFF80, v1  }
0x43: {  	v0 =	vsel vm2, $0xFFC00000, v0;
	v2 =	vand.u32 $0xFFFFFC00, v1  }
0x44: {  	v1 =	vand.u32 $0x380, v1;
	v0 =	vadd.s32 v0, v2  }
0x45: {  	v0 =	vor.u32 v1, v0  }
0x46: {  	v0 =	vshrl.u32 v0, $0x3;
	_ =	sdelay $0x3  }
.Ltmp3:
0x47: {  	s19 =	sshra.s32 s18, $0x2;
	s17 =	sadd.s32 $0x800, s17;
	(pc) =	sbr.rel @p1 .LBB2_3-.Ltmp3, $4  }
0x48: {  	[tilespmem:s17], [sflag:$0x1] =	stream.indirect_vreg.gather [hbm:s4], $0x80, v0, vm0, $0x38;
	[tilespmem:$0x12240] =	vst v63  }
0x49: {  	s19 =	sadd.s32 s19, s16;
	s20 =	sadd.s32 $0x400, s17  }
0x4a: {  	[tilespmem:s20], [sflag:$0x1] =	stream.indirect_vreg.gather [hbm:s4], $0x80, v0, vm1, $0x38;
	[tilespmem:$0x12240] =	vst v63  }
0x4b: {  	s18 =	sadd.s32 $0x40, s18;
	v0 =	vld.msk [tilespmem:s19+$0x0 ss:$0x1], $0xffff  }
0x4c: {  	_ =	sdelay $0x3  }
0x4d: {  	v1 =	vshll.u32 v0, $0x4  }
0x4e: {  	vm2 =	veq.s32 v0, $0x80000000;
	v63 =	vshll.u32 v0, $0x16;
	v1 =	vand.u32 $0x3FFF80, v1  }
0x4f: {  	v0 =	vand.u32 $0x1C00000, v63;
	v1 =	vsel vm2, $0xFFFFFF80, v1  }
0x50: {  	v0 =	vsel vm2, $0xFFC00000, v0;
	v2 =	vand.u32 $0xFFFFFC00, v1  }
0x51: {  	v1 =	vand.u32 $0x380, v1;
	v0 =	vadd.s32 v0, v2  }
0x52: {  	v0 =	vor.u32 v1, v0  }
0x53: {  	v0 =	vshrl.u32 v0, $0x3;
	_ =	sdelay $0x3  }
0x54: {  	s16 =	sadd.s32 $0x800, s17  }
0x55: {  	[tilespmem:s16], [sflag:$0x1] =	stream.indirect_vreg.gather [hbm:s4], $0x80, v0, vm0, $0x38;
	[tilespmem:$0x12240] =	vst v63  }
0x56: {  	s16 =	sadd.s32 $0x400, s16  }
0x57: {  	[tilespmem:s16], [sflag:$0x1] =	stream.indirect_vreg.gather [hbm:s4], $0x80, v0, vm1, $0x38;
	[tilespmem:$0x12240] =	vst v63  }
0x58: {  	s13 =	sshll.u32 s13, $0x4;
	_ =	swait.ge [sflag:s6], $0x9000  }
0x59: {  	s13 =	sadd.s32 s13, s9;
	[sflag:s6] =	ssyncset.done $0x0  }
0x5a: {  	s17 =	sadd.s32 $0x0, s13;
	s16 =	simm.s32 $0x80;
	[sflag:s6] =	ssyncadd.s32 $0xFFFF7000  }
.LBB2_5:
0x5b: {  	[hbm:s17] =	stream.linear.scatter [tilespmem:s14], [sflag:$0x3], $0x400, $0x38;
	[tilespmem:$0x12240] =	vst v63  }
0x5c: {  	s17 =	smov.u32 s16;
	s14 =	smov.u32 s15;
	p1 =	sne.s32 s16, $0x1180  }
.Ltmp4:
0x5d: {  	s16 =	sadd.s32 $0x80, s16;
	(pc) =	sbr.rel @p1 .LBB2_5-.Ltmp4, $2  }
0x5e: {  	_ =	sdelay $0x2  }
0x5f: {  	s15 =	sadd.s32 $0x400, s15;
	s17 =	sadd.s32 s17, s13  }
.Ltmp5:
0x60: {  	_ = 	snop;
	(pc) =	sbr.rel .LBB2_6-.Ltmp5, $1  }
0x61: {  	_ =	sdelay $0x3  }
.LBB2_8:
0x62: {  	_ =	sfence.sel $0x180000  }
0x63: {  	s2 =	simm.s32 $0x2;
	[bflag:$0x0] =	sbarrier.arrive $0xFFFF  }
0x64: {  	s30 =	simm.s32 $0x3;
	[sflag:s2] =	ssyncpa.u1 $0x1  }
0x65: {  	s31 =	simm.s32 $0x1;
	[sflag:s30] =	ssyncpa.u1 $0x1  }
0x66: {  	[sflag:s31] =	ssyncpa.u1 $0x1  }
0x67: {  	p0 =	sne.s32 s0, $0x0;
	_ =	strace $0x9000004D  }
0x68: {  	s0 =	sadd.s32 @!p0 $0x100000, s1;
	[bflag:$0x2] =	sbarrier.arrive $0xFFFF  }
0x69: {  	[sflag:s0] =	ssyncadd.tile.s32 @!p0 $0x1;
	_ =	shalt  }
.Lfunc_end2:
_tile_overlayer_lowered:
.L_overlay_start_2:
0x6a: {  	(tag) =	ssettag $0x2  }
0x6b: {  	s0 =	rddreg [dreg:$0x0];
	s2 =	stileid.u32  }
0x6c: {  	s1 =	rddreg [dreg:$0x1];
	p0 =	sne.s32 s2, $0x0  }
0x6d: {  	s3 =	rddreg [dreg:$0x2];
	[bflag:$0x3] =	sbarrier.arrive $0xFFFF;
	s2 =	simm.s32 @!p0 $0x1C01  }
0x6e: {  	[timem:s3], [sflag:s2] =	dma.local @!p0 [hbm:s0], s1  }
0x6f: {  	s0 =	simm.s32 @!p0 $0x1  }
0x70: {  	_ =	swait.ge @!p0 [sflag:s0], s1  }
0x71: {  	s1 =	ssub.s32 @!p0 $0x0, s1;
	[sflag:s0] =	ssyncset.done @!p0 $0x0  }
0x72: {  	[sflag:s0] =	ssyncadd.s32 @!p0 s1  }
0x73: {  	[bflag:$0x3] =	sbarrier.arrive $0xFFFF  }
0x74: {  	_ =	shalt  }

// kernel: gather_offload_async_start
scs
__scs_entry_jumppad:
0x0: {  	(pc) =	sbr.rel $0x88, $3  }
0x1: {  	(tag) =	ssettag $0x0;
	lr =	simm.s32 $0x1  }
0x2: {  	[smem:$0x3F7C] =	sst lr;
	_ =	strace $0xD0000000  }
0x3: {  	_ = 	snop  }
0x4: {  	_ = 	snop  }
0x5: {  	_ = 	snop  }
0x6: {  	_ = 	snop  }
0x7: {  	_ = 	snop  }
__scs_overlays_trampoline_lowered:
0x8: {  	[smem:$0x3F8B] =	sst s0  }
0x9: {  	[smem:$0x3F8C] =	sst s1  }
0xa: {  	[smem:$0x3F8D] =	sst s2  }
0xb: {  	[smem:$0x3F8E] =	sst s3  }
0xc: {  	[smem:$0x3F8F] =	sst s4  }
0xd: {  	[smem:$0x3F90] =	sst s5  }
0xe: {  	[smem:$0x3F91] =	sst s6  }
0xf: {  	[smem:$0x3F92] =	sst s7  }
0x10: {  	[smem:$0x3F93] =	sst s8  }
0x11: {  	[smem:$0x3F94] =	sst s9;
	s0 =	simm.s32 @!p0 $0x0  }
0x12: {  	s1 =	sld [smem:$0x3F7A];
	s0 =	simm.s32 @p0 $0x1  }
0x13: {  	[smem:$0x3F95] =	sst s0;
	s0 =	simm.s32 @!p1 $0x0  }
0x14: {  	s2 =	sld [smem:$0x3F79];
	s0 =	simm.s32 @p1 $0x1  }
0x15: {  	[smem:$0x3F96] =	sst s0;
	s0 =	simm.s32 @!p2 $0x0  }
0x16: {  	s3 =	sld [smem:$0x3FDB];
	s0 =	simm.s32 @p2 $0x1  }
0x17: {  	s4 =	simm.s32 $0x1BF5;
	[smem:$0x3F98] =	sst s0  }
0x18: {  	s0 =	sld [smem:$0x3F7B];
	_ =	swait.ge [sflag:s4], $0x0  }
0x19: {  	s7 =	sld [smem:$0x3F7C]  }
0x1a: {  	s8 =	sadd.s32 $0xFFFFE003, lr  }
0x1b: {  	s9 =	sadd.s32 $0xFFFFFEF7, lr;
	s5 =	simm.s32 $0xFFFFFFFF;
	p2 =	slt.u32 s8, $0xFFFFF086  }
0x1c: {  	p1 =	slt.u32 s9, $0xF7A;
	s5 =	simm.s32 @!p2 $0x0  }
0x1d: {  	s5 =	simm.s32 @p1 $0x1;
	p0 =	seq.s32 s7, s2  }
0x1e: {  	s7 =	smul.u32 @!p0 $0xF7A, s2;
	p2 =	seq.s32 @!p0 s5, $0x0  }
0x1f: {  	s9 =	smul.u32 $0xF7A, s1;
	s8 =	simm.s32 @!p0 $0x1BF5;
	p2 =	por !p2, p0  }
0x20: {  	[sflag:s8] =	ssyncset.s32 @!p0 $0xFFFFF086;
	s6 =	sadd.s32 @!p0 s3, s7;
	s7 =	simm.s32 @!p0 $0x108  }
0x21: {  	s3 =	sadd.s32 s3, s9;
	s6 =	sadd.s32 @!p0 $0x88, s6;
	s7 =	simm.s32 @p2 $0x1082  }
0x22: {  	[simem:s7], [sflag:s8] =	dma.local @!p0 [hbm:s6], $0xF7A  }
0x23: {  	s9 =	sor.u32 $0xD0000000, s2;
	s6 =	simm.s32 $0x108;
	_ =	swait.ge @!p0 [sflag:s8], $0x0  }
0x24: {  	s3 =	sadd.s32 $0x88, s3;
	s6 =	simm.s32 @!p1 $0x1082;
	[sflag:s4] =	ssyncset.s32 $0xFFFFF086  }
0x25: {  	[simem:s6], [sflag:s4] =	dma.local [hbm:s3], $0xF7A  }
0x26: {  	[smem:$0x3F7C] =	sst s1;
	(tag) =	ssettag s2;
	_ =	strace s9  }
0x27: {  	s1 =	sld [smem:$0x3F8C]  }
0x28: {  	s2 =	sld [smem:$0x3F8D]  }
0x29: {  	s4 =	sld [smem:$0x3F8F]  }
0x2a: {  	p0 =	seq.s32 s5, $0x0;
	s5 =	sld [smem:$0x3F90]  }
0x2b: {  	s6 =	sld [smem:$0x3F91]  }
0x2c: {  	s7 =	sld [smem:$0x3F92]  }
0x2d: {  	s3 =	simm.s32 $0x108;
	s8 =	sld [smem:$0x3F93]  }
0x2e: {  	s3 =	simm.s32 @!p0 $0x1082;
	s9 =	sld [smem:$0x3F94]  }
0x2f: {  	lr =	sadd.s32 s0, s3;
	s0 =	sld [smem:$0x3F8B]  }
0x30: {  	s3 =	sld [smem:$0x3F8E]  }
0x31: {  	[smem:$0x3F97] =	sst s10  }
0x32: {  	s10 =	sld [smem:$0x3F95];
	_ =	sdelay $0x3  }
0x33: {  	p0 =	seq.s32 s10, $0x1;
	s10 =	sld [smem:$0x3F97];
	_ =	sdelay $0x3  }
0x34: {  	[smem:$0x3F97] =	sst s10  }
0x35: {  	s10 =	sld [smem:$0x3F96];
	_ =	sdelay $0x3  }
0x36: {  	p1 =	seq.s32 s10, $0x1;
	s10 =	sld [smem:$0x3F97];
	_ =	sdelay $0x3  }
0x37: {  	[smem:$0x3F97] =	sst s10  }
0x38: {  	s10 =	sld [smem:$0x3F98]  }
0x39: {  	_ = 	snop;
	(pc) =	sbr.ind lr, $3  }
0x3a: {  	_ = 	snop  }
0x3b: {  	_ = 	snop  }
0x3c: {  	p2 =	seq.s32 s10, $0x1;
	s10 =	sld [smem:$0x3F97]  }
0x3d: {  	_ =	shalt  }
0x3e: {  	_ =	shalt  }
0x3f: {  	_ =	shalt  }
0x40: {  	_ =	shalt  }
0x41: {  	_ =	shalt  }
0x42: {  	_ =	shalt  }
0x43: {  	_ =	shalt  }
0x44: {  	_ =	shalt  }
0x45: {  	_ =	shalt  }
0x46: {  	_ =	shalt  }
0x47: {  	_ =	shalt  }
0x48: {  	_ =	shalt  }
0x49: {  	_ =	shalt  }
0x4a: {  	_ =	shalt  }
0x4b: {  	_ =	shalt  }
0x4c: {  	_ =	shalt  }
0x4d: {  	_ =	shalt  }
0x4e: {  	_ =	shalt  }
0x4f: {  	_ =	shalt  }
0x50: {  	_ =	shalt  }
0x51: {  	_ =	shalt  }
0x52: {  	_ =	shalt  }
0x53: {  	_ =	shalt  }
0x54: {  	_ =	shalt  }
0x55: {  	_ =	shalt  }
0x56: {  	_ =	shalt  }
0x57: {  	_ =	shalt  }
0x58: {  	_ =	shalt  }
0x59: {  	_ =	shalt  }
0x5a: {  	_ =	shalt  }
0x5b: {  	_ =	shalt  }
0x5c: {  	_ =	shalt  }
0x5d: {  	_ =	shalt  }
0x5e: {  	_ =	shalt  }
0x5f: {  	_ =	shalt  }
0x60: {  	_ =	shalt  }
0x61: {  	_ =	shalt  }
0x62: {  	_ =	shalt  }
0x63: {  	_ =	shalt  }
0x64: {  	_ =	shalt  }
0x65: {  	_ =	shalt  }
0x66: {  	_ =	shalt  }
0x67: {  	_ =	shalt  }
0x68: {  	_ =	shalt  }
0x69: {  	_ =	shalt  }
0x6a: {  	_ =	shalt  }
0x6b: {  	_ =	shalt  }
0x6c: {  	_ =	shalt  }
0x6d: {  	_ =	shalt  }
0x6e: {  	_ =	shalt  }
0x6f: {  	_ =	shalt  }
0x70: {  	_ =	shalt  }
0x71: {  	_ =	shalt  }
0x72: {  	_ =	shalt  }
0x73: {  	_ =	shalt  }
0x74: {  	_ =	shalt  }
0x75: {  	_ =	shalt  }
0x76: {  	_ =	shalt  }
0x77: {  	_ =	shalt  }
0x78: {  	_ =	shalt  }
0x79: {  	_ =	shalt  }
0x7a: {  	_ =	shalt  }
0x7b: {  	_ =	shalt  }
0x7c: {  	_ =	shalt  }
0x7d: {  	_ =	shalt  }
0x7e: {  	_ =	shalt  }
0x7f: {  	_ =	shalt  }
0x80: {  	_ =	shalt  }
0x81: {  	_ =	shalt  }
0x82: {  	_ =	shalt  }
0x83: {  	_ =	shalt  }
0x84: {  	_ =	shalt  }
0x85: {  	_ =	shalt  }
0x86: {  	_ =	shalt  }
0x87: {  	_ =	shalt  }
.Lfunc_end0:
.L_simem_size_0:
called_computation_lowered:
.L_overlay_start_0:
0x88: {  	s2 =	sld [smem:$0x3FD9]  }
0x89: {  	s3 =	sld [smem:$0x3FFE];
	_ =	sdelay $0x1  }
0x8a: {  	s1 =	srdreg.scid  }
0x8b: {  	s0 =	sand.u32 $0x1, s1  }
0x8c: {  	s17 =	sshll.u32 s0, $0xA;
	s2 =	sadd.s32 s3, s2  }
0x8d: {  	s2 =	sadd.s32 s2, s17  }
0x8e: {  	[smem:$0x3FA3] =	sst s2  }
0x8f: {  	_ = 	snop  }
0x90: {  	(tm) =	ssettm $0x1  }
0x91: {  	s18 =	sld [smem:$0x3FFB];
	_ =	sdelay $0x3  }
0x92: {  	_ =	strace s18  }
0x93: {  	s2 =	sld [smem:$0x3FFC];
	_ =	sdelay $0x3  }
0x94: {  	_ =	strace s2  }
0x95: {  	s2 =	sld [smem:$0x3FFD];
	_ =	sdelay $0x3  }
0x96: {  	_ =	strace s2  }
0x97: {  	_ =	strace $0x8FFFFFFF  }
0x98: {  	s19 =	sld [smem:$0x3FDB];
	_ =	sdelay $0x1  }
0x99: {  	s20 =	simm.s32 $_scs_section_size  }
0x9a: {  	s4 =	simm.s32 $_size__tile_overlayer_lowered;
	s5 =	simm.s32 $_tile_overlayer_lowered  }
0x9b: {  	s6 =	simm.s32 $0x1BFF;
	s21 =	sshll.u32 s5, $0x1;
	s3 =	sadd.s32 s20, s19  }
0x9c: {  	s22 =	simm.s32 $0x0;
	s4 =	sshll.u32 s4, $0x1;
	s5 =	sadd.s32 s21, s3  }
0x9d: {  	[timem:s22], [sflag:s6] =	dma.local [hbm:s5], s4  }
0x9e: {  	_ =	swait.ge [sflag:s6], s4  }
0x9f: {  	s4 =	ssub.s32 $0x0, s4;
	[sflag:s6] =	ssyncset.done $0x0  }
0xa0: {  	[sflag:s6] =	ssyncadd.s32 s4;
	_ =	sdelay $0x1  }
0xa1: {  	s23 =	simm.s32 $0x1B8B  }
0xa2: {  	_ =	swait.ge [sflag:s23], $0x1  }
0xa3: {  	[sflag:s23] =	ssyncset.done $0x0  }
0xa4: {  	[sflag:s23] =	ssyncadd.s32 $0xFFFFFFFF  }
0xa5: {  	s4 =	sld [smem:$0x0]  }
0xa6: {  	s5 =	sand.u32 $0xFFFFFFFE, s1  }
0xa7: {  	p0 =	sne.s32 s1, s5  }
0xa8: {  	s5 =	sshll.u32 @p0 s5, $0xE  }
0xa9: {  	s5 =	sadd.s32 @p0 $0x11B8D, s5;
	s6 =	sshll.u32 @p0 s4, $0x11  }
0xaa: {  	s5 =	sor.u32 @p0 s6, s5  }
0xab: {  	[sflag:s5] =	ssyncadd.remote.s32 @p0 $0x1;
	_ =	sdelay $0x1  }
0xac: {  	s5 =	simm.s32 @p0 $0x1B8D  }
0xad: {  	_ =	swait.eq @p0 [sflag:s5], $0x1  }
0xae: {  	[sflag:s5] =	ssyncadd.s32 @p0 $0xFFFFFFFF  }
0xaf: {  	s6 =	sshll.u32 @!p0 s1, $0xE  }
0xb0: {  	s6 =	sor.u32 @!p0 $0x4000, s6;
	s5 =	simm.s32 @!p0 $0x1B8D  }
0xb1: {  	s4 =	sshll.u32 @!p0 s4, $0x11;
	s6 =	sadd.s32 @!p0 $0x11B8D, s6;
	_ =	swait.eq @!p0 [sflag:s5], $0x1  }
0xb2: {  	s4 =	sor.u32 @!p0 s4, s6;
	[sflag:s5] =	ssyncadd.s32 @!p0 $0xFFFFFFFF  }
0xb3: {  	s25 =	simm.s32 $0x1B8E;
	s24 =	sld [smem:$0x3FFE];
	[sflag:s4] =	ssyncadd.remote.s32 @!p0 $0x1  }
0xb4: {  	s26 =	simm.s32 $execute0_lowered;
	[smem:$0x3FD2] =	sst s25  }
0xb5: {  	s5 =	sshll.u32 s26, $0x1;
	_ =	strace $0x8000004F;
	[dreg:$0x1] =	wrdreg $0xFFFFFFFF  }
0xb6: {  	s28 =	simm.s32 $_size_execute0_lowered;
	s3 =	sadd.s32 s3, s5;
	[dreg:$0x0] =	wrdreg $0x0  }
0xb7: {  	s5 =	sshll.u32 s28, $0x1;
	[dreg:$0x2] =	wrdreg s3  }
0xb8: {  	[dreg:$0x3] =	wrdreg s5  }
0xb9: {  	[dreg:$0x4] =	wrdreg $0xC0  }
0xba: {  	_ =	task [dreg:s22], $0x5FFFF  }
0xbb: {  	[dreg:$0x1] =	wrdreg $0xFFFFFFFF  }
0xbc: {  	[dreg:$0x0] =	wrdreg $0x60  }
0xbd: {  	[dreg:$0x2] =	wrdreg s24  }
0xbe: {  	[dreg:$0x3] =	wrdreg $0x9  }
0xbf: {  	_ =	task.clear_ibuf [dreg:s22], $0x4FFFF;
	_ =	strace $0x9000004F  }
0xc0: {  	s29 =	simm.s32 $0x9;
	_ =	strace $0x80000051  }
0xc1: {  	_ =	swait.ge [sflag:s29], $0x1  }
0xc2: {  	[sflag:s29] =	ssyncadd.s32 $0xFFFFFFFF  }
0xc3: {  	_ =	strace $0x90000051  }
0xc4: {  	_ =	sfence  }
0xc5: {  	s30 =	sld [smem:$0x0];
	_ =	sdelay $0x2  }
0xc6: {  	s31 =	sshll.u32 s1, $0xD;
	s1 =	sshrl.u32 s1, $0x2  }
0xc7: {  	s4 =	sand.u32 $0x4000, s31;
	s1 =	sadd.s32 s1, s30  }
0xc8: {  	s0 =	sor.u32 s4, s0;
	s1 =	sshll.u32 s1, $0x11  }
0xc9: {  	s0 =	sor.u32 s1, s0  }
0xca: {  	s0 =	sadd.s32 $0x8F2B, s0  }
0xcb: {  	[sflag:s0] =	ssyncadd.remote.s32 $0x1  }
0xcc: {  	_ =	sfence.sel $0xFFFF  }
0xcd: {  	[dreg:$0x0] =	wrdreg $0xFFFFFFFF;
	(pc) =	sbr.abs _section_cstart, $3  }
0xce: {  	[dreg:$0x1] =	wrdreg $0xFFFFFFFF  }
0xcf: {  	_ =	task.clear_ibuf [dreg:s22], $0x2FFFF;
	_ =	strace $0x9FFFFFFF  }
0xd0: {  	(tm) =	ssettm $0x7FFFFFFF  }
0xd1: {  	_ =	shalt  }
tec
execute0_lowered:
.L_overlay_start_1:
0x0: {  	(tag) =	ssettag $0x1  }
0x1: {  	s0 =	srdreg.scid  }
0x2: {  	s1 =	sshll.u32 s0, $0x4  }
0x3: {  	s0 =	stileid.u32;
	s1 =	sand.u32 $0x10, s1  }
0x4: {  	s1 =	sor.u32 s0, s1  }
0x5: {  	s2 =	smin.u32 s1, $0x4  }
0x6: {  	s2 =	sadd.s32 s1, s2  }
0x7: {  	p0 =	slt.u32 s1, $0x4;
	s1 =	simm.s32 $0x240;
	s2 =	smul.u32 $0x120, s2  }
0x8: {  	s1 =	simm.s32 @!p0 $0x120  }
0x9: {  	s1 =	sadd.s32 s1, s2  }
0xa: {  	s3 =	smin.u32 s1, $0x2880  }
0xb: {  	s7 =	ssub.s32 s3, s2  }
0xc: {  	p0 =	sgt.s32 s7, $0x0  }
0xd: {  	s7 =	simm.s32 @!p0 $0x0  }
0xe: {  	s4 =	smul.u32 $0xE38F, s7  }
0xf: {  	s9 =	rddreg [dreg:$0x0];
	s6 =	simm.s32 $0x1;
	s11 =	simm.s32 $0x3  }
0x10: {  	s13 =	simm.s32 $0x0;
	s12 =	simm.s32 $0x0;
	s8 =	sshrl.u32 s4, $0x18  }
0x11: {  	s1 =	rddreg [dreg:$0x1];
	_ =	strace $0x80000050;
	s10 =	smul.u32 $0x120, s8  }
.Ltmp0:
0x12: {  	s5 =	sadd.s32 $0x407000, s9;
	[sflag:s6] =	ssyncpa.u1 $0x0;
	(pc) =	sbr.rel .LBB2_1-.Ltmp0, $4  }
0x13: {  	s4 =	sadd.s32 $0x481A00, s9;
	p0 =	sne.s32 s7, s10;
	s10 =	simm.s32 $0x1  }
0x14: {  	s9 =	sadd.s32 $0x881A00, s9;
	s7 =	simm.s32 $0x2;
	s10 =	simm.s32 @!p0 $0x0  }
0x15: {  	[sflag:s7] =	ssyncpa.u1 $0x0;
	p0 =	por $0x0, $0x0;
	s8 =	sadd.s32 s8, s10  }
0x16: {  	vm0 =	vmmov $0xff;
	vm1 =	vcmask $0x3F20;
	[sflag:s11] =	ssyncpa.u1 $0x0;
	s11 =	smov.u32 s2;
	s10 =	sadd.s32 $0x1, s8  }
.LBB2_6:
0x17: {  	[hbm:s17] =	stream.linear.scatter [tilespmem:s14], [sflag:$0x3], $0x400, $0x38;
	[tilespmem:$0x12240] =	vst v63  }
.LBB2_7:
0x18: {  	s13 =	sadd.s32 $0x120, s11  }
0x19: {  	s15 =	smov.u32 s2;
	p2 =	slt.s32 s13, s3  }
0x1a: {  	s15 =	smov.u32 @p2 s13;
	p2 =	sne.s32 s12, s10  }
.Ltmp1:
0x1b: {  	p1 =	slt.u32 s12, $0x2;
	(pc) =	sbr.rel @!p2 .LBB2_8-.Ltmp1, $4  }
0x1c: {  	s14 =	simm.s32 @!p1 $0x3  }
0x1d: {  	s16 =	sadd.s32 $0x1, s12;
	_ =	swait.ge @!p1 [sflag:s14], $0x9000  }
0x1e: {  	p0 =	por !p0, !p0;
	s13 =	smov.u32 s11;
	[sflag:s14] =	ssyncset.done @!p1 $0x0  }
0x1f: {  	s12 =	smov.u32 s16;
	s11 =	smov.u32 s15;
	[sflag:s14] =	ssyncadd.s32 @!p1 $0xFFFF7000  }
.LBB2_1:
0x20: {  	p1 =	sge.u32 s12, s8  }
0x21: {  	s14 =	sxor.u32 @!p1 $0xFFFFFFFF, s12  }
0x22: {  	s14 =	sand.u32 @!p1 $0x1, s14  }
0x23: {  	s14 =	smul.u32 @!p1 $0x480, s14  }
0x24: {  	s31 =	sadd.s32 $0xFFFFFFFF, s12;
	s15 =	sshrl.u32 @!p1 s11, $0x3  }
0x25: {  	s16 =	sand.u32 @!p1 $0x7, s11;
	s15 =	sadd.s32 @!p1 s5, s15;
	s14 =	sshrl.u32 @!p1 s14, $0x2  }
0x26: {  	[tilespmem:s14], [sflag:$0x2] =	stream.linear.gather @!p1 [hbm4b:s15+s16], $0x120, $0x38;
	[tilespmem:$0x12240] =	vst v63  }
0x27: {  	p1 =	sge.u32 s31, s8  }
.Ltmp2:
0x28: {  	_ = 	snop;
	(pc) =	sbr.rel @p1 .LBB2_7-.Ltmp2, $1  }
0x29: {  	_ =	sdelay $0x3  }
0x2a: {  	s14 =	simm.s32 $0x1  }
0x2b: {  	s14 =	simm.s32 @!p0 $0x0  }
0x2c: {  	s15 =	smul.u32 $0x480, s14  }
0x2d: {  	_ =	swait.ge [sflag:s7], $0x120  }
0x2e: {  	[sflag:s7] =	ssyncset.done $0x0;
	s16 =	sshrl.u32 s15, $0x2  }
0x2f: {  	[sflag:s7] =	ssyncadd.s32 $0xFFFFFEE0;
	s15 =	sadd.s32 $0x0, s16  }
0x30: {  	v0 =	vld.msk [tilespmem:s15+$0x0 ss:$0x1], $0xffff;
	_ =	sdelay $0x4  }
0x31: {  	v1 =	vshll.u32 v0, $0x4  }
0x32: {  	vm2 =	veq.s32 v0, $0x80000000;
	v0 =	vshll.u32 v0, $0x16;
	v1 =	vand.u32 $0x3FFF80, v1  }
0x33: {  	v0 =	vand.u32 $0x1C00000, v0;
	v1 =	vsel vm2, $0xFFFFFF80, v1  }
0x34: {  	v0 =	vsel vm2, $0xFFC00000, v0;
	v2 =	vand.u32 $0xFFFFFC00, v1  }
0x35: {  	v1 =	vand.u32 $0x380, v1;
	v0 =	vadd.s32 v0, v2  }
0x36: {  	v0 =	vor.u32 v1, v0  }
0x37: {  	v0 =	vshrl.u32 v0, $0x3  }
0x38: {  	s14 =	smul.u32 $0x24000, s14;
	_ =	sdelay $0x1  }
0x39: {  	s14 =	sshrl.u32 s14, $0x2  }
0x3a: {  	s14 =	sor.u32 $0x240, s14  }
0x3b: {  	[tilespmem:s14], [sflag:$0x1] =	stream.indirect_vreg.gather [hbm:s4], $0x80, v0, vm0, $0x38;
	[tilespmem:$0x12240] =	vst v63  }
0x3c: {  	s17 =	sadd.s32 $0x10, s16;
	s15 =	sadd.s32 $0x400, s14  }
0x3d: {  	[tilespmem:s15], [sflag:$0x1] =	stream.indirect_vreg.gather [hbm:s4], $0x80, v0, vm1, $0x38;
	[tilespmem:$0x12240] =	vst v63  }
0x3e: {  	s18 =	simm.s32 $0x80;
	v0 =	vld.msk [tilespmem:s17+$0x0 ss:$0x1], $0xffff;
	s17 =	smov.u32 s14  }
.LBB2_3:
0x3f: {  	p1 =	sne.s32 s18, $0x440;
	_ =	sdelay $0x4  }
0x40: {  	v1 =	vshll.u32 v0, $0x4  }
0x41: {  	vm2 =	veq.s32 v0, $0x80000000;
	v0 =	vshll.u32 v0, $0x16;
	v1 =	vand.u32 $0x3FFF80, v1  }
0x42: {  	v0 =	vand.u32 $0x1C00000, v0;
	v1 =	vsel vm2, $0xFFFFFF80, v1  }
0x43: {  	v0 =	vsel vm2, $0xFFC00000, v0;
	v2 =	vand.u32 $0xFFFFFC00, v1  }
0x44: {  	v1 =	vand.u32 $0x380, v1;
	v0 =	vadd.s32 v0, v2  }
0x45: {  	v0 =	vor.u32 v1, v0  }
0x46: {  	v0 =	vshrl.u32 v0, $0x3;
	_ =	sdelay $0x3  }
.Ltmp3:
0x47: {  	s19 =	sshra.s32 s18, $0x2;
	s17 =	sadd.s32 $0x800, s17;
	(pc) =	sbr.rel @p1 .LBB2_3-.Ltmp3, $4  }
0x48: {  	[tilespmem:s17], [sflag:$0x1] =	stream.indirect_vreg.gather [hbm:s4], $0x80, v0, vm0, $0x38;
	[tilespmem:$0x12240] =	vst v63  }
0x49: {  	s19 =	sadd.s32 s19, s16;
	s20 =	sadd.s32 $0x400, s17  }
0x4a: {  	[tilespmem:s20], [sflag:$0x1] =	stream.indirect_vreg.gather [hbm:s4], $0x80, v0, vm1, $0x38;
	[tilespmem:$0x12240] =	vst v63  }
0x4b: {  	s18 =	sadd.s32 $0x40, s18;
	v0 =	vld.msk [tilespmem:s19+$0x0 ss:$0x1], $0xffff  }
0x4c: {  	_ =	sdelay $0x3  }
0x4d: {  	v1 =	vshll.u32 v0, $0x4  }
0x4e: {  	vm2 =	veq.s32 v0, $0x80000000;
	v63 =	vshll.u32 v0, $0x16;
	v1 =	vand.u32 $0x3FFF80, v1  }
0x4f: {  	v0 =	vand.u32 $0x1C00000, v63;
	v1 =	vsel vm2, $0xFFFFFF80, v1  }
0x50: {  	v0 =	vsel vm2, $0xFFC00000, v0;
	v2 =	vand.u32 $0xFFFFFC00, v1  }
0x51: {  	v1 =	vand.u32 $0x380, v1;
	v0 =	vadd.s32 v0, v2  }
0x52: {  	v0 =	vor.u32 v1, v0  }
0x53: {  	v0 =	vshrl.u32 v0, $0x3;
	_ =	sdelay $0x3  }
0x54: {  	s16 =	sadd.s32 $0x800, s17  }
0x55: {  	[tilespmem:s16], [sflag:$0x1] =	stream.indirect_vreg.gather [hbm:s4], $0x80, v0, vm0, $0x38;
	[tilespmem:$0x12240] =	vst v63  }
0x56: {  	s16 =	sadd.s32 $0x400, s16  }
0x57: {  	[tilespmem:s16], [sflag:$0x1] =	stream.indirect_vreg.gather [hbm:s4], $0x80, v0, vm1, $0x38;
	[tilespmem:$0x12240] =	vst v63  }
0x58: {  	s13 =	sshll.u32 s13, $0x4;
	_ =	swait.ge [sflag:s6], $0x9000  }
0x59: {  	s13 =	sadd.s32 s13, s9;
	[sflag:s6] =	ssyncset.done $0x0  }
0x5a: {  	s17 =	sadd.s32 $0x0, s13;
	s16 =	simm.s32 $0x80;
	[sflag:s6] =	ssyncadd.s32 $0xFFFF7000  }
.LBB2_5:
0x5b: {  	[hbm:s17] =	stream.linear.scatter [tilespmem:s14], [sflag:$0x3], $0x400, $0x38;
	[tilespmem:$0x12240] =	vst v63  }
0x5c: {  	s17 =	smov.u32 s16;
	s14 =	smov.u32 s15;
	p1 =	sne.s32 s16, $0x1180  }
.Ltmp4:
0x5d: {  	s16 =	sadd.s32 $0x80, s16;
	(pc) =	sbr.rel @p1 .LBB2_5-.Ltmp4, $2  }
0x5e: {  	_ =	sdelay $0x2  }
0x5f: {  	s15 =	sadd.s32 $0x400, s15;
	s17 =	sadd.s32 s17, s13  }
.Ltmp5:
0x60: {  	_ = 	snop;
	(pc) =	sbr.rel .LBB2_6-.Ltmp5, $1  }
0x61: {  	_ =	sdelay $0x3  }
.LBB2_8:
0x62: {  	_ =	sfence.sel $0x180000  }
0x63: {  	s2 =	simm.s32 $0x2;
	[bflag:$0x0] =	sbarrier.arrive $0xFFFF  }
0x64: {  	s30 =	simm.s32 $0x3;
	[sflag:s2] =	ssyncpa.u1 $0x1  }
0x65: {  	s31 =	simm.s32 $0x1;
	[sflag:s30] =	ssyncpa.u1 $0x1  }
0x66: {  	[sflag:s31] =	ssyncpa.u1 $0x1  }
0x67: {  	p0 =	sne.s32 s0, $0x0;
	_ =	strace $0x90000050  }
0x68: {  	s0 =	sadd.s32 @!p0 $0x100000, s1;
	[bflag:$0x2] =	sbarrier.arrive $0xFFFF  }
0x69: {  	[sflag:s0] =	ssyncadd.tile.s32 @!p0 $0x1;
	_ =	shalt  }
.Lfunc_end2:
_tile_overlayer_lowered:
.L_overlay_start_2:
0x6a: {  	(tag) =	ssettag $0x2  }
0x6b: {  	s0 =	rddreg [dreg:$0x0];
	s2 =	stileid.u32  }
0x6c: {  	s1 =	rddreg [dreg:$0x1];
	p0 =	sne.s32 s2, $0x0  }
0x6d: {  	s3 =	rddreg [dreg:$0x2];
	[bflag:$0x3] =	sbarrier.arrive $0xFFFF;
	s2 =	simm.s32 @!p0 $0x1C01  }
0x6e: {  	[timem:s3], [sflag:s2] =	dma.local @!p0 [hbm:s0], s1  }
0x6f: {  	s0 =	simm.s32 @!p0 $0x1  }
0x70: {  	_ =	swait.ge @!p0 [sflag:s0], s1  }
0x71: {  	s1 =	ssub.s32 @!p0 $0x0, s1;
	[sflag:s0] =	ssyncset.done @!p0 $0x0  }
0x72: {  	[sflag:s0] =	ssyncadd.s32 @!p0 s1  }
0x73: {  	[bflag:$0x3] =	sbarrier.arrive $0xFFFF  }
0x74: {  	_ =	shalt  }

</sc_bundles>
